<compile_context>
chip_gen: v7x
topology: tpu7x:2x2x1
jax: 0.10.2.dev20260603
libtpu: 0.0.44.dev20260713+nightly
codegen_flags: <defaults>
</compile_context>

<pallas_src>
import functools

import jax
import jax.numpy as jnp
import numpy as np
from jax import lax
from jax.experimental import pallas as pl
from jax.experimental.pallas import tpu as pltpu
from jax.experimental.pallas import tpu_sc as plsc

N = 10000
E = 160000
BE = 1280
BN = 2000
CH = 128
NW = 32
NP = 10240

_f32 = jnp.float32
_HI = jax.lax.Precision.HIGHEST


def _dot(a, b):
    return jnp.dot(a, b, precision=_HI, preferred_element_type=_f32)


def _b1dot(a, b):
    return jnp.dot(a.astype(jnp.bfloat16), b.astype(jnp.bfloat16),
                   preferred_element_type=_f32)


def _bdot(a, b):
    return _b1dot(a, b)



def _node_enc_body(xn, nt, wsm, cb, fwa, fwb, fb, a1, b1w, n1a, p1, p2, p3):
    mc = _dot(xn[...], wsm[...]) + cb[...]
    h = _bdot(mc, fwa[...]) + _bdot(nt[...], fwb[...]) + fb[...]
    p1[...] = _bdot(h, a1[...])
    p2[...] = _bdot(h, b1w[...])
    p3[...] = _bdot(h, n1a[...])


def _edge1_body(gr, gc, ea, wc, b1, w2, b2, o):
    u = gr[...] + gc[...] + _bdot(ea[...], wc[...]) + b1[...]
    o[...] = _bdot(jax.nn.relu(u), w2[...]) + b2[...]


def _node1_body(g3, ea1n, n1b, n1b1, n1w2, n1b2, e2a, e2b, q1, q2):
    u = jax.nn.relu(g3[...] + _bdot(ea1n[...], n1b[...]) + n1b1[...])
    h1 = _bdot(u, n1w2[...]) + n1b2[...]
    q1[...] = _bdot(h1, e2a[...])
    q2[...] = _bdot(h1, e2b[...])


def _edge2_body(gr2, gc2, ea1, e2c, e2b1, e2w2, e2b2, fw1, fb1, z_ref, st_ref):
    u = jax.nn.relu(gr2[...] + gc2[...] +
                    _bdot(ea1[...], e2c[...]) + e2b1[...])
    v = _bdot(u, e2w2[...]) + e2b2[...]
    z = _bdot(v, fw1[...]) + fb1[...]
    z_ref[...] = z
    s = jnp.sum(z, axis=0).reshape(1, 128)
    sq = jnp.sum(z * z, axis=0).reshape(1, 128)
    st_ref[...] = jnp.concatenate([s, sq, jnp.zeros((6, 128), _f32)], axis=0)


def _final_body(z, av, cv, fw2, fb2, o):
    u = jax.nn.relu(z[...] * av[...] + cv[...])
    o[...] = _bdot(u, fw2[...]) + fb2[...]


def _w_spec(shape):
    return pl.BlockSpec(shape, lambda i: (0,) * len(shape))


def _run_node_enc(Xn, nt, WSM, cb, fwa, fwb, fb, a1, b1w, n1a):
    grid = (N // BN,)
    blk = lambda r, c: pl.BlockSpec((r, c), lambda i: (i, 0))
    return pl.pallas_call(
        _node_enc_body,
        grid=grid,
        in_specs=[blk(BN, 20), blk(BN, 1), _w_spec((20, 128)), _w_spec((1, 128)),
                  _w_spec((128, 128)), _w_spec((1, 128)), _w_spec((1, 128)),
                  _w_spec((128, 128)), _w_spec((128, 128)), _w_spec((128, 128))],
        out_specs=[blk(BN, 128)] * 3,
        out_shape=[jax.ShapeDtypeStruct((N, 128), _f32)] * 3,
        compiler_params=pltpu.CompilerParams(
            dimension_semantics=("parallel",)),
    )(Xn, nt, WSM, cb, fwa, fwb, fb, a1, b1w, n1a)


def _run_edge1(gr, gc, ea, wc, b1, w2, b2, nrows):
    grid = (nrows // BE,)
    blk = lambda r, c: pl.BlockSpec((r, c), lambda i: (i, 0))
    return pl.pallas_call(
        _edge1_body,
        grid=grid,
        in_specs=[blk(BE, 128), blk(BE, 128), blk(BE, 4), _w_spec((4, 128)),
                  _w_spec((1, 128)), _w_spec((128, 128)), _w_spec((1, 128))],
        out_specs=blk(BE, 128),
        out_shape=jax.ShapeDtypeStruct((nrows, 128), _f32),
        compiler_params=pltpu.CompilerParams(
            dimension_semantics=("parallel",)),
    )(gr, gc, ea, wc, b1, w2, b2)


def _run_node1(g3p, ea1, n1b, n1b1, n1w2, n1b2, e2a, e2b):
    grid = (N // BN,)
    blk = lambda r, c: pl.BlockSpec((r, c), lambda i: (i, 0))
    return pl.pallas_call(
        _node1_body,
        grid=grid,
        in_specs=[blk(BN, 128), blk(BN, 128), _w_spec((128, 128)), _w_spec((1, 128)),
                  _w_spec((128, 128)), _w_spec((1, 128)),
                  _w_spec((128, 128)), _w_spec((128, 128))],
        out_specs=[blk(BN, 128)] * 2,
        out_shape=[jax.ShapeDtypeStruct((N, 128), _f32)] * 2,
        compiler_params=pltpu.CompilerParams(
            dimension_semantics=("parallel",)),
    )(g3p, ea1, n1b, n1b1, n1w2, n1b2, e2a, e2b)


def _run_edge2(gr2, gc2, ea1, e2c, e2b1, e2w2, e2b2, fw1, fb1, nrows):
    grid = (nrows // BE,)
    blk = lambda r, c: pl.BlockSpec((r, c), lambda i: (i, 0))
    return pl.pallas_call(
        _edge2_body,
        grid=grid,
        in_specs=[blk(BE, 128), blk(BE, 128), blk(BE, 128), _w_spec((128, 128)),
                  _w_spec((1, 128)), _w_spec((128, 128)), _w_spec((1, 128)),
                  _w_spec((128, 128)), _w_spec((1, 128))],
        out_specs=[blk(BE, 128), pl.BlockSpec((8, 128), lambda i: (i, 0))],
        out_shape=[jax.ShapeDtypeStruct((nrows, 128), _f32),
                   jax.ShapeDtypeStruct((nrows // BE * 8, 128), _f32)],
        compiler_params=pltpu.CompilerParams(
            dimension_semantics=("parallel",)),
    )(gr2, gc2, ea1, e2c, e2b1, e2w2, e2b2, fw1, fb1)


def _run_final(z, av, cv, fw2, fb2, nrows):
    grid = (nrows // BE,)
    blk = lambda r, c: pl.BlockSpec((r, c), lambda i: (i, 0))
    return pl.pallas_call(
        _final_body,
        grid=grid,
        in_specs=[blk(BE, 128), _w_spec((1, 128)), _w_spec((1, 128)),
                  _w_spec((128, 3)), _w_spec((1, 3))],
        out_specs=blk(BE, 3),
        out_shape=jax.ShapeDtypeStruct((nrows, 3), _f32),
        compiler_params=pltpu.CompilerParams(
            dimension_semantics=("parallel",)),
    )(z, av, cv, fw2, fb2)



def _sc_mesh():
    return plsc.VectorSubcoreMesh(core_axis_name="c", subcore_axis_name="s")


def _gather_pair(tbl, idx_hbm, out_hbm, base, idx_v, rows_v, sem, k):
    pltpu.sync_copy(idx_hbm.at[pl.ds(base, k * CH)], idx_v.at[pl.ds(0, k * CH)])
    hs = [pltpu.async_copy(tbl.at[idx_v.at[pl.ds(j * CH, CH)]],
                           rows_v.at[pl.ds(j * CH, CH)], sem)
          for j in range(k)]
    for h in hs:
        h.wait()
    pltpu.sync_copy(rows_v.at[pl.ds(0, k * CH)], out_hbm.at[pl.ds(base, k * CH)])


def _gather_chunks(wid, tbl, idx_hbm, out_hbm, nchunks, idx_v, rows_v, sem):
    nquads = nchunks // 4
    iters = (nquads + NW - 1) // NW

    @pl.loop(0, iters)
    def _(i):
        quad = i * NW + wid

        @pl.when(quad < nquads)
        def _():
            _gather_pair(tbl, idx_hbm, out_hbm, quad * (4 * CH),
                         idx_v, rows_v, sem, 4)

    rem = nchunks - nquads * 4
    if rem:
        @pl.when(wid == 0)
        def _():
            _gather_pair(tbl, idx_hbm, out_hbm, nquads * (4 * CH),
                         idx_v, rows_v, sem, rem)


_SC_SCRATCH = [pltpu.VMEM((4 * CH,), jnp.int32),
               pltpu.VMEM((4 * CH, 128), _f32),
               pltpu.SemaphoreType.DMA]


def _sc_gathers(tables, idxs, nrows_list):
    outs = tuple(jax.ShapeDtypeStruct((n, 128), _f32) for n in nrows_list)
    ng = len(tables)

    @functools.partial(
        pl.kernel,
        mesh=_sc_mesh(),
        out_type=outs if ng > 1 else outs[0],
        scratch_types=list(_SC_SCRATCH),
    )
    def k(*refs):
        tbls = refs[:ng]
        idx_hs = refs[ng:2 * ng]
        out_hs = refs[2 * ng:3 * ng]
        idx_v, rows_v, sem = refs[3 * ng:]
        wid = lax.axis_index("s") * 2 + lax.axis_index("c")
        for t, ih, oh, n in zip(tbls, idx_hs, out_hs, nrows_list):
            _gather_chunks(wid, t, ih, oh, n // CH, idx_v, rows_v, sem)

    return k(*tables, *idxs)



def kernel(x, edge_index, edge_attr, batch, node_type, emb, conv_w, conv_b,
           fuse_w, fuse_b, e1_w1, e1_b1, e1_w2, e1_b2, n1_w1, n1_b1, n1_w2,
           n1_b2, e2_w1, e2_b1, e2_w2, e2_b2, n2_w1, n2_b1, n2_w2, n2_b2,
           f_w1, f_b1, bn_g, bn_b, f_w2, f_b2):
    L = 5
    _b = lambda v: jax.lax.reduce_precision(v, 8, 7)
    cwb = _b(conv_w)
    embb = _b(emb)
    w0 = cwb[:, :, 0]; w1 = cwb[:, :, 1]; w2 = cwb[:, :, 2]
    ws = w0 + w1 + w2
    M = jnp.concatenate([ws[:, :4].T, -w2[:, :4].T, -w0[:, :4].T], axis=0) / L
    s_pe = embb.sum(0)
    const = (s_pe @ ws[:, 4:].T - embb[4] @ w0[:, 4:].T - embb[0] @ w2[:, 4:].T) / L + conv_b
    S = np.zeros((20, 12), np.float32)
    for i in range(4):
        for l in range(5):
            S[l * 4 + i, i] = 1.0
        S[0 * 4 + i, 4 + i] = 1.0
        S[4 * 4 + i, 8 + i] = 1.0
    WSM = jnp.asarray(S) @ M
    cb = const.reshape(1, 128)
    Xn = jax.lax.reduce_precision(x.reshape(N, 20), 8, 7)

    EH = 81920
    EL = E - EH
    rowE = edge_index[0]
    colE = edge_index[1]
    rowA = rowE[:EH]; colA = colE[:EH]
    rowB = rowE[EH:]; colB = colE[EH:]
    rowN = jnp.concatenate([rowE[:N], jnp.zeros((NP - N,), jnp.int32)])
    eaA = edge_attr[:EH]; eaB = edge_attr[EH:]

    r1 = lambda v: v.reshape(1, -1)

    p1, p2, p3 = _run_node_enc(Xn, node_type, WSM, cb, fuse_w[:128],
                               fuse_w[128:129], r1(fuse_b), e1_w1[:128],
                               e1_w1[128:256], n1_w1[:128])
    grA, gcA, g3p = _sc_gathers([p1, p2, p3], [rowA, colA, rowN],
                                [EH, EH, NP])
    grB, gcB = _sc_gathers([p1, p2], [rowB, colB], [EL, EL])
    ea1A = _run_edge1(grA, gcA, eaA, e1_w1[256:260], r1(e1_b1),
                      e1_w2, r1(e1_b2), EH)
    ea1B = _run_edge1(grB, gcB, eaB, e1_w1[256:260], r1(e1_b1),
                      e1_w2, r1(e1_b2), EL)
    q1, q2 = _run_node1(g3p, ea1A, n1_w1[128:256], r1(n1_b1), n1_w2, r1(n1_b2),
                        e2_w1[:128], e2_w1[128:256])
    gr2A, gc2A = _sc_gathers([q1, q2], [rowA, colA], [EH, EH])
    gr2B, gc2B = _sc_gathers([q1, q2], [rowB, colB], [EL, EL])
    zA, stA = _run_edge2(gr2A, gc2A, ea1A, e2_w1[256:384], r1(e2_b1), e2_w2,
                         r1(e2_b2), f_w1, r1(f_b1), EH)
    zB, stB = _run_edge2(gr2B, gc2B, ea1B, e2_w1[256:384], r1(e2_b1), e2_w2,
                         r1(e2_b2), f_w1, r1(f_b1), EL)
    st = jnp.concatenate([stA.reshape(EH // BE, 8, 128),
                          stB.reshape(EL // BE, 8, 128)], axis=0)
    mu = st[:, 0].sum(0) / E
    var = st[:, 1].sum(0) / E - mu * mu
    a = bn_g / jnp.sqrt(var + 1e-5)
    c = bn_b - mu * a
    outA = _run_final(zA, r1(a), r1(c), f_w2, r1(f_b2), EH)
    outB = _run_final(zB, r1(a), r1(c), f_w2, r1(f_b2), EL)
    return jnp.concatenate([outA, outB], axis=0)

# --- scband reference (transcript-rebuilt; emitter-appended) ---
"""Pipeline reference for scband-graph-neural-network-63170378990110 (READ-ONLY COPY).

The authoritative reference and input builder live on the scoring server;
editing this copy changes nothing except your own understanding.
"""

import jax, jax.numpy as jnp
import numpy as np

N = 10000
E = 160000
H = 128

def _mlp(h, w1, b1, w2, b2):
    return jax.nn.relu(h @ w1 + b1) @ w2 + b2

def setup_inputs(seed: int = 0) -> dict:
    key = jax.random.key(seed)
    ks = jax.random.split(key, 40)
    def w(i, shape):
        return (jax.random.normal(ks[i], shape, dtype=jnp.float32) * 0.05)
    inp = {}
    inp["x"] = jax.random.normal(ks[0], (N, 5, 4), dtype=jnp.float32)
    inp["edge_index"] = jax.random.randint(ks[1], (2, E), 0, N, dtype=jnp.int32)
    inp["edge_attr"] = jax.random.normal(ks[2], (E, 4), dtype=jnp.float32)
    inp["batch"] = jnp.zeros((N,), dtype=jnp.int32)
    inp["node_type"] = jax.random.normal(ks[3], (N, 1), dtype=jnp.float32)
    # PastStateEncoder params
    inp["emb"] = w(4, (5, 4))
    inp["conv_w"] = w(5, (128, 8, 3))
    inp["conv_b"] = jnp.zeros((128,), dtype=jnp.float32)
    # FusionLayer
    inp["fuse_w"] = w(6, (129, 128))
    inp["fuse_b"] = jnp.zeros((128,), dtype=jnp.float32)
    # gnn1 edge_mlp: Lin(2*128+4, 128) -> ReLU -> Lin(128, 128)
    inp["e1_w1"] = w(7, (260, 128)); inp["e1_b1"] = jnp.zeros((128,), dtype=jnp.float32)
    inp["e1_w2"] = w(8, (128, 128)); inp["e1_b2"] = jnp.zeros((128,), dtype=jnp.float32)
    # gnn1 node_mlp_1: Lin(256, 128) -> ReLU -> Lin(128, 128)
    inp["n1_w1"] = w(9, (256, 128)); inp["n1_b1"] = jnp.zeros((128,), dtype=jnp.float32)
    inp["n1_w2"] = w(10, (128, 128)); inp["n1_b2"] = jnp.zeros((128,), dtype=jnp.float32)
    # gnn2 edge_mlp: Lin(2*128+128, 128) -> ReLU -> Lin(128, 128)
    inp["e2_w1"] = w(11, (384, 128)); inp["e2_b1"] = jnp.zeros((128,), dtype=jnp.float32)
    inp["e2_w2"] = w(12, (128, 128)); inp["e2_b2"] = jnp.zeros((128,), dtype=jnp.float32)
    # gnn2 node_mlp_1
    inp["n2_w1"] = w(13, (256, 128)); inp["n2_b1"] = jnp.zeros((128,), dtype=jnp.float32)
    inp["n2_w2"] = w(14, (128, 128)); inp["n2_b2"] = jnp.zeros((128,), dtype=jnp.float32)
    # final_mlp: Lin(128,128) -> BN(128) -> ReLU -> Lin(128,3)
    inp["f_w1"] = w(15, (128, 128)); inp["f_b1"] = jnp.zeros((128,), dtype=jnp.float32)
    inp["bn_g"] = jnp.ones((128,), dtype=jnp.float32); inp["bn_b"] = jnp.zeros((128,), dtype=jnp.float32)
    inp["f_w2"] = w(16, (128, 3)); inp["f_b2"] = jnp.zeros((3,), dtype=jnp.float32)
    return inp

def reference(x, edge_index, edge_attr, batch, node_type, emb, conv_w, conv_b, fuse_w, fuse_b,
              e1_w1, e1_b1, e1_w2, e1_b2, n1_w1, n1_b1, n1_w2, n1_b2,
              e2_w1, e2_b1, e2_w2, e2_b2, n2_w1, n2_b1, n2_w2, n2_b2,
              f_w1, f_b1, bn_g, bn_b, f_w2, f_b2):
    B, L, F = x.shape
    # PastStateEncoder
    pos = jnp.arange(L)
    pe = emb[pos].reshape(1, L, 4)
    h = jnp.concatenate([x, jnp.broadcast_to(pe, (B, L, 4))], axis=-1)  # [B, L, 8]
    h = jnp.transpose(h, (0, 2, 1))  # [B, 8, L]
    h = jax.lax.conv_general_dilated(h, conv_w, (1,), [(1, 1)],
                                     dimension_numbers=("NCH", "OIH", "NCH"))
    h = h + conv_b[None, :, None]
    h = h.mean(axis=-1)  # [B, 128]
    # Fuse with node_type
    h = jnp.concatenate([h, node_type], axis=-1)  # [B, 129]
    h = h @ fuse_w + fuse_b  # [B, 128]
    row = edge_index[0]
    col = edge_index[1]
    # gnn1 (MetaLayer): edge model then node model (per-edge, no aggregation in source)
    ea = _mlp(jnp.concatenate([h[row], h[col], edge_attr], axis=1), e1_w1, e1_b1, e1_w2, e1_b2)  # [E,128]
    h = _mlp(jnp.concatenate([h[row], ea], axis=1), n1_w1, n1_b1, n1_w2, n1_b2)  # [E,128]
    # gnn2: x is now edge-sized [E,128]; indexing with node ids < N < E is valid (faithful to source)
    ea = _mlp(jnp.concatenate([h[row], h[col], ea], axis=1), e2_w1, e2_b1, e2_w2, e2_b2)
    h = _mlp(jnp.concatenate([h[row], ea], axis=1), n2_w1, n2_b1, n2_w2, n2_b2)
    # final_mlp on edge_attr: Linear -> BatchNorm1d (training-mode batch stats) -> ReLU -> Linear
    z = ea @ f_w1 + f_b1
    mu = z.mean(axis=0)
    var = z.var(axis=0)
    z = (z - mu) / jnp.sqrt(var + 1e-5) * bn_g + bn_b
    z = jax.nn.relu(z)
    out = z @ f_w2 + f_b2  # [E, 3]
    return out

if __name__ == "__main__":
    import jax
    _d = setup_inputs()
    print(jax.jit(kernel)(*tuple(_d.values())))

</pallas_src>

<mosaic_0001>
#map = affine_map<(d0, d1) -> (0, 0)>
#map1 = affine_map<(d0, d1) -> (0)>
module attributes {stable_mosaic.version = 14 : i64} {
  func.func @k(%arg0: i32, %arg1: i32, %arg2: memref<10000x128xf32, #tpu.memory_space<hbm>>, %arg3: memref<10000x128xf32, #tpu.memory_space<hbm>>, %arg4: memref<81920xi32, #tpu.memory_space<hbm>>, %arg5: memref<81920xi32, #tpu.memory_space<hbm>>, %arg6: memref<81920x128xf32, #tpu.memory_space<hbm>>, %arg7: memref<81920x128xf32, #tpu.memory_space<hbm>>, %arg8: memref<512xi32, #tpu.memory_space<vmem>>, %arg9: memref<512x128xf32, #tpu.memory_space<vmem>>, %arg10: memref<!tpu.dma_semaphore, #tpu.memory_space<semaphore_mem>>) attributes {dimension_semantics = [#tpu.dimension_semantics<core_parallel>, #tpu.dimension_semantics<subcore_parallel>], iteration_bounds = array<i64: 2, 16>, scalar_prefetch = 0 : i64, scratch_operands = 3 : i64, tpu.core_type = #tpu.core_type<sc_vector_subcore>, window_params = [{transform_indices = #map}, {transform_indices = #map}, {transform_indices = #map1}, {transform_indices = #map1}, {transform_indices = #map}, {transform_indices = #map}]} {
    %mul3A = arith.constant 2 : i32
    %mul3A_0 = arith.muli %arg1, %mul3A : i32
    %add3A = arith.addi %mul3A_0, %arg0 : i32
    %scan3A = arith.constant 0 : i32
    %scan3A_1 = arith.constant 5 : i32
    %scan3A_2 = arith.addi %scan3A, %scan3A_1 : i32
    %scan3A_3 = arith.constant 1 : i32
    scf.for %scan3A_10 = %scan3A to %scan3A_2 step %scan3A_3  : i32 {
      %mul3A_11 = arith.constant 1 : i32
      %mul3A_12 = arith.muli %scan3A_10, %mul3A_11 : i32
      %add3A_13 = arith.constant 0 : i32
      %add3A_14 = arith.addi %add3A_13, %mul3A_12 : i32
      %mul3A_15 = arith.constant 32 : i32
      %mul3A_16 = arith.muli %add3A_14, %mul3A_15 : i32
      %add3A_17 = arith.addi %mul3A_16, %add3A : i32
      %lt3A = arith.constant 160 : i32
      %lt3A_18 = arith.cmpi slt, %add3A_17, %lt3A : i32
      %convert_element_type3A = arith.extui %lt3A_18 : i1 to i32
      %cond3A = arith.constant 0 : i32
      %cond3A_19 = arith.cmpi ne, %convert_element_type3A, %cond3A : i32
      scf.if %cond3A_19 {
        %mul3A_20 = arith.constant 512 : i32
        %mul3A_21 = arith.muli %add3A_17, %mul3A_20 : i32
        "tpu.region"() ({
          %run_scoped3A = tpu.sem_alloc : memref<!tpu.dma_semaphore, #tpu.memory_space<semaphore_mem>>
          %dma_start3A_84 = arith.constant 0 : i32
          %dma_start3A_85 = tpu.memref_slice %arg8[%dma_start3A_84] : memref<512xi32, #tpu.memory_space<vmem>> -> memref<512xi32, #tpu.memory_space<vmem>>
          %dma_start3A_86 = tpu.memref_slice %arg4[%mul3A_21] : memref<81920xi32, #tpu.memory_space<hbm>> -> memref<512xi32, #tpu.memory_space<hbm>>
          %dma_start3A_87 = arith.constant 0 : i32
          %dma_start3A_88 = tpu.memref_slice %arg8[%dma_start3A_87] : memref<512xi32, #tpu.memory_space<vmem>> -> memref<512xi32, #tpu.memory_space<vmem>>
          %dma_start3A_89 = tpu.memref_slice %arg4[%mul3A_21] : memref<81920xi32, #tpu.memory_space<hbm>> -> memref<512xi32, #tpu.memory_space<hbm>>
          tpu.enqueue_dma source(%dma_start3A_89 : memref<512xi32, #tpu.memory_space<hbm>>) target(%dma_start3A_88 : memref<512xi32, #tpu.memory_space<vmem>>) target_semaphore(%run_scoped3A : memref<!tpu.dma_semaphore, #tpu.memory_space<semaphore_mem>>)
          %dma_wait3A_90 = arith.constant 0 : i32
          %dma_wait3A_91 = tpu.memref_slice %arg8[%dma_wait3A_90] : memref<512xi32, #tpu.memory_space<vmem>> -> memref<512xi32, #tpu.memory_space<vmem>>
          %dma_wait3A_92 = tpu.memref_slice %arg4[%mul3A_21] : memref<81920xi32, #tpu.memory_space<hbm>> -> memref<512xi32, #tpu.memory_space<hbm>>
          %dma_wait3A_93 = arith.constant 0 : i32
          %dma_wait3A_94 = tpu.memref_slice %arg8[%dma_wait3A_93] : memref<512xi32, #tpu.memory_space<vmem>> -> memref<512xi32, #tpu.memory_space<vmem>>
          %dma_wait3A_95 = tpu.memref_slice %arg4[%mul3A_21] : memref<81920xi32, #tpu.memory_space<hbm>> -> memref<512xi32, #tpu.memory_space<hbm>>
          tpu.wait_dma2 semaphore(%run_scoped3A : memref<!tpu.dma_semaphore, #tpu.memory_space<semaphore_mem>>) src(%dma_wait3A_95 : memref<512xi32, #tpu.memory_space<hbm>>) dst(%dma_wait3A_94 : memref<512xi32, #tpu.memory_space<vmem>>)
          tpu.yield
        }) : () -> ()
        %dma_start3A = arith.constant 0 : i32
        %dma_start3A_22 = arith.constant 0 : i32
        %dma_start3A_23 = tpu.memref_slice %arg9[%dma_start3A, %dma_start3A_22] : memref<512x128xf32, #tpu.memory_space<vmem>> -> memref<128x128xf32, #tpu.memory_space<vmem>>
        %dma_start3A_24 = arith.constant 0 : i32
        %dma_start3A_25 = tpu.memref_slice %arg8[%dma_start3A_24] : memref<512xi32, #tpu.memory_space<vmem>> -> memref<128xi32, #tpu.memory_space<vmem>>
        %dma_start3A_26 = arith.constant 0 : i32
        %dma_start3A_27 = arith.constant 0 : i32
        %dma_start3A_28 = tpu.memref_slice %arg2[%dma_start3A_26, %dma_start3A_27] : memref<10000x128xf32, #tpu.memory_space<hbm>> -> memref<10000x128xf32, #tpu.memory_space<hbm>>
        tpu.enqueue_indirect_dma source(%dma_start3A_28 : memref<10000x128xf32, #tpu.memory_space<hbm>>) target(%dma_start3A_23 : memref<128x128xf32, #tpu.memory_space<vmem>>) offsets(%dma_start3A_25 : memref<128xi32, #tpu.memory_space<vmem>>) semaphore(%arg10 : memref<!tpu.dma_semaphore, #tpu.memory_space<semaphore_mem>>)
        %dma_start3A_29 = arith.constant 128 : i32
        %dma_start3A_30 = arith.constant 0 : i32
        %dma_start3A_31 = tpu.memref_slice %arg9[%dma_start3A_29, %dma_start3A_30] : memref<512x128xf32, #tpu.memory_space<vmem>> -> memref<128x128xf32, #tpu.memory_space<vmem>>
        %dma_start3A_32 = arith.constant 128 : i32
        %dma_start3A_33 = tpu.memref_slice %arg8[%dma_start3A_32] : memref<512xi32, #tpu.memory_space<vmem>> -> memref<128xi32, #tpu.memory_space<vmem>>
        %dma_start3A_34 = arith.constant 0 : i32
        %dma_start3A_35 = arith.constant 0 : i32
        %dma_start3A_36 = tpu.memref_slice %arg2[%dma_start3A_34, %dma_start3A_35] : memref<10000x128xf32, #tpu.memory_space<hbm>> -> memref<10000x128xf32, #tpu.memory_space<hbm>>
        tpu.enqueue_indirect_dma source(%dma_start3A_36 : memref<10000x128xf32, #tpu.memory_space<hbm>>) target(%dma_start3A_31 : memref<128x128xf32, #tpu.memory_space<vmem>>) offsets(%dma_start3A_33 : memref<128xi32, #tpu.memory_space<vmem>>) semaphore(%arg10 : memref<!tpu.dma_semaphore, #tpu.memory_space<semaphore_mem>>)
        %dma_start3A_37 = arith.constant 256 : i32
        %dma_start3A_38 = arith.constant 0 : i32
        %dma_start3A_39 = tpu.memref_slice %arg9[%dma_start3A_37, %dma_start3A_38] : memref<512x128xf32, #tpu.memory_space<vmem>> -> memref<128x128xf32, #tpu.memory_space<vmem>>
        %dma_start3A_40 = arith.constant 256 : i32
        %dma_start3A_41 = tpu.memref_slice %arg8[%dma_start3A_40] : memref<512xi32, #tpu.memory_space<vmem>> -> memref<128xi32, #tpu.memory_space<vmem>>
        %dma_start3A_42 = arith.constant 0 : i32
        %dma_start3A_43 = arith.constant 0 : i32
        %dma_start3A_44 = tpu.memref_slice %arg2[%dma_start3A_42, %dma_start3A_43] : memref<10000x128xf32, #tpu.memory_space<hbm>> -> memref<10000x128xf32, #tpu.memory_space<hbm>>
        tpu.enqueue_indirect_dma source(%dma_start3A_44 : memref<10000x128xf32, #tpu.memory_space<hbm>>) target(%dma_start3A_39 : memref<128x128xf32, #tpu.memory_space<vmem>>) offsets(%dma_start3A_41 : memref<128xi32, #tpu.memory_space<vmem>>) semaphore(%arg10 : memref<!tpu.dma_semaphore, #tpu.memory_space<semaphore_mem>>)
        %dma_start3A_45 = arith.constant 384 : i32
        %dma_start3A_46 = arith.constant 0 : i32
        %dma_start3A_47 = tpu.memref_slice %arg9[%dma_start3A_45, %dma_start3A_46] : memref<512x128xf32, #tpu.memory_space<vmem>> -> memref<128x128xf32, #tpu.memory_space<vmem>>
        %dma_start3A_48 = arith.constant 384 : i32
        %dma_start3A_49 = tpu.memref_slice %arg8[%dma_start3A_48] : memref<512xi32, #tpu.memory_space<vmem>> -> memref<128xi32, #tpu.memory_space<vmem>>
        %dma_start3A_50 = arith.constant 0 : i32
        %dma_start3A_51 = arith.constant 0 : i32
        %dma_start3A_52 = tpu.memref_slice %arg2[%dma_start3A_50, %dma_start3A_51] : memref<10000x128xf32, #tpu.memory_space<hbm>> -> memref<10000x128xf32, #tpu.memory_space<hbm>>
        tpu.enqueue_indirect_dma source(%dma_start3A_52 : memref<10000x128xf32, #tpu.memory_space<hbm>>) target(%dma_start3A_47 : memref<128x128xf32, #tpu.memory_space<vmem>>) offsets(%dma_start3A_49 : memref<128xi32, #tpu.memory_space<vmem>>) semaphore(%arg10 : memref<!tpu.dma_semaphore, #tpu.memory_space<semaphore_mem>>)
        %dma_wait3A = arith.constant 0 : i32
        %dma_wait3A_53 = arith.constant 0 : i32
        %dma_wait3A_54 = tpu.memref_slice %arg9[%dma_wait3A, %dma_wait3A_53] : memref<512x128xf32, #tpu.memory_space<vmem>> -> memref<128x128xf32, #tpu.memory_space<vmem>>
        %dma_wait3A_55 = arith.constant 0 : i32
        %dma_wait3A_56 = tpu.memref_slice %arg8[%dma_wait3A_55] : memref<512xi32, #tpu.memory_space<vmem>> -> memref<128xi32, #tpu.memory_space<vmem>>
        %dma_wait3A_57 = arith.constant 0 : i32
        %dma_wait3A_58 = arith.constant 0 : i32
        %dma_wait3A_59 = tpu.memref_slice %arg2[%dma_wait3A_57, %dma_wait3A_58] : memref<10000x128xf32, #tpu.memory_space<hbm>> -> memref<10000x128xf32, #tpu.memory_space<hbm>>
        tpu.wait_indirect_dma semaphore(%arg10 : memref<!tpu.dma_semaphore, #tpu.memory_space<semaphore_mem>>) src(%dma_wait3A_59 : memref<10000x128xf32, #tpu.memory_space<hbm>>) dst(%dma_wait3A_54 : memref<128x128xf32, #tpu.memory_space<vmem>>)
        %dma_wait3A_60 = arith.constant 128 : i32
        %dma_wait3A_61 = arith.constant 0 : i32
        %dma_wait3A_62 = tpu.memref_slice %arg9[%dma_wait3A_60, %dma_wait3A_61] : memref<512x128xf32, #tpu.memory_space<vmem>> -> memref<128x128xf32, #tpu.memory_space<vmem>>
        %dma_wait3A_63 = arith.constant 128 : i32
        %dma_wait3A_64 = tpu.memref_slice %arg8[%dma_wait3A_63] : memref<512xi32, #tpu.memory_space<vmem>> -> memref<128xi32, #tpu.memory_space<vmem>>
        %dma_wait3A_65 = arith.constant 0 : i32
        %dma_wait3A_66 = arith.constant 0 : i32
        %dma_wait3A_67 = tpu.memref_slice %arg2[%dma_wait3A_65, %dma_wait3A_66] : memref<10000x128xf32, #tpu.memory_space<hbm>> -> memref<10000x128xf32, #tpu.memory_space<hbm>>
        tpu.wait_indirect_dma semaphore(%arg10 : memref<!tpu.dma_semaphore, #tpu.memory_space<semaphore_mem>>) src(%dma_wait3A_67 : memref<10000x128xf32, #tpu.memory_space<hbm>>) dst(%dma_wait3A_62 : memref<128x128xf32, #tpu.memory_space<vmem>>)
        %dma_wait3A_68 = arith.constant 256 : i32
        %dma_wait3A_69 = arith.constant 0 : i32
        %dma_wait3A_70 = tpu.memref_slice %arg9[%dma_wait3A_68, %dma_wait3A_69] : memref<512x128xf32, #tpu.memory_space<vmem>> -> memref<128x128xf32, #tpu.memory_space<vmem>>
        %dma_wait3A_71 = arith.constant 256 : i32
        %dma_wait3A_72 = tpu.memref_slice %arg8[%dma_wait3A_71] : memref<512xi32, #tpu.memory_space<vmem>> -> memref<128xi32, #tpu.memory_space<vmem>>
        %dma_wait3A_73 = arith.constant 0 : i32
        %dma_wait3A_74 = arith.constant 0 : i32
        %dma_wait3A_75 = tpu.memref_slice %arg2[%dma_wait3A_73, %dma_wait3A_74] : memref<10000x128xf32, #tpu.memory_space<hbm>> -> memref<10000x128xf32, #tpu.memory_space<hbm>>
        tpu.wait_indirect_dma semaphore(%arg10 : memref<!tpu.dma_semaphore, #tpu.memory_space<semaphore_mem>>) src(%dma_wait3A_75 : memref<10000x128xf32, #tpu.memory_space<hbm>>) dst(%dma_wait3A_70 : memref<128x128xf32, #tpu.memory_space<vmem>>)
        %dma_wait3A_76 = arith.constant 384 : i32
        %dma_wait3A_77 = arith.constant 0 : i32
        %dma_wait3A_78 = tpu.memref_slice %arg9[%dma_wait3A_76, %dma_wait3A_77] : memref<512x128xf32, #tpu.memory_space<vmem>> -> memref<128x128xf32, #tpu.memory_space<vmem>>
        %dma_wait3A_79 = arith.constant 384 : i32
        %dma_wait3A_80 = tpu.memref_slice %arg8[%dma_wait3A_79] : memref<512xi32, #tpu.memory_space<vmem>> -> memref<128xi32, #tpu.memory_space<vmem>>
        %dma_wait3A_81 = arith.constant 0 : i32
        %dma_wait3A_82 = arith.constant 0 : i32
        %dma_wait3A_83 = tpu.memref_slice %arg2[%dma_wait3A_81, %dma_wait3A_82] : memref<10000x128xf32, #tpu.memory_space<hbm>> -> memref<10000x128xf32, #tpu.memory_space<hbm>>
        tpu.wait_indirect_dma semaphore(%arg10 : memref<!tpu.dma_semaphore, #tpu.memory_space<semaphore_mem>>) src(%dma_wait3A_83 : memref<10000x128xf32, #tpu.memory_space<hbm>>) dst(%dma_wait3A_78 : memref<128x128xf32, #tpu.memory_space<vmem>>)
        "tpu.region"() ({
          %run_scoped3A = tpu.sem_alloc : memref<!tpu.dma_semaphore, #tpu.memory_space<semaphore_mem>>
          %dma_start3A_84 = arith.constant 0 : i32
          %dma_start3A_85 = arith.constant 0 : i32
          %dma_start3A_86 = tpu.memref_slice %arg9[%dma_start3A_84, %dma_start3A_85] : memref<512x128xf32, #tpu.memory_space<vmem>> -> memref<512x128xf32, #tpu.memory_space<vmem>>
          %dma_start3A_87 = arith.constant 0 : i32
          %dma_start3A_88 = tpu.memref_slice %arg6[%mul3A_21, %dma_start3A_87] : memref<81920x128xf32, #tpu.memory_space<hbm>> -> memref<512x128xf32, #tpu.memory_space<hbm>>
          %dma_start3A_89 = arith.constant 0 : i32
          %dma_start3A_90 = tpu.memref_slice %arg6[%mul3A_21, %dma_start3A_89] : memref<81920x128xf32, #tpu.memory_space<hbm>> -> memref<512x128xf32, #tpu.memory_space<hbm>>
          %dma_start3A_91 = arith.constant 0 : i32
          %dma_start3A_92 = arith.constant 0 : i32
          %dma_start3A_93 = tpu.memref_slice %arg9[%dma_start3A_91, %dma_start3A_92] : memref<512x128xf32, #tpu.memory_space<vmem>> -> memref<512x128xf32, #tpu.memory_space<vmem>>
          tpu.enqueue_dma source(%dma_start3A_93 : memref<512x128xf32, #tpu.memory_space<vmem>>) target(%dma_start3A_90 : memref<512x128xf32, #tpu.memory_space<hbm>>) target_semaphore(%run_scoped3A : memref<!tpu.dma_semaphore, #tpu.memory_space<semaphore_mem>>)
          %dma_wait3A_94 = arith.constant 0 : i32
          %dma_wait3A_95 = arith.constant 0 : i32
          %dma_wait3A_96 = tpu.memref_slice %arg9[%dma_wait3A_94, %dma_wait3A_95] : memref<512x128xf32, #tpu.memory_space<vmem>> -> memref<512x128xf32, #tpu.memory_space<vmem>>
          %dma_wait3A_97 = arith.constant 0 : i32
          %dma_wait3A_98 = tpu.memref_slice %arg6[%mul3A_21, %dma_wait3A_97] : memref<81920x128xf32, #tpu.memory_space<hbm>> -> memref<512x128xf32, #tpu.memory_space<hbm>>
          %dma_wait3A_99 = arith.constant 0 : i32
          %dma_wait3A_100 = tpu.memref_slice %arg6[%mul3A_21, %dma_wait3A_99] : memref<81920x128xf32, #tpu.memory_space<hbm>> -> memref<512x128xf32, #tpu.memory_space<hbm>>
          %dma_wait3A_101 = arith.constant 0 : i32
          %dma_wait3A_102 = arith.constant 0 : i32
          %dma_wait3A_103 = tpu.memref_slice %arg9[%dma_wait3A_101, %dma_wait3A_102] : memref<512x128xf32, #tpu.memory_space<vmem>> -> memref<512x128xf32, #tpu.memory_space<vmem>>
          tpu.wait_dma2 semaphore(%run_scoped3A : memref<!tpu.dma_semaphore, #tpu.memory_space<semaphore_mem>>) src(%dma_wait3A_103 : memref<512x128xf32, #tpu.memory_space<vmem>>) dst(%dma_wait3A_100 : memref<512x128xf32, #tpu.memory_space<hbm>>)
          tpu.yield
        }) : () -> ()
      } else {
      }
    }
    %scan3A_4 = arith.constant 5 : i32
    %scan3A_5 = arith.constant 0 : i32
    %scan3A_6 = arith.constant 5 : i32
    %scan3A_7 = arith.addi %scan3A_5, %scan3A_6 : i32
    %scan3A_8 = arith.constant 1 : i32
    scf.for %scan3A_10 = %scan3A_5 to %scan3A_7 step %scan3A_8  : i32 {
      %mul3A_11 = arith.constant 1 : i32
      %mul3A_12 = arith.muli %scan3A_10, %mul3A_11 : i32
      %add3A_13 = arith.constant 0 : i32
      %add3A_14 = arith.addi %add3A_13, %mul3A_12 : i32
      %mul3A_15 = arith.constant 32 : i32
      %mul3A_16 = arith.muli %add3A_14, %mul3A_15 : i32
      %add3A_17 = arith.addi %mul3A_16, %add3A : i32
      %lt3A = arith.constant 160 : i32
      %lt3A_18 = arith.cmpi slt, %add3A_17, %lt3A : i32
      %convert_element_type3A = arith.extui %lt3A_18 : i1 to i32
      %cond3A = arith.constant 0 : i32
      %cond3A_19 = arith.cmpi ne, %convert_element_type3A, %cond3A : i32
      scf.if %cond3A_19 {
        %mul3A_20 = arith.constant 512 : i32
        %mul3A_21 = arith.muli %add3A_17, %mul3A_20 : i32
        "tpu.region"() ({
          %run_scoped3A = tpu.sem_alloc : memref<!tpu.dma_semaphore, #tpu.memory_space<semaphore_mem>>
          %dma_start3A_84 = arith.constant 0 : i32
          %dma_start3A_85 = tpu.memref_slice %arg8[%dma_start3A_84] : memref<512xi32, #tpu.memory_space<vmem>> -> memref<512xi32, #tpu.memory_space<vmem>>
          %dma_start3A_86 = tpu.memref_slice %arg5[%mul3A_21] : memref<81920xi32, #tpu.memory_space<hbm>> -> memref<512xi32, #tpu.memory_space<hbm>>
          %dma_start3A_87 = arith.constant 0 : i32
          %dma_start3A_88 = tpu.memref_slice %arg8[%dma_start3A_87] : memref<512xi32, #tpu.memory_space<vmem>> -> memref<512xi32, #tpu.memory_space<vmem>>
          %dma_start3A_89 = tpu.memref_slice %arg5[%mul3A_21] : memref<81920xi32, #tpu.memory_space<hbm>> -> memref<512xi32, #tpu.memory_space<hbm>>
          tpu.enqueue_dma source(%dma_start3A_89 : memref<512xi32, #tpu.memory_space<hbm>>) target(%dma_start3A_88 : memref<512xi32, #tpu.memory_space<vmem>>) target_semaphore(%run_scoped3A : memref<!tpu.dma_semaphore, #tpu.memory_space<semaphore_mem>>)
          %dma_wait3A_90 = arith.constant 0 : i32
          %dma_wait3A_91 = tpu.memref_slice %arg8[%dma_wait3A_90] : memref<512xi32, #tpu.memory_space<vmem>> -> memref<512xi32, #tpu.memory_space<vmem>>
          %dma_wait3A_92 = tpu.memref_slice %arg5[%mul3A_21] : memref<81920xi32, #tpu.memory_space<hbm>> -> memref<512xi32, #tpu.memory_space<hbm>>
          %dma_wait3A_93 = arith.constant 0 : i32
          %dma_wait3A_94 = tpu.memref_slice %arg8[%dma_wait3A_93] : memref<512xi32, #tpu.memory_space<vmem>> -> memref<512xi32, #tpu.memory_space<vmem>>
          %dma_wait3A_95 = tpu.memref_slice %arg5[%mul3A_21] : memref<81920xi32, #tpu.memory_space<hbm>> -> memref<512xi32, #tpu.memory_space<hbm>>
          tpu.wait_dma2 semaphore(%run_scoped3A : memref<!tpu.dma_semaphore, #tpu.memory_space<semaphore_mem>>) src(%dma_wait3A_95 : memref<512xi32, #tpu.memory_space<hbm>>) dst(%dma_wait3A_94 : memref<512xi32, #tpu.memory_space<vmem>>)
          tpu.yield
        }) : () -> ()
        %dma_start3A = arith.constant 0 : i32
        %dma_start3A_22 = arith.constant 0 : i32
        %dma_start3A_23 = tpu.memref_slice %arg9[%dma_start3A, %dma_start3A_22] : memref<512x128xf32, #tpu.memory_space<vmem>> -> memref<128x128xf32, #tpu.memory_space<vmem>>
        %dma_start3A_24 = arith.constant 0 : i32
        %dma_start3A_25 = tpu.memref_slice %arg8[%dma_start3A_24] : memref<512xi32, #tpu.memory_space<vmem>> -> memref<128xi32, #tpu.memory_space<vmem>>
        %dma_start3A_26 = arith.constant 0 : i32
        %dma_start3A_27 = arith.constant 0 : i32
        %dma_start3A_28 = tpu.memref_slice %arg3[%dma_start3A_26, %dma_start3A_27] : memref<10000x128xf32, #tpu.memory_space<hbm>> -> memref<10000x128xf32, #tpu.memory_space<hbm>>
        tpu.enqueue_indirect_dma source(%dma_start3A_28 : memref<10000x128xf32, #tpu.memory_space<hbm>>) target(%dma_start3A_23 : memref<128x128xf32, #tpu.memory_space<vmem>>) offsets(%dma_start3A_25 : memref<128xi32, #tpu.memory_space<vmem>>) semaphore(%arg10 : memref<!tpu.dma_semaphore, #tpu.memory_space<semaphore_mem>>)
        %dma_start3A_29 = arith.constant 128 : i32
        %dma_start3A_30 = arith.constant 0 : i32
        %dma_start3A_31 = tpu.memref_slice %arg9[%dma_start3A_29, %dma_start3A_30] : memref<512x128xf32, #tpu.memory_space<vmem>> -> memref<128x128xf32, #tpu.memory_space<vmem>>
        %dma_start3A_32 = arith.constant 128 : i32
        %dma_start3A_33 = tpu.memref_slice %arg8[%dma_start3A_32] : memref<512xi32, #tpu.memory_space<vmem>> -> memref<128xi32, #tpu.memory_space<vmem>>
        %dma_start3A_34 = arith.constant 0 : i32
        %dma_start3A_35 = arith.constant 0 : i32
        %dma_start3A_36 = tpu.memref_slice %arg3[%dma_start3A_34, %dma_start3A_35] : memref<10000x128xf32, #tpu.memory_space<hbm>> -> memref<10000x128xf32, #tpu.memory_space<hbm>>
        tpu.enqueue_indirect_dma source(%dma_start3A_36 : memref<10000x128xf32, #tpu.memory_space<hbm>>) target(%dma_start3A_31 : memref<128x128xf32, #tpu.memory_space<vmem>>) offsets(%dma_start3A_33 : memref<128xi32, #tpu.memory_space<vmem>>) semaphore(%arg10 : memref<!tpu.dma_semaphore, #tpu.memory_space<semaphore_mem>>)
        %dma_start3A_37 = arith.constant 256 : i32
        %dma_start3A_38 = arith.constant 0 : i32
        %dma_start3A_39 = tpu.memref_slice %arg9[%dma_start3A_37, %dma_start3A_38] : memref<512x128xf32, #tpu.memory_space<vmem>> -> memref<128x128xf32, #tpu.memory_space<vmem>>
        %dma_start3A_40 = arith.constant 256 : i32
        %dma_start3A_41 = tpu.memref_slice %arg8[%dma_start3A_40] : memref<512xi32, #tpu.memory_space<vmem>> -> memref<128xi32, #tpu.memory_space<vmem>>
        %dma_start3A_42 = arith.constant 0 : i32
        %dma_start3A_43 = arith.constant 0 : i32
        %dma_start3A_44 = tpu.memref_slice %arg3[%dma_start3A_42, %dma_start3A_43] : memref<10000x128xf32, #tpu.memory_space<hbm>> -> memref<10000x128xf32, #tpu.memory_space<hbm>>
        tpu.enqueue_indirect_dma source(%dma_start3A_44 : memref<10000x128xf32, #tpu.memory_space<hbm>>) target(%dma_start3A_39 : memref<128x128xf32, #tpu.memory_space<vmem>>) offsets(%dma_start3A_41 : memref<128xi32, #tpu.memory_space<vmem>>) semaphore(%arg10 : memref<!tpu.dma_semaphore, #tpu.memory_space<semaphore_mem>>)
        %dma_start3A_45 = arith.constant 384 : i32
        %dma_start3A_46 = arith.constant 0 : i32
        %dma_start3A_47 = tpu.memref_slice %arg9[%dma_start3A_45, %dma_start3A_46] : memref<512x128xf32, #tpu.memory_space<vmem>> -> memref<128x128xf32, #tpu.memory_space<vmem>>
        %dma_start3A_48 = arith.constant 384 : i32
        %dma_start3A_49 = tpu.memref_slice %arg8[%dma_start3A_48] : memref<512xi32, #tpu.memory_space<vmem>> -> memref<128xi32, #tpu.memory_space<vmem>>
        %dma_start3A_50 = arith.constant 0 : i32
        %dma_start3A_51 = arith.constant 0 : i32
        %dma_start3A_52 = tpu.memref_slice %arg3[%dma_start3A_50, %dma_start3A_51] : memref<10000x128xf32, #tpu.memory_space<hbm>> -> memref<10000x128xf32, #tpu.memory_space<hbm>>
        tpu.enqueue_indirect_dma source(%dma_start3A_52 : memref<10000x128xf32, #tpu.memory_space<hbm>>) target(%dma_start3A_47 : memref<128x128xf32, #tpu.memory_space<vmem>>) offsets(%dma_start3A_49 : memref<128xi32, #tpu.memory_space<vmem>>) semaphore(%arg10 : memref<!tpu.dma_semaphore, #tpu.memory_space<semaphore_mem>>)
        %dma_wait3A = arith.constant 0 : i32
        %dma_wait3A_53 = arith.constant 0 : i32
        %dma_wait3A_54 = tpu.memref_slice %arg9[%dma_wait3A, %dma_wait3A_53] : memref<512x128xf32, #tpu.memory_space<vmem>> -> memref<128x128xf32, #tpu.memory_space<vmem>>
        %dma_wait3A_55 = arith.constant 0 : i32
        %dma_wait3A_56 = tpu.memref_slice %arg8[%dma_wait3A_55] : memref<512xi32, #tpu.memory_space<vmem>> -> memref<128xi32, #tpu.memory_space<vmem>>
        %dma_wait3A_57 = arith.constant 0 : i32
        %dma_wait3A_58 = arith.constant 0 : i32
        %dma_wait3A_59 = tpu.memref_slice %arg3[%dma_wait3A_57, %dma_wait3A_58] : memref<10000x128xf32, #tpu.memory_space<hbm>> -> memref<10000x128xf32, #tpu.memory_space<hbm>>
        tpu.wait_indirect_dma semaphore(%arg10 : memref<!tpu.dma_semaphore, #tpu.memory_space<semaphore_mem>>) src(%dma_wait3A_59 : memref<10000x128xf32, #tpu.memory_space<hbm>>) dst(%dma_wait3A_54 : memref<128x128xf32, #tpu.memory_space<vmem>>)
        %dma_wait3A_60 = arith.constant 128 : i32
        %dma_wait3A_61 = arith.constant 0 : i32
        %dma_wait3A_62 = tpu.memref_slice %arg9[%dma_wait3A_60, %dma_wait3A_61] : memref<512x128xf32, #tpu.memory_space<vmem>> -> memref<128x128xf32, #tpu.memory_space<vmem>>
        %dma_wait3A_63 = arith.constant 128 : i32
        %dma_wait3A_64 = tpu.memref_slice %arg8[%dma_wait3A_63] : memref<512xi32, #tpu.memory_space<vmem>> -> memref<128xi32, #tpu.memory_space<vmem>>
        %dma_wait3A_65 = arith.constant 0 : i32
        %dma_wait3A_66 = arith.constant 0 : i32
        %dma_wait3A_67 = tpu.memref_slice %arg3[%dma_wait3A_65, %dma_wait3A_66] : memref<10000x128xf32, #tpu.memory_space<hbm>> -> memref<10000x128xf32, #tpu.memory_space<hbm>>
        tpu.wait_indirect_dma semaphore(%arg10 : memref<!tpu.dma_semaphore, #tpu.memory_space<semaphore_mem>>) src(%dma_wait3A_67 : memref<10000x128xf32, #tpu.memory_space<hbm>>) dst(%dma_wait3A_62 : memref<128x128xf32, #tpu.memory_space<vmem>>)
        %dma_wait3A_68 = arith.constant 256 : i32
        %dma_wait3A_69 = arith.constant 0 : i32
        %dma_wait3A_70 = tpu.memref_slice %arg9[%dma_wait3A_68, %dma_wait3A_69] : memref<512x128xf32, #tpu.memory_space<vmem>> -> memref<128x128xf32, #tpu.memory_space<vmem>>
        %dma_wait3A_71 = arith.constant 256 : i32
        %dma_wait3A_72 = tpu.memref_slice %arg8[%dma_wait3A_71] : memref<512xi32, #tpu.memory_space<vmem>> -> memref<128xi32, #tpu.memory_space<vmem>>
        %dma_wait3A_73 = arith.constant 0 : i32
        %dma_wait3A_74 = arith.constant 0 : i32
        %dma_wait3A_75 = tpu.memref_slice %arg3[%dma_wait3A_73, %dma_wait3A_74] : memref<10000x128xf32, #tpu.memory_space<hbm>> -> memref<10000x128xf32, #tpu.memory_space<hbm>>
        tpu.wait_indirect_dma semaphore(%arg10 : memref<!tpu.dma_semaphore, #tpu.memory_space<semaphore_mem>>) src(%dma_wait3A_75 : memref<10000x128xf32, #tpu.memory_space<hbm>>) dst(%dma_wait3A_70 : memref<128x128xf32, #tpu.memory_space<vmem>>)
        %dma_wait3A_76 = arith.constant 384 : i32
        %dma_wait3A_77 = arith.constant 0 : i32
        %dma_wait3A_78 = tpu.memref_slice %arg9[%dma_wait3A_76, %dma_wait3A_77] : memref<512x128xf32, #tpu.memory_space<vmem>> -> memref<128x128xf32, #tpu.memory_space<vmem>>
        %dma_wait3A_79 = arith.constant 384 : i32
        %dma_wait3A_80 = tpu.memref_slice %arg8[%dma_wait3A_79] : memref<512xi32, #tpu.memory_space<vmem>> -> memref<128xi32, #tpu.memory_space<vmem>>
        %dma_wait3A_81 = arith.constant 0 : i32
        %dma_wait3A_82 = arith.constant 0 : i32
        %dma_wait3A_83 = tpu.memref_slice %arg3[%dma_wait3A_81, %dma_wait3A_82] : memref<10000x128xf32, #tpu.memory_space<hbm>> -> memref<10000x128xf32, #tpu.memory_space<hbm>>
        tpu.wait_indirect_dma semaphore(%arg10 : memref<!tpu.dma_semaphore, #tpu.memory_space<semaphore_mem>>) src(%dma_wait3A_83 : memref<10000x128xf32, #tpu.memory_space<hbm>>) dst(%dma_wait3A_78 : memref<128x128xf32, #tpu.memory_space<vmem>>)
        "tpu.region"() ({
          %run_scoped3A = tpu.sem_alloc : memref<!tpu.dma_semaphore, #tpu.memory_space<semaphore_mem>>
          %dma_start3A_84 = arith.constant 0 : i32
          %dma_start3A_85 = arith.constant 0 : i32
          %dma_start3A_86 = tpu.memref_slice %arg9[%dma_start3A_84, %dma_start3A_85] : memref<512x128xf32, #tpu.memory_space<vmem>> -> memref<512x128xf32, #tpu.memory_space<vmem>>
          %dma_start3A_87 = arith.constant 0 : i32
          %dma_start3A_88 = tpu.memref_slice %arg7[%mul3A_21, %dma_start3A_87] : memref<81920x128xf32, #tpu.memory_space<hbm>> -> memref<512x128xf32, #tpu.memory_space<hbm>>
          %dma_start3A_89 = arith.constant 0 : i32
          %dma_start3A_90 = tpu.memref_slice %arg7[%mul3A_21, %dma_start3A_89] : memref<81920x128xf32, #tpu.memory_space<hbm>> -> memref<512x128xf32, #tpu.memory_space<hbm>>
          %dma_start3A_91 = arith.constant 0 : i32
          %dma_start3A_92 = arith.constant 0 : i32
          %dma_start3A_93 = tpu.memref_slice %arg9[%dma_start3A_91, %dma_start3A_92] : memref<512x128xf32, #tpu.memory_space<vmem>> -> memref<512x128xf32, #tpu.memory_space<vmem>>
          tpu.enqueue_dma source(%dma_start3A_93 : memref<512x128xf32, #tpu.memory_space<vmem>>) target(%dma_start3A_90 : memref<512x128xf32, #tpu.memory_space<hbm>>) target_semaphore(%run_scoped3A : memref<!tpu.dma_semaphore, #tpu.memory_space<semaphore_mem>>)
          %dma_wait3A_94 = arith.constant 0 : i32
          %dma_wait3A_95 = arith.constant 0 : i32
          %dma_wait3A_96 = tpu.memref_slice %arg9[%dma_wait3A_94, %dma_wait3A_95] : memref<512x128xf32, #tpu.memory_space<vmem>> -> memref<512x128xf32, #tpu.memory_space<vmem>>
          %dma_wait3A_97 = arith.constant 0 : i32
          %dma_wait3A_98 = tpu.memref_slice %arg7[%mul3A_21, %dma_wait3A_97] : memref<81920x128xf32, #tpu.memory_space<hbm>> -> memref<512x128xf32, #tpu.memory_space<hbm>>
          %dma_wait3A_99 = arith.constant 0 : i32
          %dma_wait3A_100 = tpu.memref_slice %arg7[%mul3A_21, %dma_wait3A_99] : memref<81920x128xf32, #tpu.memory_space<hbm>> -> memref<512x128xf32, #tpu.memory_space<hbm>>
          %dma_wait3A_101 = arith.constant 0 : i32
          %dma_wait3A_102 = arith.constant 0 : i32
          %dma_wait3A_103 = tpu.memref_slice %arg9[%dma_wait3A_101, %dma_wait3A_102] : memref<512x128xf32, #tpu.memory_space<vmem>> -> memref<512x128xf32, #tpu.memory_space<vmem>>
          tpu.wait_dma2 semaphore(%run_scoped3A : memref<!tpu.dma_semaphore, #tpu.memory_space<semaphore_mem>>) src(%dma_wait3A_103 : memref<512x128xf32, #tpu.memory_space<vmem>>) dst(%dma_wait3A_100 : memref<512x128xf32, #tpu.memory_space<hbm>>)
          tpu.yield
        }) : () -> ()
      } else {
      }
    }
    %scan3A_9 = arith.constant 5 : i32
    return
  }
}

#map = affine_map<(d0, d1) -> (0, 0)>
#map1 = affine_map<(d0, d1) -> (0)>
module attributes {stable_mosaic.version = 14 : i64} {
  func.func @k(%arg0: i32, %arg1: i32, %arg2: memref<10000x128xf32, #tpu.memory_space<hbm>>, %arg3: memref<10000x128xf32, #tpu.memory_space<hbm>>, %arg4: memref<78080xi32, #tpu.memory_space<hbm>>, %arg5: memref<78080xi32, #tpu.memory_space<hbm>>, %arg6: memref<78080x128xf32, #tpu.memory_space<hbm>>, %arg7: memref<78080x128xf32, #tpu.memory_space<hbm>>, %arg8: memref<512xi32, #tpu.memory_space<vmem>>, %arg9: memref<512x128xf32, #tpu.memory_space<vmem>>, %arg10: memref<!tpu.dma_semaphore, #tpu.memory_space<semaphore_mem>>) attributes {dimension_semantics = [#tpu.dimension_semantics<core_parallel>, #tpu.dimension_semantics<subcore_parallel>], iteration_bounds = array<i64: 2, 16>, scalar_prefetch = 0 : i64, scratch_operands = 3 : i64, tpu.core_type = #tpu.core_type<sc_vector_subcore>, window_params = [{transform_indices = #map}, {transform_indices = #map}, {transform_indices = #map1}, {transform_indices = #map1}, {transform_indices = #map}, {transform_indices = #map}]} {
    %mul3A = arith.constant 2 : i32
    %mul3A_0 = arith.muli %arg1, %mul3A : i32
    %add3A = arith.addi %mul3A_0, %arg0 : i32
    %scan3A = arith.constant 0 : i32
    %scan3A_1 = arith.constant 5 : i32
    %scan3A_2 = arith.addi %scan3A, %scan3A_1 : i32
    %scan3A_3 = arith.constant 1 : i32
    scf.for %scan3A_17 = %scan3A to %scan3A_2 step %scan3A_3  : i32 {
      %mul3A_18 = arith.constant 1 : i32
      %mul3A_19 = arith.muli %scan3A_17, %mul3A_18 : i32
      %add3A_20 = arith.constant 0 : i32
      %add3A_21 = arith.addi %add3A_20, %mul3A_19 : i32
      %mul3A_22 = arith.constant 32 : i32
      %mul3A_23 = arith.muli %add3A_21, %mul3A_22 : i32
      %add3A_24 = arith.addi %mul3A_23, %add3A : i32
      %lt3A = arith.constant 152 : i32
      %lt3A_25 = arith.cmpi slt, %add3A_24, %lt3A : i32
      %convert_element_type3A_26 = arith.extui %lt3A_25 : i1 to i32
      %cond3A_27 = arith.constant 0 : i32
      %cond3A_28 = arith.cmpi ne, %convert_element_type3A_26, %cond3A_27 : i32
      scf.if %cond3A_28 {
        %mul3A_29 = arith.constant 512 : i32
        %mul3A_30 = arith.muli %add3A_24, %mul3A_29 : i32
        "tpu.region"() ({
          %run_scoped3A = tpu.sem_alloc : memref<!tpu.dma_semaphore, #tpu.memory_space<semaphore_mem>>
          %dma_start3A_93 = arith.constant 0 : i32
          %dma_start3A_94 = tpu.memref_slice %arg8[%dma_start3A_93] : memref<512xi32, #tpu.memory_space<vmem>> -> memref<512xi32, #tpu.memory_space<vmem>>
          %dma_start3A_95 = tpu.memref_slice %arg4[%mul3A_30] : memref<78080xi32, #tpu.memory_space<hbm>> -> memref<512xi32, #tpu.memory_space<hbm>>
          %dma_start3A_96 = arith.constant 0 : i32
          %dma_start3A_97 = tpu.memref_slice %arg8[%dma_start3A_96] : memref<512xi32, #tpu.memory_space<vmem>> -> memref<512xi32, #tpu.memory_space<vmem>>
          %dma_start3A_98 = tpu.memref_slice %arg4[%mul3A_30] : memref<78080xi32, #tpu.memory_space<hbm>> -> memref<512xi32, #tpu.memory_space<hbm>>
          tpu.enqueue_dma source(%dma_start3A_98 : memref<512xi32, #tpu.memory_space<hbm>>) target(%dma_start3A_97 : memref<512xi32, #tpu.memory_space<vmem>>) target_semaphore(%run_scoped3A : memref<!tpu.dma_semaphore, #tpu.memory_space<semaphore_mem>>)
          %dma_wait3A_99 = arith.constant 0 : i32
          %dma_wait3A_100 = tpu.memref_slice %arg8[%dma_wait3A_99] : memref<512xi32, #tpu.memory_space<vmem>> -> memref<512xi32, #tpu.memory_space<vmem>>
          %dma_wait3A_101 = tpu.memref_slice %arg4[%mul3A_30] : memref<78080xi32, #tpu.memory_space<hbm>> -> memref<512xi32, #tpu.memory_space<hbm>>
          %dma_wait3A_102 = arith.constant 0 : i32
          %dma_wait3A_103 = tpu.memref_slice %arg8[%dma_wait3A_102] : memref<512xi32, #tpu.memory_space<vmem>> -> memref<512xi32, #tpu.memory_space<vmem>>
          %dma_wait3A_104 = tpu.memref_slice %arg4[%mul3A_30] : memref<78080xi32, #tpu.memory_space<hbm>> -> memref<512xi32, #tpu.memory_space<hbm>>
          tpu.wait_dma2 semaphore(%run_scoped3A : memref<!tpu.dma_semaphore, #tpu.memory_space<semaphore_mem>>) src(%dma_wait3A_104 : memref<512xi32, #tpu.memory_space<hbm>>) dst(%dma_wait3A_103 : memref<512xi32, #tpu.memory_space<vmem>>)
          tpu.yield
        }) : () -> ()
        %dma_start3A = arith.constant 0 : i32
        %dma_start3A_31 = arith.constant 0 : i32
        %dma_start3A_32 = tpu.memref_slice %arg9[%dma_start3A, %dma_start3A_31] : memref<512x128xf32, #tpu.memory_space<vmem>> -> memref<128x128xf32, #tpu.memory_space<vmem>>
        %dma_start3A_33 = arith.constant 0 : i32
        %dma_start3A_34 = tpu.memref_slice %arg8[%dma_start3A_33] : memref<512xi32, #tpu.memory_space<vmem>> -> memref<128xi32, #tpu.memory_space<vmem>>
        %dma_start3A_35 = arith.constant 0 : i32
        %dma_start3A_36 = arith.constant 0 : i32
        %dma_start3A_37 = tpu.memref_slice %arg2[%dma_start3A_35, %dma_start3A_36] : memref<10000x128xf32, #tpu.memory_space<hbm>> -> memref<10000x128xf32, #tpu.memory_space<hbm>>
        tpu.enqueue_indirect_dma source(%dma_start3A_37 : memref<10000x128xf32, #tpu.memory_space<hbm>>) target(%dma_start3A_32 : memref<128x128xf32, #tpu.memory_space<vmem>>) offsets(%dma_start3A_34 : memref<128xi32, #tpu.memory_space<vmem>>) semaphore(%arg10 : memref<!tpu.dma_semaphore, #tpu.memory_space<semaphore_mem>>)
        %dma_start3A_38 = arith.constant 128 : i32
        %dma_start3A_39 = arith.constant 0 : i32
        %dma_start3A_40 = tpu.memref_slice %arg9[%dma_start3A_38, %dma_start3A_39] : memref<512x128xf32, #tpu.memory_space<vmem>> -> memref<128x128xf32, #tpu.memory_space<vmem>>
        %dma_start3A_41 = arith.constant 128 : i32
        %dma_start3A_42 = tpu.memref_slice %arg8[%dma_start3A_41] : memref<512xi32, #tpu.memory_space<vmem>> -> memref<128xi32, #tpu.memory_space<vmem>>
        %dma_start3A_43 = arith.constant 0 : i32
        %dma_start3A_44 = arith.constant 0 : i32
        %dma_start3A_45 = tpu.memref_slice %arg2[%dma_start3A_43, %dma_start3A_44] : memref<10000x128xf32, #tpu.memory_space<hbm>> -> memref<10000x128xf32, #tpu.memory_space<hbm>>
        tpu.enqueue_indirect_dma source(%dma_start3A_45 : memref<10000x128xf32, #tpu.memory_space<hbm>>) target(%dma_start3A_40 : memref<128x128xf32, #tpu.memory_space<vmem>>) offsets(%dma_start3A_42 : memref<128xi32, #tpu.memory_space<vmem>>) semaphore(%arg10 : memref<!tpu.dma_semaphore, #tpu.memory_space<semaphore_mem>>)
        %dma_start3A_46 = arith.constant 256 : i32
        %dma_start3A_47 = arith.constant 0 : i32
        %dma_start3A_48 = tpu.memref_slice %arg9[%dma_start3A_46, %dma_start3A_47] : memref<512x128xf32, #tpu.memory_space<vmem>> -> memref<128x128xf32, #tpu.memory_space<vmem>>
        %dma_start3A_49 = arith.constant 256 : i32
        %dma_start3A_50 = tpu.memref_slice %arg8[%dma_start3A_49] : memref<512xi32, #tpu.memory_space<vmem>> -> memref<128xi32, #tpu.memory_space<vmem>>
        %dma_start3A_51 = arith.constant 0 : i32
        %dma_start3A_52 = arith.constant 0 : i32
        %dma_start3A_53 = tpu.memref_slice %arg2[%dma_start3A_51, %dma_start3A_52] : memref<10000x128xf32, #tpu.memory_space<hbm>> -> memref<10000x128xf32, #tpu.memory_space<hbm>>
        tpu.enqueue_indirect_dma source(%dma_start3A_53 : memref<10000x128xf32, #tpu.memory_space<hbm>>) target(%dma_start3A_48 : memref<128x128xf32, #tpu.memory_space<vmem>>) offsets(%dma_start3A_50 : memref<128xi32, #tpu.memory_space<vmem>>) semaphore(%arg10 : memref<!tpu.dma_semaphore, #tpu.memory_space<semaphore_mem>>)
        %dma_start3A_54 = arith.constant 384 : i32
        %dma_start3A_55 = arith.constant 0 : i32
        %dma_start3A_56 = tpu.memref_slice %arg9[%dma_start3A_54, %dma_start3A_55] : memref<512x128xf32, #tpu.memory_space<vmem>> -> memref<128x128xf32, #tpu.memory_space<vmem>>
        %dma_start3A_57 = arith.constant 384 : i32
        %dma_start3A_58 = tpu.memref_slice %arg8[%dma_start3A_57] : memref<512xi32, #tpu.memory_space<vmem>> -> memref<128xi32, #tpu.memory_space<vmem>>
        %dma_start3A_59 = arith.constant 0 : i32
        %dma_start3A_60 = arith.constant 0 : i32
        %dma_start3A_61 = tpu.memref_slice %arg2[%dma_start3A_59, %dma_start3A_60] : memref<10000x128xf32, #tpu.memory_space<hbm>> -> memref<10000x128xf32, #tpu.memory_space<hbm>>
        tpu.enqueue_indirect_dma source(%dma_start3A_61 : memref<10000x128xf32, #tpu.memory_space<hbm>>) target(%dma_start3A_56 : memref<128x128xf32, #tpu.memory_space<vmem>>) offsets(%dma_start3A_58 : memref<128xi32, #tpu.memory_space<vmem>>) semaphore(%arg10 : memref<!tpu.dma_semaphore, #tpu.memory_space<semaphore_mem>>)
        %dma_wait3A = arith.constant 0 : i32
        %dma_wait3A_62 = arith.constant 0 : i32
        %dma_wait3A_63 = tpu.memref_slice %arg9[%dma_wait3A, %dma_wait3A_62] : memref<512x128xf32, #tpu.memory_space<vmem>> -> memref<128x128xf32, #tpu.memory_space<vmem>>
        %dma_wait3A_64 = arith.constant 0 : i32
        %dma_wait3A_65 = tpu.memref_slice %arg8[%dma_wait3A_64] : memref<512xi32, #tpu.memory_space<vmem>> -> memref<128xi32, #tpu.memory_space<vmem>>
        %dma_wait3A_66 = arith.constant 0 : i32
        %dma_wait3A_67 = arith.constant 0 : i32
        %dma_wait3A_68 = tpu.memref_slice %arg2[%dma_wait3A_66, %dma_wait3A_67] : memref<10000x128xf32, #tpu.memory_space<hbm>> -> memref<10000x128xf32, #tpu.memory_space<hbm>>
        tpu.wait_indirect_dma semaphore(%arg10 : memref<!tpu.dma_semaphore, #tpu.memory_space<semaphore_mem>>) src(%dma_wait3A_68 : memref<10000x128xf32, #tpu.memory_space<hbm>>) dst(%dma_wait3A_63 : memref<128x128xf32, #tpu.memory_space<vmem>>)
        %dma_wait3A_69 = arith.constant 128 : i32
        %dma_wait3A_70 = arith.constant 0 : i32
        %dma_wait3A_71 = tpu.memref_slice %arg9[%dma_wait3A_69, %dma_wait3A_70] : memref<512x128xf32, #tpu.memory_space<vmem>> -> memref<128x128xf32, #tpu.memory_space<vmem>>
        %dma_wait3A_72 = arith.constant 128 : i32
        %dma_wait3A_73 = tpu.memref_slice %arg8[%dma_wait3A_72] : memref<512xi32, #tpu.memory_space<vmem>> -> memref<128xi32, #tpu.memory_space<vmem>>
        %dma_wait3A_74 = arith.constant 0 : i32
        %dma_wait3A_75 = arith.constant 0 : i32
        %dma_wait3A_76 = tpu.memref_slice %arg2[%dma_wait3A_74, %dma_wait3A_75] : memref<10000x128xf32, #tpu.memory_space<hbm>> -> memref<10000x128xf32, #tpu.memory_space<hbm>>
        tpu.wait_indirect_dma semaphore(%arg10 : memref<!tpu.dma_semaphore, #tpu.memory_space<semaphore_mem>>) src(%dma_wait3A_76 : memref<10000x128xf32, #tpu.memory_space<hbm>>) dst(%dma_wait3A_71 : memref<128x128xf32, #tpu.memory_space<vmem>>)
        %dma_wait3A_77 = arith.constant 256 : i32
        %dma_wait3A_78 = arith.constant 0 : i32
        %dma_wait3A_79 = tpu.memref_slice %arg9[%dma_wait3A_77, %dma_wait3A_78] : memref<512x128xf32, #tpu.memory_space<vmem>> -> memref<128x128xf32, #tpu.memory_space<vmem>>
        %dma_wait3A_80 = arith.constant 256 : i32
        %dma_wait3A_81 = tpu.memref_slice %arg8[%dma_wait3A_80] : memref<512xi32, #tpu.memory_space<vmem>> -> memref<128xi32, #tpu.memory_space<vmem>>
        %dma_wait3A_82 = arith.constant 0 : i32
        %dma_wait3A_83 = arith.constant 0 : i32
        %dma_wait3A_84 = tpu.memref_slice %arg2[%dma_wait3A_82, %dma_wait3A_83] : memref<10000x128xf32, #tpu.memory_space<hbm>> -> memref<10000x128xf32, #tpu.memory_space<hbm>>
        tpu.wait_indirect_dma semaphore(%arg10 : memref<!tpu.dma_semaphore, #tpu.memory_space<semaphore_mem>>) src(%dma_wait3A_84 : memref<10000x128xf32, #tpu.memory_space<hbm>>) dst(%dma_wait3A_79 : memref<128x128xf32, #tpu.memory_space<vmem>>)
        %dma_wait3A_85 = arith.constant 384 : i32
        %dma_wait3A_86 = arith.constant 0 : i32
        %dma_wait3A_87 = tpu.memref_slice %arg9[%dma_wait3A_85, %dma_wait3A_86] : memref<512x128xf32, #tpu.memory_space<vmem>> -> memref<128x128xf32, #tpu.memory_space<vmem>>
        %dma_wait3A_88 = arith.constant 384 : i32
        %dma_wait3A_89 = tpu.memref_slice %arg8[%dma_wait3A_88] : memref<512xi32, #tpu.memory_space<vmem>> -> memref<128xi32, #tpu.memory_space<vmem>>
        %dma_wait3A_90 = arith.constant 0 : i32
        %dma_wait3A_91 = arith.constant 0 : i32
        %dma_wait3A_92 = tpu.memref_slice %arg2[%dma_wait3A_90, %dma_wait3A_91] : memref<10000x128xf32, #tpu.memory_space<hbm>> -> memref<10000x128xf32, #tpu.memory_space<hbm>>
        tpu.wait_indirect_dma semaphore(%arg10 : memref<!tpu.dma_semaphore, #tpu.memory_space<semaphore_mem>>) src(%dma_wait3A_92 : memref<10000x128xf32, #tpu.memory_space<hbm>>) dst(%dma_wait3A_87 : memref<128x128xf32, #tpu.memory_space<vmem>>)
        "tpu.region"() ({
          %run_scoped3A = tpu.sem_alloc : memref<!tpu.dma_semaphore, #tpu.memory_space<semaphore_mem>>
          %dma_start3A_93 = arith.constant 0 : i32
          %dma_start3A_94 = arith.constant 0 : i32
          %dma_start3A_95 = tpu.memref_slice %arg9[%dma_start3A_93, %dma_start3A_94] : memref<512x128xf32, #tpu.memory_space<vmem>> -> memref<512x128xf32, #tpu.memory_space<vmem>>
          %dma_start3A_96 = arith.constant 0 : i32
          %dma_start3A_97 = tpu.memref_slice %arg6[%mul3A_30, %dma_start3A_96] : memref<78080x128xf32, #tpu.memory_space<hbm>> -> memref<512x128xf32, #tpu.memory_space<hbm>>
          %dma_start3A_98 = arith.constant 0 : i32
          %dma_start3A_99 = tpu.memref_slice %arg6[%mul3A_30, %dma_start3A_98] : memref<78080x128xf32, #tpu.memory_space<hbm>> -> memref<512x128xf32, #tpu.memory_space<hbm>>
          %dma_start3A_100 = arith.constant 0 : i32
          %dma_start3A_101 = arith.constant 0 : i32
          %dma_start3A_102 = tpu.memref_slice %arg9[%dma_start3A_100, %dma_start3A_101] : memref<512x128xf32, #tpu.memory_space<vmem>> -> memref<512x128xf32, #tpu.memory_space<vmem>>
          tpu.enqueue_dma source(%dma_start3A_102 : memref<512x128xf32, #tpu.memory_space<vmem>>) target(%dma_start3A_99 : memref<512x128xf32, #tpu.memory_space<hbm>>) target_semaphore(%run_scoped3A : memref<!tpu.dma_semaphore, #tpu.memory_space<semaphore_mem>>)
          %dma_wait3A_103 = arith.constant 0 : i32
          %dma_wait3A_104 = arith.constant 0 : i32
          %dma_wait3A_105 = tpu.memref_slice %arg9[%dma_wait3A_103, %dma_wait3A_104] : memref<512x128xf32, #tpu.memory_space<vmem>> -> memref<512x128xf32, #tpu.memory_space<vmem>>
          %dma_wait3A_106 = arith.constant 0 : i32
          %dma_wait3A_107 = tpu.memref_slice %arg6[%mul3A_30, %dma_wait3A_106] : memref<78080x128xf32, #tpu.memory_space<hbm>> -> memref<512x128xf32, #tpu.memory_space<hbm>>
          %dma_wait3A_108 = arith.constant 0 : i32
          %dma_wait3A_109 = tpu.memref_slice %arg6[%mul3A_30, %dma_wait3A_108] : memref<78080x128xf32, #tpu.memory_space<hbm>> -> memref<512x128xf32, #tpu.memory_space<hbm>>
          %dma_wait3A_110 = arith.constant 0 : i32
          %dma_wait3A_111 = arith.constant 0 : i32
          %dma_wait3A_112 = tpu.memref_slice %arg9[%dma_wait3A_110, %dma_wait3A_111] : memref<512x128xf32, #tpu.memory_space<vmem>> -> memref<512x128xf32, #tpu.memory_space<vmem>>
          tpu.wait_dma2 semaphore(%run_scoped3A : memref<!tpu.dma_semaphore, #tpu.memory_space<semaphore_mem>>) src(%dma_wait3A_112 : memref<512x128xf32, #tpu.memory_space<vmem>>) dst(%dma_wait3A_109 : memref<512x128xf32, #tpu.memory_space<hbm>>)
          tpu.yield
        }) : () -> ()
      } else {
      }
    }
    %scan3A_4 = arith.constant 5 : i32
    %eq3A = arith.constant 0 : i32
    %eq3A_5 = arith.cmpi eq, %add3A, %eq3A : i32
    %convert_element_type3A = arith.extui %eq3A_5 : i1 to i32
    %cond3A = arith.constant 0 : i32
    %cond3A_6 = arith.cmpi ne, %convert_element_type3A, %cond3A : i32
    scf.if %cond3A_6 {
      "tpu.region"() ({
        %run_scoped3A = tpu.sem_alloc : memref<!tpu.dma_semaphore, #tpu.memory_space<semaphore_mem>>
        %dma_start3A_47 = arith.constant 0 : i32
        %dma_start3A_48 = tpu.memref_slice %arg8[%dma_start3A_47] : memref<512xi32, #tpu.memory_space<vmem>> -> memref<256xi32, #tpu.memory_space<vmem>>
        %dma_start3A_49 = arith.constant 77824 : i32
        %dma_start3A_50 = tpu.memref_slice %arg4[%dma_start3A_49] : memref<78080xi32, #tpu.memory_space<hbm>> -> memref<256xi32, #tpu.memory_space<hbm>>
        %dma_start3A_51 = arith.constant 0 : i32
        %dma_start3A_52 = tpu.memref_slice %arg8[%dma_start3A_51] : memref<512xi32, #tpu.memory_space<vmem>> -> memref<256xi32, #tpu.memory_space<vmem>>
        %dma_start3A_53 = arith.constant 77824 : i32
        %dma_start3A_54 = tpu.memref_slice %arg4[%dma_start3A_53] : memref<78080xi32, #tpu.memory_space<hbm>> -> memref<256xi32, #tpu.memory_space<hbm>>
        tpu.enqueue_dma source(%dma_start3A_54 : memref<256xi32, #tpu.memory_space<hbm>>) target(%dma_start3A_52 : memref<256xi32, #tpu.memory_space<vmem>>) target_semaphore(%run_scoped3A : memref<!tpu.dma_semaphore, #tpu.memory_space<semaphore_mem>>)
        %dma_wait3A_55 = arith.constant 0 : i32
        %dma_wait3A_56 = tpu.memref_slice %arg8[%dma_wait3A_55] : memref<512xi32, #tpu.memory_space<vmem>> -> memref<256xi32, #tpu.memory_space<vmem>>
        %dma_wait3A_57 = arith.constant 77824 : i32
        %dma_wait3A_58 = tpu.memref_slice %arg4[%dma_wait3A_57] : memref<78080xi32, #tpu.memory_space<hbm>> -> memref<256xi32, #tpu.memory_space<hbm>>
        %dma_wait3A_59 = arith.constant 0 : i32
        %dma_wait3A_60 = tpu.memref_slice %arg8[%dma_wait3A_59] : memref<512xi32, #tpu.memory_space<vmem>> -> memref<256xi32, #tpu.memory_space<vmem>>
        %dma_wait3A_61 = arith.constant 77824 : i32
        %dma_wait3A_62 = tpu.memref_slice %arg4[%dma_wait3A_61] : memref<78080xi32, #tpu.memory_space<hbm>> -> memref<256xi32, #tpu.memory_space<hbm>>
        tpu.wait_dma2 semaphore(%run_scoped3A : memref<!tpu.dma_semaphore, #tpu.memory_space<semaphore_mem>>) src(%dma_wait3A_62 : memref<256xi32, #tpu.memory_space<hbm>>) dst(%dma_wait3A_60 : memref<256xi32, #tpu.memory_space<vmem>>)
        tpu.yield
      }) : () -> ()
      %dma_start3A = arith.constant 0 : i32
      %dma_start3A_17 = arith.constant 0 : i32
      %dma_start3A_18 = tpu.memref_slice %arg9[%dma_start3A, %dma_start3A_17] : memref<512x128xf32, #tpu.memory_space<vmem>> -> memref<128x128xf32, #tpu.memory_space<vmem>>
      %dma_start3A_19 = arith.constant 0 : i32
      %dma_start3A_20 = tpu.memref_slice %arg8[%dma_start3A_19] : memref<512xi32, #tpu.memory_space<vmem>> -> memref<128xi32, #tpu.memory_space<vmem>>
      %dma_start3A_21 = arith.constant 0 : i32
      %dma_start3A_22 = arith.constant 0 : i32
      %dma_start3A_23 = tpu.memref_slice %arg2[%dma_start3A_21, %dma_start3A_22] : memref<10000x128xf32, #tpu.memory_space<hbm>> -> memref<10000x128xf32, #tpu.memory_space<hbm>>
      tpu.enqueue_indirect_dma source(%dma_start3A_23 : memref<10000x128xf32, #tpu.memory_space<hbm>>) target(%dma_start3A_18 : memref<128x128xf32, #tpu.memory_space<vmem>>) offsets(%dma_start3A_20 : memref<128xi32, #tpu.memory_space<vmem>>) semaphore(%arg10 : memref<!tpu.dma_semaphore, #tpu.memory_space<semaphore_mem>>)
      %dma_start3A_24 = arith.constant 128 : i32
      %dma_start3A_25 = arith.constant 0 : i32
      %dma_start3A_26 = tpu.memref_slice %arg9[%dma_start3A_24, %dma_start3A_25] : memref<512x128xf32, #tpu.memory_space<vmem>> -> memref<128x128xf32, #tpu.memory_space<vmem>>
      %dma_start3A_27 = arith.constant 128 : i32
      %dma_start3A_28 = tpu.memref_slice %arg8[%dma_start3A_27] : memref<512xi32, #tpu.memory_space<vmem>> -> memref<128xi32, #tpu.memory_space<vmem>>
      %dma_start3A_29 = arith.constant 0 : i32
      %dma_start3A_30 = arith.constant 0 : i32
      %dma_start3A_31 = tpu.memref_slice %arg2[%dma_start3A_29, %dma_start3A_30] : memref<10000x128xf32, #tpu.memory_space<hbm>> -> memref<10000x128xf32, #tpu.memory_space<hbm>>
      tpu.enqueue_indirect_dma source(%dma_start3A_31 : memref<10000x128xf32, #tpu.memory_space<hbm>>) target(%dma_start3A_26 : memref<128x128xf32, #tpu.memory_space<vmem>>) offsets(%dma_start3A_28 : memref<128xi32, #tpu.memory_space<vmem>>) semaphore(%arg10 : memref<!tpu.dma_semaphore, #tpu.memory_space<semaphore_mem>>)
      %dma_wait3A = arith.constant 0 : i32
      %dma_wait3A_32 = arith.constant 0 : i32
      %dma_wait3A_33 = tpu.memref_slice %arg9[%dma_wait3A, %dma_wait3A_32] : memref<512x128xf32, #tpu.memory_space<vmem>> -> memref<128x128xf32, #tpu.memory_space<vmem>>
      %dma_wait3A_34 = arith.constant 0 : i32
      %dma_wait3A_35 = tpu.memref_slice %arg8[%dma_wait3A_34] : memref<512xi32, #tpu.memory_space<vmem>> -> memref<128xi32, #tpu.memory_space<vmem>>
      %dma_wait3A_36 = arith.constant 0 : i32
      %dma_wait3A_37 = arith.constant 0 : i32
      %dma_wait3A_38 = tpu.memref_slice %arg2[%dma_wait3A_36, %dma_wait3A_37] : memref<10000x128xf32, #tpu.memory_space<hbm>> -> memref<10000x128xf32, #tpu.memory_space<hbm>>
      tpu.wait_indirect_dma semaphore(%arg10 : memref<!tpu.dma_semaphore, #tpu.memory_space<semaphore_mem>>) src(%dma_wait3A_38 : memref<10000x128xf32, #tpu.memory_space<hbm>>) dst(%dma_wait3A_33 : memref<128x128xf32, #tpu.memory_space<vmem>>)
      %dma_wait3A_39 = arith.constant 128 : i32
      %dma_wait3A_40 = arith.constant 0 : i32
      %dma_wait3A_41 = tpu.memref_slice %arg9[%dma_wait3A_39, %dma_wait3A_40] : memref<512x128xf32, #tpu.memory_space<vmem>> -> memref<128x128xf32, #tpu.memory_space<vmem>>
      %dma_wait3A_42 = arith.constant 128 : i32
      %dma_wait3A_43 = tpu.memref_slice %arg8[%dma_wait3A_42] : memref<512xi32, #tpu.memory_space<vmem>> -> memref<128xi32, #tpu.memory_space<vmem>>
      %dma_wait3A_44 = arith.constant 0 : i32
      %dma_wait3A_45 = arith.constant 0 : i32
      %dma_wait3A_46 = tpu.memref_slice %arg2[%dma_wait3A_44, %dma_wait3A_45] : memref<10000x128xf32, #tpu.memory_space<hbm>> -> memref<10000x128xf32, #tpu.memory_space<hbm>>
      tpu.wait_indirect_dma semaphore(%arg10 : memref<!tpu.dma_semaphore, #tpu.memory_space<semaphore_mem>>) src(%dma_wait3A_46 : memref<10000x128xf32, #tpu.memory_space<hbm>>) dst(%dma_wait3A_41 : memref<128x128xf32, #tpu.memory_space<vmem>>)
      "tpu.region"() ({
        %run_scoped3A = tpu.sem_alloc : memref<!tpu.dma_semaphore, #tpu.memory_space<semaphore_mem>>
        %dma_start3A_47 = arith.constant 0 : i32
        %dma_start3A_48 = arith.constant 0 : i32
        %dma_start3A_49 = tpu.memref_slice %arg9[%dma_start3A_47, %dma_start3A_48] : memref<512x128xf32, #tpu.memory_space<vmem>> -> memref<256x128xf32, #tpu.memory_space<vmem>>
        %dma_start3A_50 = arith.constant 77824 : i32
        %dma_start3A_51 = arith.constant 0 : i32
        %dma_start3A_52 = tpu.memref_slice %arg6[%dma_start3A_50, %dma_start3A_51] : memref<78080x128xf32, #tpu.memory_space<hbm>> -> memref<256x128xf32, #tpu.memory_space<hbm>>
        %dma_start3A_53 = arith.constant 77824 : i32
        %dma_start3A_54 = arith.constant 0 : i32
        %dma_start3A_55 = tpu.memref_slice %arg6[%dma_start3A_53, %dma_start3A_54] : memref<78080x128xf32, #tpu.memory_space<hbm>> -> memref<256x128xf32, #tpu.memory_space<hbm>>
        %dma_start3A_56 = arith.constant 0 : i32
        %dma_start3A_57 = arith.constant 0 : i32
        %dma_start3A_58 = tpu.memref_slice %arg9[%dma_start3A_56, %dma_start3A_57] : memref<512x128xf32, #tpu.memory_space<vmem>> -> memref<256x128xf32, #tpu.memory_space<vmem>>
        tpu.enqueue_dma source(%dma_start3A_58 : memref<256x128xf32, #tpu.memory_space<vmem>>) target(%dma_start3A_55 : memref<256x128xf32, #tpu.memory_space<hbm>>) target_semaphore(%run_scoped3A : memref<!tpu.dma_semaphore, #tpu.memory_space<semaphore_mem>>)
        %dma_wait3A_59 = arith.constant 0 : i32
        %dma_wait3A_60 = arith.constant 0 : i32
        %dma_wait3A_61 = tpu.memref_slice %arg9[%dma_wait3A_59, %dma_wait3A_60] : memref<512x128xf32, #tpu.memory_space<vmem>> -> memref<256x128xf32, #tpu.memory_space<vmem>>
        %dma_wait3A_62 = arith.constant 77824 : i32
        %dma_wait3A_63 = arith.constant 0 : i32
        %dma_wait3A_64 = tpu.memref_slice %arg6[%dma_wait3A_62, %dma_wait3A_63] : memref<78080x128xf32, #tpu.memory_space<hbm>> -> memref<256x128xf32, #tpu.memory_space<hbm>>
        %dma_wait3A_65 = arith.constant 77824 : i32
        %dma_wait3A_66 = arith.constant 0 : i32
        %dma_wait3A_67 = tpu.memref_slice %arg6[%dma_wait3A_65, %dma_wait3A_66] : memref<78080x128xf32, #tpu.memory_space<hbm>> -> memref<256x128xf32, #tpu.memory_space<hbm>>
        %dma_wait3A_68 = arith.constant 0 : i32
        %dma_wait3A_69 = arith.constant 0 : i32
        %dma_wait3A_70 = tpu.memref_slice %arg9[%dma_wait3A_68, %dma_wait3A_69] : memref<512x128xf32, #tpu.memory_space<vmem>> -> memref<256x128xf32, #tpu.memory_space<vmem>>
        tpu.wait_dma2 semaphore(%run_scoped3A : memref<!tpu.dma_semaphore, #tpu.memory_space<semaphore_mem>>) src(%dma_wait3A_70 : memref<256x128xf32, #tpu.memory_space<vmem>>) dst(%dma_wait3A_67 : memref<256x128xf32, #tpu.memory_space<hbm>>)
        tpu.yield
      }) : () -> ()
    } else {
    }
    %scan3A_7 = arith.constant 0 : i32
    %scan3A_8 = arith.constant 5 : i32
    %scan3A_9 = arith.addi %scan3A_7, %scan3A_8 : i32
    %scan3A_10 = arith.constant 1 : i32
    scf.for %scan3A_17 = %scan3A_7 to %scan3A_9 step %scan3A_10  : i32 {
      %mul3A_18 = arith.constant 1 : i32
      %mul3A_19 = arith.muli %scan3A_17, %mul3A_18 : i32
      %add3A_20 = arith.constant 0 : i32
      %add3A_21 = arith.addi %add3A_20, %mul3A_19 : i32
      %mul3A_22 = arith.constant 32 : i32
      %mul3A_23 = arith.muli %add3A_21, %mul3A_22 : i32
      %add3A_24 = arith.addi %mul3A_23, %add3A : i32
      %lt3A = arith.constant 152 : i32
      %lt3A_25 = arith.cmpi slt, %add3A_24, %lt3A : i32
      %convert_element_type3A_26 = arith.extui %lt3A_25 : i1 to i32
      %cond3A_27 = arith.constant 0 : i32
      %cond3A_28 = arith.cmpi ne, %convert_element_type3A_26, %cond3A_27 : i32
      scf.if %cond3A_28 {
        %mul3A_29 = arith.constant 512 : i32
        %mul3A_30 = arith.muli %add3A_24, %mul3A_29 : i32
        "tpu.region"() ({
          %run_scoped3A = tpu.sem_alloc : memref<!tpu.dma_semaphore, #tpu.memory_space<semaphore_mem>>
          %dma_start3A_93 = arith.constant 0 : i32
          %dma_start3A_94 = tpu.memref_slice %arg8[%dma_start3A_93] : memref<512xi32, #tpu.memory_space<vmem>> -> memref<512xi32, #tpu.memory_space<vmem>>
          %dma_start3A_95 = tpu.memref_slice %arg5[%mul3A_30] : memref<78080xi32, #tpu.memory_space<hbm>> -> memref<512xi32, #tpu.memory_space<hbm>>
          %dma_start3A_96 = arith.constant 0 : i32
          %dma_start3A_97 = tpu.memref_slice %arg8[%dma_start3A_96] : memref<512xi32, #tpu.memory_space<vmem>> -> memref<512xi32, #tpu.memory_space<vmem>>
          %dma_start3A_98 = tpu.memref_slice %arg5[%mul3A_30] : memref<78080xi32, #tpu.memory_space<hbm>> -> memref<512xi32, #tpu.memory_space<hbm>>
          tpu.enqueue_dma source(%dma_start3A_98 : memref<512xi32, #tpu.memory_space<hbm>>) target(%dma_start3A_97 : memref<512xi32, #tpu.memory_space<vmem>>) target_semaphore(%run_scoped3A : memref<!tpu.dma_semaphore, #tpu.memory_space<semaphore_mem>>)
          %dma_wait3A_99 = arith.constant 0 : i32
          %dma_wait3A_100 = tpu.memref_slice %arg8[%dma_wait3A_99] : memref<512xi32, #tpu.memory_space<vmem>> -> memref<512xi32, #tpu.memory_space<vmem>>
          %dma_wait3A_101 = tpu.memref_slice %arg5[%mul3A_30] : memref<78080xi32, #tpu.memory_space<hbm>> -> memref<512xi32, #tpu.memory_space<hbm>>
          %dma_wait3A_102 = arith.constant 0 : i32
          %dma_wait3A_103 = tpu.memref_slice %arg8[%dma_wait3A_102] : memref<512xi32, #tpu.memory_space<vmem>> -> memref<512xi32, #tpu.memory_space<vmem>>
          %dma_wait3A_104 = tpu.memref_slice %arg5[%mul3A_30] : memref<78080xi32, #tpu.memory_space<hbm>> -> memref<512xi32, #tpu.memory_space<hbm>>
          tpu.wait_dma2 semaphore(%run_scoped3A : memref<!tpu.dma_semaphore, #tpu.memory_space<semaphore_mem>>) src(%dma_wait3A_104 : memref<512xi32, #tpu.memory_space<hbm>>) dst(%dma_wait3A_103 : memref<512xi32, #tpu.memory_space<vmem>>)
          tpu.yield
        }) : () -> ()
        %dma_start3A = arith.constant 0 : i32
        %dma_start3A_31 = arith.constant 0 : i32
        %dma_start3A_32 = tpu.memref_slice %arg9[%dma_start3A, %dma_start3A_31] : memref<512x128xf32, #tpu.memory_space<vmem>> -> memref<128x128xf32, #tpu.memory_space<vmem>>
        %dma_start3A_33 = arith.constant 0 : i32
        %dma_start3A_34 = tpu.memref_slice %arg8[%dma_start3A_33] : memref<512xi32, #tpu.memory_space<vmem>> -> memref<128xi32, #tpu.memory_space<vmem>>
        %dma_start3A_35 = arith.constant 0 : i32
        %dma_start3A_36 = arith.constant 0 : i32
        %dma_start3A_37 = tpu.memref_slice %arg3[%dma_start3A_35, %dma_start3A_36] : memref<10000x128xf32, #tpu.memory_space<hbm>> -> memref<10000x128xf32, #tpu.memory_space<hbm>>
        tpu.enqueue_indirect_dma source(%dma_start3A_37 : memref<10000x128xf32, #tpu.memory_space<hbm>>) target(%dma_start3A_32 : memref<128x128xf32, #tpu.memory_space<vmem>>) offsets(%dma_start3A_34 : memref<128xi32, #tpu.memory_space<vmem>>) semaphore(%arg10 : memref<!tpu.dma_semaphore, #tpu.memory_space<semaphore_mem>>)
        %dma_start3A_38 = arith.constant 128 : i32
        %dma_start3A_39 = arith.constant 0 : i32
        %dma_start3A_40 = tpu.memref_slice %arg9[%dma_start3A_38, %dma_start3A_39] : memref<512x128xf32, #tpu.memory_space<vmem>> -> memref<128x128xf32, #tpu.memory_space<vmem>>
        %dma_start3A_41 = arith.constant 128 : i32
        %dma_start3A_42 = tpu.memref_slice %arg8[%dma_start3A_41] : memref<512xi32, #tpu.memory_space<vmem>> -> memref<128xi32, #tpu.memory_space<vmem>>
        %dma_start3A_43 = arith.constant 0 : i32
        %dma_start3A_44 = arith.constant 0 : i32
        %dma_start3A_45 = tpu.memref_slice %arg3[%dma_start3A_43, %dma_start3A_44] : memref<10000x128xf32, #tpu.memory_space<hbm>> -> memref<10000x128xf32, #tpu.memory_space<hbm>>
        tpu.enqueue_indirect_dma source(%dma_start3A_45 : memref<10000x128xf32, #tpu.memory_space<hbm>>) target(%dma_start3A_40 : memref<128x128xf32, #tpu.memory_space<vmem>>) offsets(%dma_start3A_42 : memref<128xi32, #tpu.memory_space<vmem>>) semaphore(%arg10 : memref<!tpu.dma_semaphore, #tpu.memory_space<semaphore_mem>>)
        %dma_start3A_46 = arith.constant 256 : i32
        %dma_start3A_47 = arith.constant 0 : i32
        %dma_start3A_48 = tpu.memref_slice %arg9[%dma_start3A_46, %dma_start3A_47] : memref<512x128xf32, #tpu.memory_space<vmem>> -> memref<128x128xf32, #tpu.memory_space<vmem>>
        %dma_start3A_49 = arith.constant 256 : i32
        %dma_start3A_50 = tpu.memref_slice %arg8[%dma_start3A_49] : memref<512xi32, #tpu.memory_space<vmem>> -> memref<128xi32, #tpu.memory_space<vmem>>
        %dma_start3A_51 = arith.constant 0 : i32
        %dma_start3A_52 = arith.constant 0 : i32
        %dma_start3A_53 = tpu.memref_slice %arg3[%dma_start3A_51, %dma_start3A_52] : memref<10000x128xf32, #tpu.memory_space<hbm>> -> memref<10000x128xf32, #tpu.memory_space<hbm>>
        tpu.enqueue_indirect_dma source(%dma_start3A_53 : memref<10000x128xf32, #tpu.memory_space<hbm>>) target(%dma_start3A_48 : memref<128x128xf32, #tpu.memory_space<vmem>>) offsets(%dma_start3A_50 : memref<128xi32, #tpu.memory_space<vmem>>) semaphore(%arg10 : memref<!tpu.dma_semaphore, #tpu.memory_space<semaphore_mem>>)
        %dma_start3A_54 = arith.constant 384 : i32
        %dma_start3A_55 = arith.constant 0 : i32
        %dma_start3A_56 = tpu.memref_slice %arg9[%dma_start3A_54, %dma_start3A_55] : memref<512x128xf32, #tpu.memory_space<vmem>> -> memref<128x128xf32, #tpu.memory_space<vmem>>
        %dma_start3A_57 = arith.constant 384 : i32
        %dma_start3A_58 = tpu.memref_slice %arg8[%dma_start3A_57] : memref<512xi32, #tpu.memory_space<vmem>> -> memref<128xi32, #tpu.memory_space<vmem>>
        %dma_start3A_59 = arith.constant 0 : i32
        %dma_start3A_60 = arith.constant 0 : i32
        %dma_start3A_61 = tpu.memref_slice %arg3[%dma_start3A_59, %dma_start3A_60] : memref<10000x128xf32, #tpu.memory_space<hbm>> -> memref<10000x128xf32, #tpu.memory_space<hbm>>
        tpu.enqueue_indirect_dma source(%dma_start3A_61 : memref<10000x128xf32, #tpu.memory_space<hbm>>) target(%dma_start3A_56 : memref<128x128xf32, #tpu.memory_space<vmem>>) offsets(%dma_start3A_58 : memref<128xi32, #tpu.memory_space<vmem>>) semaphore(%arg10 : memref<!tpu.dma_semaphore, #tpu.memory_space<semaphore_mem>>)
        %dma_wait3A = arith.constant 0 : i32
        %dma_wait3A_62 = arith.constant 0 : i32
        %dma_wait3A_63 = tpu.memref_slice %arg9[%dma_wait3A, %dma_wait3A_62] : memref<512x128xf32, #tpu.memory_space<vmem>> -> memref<128x128xf32, #tpu.memory_space<vmem>>
        %dma_wait3A_64 = arith.constant 0 : i32
        %dma_wait3A_65 = tpu.memref_slice %arg8[%dma_wait3A_64] : memref<512xi32, #tpu.memory_space<vmem>> -> memref<128xi32, #tpu.memory_space<vmem>>
        %dma_wait3A_66 = arith.constant 0 : i32
        %dma_wait3A_67 = arith.constant 0 : i32
        %dma_wait3A_68 = tpu.memref_slice %arg3[%dma_wait3A_66, %dma_wait3A_67] : memref<10000x128xf32, #tpu.memory_space<hbm>> -> memref<10000x128xf32, #tpu.memory_space<hbm>>
        tpu.wait_indirect_dma semaphore(%arg10 : memref<!tpu.dma_semaphore, #tpu.memory_space<semaphore_mem>>) src(%dma_wait3A_68 : memref<10000x128xf32, #tpu.memory_space<hbm>>) dst(%dma_wait3A_63 : memref<128x128xf32, #tpu.memory_space<vmem>>)
        %dma_wait3A_69 = arith.constant 128 : i32
        %dma_wait3A_70 = arith.constant 0 : i32
        %dma_wait3A_71 = tpu.memref_slice %arg9[%dma_wait3A_69, %dma_wait3A_70] : memref<512x128xf32, #tpu.memory_space<vmem>> -> memref<128x128xf32, #tpu.memory_space<vmem>>
        %dma_wait3A_72 = arith.constant 128 : i32
        %dma_wait3A_73 = tpu.memref_slice %arg8[%dma_wait3A_72] : memref<512xi32, #tpu.memory_space<vmem>> -> memref<128xi32, #tpu.memory_space<vmem>>
        %dma_wait3A_74 = arith.constant 0 : i32
        %dma_wait3A_75 = arith.constant 0 : i32
        %dma_wait3A_76 = tpu.memref_slice %arg3[%dma_wait3A_74, %dma_wait3A_75] : memref<10000x128xf32, #tpu.memory_space<hbm>> -> memref<10000x128xf32, #tpu.memory_space<hbm>>
        tpu.wait_indirect_dma semaphore(%arg10 : memref<!tpu.dma_semaphore, #tpu.memory_space<semaphore_mem>>) src(%dma_wait3A_76 : memref<10000x128xf32, #tpu.memory_space<hbm>>) dst(%dma_wait3A_71 : memref<128x128xf32, #tpu.memory_space<vmem>>)
        %dma_wait3A_77 = arith.constant 256 : i32
        %dma_wait3A_78 = arith.constant 0 : i32
        %dma_wait3A_79 = tpu.memref_slice %arg9[%dma_wait3A_77, %dma_wait3A_78] : memref<512x128xf32, #tpu.memory_space<vmem>> -> memref<128x128xf32, #tpu.memory_space<vmem>>
        %dma_wait3A_80 = arith.constant 256 : i32
        %dma_wait3A_81 = tpu.memref_slice %arg8[%dma_wait3A_80] : memref<512xi32, #tpu.memory_space<vmem>> -> memref<128xi32, #tpu.memory_space<vmem>>
        %dma_wait3A_82 = arith.constant 0 : i32
        %dma_wait3A_83 = arith.constant 0 : i32
        %dma_wait3A_84 = tpu.memref_slice %arg3[%dma_wait3A_82, %dma_wait3A_83] : memref<10000x128xf32, #tpu.memory_space<hbm>> -> memref<10000x128xf32, #tpu.memory_space<hbm>>
        tpu.wait_indirect_dma semaphore(%arg10 : memref<!tpu.dma_semaphore, #tpu.memory_space<semaphore_mem>>) src(%dma_wait3A_84 : memref<10000x128xf32, #tpu.memory_space<hbm>>) dst(%dma_wait3A_79 : memref<128x128xf32, #tpu.memory_space<vmem>>)
        %dma_wait3A_85 = arith.constant 384 : i32
        %dma_wait3A_86 = arith.constant 0 : i32
        %dma_wait3A_87 = tpu.memref_slice %arg9[%dma_wait3A_85, %dma_wait3A_86] : memref<512x128xf32, #tpu.memory_space<vmem>> -> memref<128x128xf32, #tpu.memory_space<vmem>>
        %dma_wait3A_88 = arith.constant 384 : i32
        %dma_wait3A_89 = tpu.memref_slice %arg8[%dma_wait3A_88] : memref<512xi32, #tpu.memory_space<vmem>> -> memref<128xi32, #tpu.memory_space<vmem>>
        %dma_wait3A_90 = arith.constant 0 : i32
        %dma_wait3A_91 = arith.constant 0 : i32
        %dma_wait3A_92 = tpu.memref_slice %arg3[%dma_wait3A_90, %dma_wait3A_91] : memref<10000x128xf32, #tpu.memory_space<hbm>> -> memref<10000x128xf32, #tpu.memory_space<hbm>>
        tpu.wait_indirect_dma semaphore(%arg10 : memref<!tpu.dma_semaphore, #tpu.memory_space<semaphore_mem>>) src(%dma_wait3A_92 : memref<10000x128xf32, #tpu.memory_space<hbm>>) dst(%dma_wait3A_87 : memref<128x128xf32, #tpu.memory_space<vmem>>)
        "tpu.region"() ({
          %run_scoped3A = tpu.sem_alloc : memref<!tpu.dma_semaphore, #tpu.memory_space<semaphore_mem>>
          %dma_start3A_93 = arith.constant 0 : i32
          %dma_start3A_94 = arith.constant 0 : i32
          %dma_start3A_95 = tpu.memref_slice %arg9[%dma_start3A_93, %dma_start3A_94] : memref<512x128xf32, #tpu.memory_space<vmem>> -> memref<512x128xf32, #tpu.memory_space<vmem>>
          %dma_start3A_96 = arith.constant 0 : i32
          %dma_start3A_97 = tpu.memref_slice %arg7[%mul3A_30, %dma_start3A_96] : memref<78080x128xf32, #tpu.memory_space<hbm>> -> memref<512x128xf32, #tpu.memory_space<hbm>>
          %dma_start3A_98 = arith.constant 0 : i32
          %dma_start3A_99 = tpu.memref_slice %arg7[%mul3A_30, %dma_start3A_98] : memref<78080x128xf32, #tpu.memory_space<hbm>> -> memref<512x128xf32, #tpu.memory_space<hbm>>
          %dma_start3A_100 = arith.constant 0 : i32
          %dma_start3A_101 = arith.constant 0 : i32
          %dma_start3A_102 = tpu.memref_slice %arg9[%dma_start3A_100, %dma_start3A_101] : memref<512x128xf32, #tpu.memory_space<vmem>> -> memref<512x128xf32, #tpu.memory_space<vmem>>
          tpu.enqueue_dma source(%dma_start3A_102 : memref<512x128xf32, #tpu.memory_space<vmem>>) target(%dma_start3A_99 : memref<512x128xf32, #tpu.memory_space<hbm>>) target_semaphore(%run_scoped3A : memref<!tpu.dma_semaphore, #tpu.memory_space<semaphore_mem>>)
          %dma_wait3A_103 = arith.constant 0 : i32
          %dma_wait3A_104 = arith.constant 0 : i32
          %dma_wait3A_105 = tpu.memref_slice %arg9[%dma_wait3A_103, %dma_wait3A_104] : memref<512x128xf32, #tpu.memory_space<vmem>> -> memref<512x128xf32, #tpu.memory_space<vmem>>
          %dma_wait3A_106 = arith.constant 0 : i32
          %dma_wait3A_107 = tpu.memref_slice %arg7[%mul3A_30, %dma_wait3A_106] : memref<78080x128xf32, #tpu.memory_space<hbm>> -> memref<512x128xf32, #tpu.memory_space<hbm>>
          %dma_wait3A_108 = arith.constant 0 : i32
          %dma_wait3A_109 = tpu.memref_slice %arg7[%mul3A_30, %dma_wait3A_108] : memref<78080x128xf32, #tpu.memory_space<hbm>> -> memref<512x128xf32, #tpu.memory_space<hbm>>
          %dma_wait3A_110 = arith.constant 0 : i32
          %dma_wait3A_111 = arith.constant 0 : i32
          %dma_wait3A_112 = tpu.memref_slice %arg9[%dma_wait3A_110, %dma_wait3A_111] : memref<512x128xf32, #tpu.memory_space<vmem>> -> memref<512x128xf32, #tpu.memory_space<vmem>>
          tpu.wait_dma2 semaphore(%run_scoped3A : memref<!tpu.dma_semaphore, #tpu.memory_space<semaphore_mem>>) src(%dma_wait3A_112 : memref<512x128xf32, #tpu.memory_space<vmem>>) dst(%dma_wait3A_109 : memref<512x128xf32, #tpu.memory_space<hbm>>)
          tpu.yield
        }) : () -> ()
      } else {
      }
    }
    %scan3A_11 = arith.constant 5 : i32
    %eq3A_12 = arith.constant 0 : i32
    %eq3A_13 = arith.cmpi eq, %add3A, %eq3A_12 : i32
    %convert_element_type3A_14 = arith.extui %eq3A_13 : i1 to i32
    %cond3A_15 = arith.constant 0 : i32
    %cond3A_16 = arith.cmpi ne, %convert_element_type3A_14, %cond3A_15 : i32
    scf.if %cond3A_16 {
      "tpu.region"() ({
        %run_scoped3A = tpu.sem_alloc : memref<!tpu.dma_semaphore, #tpu.memory_space<semaphore_mem>>
        %dma_start3A_47 = arith.constant 0 : i32
        %dma_start3A_48 = tpu.memref_slice %arg8[%dma_start3A_47] : memref<512xi32, #tpu.memory_space<vmem>> -> memref<256xi32, #tpu.memory_space<vmem>>
        %dma_start3A_49 = arith.constant 77824 : i32
        %dma_start3A_50 = tpu.memref_slice %arg5[%dma_start3A_49] : memref<78080xi32, #tpu.memory_space<hbm>> -> memref<256xi32, #tpu.memory_space<hbm>>
        %dma_start3A_51 = arith.constant 0 : i32
        %dma_start3A_52 = tpu.memref_slice %arg8[%dma_start3A_51] : memref<512xi32, #tpu.memory_space<vmem>> -> memref<256xi32, #tpu.memory_space<vmem>>
        %dma_start3A_53 = arith.constant 77824 : i32
        %dma_start3A_54 = tpu.memref_slice %arg5[%dma_start3A_53] : memref<78080xi32, #tpu.memory_space<hbm>> -> memref<256xi32, #tpu.memory_space<hbm>>
        tpu.enqueue_dma source(%dma_start3A_54 : memref<256xi32, #tpu.memory_space<hbm>>) target(%dma_start3A_52 : memref<256xi32, #tpu.memory_space<vmem>>) target_semaphore(%run_scoped3A : memref<!tpu.dma_semaphore, #tpu.memory_space<semaphore_mem>>)
        %dma_wait3A_55 = arith.constant 0 : i32
        %dma_wait3A_56 = tpu.memref_slice %arg8[%dma_wait3A_55] : memref<512xi32, #tpu.memory_space<vmem>> -> memref<256xi32, #tpu.memory_space<vmem>>
        %dma_wait3A_57 = arith.constant 77824 : i32
        %dma_wait3A_58 = tpu.memref_slice %arg5[%dma_wait3A_57] : memref<78080xi32, #tpu.memory_space<hbm>> -> memref<256xi32, #tpu.memory_space<hbm>>
        %dma_wait3A_59 = arith.constant 0 : i32
        %dma_wait3A_60 = tpu.memref_slice %arg8[%dma_wait3A_59] : memref<512xi32, #tpu.memory_space<vmem>> -> memref<256xi32, #tpu.memory_space<vmem>>
        %dma_wait3A_61 = arith.constant 77824 : i32
        %dma_wait3A_62 = tpu.memref_slice %arg5[%dma_wait3A_61] : memref<78080xi32, #tpu.memory_space<hbm>> -> memref<256xi32, #tpu.memory_space<hbm>>
        tpu.wait_dma2 semaphore(%run_scoped3A : memref<!tpu.dma_semaphore, #tpu.memory_space<semaphore_mem>>) src(%dma_wait3A_62 : memref<256xi32, #tpu.memory_space<hbm>>) dst(%dma_wait3A_60 : memref<256xi32, #tpu.memory_space<vmem>>)
        tpu.yield
      }) : () -> ()
      %dma_start3A = arith.constant 0 : i32
      %dma_start3A_17 = arith.constant 0 : i32
      %dma_start3A_18 = tpu.memref_slice %arg9[%dma_start3A, %dma_start3A_17] : memref<512x128xf32, #tpu.memory_space<vmem>> -> memref<128x128xf32, #tpu.memory_space<vmem>>
      %dma_start3A_19 = arith.constant 0 : i32
      %dma_start3A_20 = tpu.memref_slice %arg8[%dma_start3A_19] : memref<512xi32, #tpu.memory_space<vmem>> -> memref<128xi32, #tpu.memory_space<vmem>>
      %dma_start3A_21 = arith.constant 0 : i32
      %dma_start3A_22 = arith.constant 0 : i32
      %dma_start3A_23 = tpu.memref_slice %arg3[%dma_start3A_21, %dma_start3A_22] : memref<10000x128xf32, #tpu.memory_space<hbm>> -> memref<10000x128xf32, #tpu.memory_space<hbm>>
      tpu.enqueue_indirect_dma source(%dma_start3A_23 : memref<10000x128xf32, #tpu.memory_space<hbm>>) target(%dma_start3A_18 : memref<128x128xf32, #tpu.memory_space<vmem>>) offsets(%dma_start3A_20 : memref<128xi32, #tpu.memory_space<vmem>>) semaphore(%arg10 : memref<!tpu.dma_semaphore, #tpu.memory_space<semaphore_mem>>)
      %dma_start3A_24 = arith.constant 128 : i32
      %dma_start3A_25 = arith.constant 0 : i32
      %dma_start3A_26 = tpu.memref_slice %arg9[%dma_start3A_24, %dma_start3A_25] : memref<512x128xf32, #tpu.memory_space<vmem>> -> memref<128x128xf32, #tpu.memory_space<vmem>>
      %dma_start3A_27 = arith.constant 128 : i32
      %dma_start3A_28 = tpu.memref_slice %arg8[%dma_start3A_27] : memref<512xi32, #tpu.memory_space<vmem>> -> memref<128xi32, #tpu.memory_space<vmem>>
      %dma_start3A_29 = arith.constant 0 : i32
      %dma_start3A_30 = arith.constant 0 : i32
      %dma_start3A_31 = tpu.memref_slice %arg3[%dma_start3A_29, %dma_start3A_30] : memref<10000x128xf32, #tpu.memory_space<hbm>> -> memref<10000x128xf32, #tpu.memory_space<hbm>>
      tpu.enqueue_indirect_dma source(%dma_start3A_31 : memref<10000x128xf32, #tpu.memory_space<hbm>>) target(%dma_start3A_26 : memref<128x128xf32, #tpu.memory_space<vmem>>) offsets(%dma_start3A_28 : memref<128xi32, #tpu.memory_space<vmem>>) semaphore(%arg10 : memref<!tpu.dma_semaphore, #tpu.memory_space<semaphore_mem>>)
      %dma_wait3A = arith.constant 0 : i32
      %dma_wait3A_32 = arith.constant 0 : i32
      %dma_wait3A_33 = tpu.memref_slice %arg9[%dma_wait3A, %dma_wait3A_32] : memref<512x128xf32, #tpu.memory_space<vmem>> -> memref<128x128xf32, #tpu.memory_space<vmem>>
      %dma_wait3A_34 = arith.constant 0 : i32
      %dma_wait3A_35 = tpu.memref_slice %arg8[%dma_wait3A_34] : memref<512xi32, #tpu.memory_space<vmem>> -> memref<128xi32, #tpu.memory_space<vmem>>
      %dma_wait3A_36 = arith.constant 0 : i32
      %dma_wait3A_37 = arith.constant 0 : i32
      %dma_wait3A_38 = tpu.memref_slice %arg3[%dma_wait3A_36, %dma_wait3A_37] : memref<10000x128xf32, #tpu.memory_space<hbm>> -> memref<10000x128xf32, #tpu.memory_space<hbm>>
      tpu.wait_indirect_dma semaphore(%arg10 : memref<!tpu.dma_semaphore, #tpu.memory_space<semaphore_mem>>) src(%dma_wait3A_38 : memref<10000x128xf32, #tpu.memory_space<hbm>>) dst(%dma_wait3A_33 : memref<128x128xf32, #tpu.memory_space<vmem>>)
      %dma_wait3A_39 = arith.constant 128 : i32
      %dma_wait3A_40 = arith.constant 0 : i32
      %dma_wait3A_41 = tpu.memref_slice %arg9[%dma_wait3A_39, %dma_wait3A_40] : memref<512x128xf32, #tpu.memory_space<vmem>> -> memref<128x128xf32, #tpu.memory_space<vmem>>
      %dma_wait3A_42 = arith.constant 128 : i32
      %dma_wait3A_43 = tpu.memref_slice %arg8[%dma_wait3A_42] : memref<512xi32, #tpu.memory_space<vmem>> -> memref<128xi32, #tpu.memory_space<vmem>>
      %dma_wait3A_44 = arith.constant 0 : i32
      %dma_wait3A_45 = arith.constant 0 : i32
      %dma_wait3A_46 = tpu.memref_slice %arg3[%dma_wait3A_44, %dma_wait3A_45] : memref<10000x128xf32, #tpu.memory_space<hbm>> -> memref<10000x128xf32, #tpu.memory_space<hbm>>
      tpu.wait_indirect_dma semaphore(%arg10 : memref<!tpu.dma_semaphore, #tpu.memory_space<semaphore_mem>>) src(%dma_wait3A_46 : memref<10000x128xf32, #tpu.memory_space<hbm>>) dst(%dma_wait3A_41 : memref<128x128xf32, #tpu.memory_space<vmem>>)
      "tpu.region"() ({
        %run_scoped3A = tpu.sem_alloc : memref<!tpu.dma_semaphore, #tpu.memory_space<semaphore_mem>>
        %dma_start3A_47 = arith.constant 0 : i32
        %dma_start3A_48 = arith.constant 0 : i32
        %dma_start3A_49 = tpu.memref_slice %arg9[%dma_start3A_47, %dma_start3A_48] : memref<512x128xf32, #tpu.memory_space<vmem>> -> memref<256x128xf32, #tpu.memory_space<vmem>>
        %dma_start3A_50 = arith.constant 77824 : i32
        %dma_start3A_51 = arith.constant 0 : i32
        %dma_start3A_52 = tpu.memref_slice %arg7[%dma_start3A_50, %dma_start3A_51] : memref<78080x128xf32, #tpu.memory_space<hbm>> -> memref<256x128xf32, #tpu.memory_space<hbm>>
        %dma_start3A_53 = arith.constant 77824 : i32
        %dma_start3A_54 = arith.constant 0 : i32
        %dma_start3A_55 = tpu.memref_slice %arg7[%dma_start3A_53, %dma_start3A_54] : memref<78080x128xf32, #tpu.memory_space<hbm>> -> memref<256x128xf32, #tpu.memory_space<hbm>>
        %dma_start3A_56 = arith.constant 0 : i32
        %dma_start3A_57 = arith.constant 0 : i32
        %dma_start3A_58 = tpu.memref_slice %arg9[%dma_start3A_56, %dma_start3A_57] : memref<512x128xf32, #tpu.memory_space<vmem>> -> memref<256x128xf32, #tpu.memory_space<vmem>>
        tpu.enqueue_dma source(%dma_start3A_58 : memref<256x128xf32, #tpu.memory_space<vmem>>) target(%dma_start3A_55 : memref<256x128xf32, #tpu.memory_space<hbm>>) target_semaphore(%run_scoped3A : memref<!tpu.dma_semaphore, #tpu.memory_space<semaphore_mem>>)
        %dma_wait3A_59 = arith.constant 0 : i32
        %dma_wait3A_60 = arith.constant 0 : i32
        %dma_wait3A_61 = tpu.memref_slice %arg9[%dma_wait3A_59, %dma_wait3A_60] : memref<512x128xf32, #tpu.memory_space<vmem>> -> memref<256x128xf32, #tpu.memory_space<vmem>>
        %dma_wait3A_62 = arith.constant 77824 : i32
        %dma_wait3A_63 = arith.constant 0 : i32
        %dma_wait3A_64 = tpu.memref_slice %arg7[%dma_wait3A_62, %dma_wait3A_63] : memref<78080x128xf32, #tpu.memory_space<hbm>> -> memref<256x128xf32, #tpu.memory_space<hbm>>
        %dma_wait3A_65 = arith.constant 77824 : i32
        %dma_wait3A_66 = arith.constant 0 : i32
        %dma_wait3A_67 = tpu.memref_slice %arg7[%dma_wait3A_65, %dma_wait3A_66] : memref<78080x128xf32, #tpu.memory_space<hbm>> -> memref<256x128xf32, #tpu.memory_space<hbm>>
        %dma_wait3A_68 = arith.constant 0 : i32
        %dma_wait3A_69 = arith.constant 0 : i32
        %dma_wait3A_70 = tpu.memref_slice %arg9[%dma_wait3A_68, %dma_wait3A_69] : memref<512x128xf32, #tpu.memory_space<vmem>> -> memref<256x128xf32, #tpu.memory_space<vmem>>
        tpu.wait_dma2 semaphore(%run_scoped3A : memref<!tpu.dma_semaphore, #tpu.memory_space<semaphore_mem>>) src(%dma_wait3A_70 : memref<256x128xf32, #tpu.memory_space<vmem>>) dst(%dma_wait3A_67 : memref<256x128xf32, #tpu.memory_space<hbm>>)
        tpu.yield
      }) : () -> ()
    } else {
    }
    return
  }
}

#map = affine_map<(d0, d1) -> (0, 0)>
#map1 = affine_map<(d0, d1) -> (0)>
module attributes {stable_mosaic.version = 14 : i64} {
  func.func @k(%arg0: i32, %arg1: i32, %arg2: memref<10000x128xf32, #tpu.memory_space<hbm>>, %arg3: memref<10000x128xf32, #tpu.memory_space<hbm>>, %arg4: memref<10000x128xf32, #tpu.memory_space<hbm>>, %arg5: memref<81920xi32, #tpu.memory_space<hbm>>, %arg6: memref<81920xi32, #tpu.memory_space<hbm>>, %arg7: memref<10240xi32, #tpu.memory_space<hbm>>, %arg8: memref<81920x128xf32, #tpu.memory_space<hbm>>, %arg9: memref<81920x128xf32, #tpu.memory_space<hbm>>, %arg10: memref<10240x128xf32, #tpu.memory_space<hbm>>, %arg11: memref<512xi32, #tpu.memory_space<vmem>>, %arg12: memref<512x128xf32, #tpu.memory_space<vmem>>, %arg13: memref<!tpu.dma_semaphore, #tpu.memory_space<semaphore_mem>>) attributes {dimension_semantics = [#tpu.dimension_semantics<core_parallel>, #tpu.dimension_semantics<subcore_parallel>], iteration_bounds = array<i64: 2, 16>, scalar_prefetch = 0 : i64, scratch_operands = 3 : i64, tpu.core_type = #tpu.core_type<sc_vector_subcore>, window_params = [{transform_indices = #map}, {transform_indices = #map}, {transform_indices = #map}, {transform_indices = #map1}, {transform_indices = #map1}, {transform_indices = #map1}, {transform_indices = #map}, {transform_indices = #map}, {transform_indices = #map}]} {
    %mul3A = arith.constant 2 : i32
    %mul3A_0 = arith.muli %arg1, %mul3A : i32
    %add3A = arith.addi %mul3A_0, %arg0 : i32
    %scan3A = arith.constant 0 : i32
    %scan3A_1 = arith.constant 5 : i32
    %scan3A_2 = arith.addi %scan3A, %scan3A_1 : i32
    %scan3A_3 = arith.constant 1 : i32
    scf.for %scan3A_21 = %scan3A to %scan3A_2 step %scan3A_3  : i32 {
      %mul3A_22 = arith.constant 1 : i32
      %mul3A_23 = arith.muli %scan3A_21, %mul3A_22 : i32
      %add3A_24 = arith.constant 0 : i32
      %add3A_25 = arith.addi %add3A_24, %mul3A_23 : i32
      %mul3A_26 = arith.constant 32 : i32
      %mul3A_27 = arith.muli %add3A_25, %mul3A_26 : i32
      %add3A_28 = arith.addi %mul3A_27, %add3A : i32
      %lt3A_29 = arith.constant 160 : i32
      %lt3A_30 = arith.cmpi slt, %add3A_28, %lt3A_29 : i32
      %convert_element_type3A_31 = arith.extui %lt3A_30 : i1 to i32
      %cond3A_32 = arith.constant 0 : i32
      %cond3A_33 = arith.cmpi ne, %convert_element_type3A_31, %cond3A_32 : i32
      scf.if %cond3A_33 {
        %mul3A_34 = arith.constant 512 : i32
        %mul3A_35 = arith.muli %add3A_28, %mul3A_34 : i32
        "tpu.region"() ({
          %run_scoped3A = tpu.sem_alloc : memref<!tpu.dma_semaphore, #tpu.memory_space<semaphore_mem>>
          %dma_start3A_98 = arith.constant 0 : i32
          %dma_start3A_99 = tpu.memref_slice %arg11[%dma_start3A_98] : memref<512xi32, #tpu.memory_space<vmem>> -> memref<512xi32, #tpu.memory_space<vmem>>
          %dma_start3A_100 = tpu.memref_slice %arg5[%mul3A_35] : memref<81920xi32, #tpu.memory_space<hbm>> -> memref<512xi32, #tpu.memory_space<hbm>>
          %dma_start3A_101 = arith.constant 0 : i32
          %dma_start3A_102 = tpu.memref_slice %arg11[%dma_start3A_101] : memref<512xi32, #tpu.memory_space<vmem>> -> memref<512xi32, #tpu.memory_space<vmem>>
          %dma_start3A_103 = tpu.memref_slice %arg5[%mul3A_35] : memref<81920xi32, #tpu.memory_space<hbm>> -> memref<512xi32, #tpu.memory_space<hbm>>
          tpu.enqueue_dma source(%dma_start3A_103 : memref<512xi32, #tpu.memory_space<hbm>>) target(%dma_start3A_102 : memref<512xi32, #tpu.memory_space<vmem>>) target_semaphore(%run_scoped3A : memref<!tpu.dma_semaphore, #tpu.memory_space<semaphore_mem>>)
          %dma_wait3A_104 = arith.constant 0 : i32
          %dma_wait3A_105 = tpu.memref_slice %arg11[%dma_wait3A_104] : memref<512xi32, #tpu.memory_space<vmem>> -> memref<512xi32, #tpu.memory_space<vmem>>
          %dma_wait3A_106 = tpu.memref_slice %arg5[%mul3A_35] : memref<81920xi32, #tpu.memory_space<hbm>> -> memref<512xi32, #tpu.memory_space<hbm>>
          %dma_wait3A_107 = arith.constant 0 : i32
          %dma_wait3A_108 = tpu.memref_slice %arg11[%dma_wait3A_107] : memref<512xi32, #tpu.memory_space<vmem>> -> memref<512xi32, #tpu.memory_space<vmem>>
          %dma_wait3A_109 = tpu.memref_slice %arg5[%mul3A_35] : memref<81920xi32, #tpu.memory_space<hbm>> -> memref<512xi32, #tpu.memory_space<hbm>>
          tpu.wait_dma2 semaphore(%run_scoped3A : memref<!tpu.dma_semaphore, #tpu.memory_space<semaphore_mem>>) src(%dma_wait3A_109 : memref<512xi32, #tpu.memory_space<hbm>>) dst(%dma_wait3A_108 : memref<512xi32, #tpu.memory_space<vmem>>)
          tpu.yield
        }) : () -> ()
        %dma_start3A = arith.constant 0 : i32
        %dma_start3A_36 = arith.constant 0 : i32
        %dma_start3A_37 = tpu.memref_slice %arg12[%dma_start3A, %dma_start3A_36] : memref<512x128xf32, #tpu.memory_space<vmem>> -> memref<128x128xf32, #tpu.memory_space<vmem>>
        %dma_start3A_38 = arith.constant 0 : i32
        %dma_start3A_39 = tpu.memref_slice %arg11[%dma_start3A_38] : memref<512xi32, #tpu.memory_space<vmem>> -> memref<128xi32, #tpu.memory_space<vmem>>
        %dma_start3A_40 = arith.constant 0 : i32
        %dma_start3A_41 = arith.constant 0 : i32
        %dma_start3A_42 = tpu.memref_slice %arg2[%dma_start3A_40, %dma_start3A_41] : memref<10000x128xf32, #tpu.memory_space<hbm>> -> memref<10000x128xf32, #tpu.memory_space<hbm>>
        tpu.enqueue_indirect_dma source(%dma_start3A_42 : memref<10000x128xf32, #tpu.memory_space<hbm>>) target(%dma_start3A_37 : memref<128x128xf32, #tpu.memory_space<vmem>>) offsets(%dma_start3A_39 : memref<128xi32, #tpu.memory_space<vmem>>) semaphore(%arg13 : memref<!tpu.dma_semaphore, #tpu.memory_space<semaphore_mem>>)
        %dma_start3A_43 = arith.constant 128 : i32
        %dma_start3A_44 = arith.constant 0 : i32
        %dma_start3A_45 = tpu.memref_slice %arg12[%dma_start3A_43, %dma_start3A_44] : memref<512x128xf32, #tpu.memory_space<vmem>> -> memref<128x128xf32, #tpu.memory_space<vmem>>
        %dma_start3A_46 = arith.constant 128 : i32
        %dma_start3A_47 = tpu.memref_slice %arg11[%dma_start3A_46] : memref<512xi32, #tpu.memory_space<vmem>> -> memref<128xi32, #tpu.memory_space<vmem>>
        %dma_start3A_48 = arith.constant 0 : i32
        %dma_start3A_49 = arith.constant 0 : i32
        %dma_start3A_50 = tpu.memref_slice %arg2[%dma_start3A_48, %dma_start3A_49] : memref<10000x128xf32, #tpu.memory_space<hbm>> -> memref<10000x128xf32, #tpu.memory_space<hbm>>
        tpu.enqueue_indirect_dma source(%dma_start3A_50 : memref<10000x128xf32, #tpu.memory_space<hbm>>) target(%dma_start3A_45 : memref<128x128xf32, #tpu.memory_space<vmem>>) offsets(%dma_start3A_47 : memref<128xi32, #tpu.memory_space<vmem>>) semaphore(%arg13 : memref<!tpu.dma_semaphore, #tpu.memory_space<semaphore_mem>>)
        %dma_start3A_51 = arith.constant 256 : i32
        %dma_start3A_52 = arith.constant 0 : i32
        %dma_start3A_53 = tpu.memref_slice %arg12[%dma_start3A_51, %dma_start3A_52] : memref<512x128xf32, #tpu.memory_space<vmem>> -> memref<128x128xf32, #tpu.memory_space<vmem>>
        %dma_start3A_54 = arith.constant 256 : i32
        %dma_start3A_55 = tpu.memref_slice %arg11[%dma_start3A_54] : memref<512xi32, #tpu.memory_space<vmem>> -> memref<128xi32, #tpu.memory_space<vmem>>
        %dma_start3A_56 = arith.constant 0 : i32
        %dma_start3A_57 = arith.constant 0 : i32
        %dma_start3A_58 = tpu.memref_slice %arg2[%dma_start3A_56, %dma_start3A_57] : memref<10000x128xf32, #tpu.memory_space<hbm>> -> memref<10000x128xf32, #tpu.memory_space<hbm>>
        tpu.enqueue_indirect_dma source(%dma_start3A_58 : memref<10000x128xf32, #tpu.memory_space<hbm>>) target(%dma_start3A_53 : memref<128x128xf32, #tpu.memory_space<vmem>>) offsets(%dma_start3A_55 : memref<128xi32, #tpu.memory_space<vmem>>) semaphore(%arg13 : memref<!tpu.dma_semaphore, #tpu.memory_space<semaphore_mem>>)
        %dma_start3A_59 = arith.constant 384 : i32
        %dma_start3A_60 = arith.constant 0 : i32
        %dma_start3A_61 = tpu.memref_slice %arg12[%dma_start3A_59, %dma_start3A_60] : memref<512x128xf32, #tpu.memory_space<vmem>> -> memref<128x128xf32, #tpu.memory_space<vmem>>
        %dma_start3A_62 = arith.constant 384 : i32
        %dma_start3A_63 = tpu.memref_slice %arg11[%dma_start3A_62] : memref<512xi32, #tpu.memory_space<vmem>> -> memref<128xi32, #tpu.memory_space<vmem>>
        %dma_start3A_64 = arith.constant 0 : i32
        %dma_start3A_65 = arith.constant 0 : i32
        %dma_start3A_66 = tpu.memref_slice %arg2[%dma_start3A_64, %dma_start3A_65] : memref<10000x128xf32, #tpu.memory_space<hbm>> -> memref<10000x128xf32, #tpu.memory_space<hbm>>
        tpu.enqueue_indirect_dma source(%dma_start3A_66 : memref<10000x128xf32, #tpu.memory_space<hbm>>) target(%dma_start3A_61 : memref<128x128xf32, #tpu.memory_space<vmem>>) offsets(%dma_start3A_63 : memref<128xi32, #tpu.memory_space<vmem>>) semaphore(%arg13 : memref<!tpu.dma_semaphore, #tpu.memory_space<semaphore_mem>>)
        %dma_wait3A = arith.constant 0 : i32
        %dma_wait3A_67 = arith.constant 0 : i32
        %dma_wait3A_68 = tpu.memref_slice %arg12[%dma_wait3A, %dma_wait3A_67] : memref<512x128xf32, #tpu.memory_space<vmem>> -> memref<128x128xf32, #tpu.memory_space<vmem>>
        %dma_wait3A_69 = arith.constant 0 : i32
        %dma_wait3A_70 = tpu.memref_slice %arg11[%dma_wait3A_69] : memref<512xi32, #tpu.memory_space<vmem>> -> memref<128xi32, #tpu.memory_space<vmem>>
        %dma_wait3A_71 = arith.constant 0 : i32
        %dma_wait3A_72 = arith.constant 0 : i32
        %dma_wait3A_73 = tpu.memref_slice %arg2[%dma_wait3A_71, %dma_wait3A_72] : memref<10000x128xf32, #tpu.memory_space<hbm>> -> memref<10000x128xf32, #tpu.memory_space<hbm>>
        tpu.wait_indirect_dma semaphore(%arg13 : memref<!tpu.dma_semaphore, #tpu.memory_space<semaphore_mem>>) src(%dma_wait3A_73 : memref<10000x128xf32, #tpu.memory_space<hbm>>) dst(%dma_wait3A_68 : memref<128x128xf32, #tpu.memory_space<vmem>>)
        %dma_wait3A_74 = arith.constant 128 : i32
        %dma_wait3A_75 = arith.constant 0 : i32
        %dma_wait3A_76 = tpu.memref_slice %arg12[%dma_wait3A_74, %dma_wait3A_75] : memref<512x128xf32, #tpu.memory_space<vmem>> -> memref<128x128xf32, #tpu.memory_space<vmem>>
        %dma_wait3A_77 = arith.constant 128 : i32
        %dma_wait3A_78 = tpu.memref_slice %arg11[%dma_wait3A_77] : memref<512xi32, #tpu.memory_space<vmem>> -> memref<128xi32, #tpu.memory_space<vmem>>
        %dma_wait3A_79 = arith.constant 0 : i32
        %dma_wait3A_80 = arith.constant 0 : i32
        %dma_wait3A_81 = tpu.memref_slice %arg2[%dma_wait3A_79, %dma_wait3A_80] : memref<10000x128xf32, #tpu.memory_space<hbm>> -> memref<10000x128xf32, #tpu.memory_space<hbm>>
        tpu.wait_indirect_dma semaphore(%arg13 : memref<!tpu.dma_semaphore, #tpu.memory_space<semaphore_mem>>) src(%dma_wait3A_81 : memref<10000x128xf32, #tpu.memory_space<hbm>>) dst(%dma_wait3A_76 : memref<128x128xf32, #tpu.memory_space<vmem>>)
        %dma_wait3A_82 = arith.constant 256 : i32
        %dma_wait3A_83 = arith.constant 0 : i32
        %dma_wait3A_84 = tpu.memref_slice %arg12[%dma_wait3A_82, %dma_wait3A_83] : memref<512x128xf32, #tpu.memory_space<vmem>> -> memref<128x128xf32, #tpu.memory_space<vmem>>
        %dma_wait3A_85 = arith.constant 256 : i32
        %dma_wait3A_86 = tpu.memref_slice %arg11[%dma_wait3A_85] : memref<512xi32, #tpu.memory_space<vmem>> -> memref<128xi32, #tpu.memory_space<vmem>>
        %dma_wait3A_87 = arith.constant 0 : i32
        %dma_wait3A_88 = arith.constant 0 : i32
        %dma_wait3A_89 = tpu.memref_slice %arg2[%dma_wait3A_87, %dma_wait3A_88] : memref<10000x128xf32, #tpu.memory_space<hbm>> -> memref<10000x128xf32, #tpu.memory_space<hbm>>
        tpu.wait_indirect_dma semaphore(%arg13 : memref<!tpu.dma_semaphore, #tpu.memory_space<semaphore_mem>>) src(%dma_wait3A_89 : memref<10000x128xf32, #tpu.memory_space<hbm>>) dst(%dma_wait3A_84 : memref<128x128xf32, #tpu.memory_space<vmem>>)
        %dma_wait3A_90 = arith.constant 384 : i32
        %dma_wait3A_91 = arith.constant 0 : i32
        %dma_wait3A_92 = tpu.memref_slice %arg12[%dma_wait3A_90, %dma_wait3A_91] : memref<512x128xf32, #tpu.memory_space<vmem>> -> memref<128x128xf32, #tpu.memory_space<vmem>>
        %dma_wait3A_93 = arith.constant 384 : i32
        %dma_wait3A_94 = tpu.memref_slice %arg11[%dma_wait3A_93] : memref<512xi32, #tpu.memory_space<vmem>> -> memref<128xi32, #tpu.memory_space<vmem>>
        %dma_wait3A_95 = arith.constant 0 : i32
        %dma_wait3A_96 = arith.constant 0 : i32
        %dma_wait3A_97 = tpu.memref_slice %arg2[%dma_wait3A_95, %dma_wait3A_96] : memref<10000x128xf32, #tpu.memory_space<hbm>> -> memref<10000x128xf32, #tpu.memory_space<hbm>>
        tpu.wait_indirect_dma semaphore(%arg13 : memref<!tpu.dma_semaphore, #tpu.memory_space<semaphore_mem>>) src(%dma_wait3A_97 : memref<10000x128xf32, #tpu.memory_space<hbm>>) dst(%dma_wait3A_92 : memref<128x128xf32, #tpu.memory_space<vmem>>)
        "tpu.region"() ({
          %run_scoped3A = tpu.sem_alloc : memref<!tpu.dma_semaphore, #tpu.memory_space<semaphore_mem>>
          %dma_start3A_98 = arith.constant 0 : i32
          %dma_start3A_99 = arith.constant 0 : i32
          %dma_start3A_100 = tpu.memref_slice %arg12[%dma_start3A_98, %dma_start3A_99] : memref<512x128xf32, #tpu.memory_space<vmem>> -> memref<512x128xf32, #tpu.memory_space<vmem>>
          %dma_start3A_101 = arith.constant 0 : i32
          %dma_start3A_102 = tpu.memref_slice %arg8[%mul3A_35, %dma_start3A_101] : memref<81920x128xf32, #tpu.memory_space<hbm>> -> memref<512x128xf32, #tpu.memory_space<hbm>>
          %dma_start3A_103 = arith.constant 0 : i32
          %dma_start3A_104 = tpu.memref_slice %arg8[%mul3A_35, %dma_start3A_103] : memref<81920x128xf32, #tpu.memory_space<hbm>> -> memref<512x128xf32, #tpu.memory_space<hbm>>
          %dma_start3A_105 = arith.constant 0 : i32
          %dma_start3A_106 = arith.constant 0 : i32
          %dma_start3A_107 = tpu.memref_slice %arg12[%dma_start3A_105, %dma_start3A_106] : memref<512x128xf32, #tpu.memory_space<vmem>> -> memref<512x128xf32, #tpu.memory_space<vmem>>
          tpu.enqueue_dma source(%dma_start3A_107 : memref<512x128xf32, #tpu.memory_space<vmem>>) target(%dma_start3A_104 : memref<512x128xf32, #tpu.memory_space<hbm>>) target_semaphore(%run_scoped3A : memref<!tpu.dma_semaphore, #tpu.memory_space<semaphore_mem>>)
          %dma_wait3A_108 = arith.constant 0 : i32
          %dma_wait3A_109 = arith.constant 0 : i32
          %dma_wait3A_110 = tpu.memref_slice %arg12[%dma_wait3A_108, %dma_wait3A_109] : memref<512x128xf32, #tpu.memory_space<vmem>> -> memref<512x128xf32, #tpu.memory_space<vmem>>
          %dma_wait3A_111 = arith.constant 0 : i32
          %dma_wait3A_112 = tpu.memref_slice %arg8[%mul3A_35, %dma_wait3A_111] : memref<81920x128xf32, #tpu.memory_space<hbm>> -> memref<512x128xf32, #tpu.memory_space<hbm>>
          %dma_wait3A_113 = arith.constant 0 : i32
          %dma_wait3A_114 = tpu.memref_slice %arg8[%mul3A_35, %dma_wait3A_113] : memref<81920x128xf32, #tpu.memory_space<hbm>> -> memref<512x128xf32, #tpu.memory_space<hbm>>
          %dma_wait3A_115 = arith.constant 0 : i32
          %dma_wait3A_116 = arith.constant 0 : i32
          %dma_wait3A_117 = tpu.memref_slice %arg12[%dma_wait3A_115, %dma_wait3A_116] : memref<512x128xf32, #tpu.memory_space<vmem>> -> memref<512x128xf32, #tpu.memory_space<vmem>>
          tpu.wait_dma2 semaphore(%run_scoped3A : memref<!tpu.dma_semaphore, #tpu.memory_space<semaphore_mem>>) src(%dma_wait3A_117 : memref<512x128xf32, #tpu.memory_space<vmem>>) dst(%dma_wait3A_114 : memref<512x128xf32, #tpu.memory_space<hbm>>)
          tpu.yield
        }) : () -> ()
      } else {
      }
    }
    %scan3A_4 = arith.constant 5 : i32
    %scan3A_5 = arith.constant 0 : i32
    %scan3A_6 = arith.constant 5 : i32
    %scan3A_7 = arith.addi %scan3A_5, %scan3A_6 : i32
    %scan3A_8 = arith.constant 1 : i32
    scf.for %scan3A_21 = %scan3A_5 to %scan3A_7 step %scan3A_8  : i32 {
      %mul3A_22 = arith.constant 1 : i32
      %mul3A_23 = arith.muli %scan3A_21, %mul3A_22 : i32
      %add3A_24 = arith.constant 0 : i32
      %add3A_25 = arith.addi %add3A_24, %mul3A_23 : i32
      %mul3A_26 = arith.constant 32 : i32
      %mul3A_27 = arith.muli %add3A_25, %mul3A_26 : i32
      %add3A_28 = arith.addi %mul3A_27, %add3A : i32
      %lt3A_29 = arith.constant 160 : i32
      %lt3A_30 = arith.cmpi slt, %add3A_28, %lt3A_29 : i32
      %convert_element_type3A_31 = arith.extui %lt3A_30 : i1 to i32
      %cond3A_32 = arith.constant 0 : i32
      %cond3A_33 = arith.cmpi ne, %convert_element_type3A_31, %cond3A_32 : i32
      scf.if %cond3A_33 {
        %mul3A_34 = arith.constant 512 : i32
        %mul3A_35 = arith.muli %add3A_28, %mul3A_34 : i32
        "tpu.region"() ({
          %run_scoped3A = tpu.sem_alloc : memref<!tpu.dma_semaphore, #tpu.memory_space<semaphore_mem>>
          %dma_start3A_98 = arith.constant 0 : i32
          %dma_start3A_99 = tpu.memref_slice %arg11[%dma_start3A_98] : memref<512xi32, #tpu.memory_space<vmem>> -> memref<512xi32, #tpu.memory_space<vmem>>
          %dma_start3A_100 = tpu.memref_slice %arg6[%mul3A_35] : memref<81920xi32, #tpu.memory_space<hbm>> -> memref<512xi32, #tpu.memory_space<hbm>>
          %dma_start3A_101 = arith.constant 0 : i32
          %dma_start3A_102 = tpu.memref_slice %arg11[%dma_start3A_101] : memref<512xi32, #tpu.memory_space<vmem>> -> memref<512xi32, #tpu.memory_space<vmem>>
          %dma_start3A_103 = tpu.memref_slice %arg6[%mul3A_35] : memref<81920xi32, #tpu.memory_space<hbm>> -> memref<512xi32, #tpu.memory_space<hbm>>
          tpu.enqueue_dma source(%dma_start3A_103 : memref<512xi32, #tpu.memory_space<hbm>>) target(%dma_start3A_102 : memref<512xi32, #tpu.memory_space<vmem>>) target_semaphore(%run_scoped3A : memref<!tpu.dma_semaphore, #tpu.memory_space<semaphore_mem>>)
          %dma_wait3A_104 = arith.constant 0 : i32
          %dma_wait3A_105 = tpu.memref_slice %arg11[%dma_wait3A_104] : memref<512xi32, #tpu.memory_space<vmem>> -> memref<512xi32, #tpu.memory_space<vmem>>
          %dma_wait3A_106 = tpu.memref_slice %arg6[%mul3A_35] : memref<81920xi32, #tpu.memory_space<hbm>> -> memref<512xi32, #tpu.memory_space<hbm>>
          %dma_wait3A_107 = arith.constant 0 : i32
          %dma_wait3A_108 = tpu.memref_slice %arg11[%dma_wait3A_107] : memref<512xi32, #tpu.memory_space<vmem>> -> memref<512xi32, #tpu.memory_space<vmem>>
          %dma_wait3A_109 = tpu.memref_slice %arg6[%mul3A_35] : memref<81920xi32, #tpu.memory_space<hbm>> -> memref<512xi32, #tpu.memory_space<hbm>>
          tpu.wait_dma2 semaphore(%run_scoped3A : memref<!tpu.dma_semaphore, #tpu.memory_space<semaphore_mem>>) src(%dma_wait3A_109 : memref<512xi32, #tpu.memory_space<hbm>>) dst(%dma_wait3A_108 : memref<512xi32, #tpu.memory_space<vmem>>)
          tpu.yield
        }) : () -> ()
        %dma_start3A = arith.constant 0 : i32
        %dma_start3A_36 = arith.constant 0 : i32
        %dma_start3A_37 = tpu.memref_slice %arg12[%dma_start3A, %dma_start3A_36] : memref<512x128xf32, #tpu.memory_space<vmem>> -> memref<128x128xf32, #tpu.memory_space<vmem>>
        %dma_start3A_38 = arith.constant 0 : i32
        %dma_start3A_39 = tpu.memref_slice %arg11[%dma_start3A_38] : memref<512xi32, #tpu.memory_space<vmem>> -> memref<128xi32, #tpu.memory_space<vmem>>
        %dma_start3A_40 = arith.constant 0 : i32
        %dma_start3A_41 = arith.constant 0 : i32
        %dma_start3A_42 = tpu.memref_slice %arg3[%dma_start3A_40, %dma_start3A_41] : memref<10000x128xf32, #tpu.memory_space<hbm>> -> memref<10000x128xf32, #tpu.memory_space<hbm>>
        tpu.enqueue_indirect_dma source(%dma_start3A_42 : memref<10000x128xf32, #tpu.memory_space<hbm>>) target(%dma_start3A_37 : memref<128x128xf32, #tpu.memory_space<vmem>>) offsets(%dma_start3A_39 : memref<128xi32, #tpu.memory_space<vmem>>) semaphore(%arg13 : memref<!tpu.dma_semaphore, #tpu.memory_space<semaphore_mem>>)
        %dma_start3A_43 = arith.constant 128 : i32
        %dma_start3A_44 = arith.constant 0 : i32
        %dma_start3A_45 = tpu.memref_slice %arg12[%dma_start3A_43, %dma_start3A_44] : memref<512x128xf32, #tpu.memory_space<vmem>> -> memref<128x128xf32, #tpu.memory_space<vmem>>
        %dma_start3A_46 = arith.constant 128 : i32
        %dma_start3A_47 = tpu.memref_slice %arg11[%dma_start3A_46] : memref<512xi32, #tpu.memory_space<vmem>> -> memref<128xi32, #tpu.memory_space<vmem>>
        %dma_start3A_48 = arith.constant 0 : i32
        %dma_start3A_49 = arith.constant 0 : i32
        %dma_start3A_50 = tpu.memref_slice %arg3[%dma_start3A_48, %dma_start3A_49] : memref<10000x128xf32, #tpu.memory_space<hbm>> -> memref<10000x128xf32, #tpu.memory_space<hbm>>
        tpu.enqueue_indirect_dma source(%dma_start3A_50 : memref<10000x128xf32, #tpu.memory_space<hbm>>) target(%dma_start3A_45 : memref<128x128xf32, #tpu.memory_space<vmem>>) offsets(%dma_start3A_47 : memref<128xi32, #tpu.memory_space<vmem>>) semaphore(%arg13 : memref<!tpu.dma_semaphore, #tpu.memory_space<semaphore_mem>>)
        %dma_start3A_51 = arith.constant 256 : i32
        %dma_start3A_52 = arith.constant 0 : i32
        %dma_start3A_53 = tpu.memref_slice %arg12[%dma_start3A_51, %dma_start3A_52] : memref<512x128xf32, #tpu.memory_space<vmem>> -> memref<128x128xf32, #tpu.memory_space<vmem>>
        %dma_start3A_54 = arith.constant 256 : i32
        %dma_start3A_55 = tpu.memref_slice %arg11[%dma_start3A_54] : memref<512xi32, #tpu.memory_space<vmem>> -> memref<128xi32, #tpu.memory_space<vmem>>
        %dma_start3A_56 = arith.constant 0 : i32
        %dma_start3A_57 = arith.constant 0 : i32
        %dma_start3A_58 = tpu.memref_slice %arg3[%dma_start3A_56, %dma_start3A_57] : memref<10000x128xf32, #tpu.memory_space<hbm>> -> memref<10000x128xf32, #tpu.memory_space<hbm>>
        tpu.enqueue_indirect_dma source(%dma_start3A_58 : memref<10000x128xf32, #tpu.memory_space<hbm>>) target(%dma_start3A_53 : memref<128x128xf32, #tpu.memory_space<vmem>>) offsets(%dma_start3A_55 : memref<128xi32, #tpu.memory_space<vmem>>) semaphore(%arg13 : memref<!tpu.dma_semaphore, #tpu.memory_space<semaphore_mem>>)
        %dma_start3A_59 = arith.constant 384 : i32
        %dma_start3A_60 = arith.constant 0 : i32
        %dma_start3A_61 = tpu.memref_slice %arg12[%dma_start3A_59, %dma_start3A_60] : memref<512x128xf32, #tpu.memory_space<vmem>> -> memref<128x128xf32, #tpu.memory_space<vmem>>
        %dma_start3A_62 = arith.constant 384 : i32
        %dma_start3A_63 = tpu.memref_slice %arg11[%dma_start3A_62] : memref<512xi32, #tpu.memory_space<vmem>> -> memref<128xi32, #tpu.memory_space<vmem>>
        %dma_start3A_64 = arith.constant 0 : i32
        %dma_start3A_65 = arith.constant 0 : i32
        %dma_start3A_66 = tpu.memref_slice %arg3[%dma_start3A_64, %dma_start3A_65] : memref<10000x128xf32, #tpu.memory_space<hbm>> -> memref<10000x128xf32, #tpu.memory_space<hbm>>
        tpu.enqueue_indirect_dma source(%dma_start3A_66 : memref<10000x128xf32, #tpu.memory_space<hbm>>) target(%dma_start3A_61 : memref<128x128xf32, #tpu.memory_space<vmem>>) offsets(%dma_start3A_63 : memref<128xi32, #tpu.memory_space<vmem>>) semaphore(%arg13 : memref<!tpu.dma_semaphore, #tpu.memory_space<semaphore_mem>>)
        %dma_wait3A = arith.constant 0 : i32
        %dma_wait3A_67 = arith.constant 0 : i32
        %dma_wait3A_68 = tpu.memref_slice %arg12[%dma_wait3A, %dma_wait3A_67] : memref<512x128xf32, #tpu.memory_space<vmem>> -> memref<128x128xf32, #tpu.memory_space<vmem>>
        %dma_wait3A_69 = arith.constant 0 : i32
        %dma_wait3A_70 = tpu.memref_slice %arg11[%dma_wait3A_69] : memref<512xi32, #tpu.memory_space<vmem>> -> memref<128xi32, #tpu.memory_space<vmem>>
        %dma_wait3A_71 = arith.constant 0 : i32
        %dma_wait3A_72 = arith.constant 0 : i32
        %dma_wait3A_73 = tpu.memref_slice %arg3[%dma_wait3A_71, %dma_wait3A_72] : memref<10000x128xf32, #tpu.memory_space<hbm>> -> memref<10000x128xf32, #tpu.memory_space<hbm>>
        tpu.wait_indirect_dma semaphore(%arg13 : memref<!tpu.dma_semaphore, #tpu.memory_space<semaphore_mem>>) src(%dma_wait3A_73 : memref<10000x128xf32, #tpu.memory_space<hbm>>) dst(%dma_wait3A_68 : memref<128x128xf32, #tpu.memory_space<vmem>>)
        %dma_wait3A_74 = arith.constant 128 : i32
        %dma_wait3A_75 = arith.constant 0 : i32
        %dma_wait3A_76 = tpu.memref_slice %arg12[%dma_wait3A_74, %dma_wait3A_75] : memref<512x128xf32, #tpu.memory_space<vmem>> -> memref<128x128xf32, #tpu.memory_space<vmem>>
        %dma_wait3A_77 = arith.constant 128 : i32
        %dma_wait3A_78 = tpu.memref_slice %arg11[%dma_wait3A_77] : memref<512xi32, #tpu.memory_space<vmem>> -> memref<128xi32, #tpu.memory_space<vmem>>
        %dma_wait3A_79 = arith.constant 0 : i32
        %dma_wait3A_80 = arith.constant 0 : i32
        %dma_wait3A_81 = tpu.memref_slice %arg3[%dma_wait3A_79, %dma_wait3A_80] : memref<10000x128xf32, #tpu.memory_space<hbm>> -> memref<10000x128xf32, #tpu.memory_space<hbm>>
        tpu.wait_indirect_dma semaphore(%arg13 : memref<!tpu.dma_semaphore, #tpu.memory_space<semaphore_mem>>) src(%dma_wait3A_81 : memref<10000x128xf32, #tpu.memory_space<hbm>>) dst(%dma_wait3A_76 : memref<128x128xf32, #tpu.memory_space<vmem>>)
        %dma_wait3A_82 = arith.constant 256 : i32
        %dma_wait3A_83 = arith.constant 0 : i32
        %dma_wait3A_84 = tpu.memref_slice %arg12[%dma_wait3A_82, %dma_wait3A_83] : memref<512x128xf32, #tpu.memory_space<vmem>> -> memref<128x128xf32, #tpu.memory_space<vmem>>
        %dma_wait3A_85 = arith.constant 256 : i32
        %dma_wait3A_86 = tpu.memref_slice %arg11[%dma_wait3A_85] : memref<512xi32, #tpu.memory_space<vmem>> -> memref<128xi32, #tpu.memory_space<vmem>>
        %dma_wait3A_87 = arith.constant 0 : i32
        %dma_wait3A_88 = arith.constant 0 : i32
        %dma_wait3A_89 = tpu.memref_slice %arg3[%dma_wait3A_87, %dma_wait3A_88] : memref<10000x128xf32, #tpu.memory_space<hbm>> -> memref<10000x128xf32, #tpu.memory_space<hbm>>
        tpu.wait_indirect_dma semaphore(%arg13 : memref<!tpu.dma_semaphore, #tpu.memory_space<semaphore_mem>>) src(%dma_wait3A_89 : memref<10000x128xf32, #tpu.memory_space<hbm>>) dst(%dma_wait3A_84 : memref<128x128xf32, #tpu.memory_space<vmem>>)
        %dma_wait3A_90 = arith.constant 384 : i32
        %dma_wait3A_91 = arith.constant 0 : i32
        %dma_wait3A_92 = tpu.memref_slice %arg12[%dma_wait3A_90, %dma_wait3A_91] : memref<512x128xf32, #tpu.memory_space<vmem>> -> memref<128x128xf32, #tpu.memory_space<vmem>>
        %dma_wait3A_93 = arith.constant 384 : i32
        %dma_wait3A_94 = tpu.memref_slice %arg11[%dma_wait3A_93] : memref<512xi32, #tpu.memory_space<vmem>> -> memref<128xi32, #tpu.memory_space<vmem>>
        %dma_wait3A_95 = arith.constant 0 : i32
        %dma_wait3A_96 = arith.constant 0 : i32
        %dma_wait3A_97 = tpu.memref_slice %arg3[%dma_wait3A_95, %dma_wait3A_96] : memref<10000x128xf32, #tpu.memory_space<hbm>> -> memref<10000x128xf32, #tpu.memory_space<hbm>>
        tpu.wait_indirect_dma semaphore(%arg13 : memref<!tpu.dma_semaphore, #tpu.memory_space<semaphore_mem>>) src(%dma_wait3A_97 : memref<10000x128xf32, #tpu.memory_space<hbm>>) dst(%dma_wait3A_92 : memref<128x128xf32, #tpu.memory_space<vmem>>)
        "tpu.region"() ({
          %run_scoped3A = tpu.sem_alloc : memref<!tpu.dma_semaphore, #tpu.memory_space<semaphore_mem>>
          %dma_start3A_98 = arith.constant 0 : i32
          %dma_start3A_99 = arith.constant 0 : i32
          %dma_start3A_100 = tpu.memref_slice %arg12[%dma_start3A_98, %dma_start3A_99] : memref<512x128xf32, #tpu.memory_space<vmem>> -> memref<512x128xf32, #tpu.memory_space<vmem>>
          %dma_start3A_101 = arith.constant 0 : i32
          %dma_start3A_102 = tpu.memref_slice %arg9[%mul3A_35, %dma_start3A_101] : memref<81920x128xf32, #tpu.memory_space<hbm>> -> memref<512x128xf32, #tpu.memory_space<hbm>>
          %dma_start3A_103 = arith.constant 0 : i32
          %dma_start3A_104 = tpu.memref_slice %arg9[%mul3A_35, %dma_start3A_103] : memref<81920x128xf32, #tpu.memory_space<hbm>> -> memref<512x128xf32, #tpu.memory_space<hbm>>
          %dma_start3A_105 = arith.constant 0 : i32
          %dma_start3A_106 = arith.constant 0 : i32
          %dma_start3A_107 = tpu.memref_slice %arg12[%dma_start3A_105, %dma_start3A_106] : memref<512x128xf32, #tpu.memory_space<vmem>> -> memref<512x128xf32, #tpu.memory_space<vmem>>
          tpu.enqueue_dma source(%dma_start3A_107 : memref<512x128xf32, #tpu.memory_space<vmem>>) target(%dma_start3A_104 : memref<512x128xf32, #tpu.memory_space<hbm>>) target_semaphore(%run_scoped3A : memref<!tpu.dma_semaphore, #tpu.memory_space<semaphore_mem>>)
          %dma_wait3A_108 = arith.constant 0 : i32
          %dma_wait3A_109 = arith.constant 0 : i32
          %dma_wait3A_110 = tpu.memref_slice %arg12[%dma_wait3A_108, %dma_wait3A_109] : memref<512x128xf32, #tpu.memory_space<vmem>> -> memref<512x128xf32, #tpu.memory_space<vmem>>
          %dma_wait3A_111 = arith.constant 0 : i32
          %dma_wait3A_112 = tpu.memref_slice %arg9[%mul3A_35, %dma_wait3A_111] : memref<81920x128xf32, #tpu.memory_space<hbm>> -> memref<512x128xf32, #tpu.memory_space<hbm>>
          %dma_wait3A_113 = arith.constant 0 : i32
          %dma_wait3A_114 = tpu.memref_slice %arg9[%mul3A_35, %dma_wait3A_113] : memref<81920x128xf32, #tpu.memory_space<hbm>> -> memref<512x128xf32, #tpu.memory_space<hbm>>
          %dma_wait3A_115 = arith.constant 0 : i32
          %dma_wait3A_116 = arith.constant 0 : i32
          %dma_wait3A_117 = tpu.memref_slice %arg12[%dma_wait3A_115, %dma_wait3A_116] : memref<512x128xf32, #tpu.memory_space<vmem>> -> memref<512x128xf32, #tpu.memory_space<vmem>>
          tpu.wait_dma2 semaphore(%run_scoped3A : memref<!tpu.dma_semaphore, #tpu.memory_space<semaphore_mem>>) src(%dma_wait3A_117 : memref<512x128xf32, #tpu.memory_space<vmem>>) dst(%dma_wait3A_114 : memref<512x128xf32, #tpu.memory_space<hbm>>)
          tpu.yield
        }) : () -> ()
      } else {
      }
    }
    %scan3A_9 = arith.constant 5 : i32
    %scan3A_10 = arith.constant 0 : i32
    %mul3A_11 = arith.constant 1 : i32
    %mul3A_12 = arith.muli %scan3A_10, %mul3A_11 : i32
    %add3A_13 = arith.constant 0 : i32
    %add3A_14 = arith.addi %add3A_13, %mul3A_12 : i32
    %mul3A_15 = arith.constant 32 : i32
    %mul3A_16 = arith.muli %add3A_14, %mul3A_15 : i32
    %add3A_17 = arith.addi %mul3A_16, %add3A : i32
    %lt3A = arith.constant 20 : i32
    %lt3A_18 = arith.cmpi slt, %add3A_17, %lt3A : i32
    %convert_element_type3A = arith.extui %lt3A_18 : i1 to i32
    %cond3A = arith.constant 0 : i32
    %cond3A_19 = arith.cmpi ne, %convert_element_type3A, %cond3A : i32
    scf.if %cond3A_19 {
      %mul3A_21 = arith.constant 512 : i32
      %mul3A_22 = arith.muli %add3A_17, %mul3A_21 : i32
      "tpu.region"() ({
        %run_scoped3A = tpu.sem_alloc : memref<!tpu.dma_semaphore, #tpu.memory_space<semaphore_mem>>
        %dma_start3A_85 = arith.constant 0 : i32
        %dma_start3A_86 = tpu.memref_slice %arg11[%dma_start3A_85] : memref<512xi32, #tpu.memory_space<vmem>> -> memref<512xi32, #tpu.memory_space<vmem>>
        %dma_start3A_87 = tpu.memref_slice %arg7[%mul3A_22] : memref<10240xi32, #tpu.memory_space<hbm>> -> memref<512xi32, #tpu.memory_space<hbm>>
        %dma_start3A_88 = arith.constant 0 : i32
        %dma_start3A_89 = tpu.memref_slice %arg11[%dma_start3A_88] : memref<512xi32, #tpu.memory_space<vmem>> -> memref<512xi32, #tpu.memory_space<vmem>>
        %dma_start3A_90 = tpu.memref_slice %arg7[%mul3A_22] : memref<10240xi32, #tpu.memory_space<hbm>> -> memref<512xi32, #tpu.memory_space<hbm>>
        tpu.enqueue_dma source(%dma_start3A_90 : memref<512xi32, #tpu.memory_space<hbm>>) target(%dma_start3A_89 : memref<512xi32, #tpu.memory_space<vmem>>) target_semaphore(%run_scoped3A : memref<!tpu.dma_semaphore, #tpu.memory_space<semaphore_mem>>)
        %dma_wait3A_91 = arith.constant 0 : i32
        %dma_wait3A_92 = tpu.memref_slice %arg11[%dma_wait3A_91] : memref<512xi32, #tpu.memory_space<vmem>> -> memref<512xi32, #tpu.memory_space<vmem>>
        %dma_wait3A_93 = tpu.memref_slice %arg7[%mul3A_22] : memref<10240xi32, #tpu.memory_space<hbm>> -> memref<512xi32, #tpu.memory_space<hbm>>
        %dma_wait3A_94 = arith.constant 0 : i32
        %dma_wait3A_95 = tpu.memref_slice %arg11[%dma_wait3A_94] : memref<512xi32, #tpu.memory_space<vmem>> -> memref<512xi32, #tpu.memory_space<vmem>>
        %dma_wait3A_96 = tpu.memref_slice %arg7[%mul3A_22] : memref<10240xi32, #tpu.memory_space<hbm>> -> memref<512xi32, #tpu.memory_space<hbm>>
        tpu.wait_dma2 semaphore(%run_scoped3A : memref<!tpu.dma_semaphore, #tpu.memory_space<semaphore_mem>>) src(%dma_wait3A_96 : memref<512xi32, #tpu.memory_space<hbm>>) dst(%dma_wait3A_95 : memref<512xi32, #tpu.memory_space<vmem>>)
        tpu.yield
      }) : () -> ()
      %dma_start3A = arith.constant 0 : i32
      %dma_start3A_23 = arith.constant 0 : i32
      %dma_start3A_24 = tpu.memref_slice %arg12[%dma_start3A, %dma_start3A_23] : memref<512x128xf32, #tpu.memory_space<vmem>> -> memref<128x128xf32, #tpu.memory_space<vmem>>
      %dma_start3A_25 = arith.constant 0 : i32
      %dma_start3A_26 = tpu.memref_slice %arg11[%dma_start3A_25] : memref<512xi32, #tpu.memory_space<vmem>> -> memref<128xi32, #tpu.memory_space<vmem>>
      %dma_start3A_27 = arith.constant 0 : i32
      %dma_start3A_28 = arith.constant 0 : i32
      %dma_start3A_29 = tpu.memref_slice %arg4[%dma_start3A_27, %dma_start3A_28] : memref<10000x128xf32, #tpu.memory_space<hbm>> -> memref<10000x128xf32, #tpu.memory_space<hbm>>
      tpu.enqueue_indirect_dma source(%dma_start3A_29 : memref<10000x128xf32, #tpu.memory_space<hbm>>) target(%dma_start3A_24 : memref<128x128xf32, #tpu.memory_space<vmem>>) offsets(%dma_start3A_26 : memref<128xi32, #tpu.memory_space<vmem>>) semaphore(%arg13 : memref<!tpu.dma_semaphore, #tpu.memory_space<semaphore_mem>>)
      %dma_start3A_30 = arith.constant 128 : i32
      %dma_start3A_31 = arith.constant 0 : i32
      %dma_start3A_32 = tpu.memref_slice %arg12[%dma_start3A_30, %dma_start3A_31] : memref<512x128xf32, #tpu.memory_space<vmem>> -> memref<128x128xf32, #tpu.memory_space<vmem>>
      %dma_start3A_33 = arith.constant 128 : i32
      %dma_start3A_34 = tpu.memref_slice %arg11[%dma_start3A_33] : memref<512xi32, #tpu.memory_space<vmem>> -> memref<128xi32, #tpu.memory_space<vmem>>
      %dma_start3A_35 = arith.constant 0 : i32
      %dma_start3A_36 = arith.constant 0 : i32
      %dma_start3A_37 = tpu.memref_slice %arg4[%dma_start3A_35, %dma_start3A_36] : memref<10000x128xf32, #tpu.memory_space<hbm>> -> memref<10000x128xf32, #tpu.memory_space<hbm>>
      tpu.enqueue_indirect_dma source(%dma_start3A_37 : memref<10000x128xf32, #tpu.memory_space<hbm>>) target(%dma_start3A_32 : memref<128x128xf32, #tpu.memory_space<vmem>>) offsets(%dma_start3A_34 : memref<128xi32, #tpu.memory_space<vmem>>) semaphore(%arg13 : memref<!tpu.dma_semaphore, #tpu.memory_space<semaphore_mem>>)
      %dma_start3A_38 = arith.constant 256 : i32
      %dma_start3A_39 = arith.constant 0 : i32
      %dma_start3A_40 = tpu.memref_slice %arg12[%dma_start3A_38, %dma_start3A_39] : memref<512x128xf32, #tpu.memory_space<vmem>> -> memref<128x128xf32, #tpu.memory_space<vmem>>
      %dma_start3A_41 = arith.constant 256 : i32
      %dma_start3A_42 = tpu.memref_slice %arg11[%dma_start3A_41] : memref<512xi32, #tpu.memory_space<vmem>> -> memref<128xi32, #tpu.memory_space<vmem>>
      %dma_start3A_43 = arith.constant 0 : i32
      %dma_start3A_44 = arith.constant 0 : i32
      %dma_start3A_45 = tpu.memref_slice %arg4[%dma_start3A_43, %dma_start3A_44] : memref<10000x128xf32, #tpu.memory_space<hbm>> -> memref<10000x128xf32, #tpu.memory_space<hbm>>
      tpu.enqueue_indirect_dma source(%dma_start3A_45 : memref<10000x128xf32, #tpu.memory_space<hbm>>) target(%dma_start3A_40 : memref<128x128xf32, #tpu.memory_space<vmem>>) offsets(%dma_start3A_42 : memref<128xi32, #tpu.memory_space<vmem>>) semaphore(%arg13 : memref<!tpu.dma_semaphore, #tpu.memory_space<semaphore_mem>>)
      %dma_start3A_46 = arith.constant 384 : i32
      %dma_start3A_47 = arith.constant 0 : i32
      %dma_start3A_48 = tpu.memref_slice %arg12[%dma_start3A_46, %dma_start3A_47] : memref<512x128xf32, #tpu.memory_space<vmem>> -> memref<128x128xf32, #tpu.memory_space<vmem>>
      %dma_start3A_49 = arith.constant 384 : i32
      %dma_start3A_50 = tpu.memref_slice %arg11[%dma_start3A_49] : memref<512xi32, #tpu.memory_space<vmem>> -> memref<128xi32, #tpu.memory_space<vmem>>
      %dma_start3A_51 = arith.constant 0 : i32
      %dma_start3A_52 = arith.constant 0 : i32
      %dma_start3A_53 = tpu.memref_slice %arg4[%dma_start3A_51, %dma_start3A_52] : memref<10000x128xf32, #tpu.memory_space<hbm>> -> memref<10000x128xf32, #tpu.memory_space<hbm>>
      tpu.enqueue_indirect_dma source(%dma_start3A_53 : memref<10000x128xf32, #tpu.memory_space<hbm>>) target(%dma_start3A_48 : memref<128x128xf32, #tpu.memory_space<vmem>>) offsets(%dma_start3A_50 : memref<128xi32, #tpu.memory_space<vmem>>) semaphore(%arg13 : memref<!tpu.dma_semaphore, #tpu.memory_space<semaphore_mem>>)
      %dma_wait3A = arith.constant 0 : i32
      %dma_wait3A_54 = arith.constant 0 : i32
      %dma_wait3A_55 = tpu.memref_slice %arg12[%dma_wait3A, %dma_wait3A_54] : memref<512x128xf32, #tpu.memory_space<vmem>> -> memref<128x128xf32, #tpu.memory_space<vmem>>
      %dma_wait3A_56 = arith.constant 0 : i32
      %dma_wait3A_57 = tpu.memref_slice %arg11[%dma_wait3A_56] : memref<512xi32, #tpu.memory_space<vmem>> -> memref<128xi32, #tpu.memory_space<vmem>>
      %dma_wait3A_58 = arith.constant 0 : i32
      %dma_wait3A_59 = arith.constant 0 : i32
      %dma_wait3A_60 = tpu.memref_slice %arg4[%dma_wait3A_58, %dma_wait3A_59] : memref<10000x128xf32, #tpu.memory_space<hbm>> -> memref<10000x128xf32, #tpu.memory_space<hbm>>
      tpu.wait_indirect_dma semaphore(%arg13 : memref<!tpu.dma_semaphore, #tpu.memory_space<semaphore_mem>>) src(%dma_wait3A_60 : memref<10000x128xf32, #tpu.memory_space<hbm>>) dst(%dma_wait3A_55 : memref<128x128xf32, #tpu.memory_space<vmem>>)
      %dma_wait3A_61 = arith.constant 128 : i32
      %dma_wait3A_62 = arith.constant 0 : i32
      %dma_wait3A_63 = tpu.memref_slice %arg12[%dma_wait3A_61, %dma_wait3A_62] : memref<512x128xf32, #tpu.memory_space<vmem>> -> memref<128x128xf32, #tpu.memory_space<vmem>>
      %dma_wait3A_64 = arith.constant 128 : i32
      %dma_wait3A_65 = tpu.memref_slice %arg11[%dma_wait3A_64] : memref<512xi32, #tpu.memory_space<vmem>> -> memref<128xi32, #tpu.memory_space<vmem>>
      %dma_wait3A_66 = arith.constant 0 : i32
      %dma_wait3A_67 = arith.constant 0 : i32
      %dma_wait3A_68 = tpu.memref_slice %arg4[%dma_wait3A_66, %dma_wait3A_67] : memref<10000x128xf32, #tpu.memory_space<hbm>> -> memref<10000x128xf32, #tpu.memory_space<hbm>>
      tpu.wait_indirect_dma semaphore(%arg13 : memref<!tpu.dma_semaphore, #tpu.memory_space<semaphore_mem>>) src(%dma_wait3A_68 : memref<10000x128xf32, #tpu.memory_space<hbm>>) dst(%dma_wait3A_63 : memref<128x128xf32, #tpu.memory_space<vmem>>)
      %dma_wait3A_69 = arith.constant 256 : i32
      %dma_wait3A_70 = arith.constant 0 : i32
      %dma_wait3A_71 = tpu.memref_slice %arg12[%dma_wait3A_69, %dma_wait3A_70] : memref<512x128xf32, #tpu.memory_space<vmem>> -> memref<128x128xf32, #tpu.memory_space<vmem>>
      %dma_wait3A_72 = arith.constant 256 : i32
      %dma_wait3A_73 = tpu.memref_slice %arg11[%dma_wait3A_72] : memref<512xi32, #tpu.memory_space<vmem>> -> memref<128xi32, #tpu.memory_space<vmem>>
      %dma_wait3A_74 = arith.constant 0 : i32
      %dma_wait3A_75 = arith.constant 0 : i32
      %dma_wait3A_76 = tpu.memref_slice %arg4[%dma_wait3A_74, %dma_wait3A_75] : memref<10000x128xf32, #tpu.memory_space<hbm>> -> memref<10000x128xf32, #tpu.memory_space<hbm>>
      tpu.wait_indirect_dma semaphore(%arg13 : memref<!tpu.dma_semaphore, #tpu.memory_space<semaphore_mem>>) src(%dma_wait3A_76 : memref<10000x128xf32, #tpu.memory_space<hbm>>) dst(%dma_wait3A_71 : memref<128x128xf32, #tpu.memory_space<vmem>>)
      %dma_wait3A_77 = arith.constant 384 : i32
      %dma_wait3A_78 = arith.constant 0 : i32
      %dma_wait3A_79 = tpu.memref_slice %arg12[%dma_wait3A_77, %dma_wait3A_78] : memref<512x128xf32, #tpu.memory_space<vmem>> -> memref<128x128xf32, #tpu.memory_space<vmem>>
      %dma_wait3A_80 = arith.constant 384 : i32
      %dma_wait3A_81 = tpu.memref_slice %arg11[%dma_wait3A_80] : memref<512xi32, #tpu.memory_space<vmem>> -> memref<128xi32, #tpu.memory_space<vmem>>
      %dma_wait3A_82 = arith.constant 0 : i32
      %dma_wait3A_83 = arith.constant 0 : i32
      %dma_wait3A_84 = tpu.memref_slice %arg4[%dma_wait3A_82, %dma_wait3A_83] : memref<10000x128xf32, #tpu.memory_space<hbm>> -> memref<10000x128xf32, #tpu.memory_space<hbm>>
      tpu.wait_indirect_dma semaphore(%arg13 : memref<!tpu.dma_semaphore, #tpu.memory_space<semaphore_mem>>) src(%dma_wait3A_84 : memref<10000x128xf32, #tpu.memory_space<hbm>>) dst(%dma_wait3A_79 : memref<128x128xf32, #tpu.memory_space<vmem>>)
      "tpu.region"() ({
        %run_scoped3A = tpu.sem_alloc : memref<!tpu.dma_semaphore, #tpu.memory_space<semaphore_mem>>
        %dma_start3A_85 = arith.constant 0 : i32
        %dma_start3A_86 = arith.constant 0 : i32
        %dma_start3A_87 = tpu.memref_slice %arg12[%dma_start3A_85, %dma_start3A_86] : memref<512x128xf32, #tpu.memory_space<vmem>> -> memref<512x128xf32, #tpu.memory_space<vmem>>
        %dma_start3A_88 = arith.constant 0 : i32
        %dma_start3A_89 = tpu.memref_slice %arg10[%mul3A_22, %dma_start3A_88] : memref<10240x128xf32, #tpu.memory_space<hbm>> -> memref<512x128xf32, #tpu.memory_space<hbm>>
        %dma_start3A_90 = arith.constant 0 : i32
        %dma_start3A_91 = tpu.memref_slice %arg10[%mul3A_22, %dma_start3A_90] : memref<10240x128xf32, #tpu.memory_space<hbm>> -> memref<512x128xf32, #tpu.memory_space<hbm>>
        %dma_start3A_92 = arith.constant 0 : i32
        %dma_start3A_93 = arith.constant 0 : i32
        %dma_start3A_94 = tpu.memref_slice %arg12[%dma_start3A_92, %dma_start3A_93] : memref<512x128xf32, #tpu.memory_space<vmem>> -> memref<512x128xf32, #tpu.memory_space<vmem>>
        tpu.enqueue_dma source(%dma_start3A_94 : memref<512x128xf32, #tpu.memory_space<vmem>>) target(%dma_start3A_91 : memref<512x128xf32, #tpu.memory_space<hbm>>) target_semaphore(%run_scoped3A : memref<!tpu.dma_semaphore, #tpu.memory_space<semaphore_mem>>)
        %dma_wait3A_95 = arith.constant 0 : i32
        %dma_wait3A_96 = arith.constant 0 : i32
        %dma_wait3A_97 = tpu.memref_slice %arg12[%dma_wait3A_95, %dma_wait3A_96] : memref<512x128xf32, #tpu.memory_space<vmem>> -> memref<512x128xf32, #tpu.memory_space<vmem>>
        %dma_wait3A_98 = arith.constant 0 : i32
        %dma_wait3A_99 = tpu.memref_slice %arg10[%mul3A_22, %dma_wait3A_98] : memref<10240x128xf32, #tpu.memory_space<hbm>> -> memref<512x128xf32, #tpu.memory_space<hbm>>
        %dma_wait3A_100 = arith.constant 0 : i32
        %dma_wait3A_101 = tpu.memref_slice %arg10[%mul3A_22, %dma_wait3A_100] : memref<10240x128xf32, #tpu.memory_space<hbm>> -> memref<512x128xf32, #tpu.memory_space<hbm>>
        %dma_wait3A_102 = arith.constant 0 : i32
        %dma_wait3A_103 = arith.constant 0 : i32
        %dma_wait3A_104 = tpu.memref_slice %arg12[%dma_wait3A_102, %dma_wait3A_103] : memref<512x128xf32, #tpu.memory_space<vmem>> -> memref<512x128xf32, #tpu.memory_space<vmem>>
        tpu.wait_dma2 semaphore(%run_scoped3A : memref<!tpu.dma_semaphore, #tpu.memory_space<semaphore_mem>>) src(%dma_wait3A_104 : memref<512x128xf32, #tpu.memory_space<vmem>>) dst(%dma_wait3A_101 : memref<512x128xf32, #tpu.memory_space<hbm>>)
        tpu.yield
      }) : () -> ()
    } else {
    }
    %scan3A_20 = arith.constant 1 : i32
    return
  }
}

#map = affine_map<(d0, d1) -> (0, 0)>
#map1 = affine_map<(d0, d1) -> (0)>
module attributes {stable_mosaic.version = 14 : i64} {
  func.func @k(%arg0: i32, %arg1: i32, %arg2: memref<10000x128xf32, #tpu.memory_space<hbm>>, %arg3: memref<10000x128xf32, #tpu.memory_space<hbm>>, %arg4: memref<78080xi32, #tpu.memory_space<hbm>>, %arg5: memref<78080xi32, #tpu.memory_space<hbm>>, %arg6: memref<78080x128xf32, #tpu.memory_space<hbm>>, %arg7: memref<78080x128xf32, #tpu.memory_space<hbm>>, %arg8: memref<512xi32, #tpu.memory_space<vmem>>, %arg9: memref<512x128xf32, #tpu.memory_space<vmem>>, %arg10: memref<!tpu.dma_semaphore, #tpu.memory_space<semaphore_mem>>) attributes {dimension_semantics = [#tpu.dimension_semantics<core_parallel>, #tpu.dimension_semantics<subcore_parallel>], iteration_bounds = array<i64: 2, 16>, scalar_prefetch = 0 : i64, scratch_operands = 3 : i64, tpu.core_type = #tpu.core_type<sc_vector_subcore>, window_params = [{transform_indices = #map}, {transform_indices = #map}, {transform_indices = #map1}, {transform_indices = #map1}, {transform_indices = #map}, {transform_indices = #map}]} {
    %mul3A = arith.constant 2 : i32
    %mul3A_0 = arith.muli %arg1, %mul3A : i32
    %add3A = arith.addi %mul3A_0, %arg0 : i32
    %scan3A = arith.constant 0 : i32
    %scan3A_1 = arith.constant 5 : i32
    %scan3A_2 = arith.addi %scan3A, %scan3A_1 : i32
    %scan3A_3 = arith.constant 1 : i32
    scf.for %scan3A_17 = %scan3A to %scan3A_2 step %scan3A_3  : i32 {
      %mul3A_18 = arith.constant 1 : i32
      %mul3A_19 = arith.muli %scan3A_17, %mul3A_18 : i32
      %add3A_20 = arith.constant 0 : i32
      %add3A_21 = arith.addi %add3A_20, %mul3A_19 : i32
      %mul3A_22 = arith.constant 32 : i32
      %mul3A_23 = arith.muli %add3A_21, %mul3A_22 : i32
      %add3A_24 = arith.addi %mul3A_23, %add3A : i32
      %lt3A = arith.constant 152 : i32
      %lt3A_25 = arith.cmpi slt, %add3A_24, %lt3A : i32
      %convert_element_type3A_26 = arith.extui %lt3A_25 : i1 to i32
      %cond3A_27 = arith.constant 0 : i32
      %cond3A_28 = arith.cmpi ne, %convert_element_type3A_26, %cond3A_27 : i32
      scf.if %cond3A_28 {
        %mul3A_29 = arith.constant 512 : i32
        %mul3A_30 = arith.muli %add3A_24, %mul3A_29 : i32
        "tpu.region"() ({
          %run_scoped3A = tpu.sem_alloc : memref<!tpu.dma_semaphore, #tpu.memory_space<semaphore_mem>>
          %dma_start3A_93 = arith.constant 0 : i32
          %dma_start3A_94 = tpu.memref_slice %arg8[%dma_start3A_93] : memref<512xi32, #tpu.memory_space<vmem>> -> memref<512xi32, #tpu.memory_space<vmem>>
          %dma_start3A_95 = tpu.memref_slice %arg4[%mul3A_30] : memref<78080xi32, #tpu.memory_space<hbm>> -> memref<512xi32, #tpu.memory_space<hbm>>
          %dma_start3A_96 = arith.constant 0 : i32
          %dma_start3A_97 = tpu.memref_slice %arg8[%dma_start3A_96] : memref<512xi32, #tpu.memory_space<vmem>> -> memref<512xi32, #tpu.memory_space<vmem>>
          %dma_start3A_98 = tpu.memref_slice %arg4[%mul3A_30] : memref<78080xi32, #tpu.memory_space<hbm>> -> memref<512xi32, #tpu.memory_space<hbm>>
          tpu.enqueue_dma source(%dma_start3A_98 : memref<512xi32, #tpu.memory_space<hbm>>) target(%dma_start3A_97 : memref<512xi32, #tpu.memory_space<vmem>>) target_semaphore(%run_scoped3A : memref<!tpu.dma_semaphore, #tpu.memory_space<semaphore_mem>>)
          %dma_wait3A_99 = arith.constant 0 : i32
          %dma_wait3A_100 = tpu.memref_slice %arg8[%dma_wait3A_99] : memref<512xi32, #tpu.memory_space<vmem>> -> memref<512xi32, #tpu.memory_space<vmem>>
          %dma_wait3A_101 = tpu.memref_slice %arg4[%mul3A_30] : memref<78080xi32, #tpu.memory_space<hbm>> -> memref<512xi32, #tpu.memory_space<hbm>>
          %dma_wait3A_102 = arith.constant 0 : i32
          %dma_wait3A_103 = tpu.memref_slice %arg8[%dma_wait3A_102] : memref<512xi32, #tpu.memory_space<vmem>> -> memref<512xi32, #tpu.memory_space<vmem>>
          %dma_wait3A_104 = tpu.memref_slice %arg4[%mul3A_30] : memref<78080xi32, #tpu.memory_space<hbm>> -> memref<512xi32, #tpu.memory_space<hbm>>
          tpu.wait_dma2 semaphore(%run_scoped3A : memref<!tpu.dma_semaphore, #tpu.memory_space<semaphore_mem>>) src(%dma_wait3A_104 : memref<512xi32, #tpu.memory_space<hbm>>) dst(%dma_wait3A_103 : memref<512xi32, #tpu.memory_space<vmem>>)
          tpu.yield
        }) : () -> ()
        %dma_start3A = arith.constant 0 : i32
        %dma_start3A_31 = arith.constant 0 : i32
        %dma_start3A_32 = tpu.memref_slice %arg9[%dma_start3A, %dma_start3A_31] : memref<512x128xf32, #tpu.memory_space<vmem>> -> memref<128x128xf32, #tpu.memory_space<vmem>>
        %dma_start3A_33 = arith.constant 0 : i32
        %dma_start3A_34 = tpu.memref_slice %arg8[%dma_start3A_33] : memref<512xi32, #tpu.memory_space<vmem>> -> memref<128xi32, #tpu.memory_space<vmem>>
        %dma_start3A_35 = arith.constant 0 : i32
        %dma_start3A_36 = arith.constant 0 : i32
        %dma_start3A_37 = tpu.memref_slice %arg2[%dma_start3A_35, %dma_start3A_36] : memref<10000x128xf32, #tpu.memory_space<hbm>> -> memref<10000x128xf32, #tpu.memory_space<hbm>>
        tpu.enqueue_indirect_dma source(%dma_start3A_37 : memref<10000x128xf32, #tpu.memory_space<hbm>>) target(%dma_start3A_32 : memref<128x128xf32, #tpu.memory_space<vmem>>) offsets(%dma_start3A_34 : memref<128xi32, #tpu.memory_space<vmem>>) semaphore(%arg10 : memref<!tpu.dma_semaphore, #tpu.memory_space<semaphore_mem>>)
        %dma_start3A_38 = arith.constant 128 : i32
        %dma_start3A_39 = arith.constant 0 : i32
        %dma_start3A_40 = tpu.memref_slice %arg9[%dma_start3A_38, %dma_start3A_39] : memref<512x128xf32, #tpu.memory_space<vmem>> -> memref<128x128xf32, #tpu.memory_space<vmem>>
        %dma_start3A_41 = arith.constant 128 : i32
        %dma_start3A_42 = tpu.memref_slice %arg8[%dma_start3A_41] : memref<512xi32, #tpu.memory_space<vmem>> -> memref<128xi32, #tpu.memory_space<vmem>>
        %dma_start3A_43 = arith.constant 0 : i32
        %dma_start3A_44 = arith.constant 0 : i32
        %dma_start3A_45 = tpu.memref_slice %arg2[%dma_start3A_43, %dma_start3A_44] : memref<10000x128xf32, #tpu.memory_space<hbm>> -> memref<10000x128xf32, #tpu.memory_space<hbm>>
        tpu.enqueue_indirect_dma source(%dma_start3A_45 : memref<10000x128xf32, #tpu.memory_space<hbm>>) target(%dma_start3A_40 : memref<128x128xf32, #tpu.memory_space<vmem>>) offsets(%dma_start3A_42 : memref<128xi32, #tpu.memory_space<vmem>>) semaphore(%arg10 : memref<!tpu.dma_semaphore, #tpu.memory_space<semaphore_mem>>)
        %dma_start3A_46 = arith.constant 256 : i32
        %dma_start3A_47 = arith.constant 0 : i32
        %dma_start3A_48 = tpu.memref_slice %arg9[%dma_start3A_46, %dma_start3A_47] : memref<512x128xf32, #tpu.memory_space<vmem>> -> memref<128x128xf32, #tpu.memory_space<vmem>>
        %dma_start3A_49 = arith.constant 256 : i32
        %dma_start3A_50 = tpu.memref_slice %arg8[%dma_start3A_49] : memref<512xi32, #tpu.memory_space<vmem>> -> memref<128xi32, #tpu.memory_space<vmem>>
        %dma_start3A_51 = arith.constant 0 : i32
        %dma_start3A_52 = arith.constant 0 : i32
        %dma_start3A_53 = tpu.memref_slice %arg2[%dma_start3A_51, %dma_start3A_52] : memref<10000x128xf32, #tpu.memory_space<hbm>> -> memref<10000x128xf32, #tpu.memory_space<hbm>>
        tpu.enqueue_indirect_dma source(%dma_start3A_53 : memref<10000x128xf32, #tpu.memory_space<hbm>>) target(%dma_start3A_48 : memref<128x128xf32, #tpu.memory_space<vmem>>) offsets(%dma_start3A_50 : memref<128xi32, #tpu.memory_space<vmem>>) semaphore(%arg10 : memref<!tpu.dma_semaphore, #tpu.memory_space<semaphore_mem>>)
        %dma_start3A_54 = arith.constant 384 : i32
        %dma_start3A_55 = arith.constant 0 : i32
        %dma_start3A_56 = tpu.memref_slice %arg9[%dma_start3A_54, %dma_start3A_55] : memref<512x128xf32, #tpu.memory_space<vmem>> -> memref<128x128xf32, #tpu.memory_space<vmem>>
        %dma_start3A_57 = arith.constant 384 : i32
        %dma_start3A_58 = tpu.memref_slice %arg8[%dma_start3A_57] : memref<512xi32, #tpu.memory_space<vmem>> -> memref<128xi32, #tpu.memory_space<vmem>>
        %dma_start3A_59 = arith.constant 0 : i32
        %dma_start3A_60 = arith.constant 0 : i32
        %dma_start3A_61 = tpu.memref_slice %arg2[%dma_start3A_59, %dma_start3A_60] : memref<10000x128xf32, #tpu.memory_space<hbm>> -> memref<10000x128xf32, #tpu.memory_space<hbm>>
        tpu.enqueue_indirect_dma source(%dma_start3A_61 : memref<10000x128xf32, #tpu.memory_space<hbm>>) target(%dma_start3A_56 : memref<128x128xf32, #tpu.memory_space<vmem>>) offsets(%dma_start3A_58 : memref<128xi32, #tpu.memory_space<vmem>>) semaphore(%arg10 : memref<!tpu.dma_semaphore, #tpu.memory_space<semaphore_mem>>)
        %dma_wait3A = arith.constant 0 : i32
        %dma_wait3A_62 = arith.constant 0 : i32
        %dma_wait3A_63 = tpu.memref_slice %arg9[%dma_wait3A, %dma_wait3A_62] : memref<512x128xf32, #tpu.memory_space<vmem>> -> memref<128x128xf32, #tpu.memory_space<vmem>>
        %dma_wait3A_64 = arith.constant 0 : i32
        %dma_wait3A_65 = tpu.memref_slice %arg8[%dma_wait3A_64] : memref<512xi32, #tpu.memory_space<vmem>> -> memref<128xi32, #tpu.memory_space<vmem>>
        %dma_wait3A_66 = arith.constant 0 : i32
        %dma_wait3A_67 = arith.constant 0 : i32
        %dma_wait3A_68 = tpu.memref_slice %arg2[%dma_wait3A_66, %dma_wait3A_67] : memref<10000x128xf32, #tpu.memory_space<hbm>> -> memref<10000x128xf32, #tpu.memory_space<hbm>>
        tpu.wait_indirect_dma semaphore(%arg10 : memref<!tpu.dma_semaphore, #tpu.memory_space<semaphore_mem>>) src(%dma_wait3A_68 : memref<10000x128xf32, #tpu.memory_space<hbm>>) dst(%dma_wait3A_63 : memref<128x128xf32, #tpu.memory_space<vmem>>)
        %dma_wait3A_69 = arith.constant 128 : i32
        %dma_wait3A_70 = arith.constant 0 : i32
        %dma_wait3A_71 = tpu.memref_slice %arg9[%dma_wait3A_69, %dma_wait3A_70] : memref<512x128xf32, #tpu.memory_space<vmem>> -> memref<128x128xf32, #tpu.memory_space<vmem>>
        %dma_wait3A_72 = arith.constant 128 : i32
        %dma_wait3A_73 = tpu.memref_slice %arg8[%dma_wait3A_72] : memref<512xi32, #tpu.memory_space<vmem>> -> memref<128xi32, #tpu.memory_space<vmem>>
        %dma_wait3A_74 = arith.constant 0 : i32
        %dma_wait3A_75 = arith.constant 0 : i32
        %dma_wait3A_76 = tpu.memref_slice %arg2[%dma_wait3A_74, %dma_wait3A_75] : memref<10000x128xf32, #tpu.memory_space<hbm>> -> memref<10000x128xf32, #tpu.memory_space<hbm>>
        tpu.wait_indirect_dma semaphore(%arg10 : memref<!tpu.dma_semaphore, #tpu.memory_space<semaphore_mem>>) src(%dma_wait3A_76 : memref<10000x128xf32, #tpu.memory_space<hbm>>) dst(%dma_wait3A_71 : memref<128x128xf32, #tpu.memory_space<vmem>>)
        %dma_wait3A_77 = arith.constant 256 : i32
        %dma_wait3A_78 = arith.constant 0 : i32
        %dma_wait3A_79 = tpu.memref_slice %arg9[%dma_wait3A_77, %dma_wait3A_78] : memref<512x128xf32, #tpu.memory_space<vmem>> -> memref<128x128xf32, #tpu.memory_space<vmem>>
        %dma_wait3A_80 = arith.constant 256 : i32
        %dma_wait3A_81 = tpu.memref_slice %arg8[%dma_wait3A_80] : memref<512xi32, #tpu.memory_space<vmem>> -> memref<128xi32, #tpu.memory_space<vmem>>
        %dma_wait3A_82 = arith.constant 0 : i32
        %dma_wait3A_83 = arith.constant 0 : i32
        %dma_wait3A_84 = tpu.memref_slice %arg2[%dma_wait3A_82, %dma_wait3A_83] : memref<10000x128xf32, #tpu.memory_space<hbm>> -> memref<10000x128xf32, #tpu.memory_space<hbm>>
        tpu.wait_indirect_dma semaphore(%arg10 : memref<!tpu.dma_semaphore, #tpu.memory_space<semaphore_mem>>) src(%dma_wait3A_84 : memref<10000x128xf32, #tpu.memory_space<hbm>>) dst(%dma_wait3A_79 : memref<128x128xf32, #tpu.memory_space<vmem>>)
        %dma_wait3A_85 = arith.constant 384 : i32
        %dma_wait3A_86 = arith.constant 0 : i32
        %dma_wait3A_87 = tpu.memref_slice %arg9[%dma_wait3A_85, %dma_wait3A_86] : memref<512x128xf32, #tpu.memory_space<vmem>> -> memref<128x128xf32, #tpu.memory_space<vmem>>
        %dma_wait3A_88 = arith.constant 384 : i32
        %dma_wait3A_89 = tpu.memref_slice %arg8[%dma_wait3A_88] : memref<512xi32, #tpu.memory_space<vmem>> -> memref<128xi32, #tpu.memory_space<vmem>>
        %dma_wait3A_90 = arith.constant 0 : i32
        %dma_wait3A_91 = arith.constant 0 : i32
        %dma_wait3A_92 = tpu.memref_slice %arg2[%dma_wait3A_90, %dma_wait3A_91] : memref<10000x128xf32, #tpu.memory_space<hbm>> -> memref<10000x128xf32, #tpu.memory_space<hbm>>
        tpu.wait_indirect_dma semaphore(%arg10 : memref<!tpu.dma_semaphore, #tpu.memory_space<semaphore_mem>>) src(%dma_wait3A_92 : memref<10000x128xf32, #tpu.memory_space<hbm>>) dst(%dma_wait3A_87 : memref<128x128xf32, #tpu.memory_space<vmem>>)
        "tpu.region"() ({
          %run_scoped3A = tpu.sem_alloc : memref<!tpu.dma_semaphore, #tpu.memory_space<semaphore_mem>>
          %dma_start3A_93 = arith.constant 0 : i32
          %dma_start3A_94 = arith.constant 0 : i32
          %dma_start3A_95 = tpu.memref_slice %arg9[%dma_start3A_93, %dma_start3A_94] : memref<512x128xf32, #tpu.memory_space<vmem>> -> memref<512x128xf32, #tpu.memory_space<vmem>>
          %dma_start3A_96 = arith.constant 0 : i32
          %dma_start3A_97 = tpu.memref_slice %arg6[%mul3A_30, %dma_start3A_96] : memref<78080x128xf32, #tpu.memory_space<hbm>> -> memref<512x128xf32, #tpu.memory_space<hbm>>
          %dma_start3A_98 = arith.constant 0 : i32
          %dma_start3A_99 = tpu.memref_slice %arg6[%mul3A_30, %dma_start3A_98] : memref<78080x128xf32, #tpu.memory_space<hbm>> -> memref<512x128xf32, #tpu.memory_space<hbm>>
          %dma_start3A_100 = arith.constant 0 : i32
          %dma_start3A_101 = arith.constant 0 : i32
          %dma_start3A_102 = tpu.memref_slice %arg9[%dma_start3A_100, %dma_start3A_101] : memref<512x128xf32, #tpu.memory_space<vmem>> -> memref<512x128xf32, #tpu.memory_space<vmem>>
          tpu.enqueue_dma source(%dma_start3A_102 : memref<512x128xf32, #tpu.memory_space<vmem>>) target(%dma_start3A_99 : memref<512x128xf32, #tpu.memory_space<hbm>>) target_semaphore(%run_scoped3A : memref<!tpu.dma_semaphore, #tpu.memory_space<semaphore_mem>>)
          %dma_wait3A_103 = arith.constant 0 : i32
          %dma_wait3A_104 = arith.constant 0 : i32
          %dma_wait3A_105 = tpu.memref_slice %arg9[%dma_wait3A_103, %dma_wait3A_104] : memref<512x128xf32, #tpu.memory_space<vmem>> -> memref<512x128xf32, #tpu.memory_space<vmem>>
          %dma_wait3A_106 = arith.constant 0 : i32
          %dma_wait3A_107 = tpu.memref_slice %arg6[%mul3A_30, %dma_wait3A_106] : memref<78080x128xf32, #tpu.memory_space<hbm>> -> memref<512x128xf32, #tpu.memory_space<hbm>>
          %dma_wait3A_108 = arith.constant 0 : i32
          %dma_wait3A_109 = tpu.memref_slice %arg6[%mul3A_30, %dma_wait3A_108] : memref<78080x128xf32, #tpu.memory_space<hbm>> -> memref<512x128xf32, #tpu.memory_space<hbm>>
          %dma_wait3A_110 = arith.constant 0 : i32
          %dma_wait3A_111 = arith.constant 0 : i32
          %dma_wait3A_112 = tpu.memref_slice %arg9[%dma_wait3A_110, %dma_wait3A_111] : memref<512x128xf32, #tpu.memory_space<vmem>> -> memref<512x128xf32, #tpu.memory_space<vmem>>
          tpu.wait_dma2 semaphore(%run_scoped3A : memref<!tpu.dma_semaphore, #tpu.memory_space<semaphore_mem>>) src(%dma_wait3A_112 : memref<512x128xf32, #tpu.memory_space<vmem>>) dst(%dma_wait3A_109 : memref<512x128xf32, #tpu.memory_space<hbm>>)
          tpu.yield
        }) : () -> ()
      } else {
      }
    }
    %scan3A_4 = arith.constant 5 : i32
    %eq3A = arith.constant 0 : i32
    %eq3A_5 = arith.cmpi eq, %add3A, %eq3A : i32
    %convert_element_type3A = arith.extui %eq3A_5 : i1 to i32
    %cond3A = arith.constant 0 : i32
    %cond3A_6 = arith.cmpi ne, %convert_element_type3A, %cond3A : i32
    scf.if %cond3A_6 {
      "tpu.region"() ({
        %run_scoped3A = tpu.sem_alloc : memref<!tpu.dma_semaphore, #tpu.memory_space<semaphore_mem>>
        %dma_start3A_47 = arith.constant 0 : i32
        %dma_start3A_48 = tpu.memref_slice %arg8[%dma_start3A_47] : memref<512xi32, #tpu.memory_space<vmem>> -> memref<256xi32, #tpu.memory_space<vmem>>
        %dma_start3A_49 = arith.constant 77824 : i32
        %dma_start3A_50 = tpu.memref_slice %arg4[%dma_start3A_49] : memref<78080xi32, #tpu.memory_space<hbm>> -> memref<256xi32, #tpu.memory_space<hbm>>
        %dma_start3A_51 = arith.constant 0 : i32
        %dma_start3A_52 = tpu.memref_slice %arg8[%dma_start3A_51] : memref<512xi32, #tpu.memory_space<vmem>> -> memref<256xi32, #tpu.memory_space<vmem>>
        %dma_start3A_53 = arith.constant 77824 : i32
        %dma_start3A_54 = tpu.memref_slice %arg4[%dma_start3A_53] : memref<78080xi32, #tpu.memory_space<hbm>> -> memref<256xi32, #tpu.memory_space<hbm>>
        tpu.enqueue_dma source(%dma_start3A_54 : memref<256xi32, #tpu.memory_space<hbm>>) target(%dma_start3A_52 : memref<256xi32, #tpu.memory_space<vmem>>) target_semaphore(%run_scoped3A : memref<!tpu.dma_semaphore, #tpu.memory_space<semaphore_mem>>)
        %dma_wait3A_55 = arith.constant 0 : i32
        %dma_wait3A_56 = tpu.memref_slice %arg8[%dma_wait3A_55] : memref<512xi32, #tpu.memory_space<vmem>> -> memref<256xi32, #tpu.memory_space<vmem>>
        %dma_wait3A_57 = arith.constant 77824 : i32
        %dma_wait3A_58 = tpu.memref_slice %arg4[%dma_wait3A_57] : memref<78080xi32, #tpu.memory_space<hbm>> -> memref<256xi32, #tpu.memory_space<hbm>>
        %dma_wait3A_59 = arith.constant 0 : i32
        %dma_wait3A_60 = tpu.memref_slice %arg8[%dma_wait3A_59] : memref<512xi32, #tpu.memory_space<vmem>> -> memref<256xi32, #tpu.memory_space<vmem>>
        %dma_wait3A_61 = arith.constant 77824 : i32
        %dma_wait3A_62 = tpu.memref_slice %arg4[%dma_wait3A_61] : memref<78080xi32, #tpu.memory_space<hbm>> -> memref<256xi32, #tpu.memory_space<hbm>>
        tpu.wait_dma2 semaphore(%run_scoped3A : memref<!tpu.dma_semaphore, #tpu.memory_space<semaphore_mem>>) src(%dma_wait3A_62 : memref<256xi32, #tpu.memory_space<hbm>>) dst(%dma_wait3A_60 : memref<256xi32, #tpu.memory_space<vmem>>)
        tpu.yield
      }) : () -> ()
      %dma_start3A = arith.constant 0 : i32
      %dma_start3A_17 = arith.constant 0 : i32
      %dma_start3A_18 = tpu.memref_slice %arg9[%dma_start3A, %dma_start3A_17] : memref<512x128xf32, #tpu.memory_space<vmem>> -> memref<128x128xf32, #tpu.memory_space<vmem>>
      %dma_start3A_19 = arith.constant 0 : i32
      %dma_start3A_20 = tpu.memref_slice %arg8[%dma_start3A_19] : memref<512xi32, #tpu.memory_space<vmem>> -> memref<128xi32, #tpu.memory_space<vmem>>
      %dma_start3A_21 = arith.constant 0 : i32
      %dma_start3A_22 = arith.constant 0 : i32
      %dma_start3A_23 = tpu.memref_slice %arg2[%dma_start3A_21, %dma_start3A_22] : memref<10000x128xf32, #tpu.memory_space<hbm>> -> memref<10000x128xf32, #tpu.memory_space<hbm>>
      tpu.enqueue_indirect_dma source(%dma_start3A_23 : memref<10000x128xf32, #tpu.memory_space<hbm>>) target(%dma_start3A_18 : memref<128x128xf32, #tpu.memory_space<vmem>>) offsets(%dma_start3A_20 : memref<128xi32, #tpu.memory_space<vmem>>) semaphore(%arg10 : memref<!tpu.dma_semaphore, #tpu.memory_space<semaphore_mem>>)
      %dma_start3A_24 = arith.constant 128 : i32
      %dma_start3A_25 = arith.constant 0 : i32
      %dma_start3A_26 = tpu.memref_slice %arg9[%dma_start3A_24, %dma_start3A_25] : memref<512x128xf32, #tpu.memory_space<vmem>> -> memref<128x128xf32, #tpu.memory_space<vmem>>
      %dma_start3A_27 = arith.constant 128 : i32
      %dma_start3A_28 = tpu.memref_slice %arg8[%dma_start3A_27] : memref<512xi32, #tpu.memory_space<vmem>> -> memref<128xi32, #tpu.memory_space<vmem>>
      %dma_start3A_29 = arith.constant 0 : i32
      %dma_start3A_30 = arith.constant 0 : i32
      %dma_start3A_31 = tpu.memref_slice %arg2[%dma_start3A_29, %dma_start3A_30] : memref<10000x128xf32, #tpu.memory_space<hbm>> -> memref<10000x128xf32, #tpu.memory_space<hbm>>
      tpu.enqueue_indirect_dma source(%dma_start3A_31 : memref<10000x128xf32, #tpu.memory_space<hbm>>) target(%dma_start3A_26 : memref<128x128xf32, #tpu.memory_space<vmem>>) offsets(%dma_start3A_28 : memref<128xi32, #tpu.memory_space<vmem>>) semaphore(%arg10 : memref<!tpu.dma_semaphore, #tpu.memory_space<semaphore_mem>>)
      %dma_wait3A = arith.constant 0 : i32
      %dma_wait3A_32 = arith.constant 0 : i32
      %dma_wait3A_33 = tpu.memref_slice %arg9[%dma_wait3A, %dma_wait3A_32] : memref<512x128xf32, #tpu.memory_space<vmem>> -> memref<128x128xf32, #tpu.memory_space<vmem>>
      %dma_wait3A_34 = arith.constant 0 : i32
      %dma_wait3A_35 = tpu.memref_slice %arg8[%dma_wait3A_34] : memref<512xi32, #tpu.memory_space<vmem>> -> memref<128xi32, #tpu.memory_space<vmem>>
      %dma_wait3A_36 = arith.constant 0 : i32
      %dma_wait3A_37 = arith.constant 0 : i32
      %dma_wait3A_38 = tpu.memref_slice %arg2[%dma_wait3A_36, %dma_wait3A_37] : memref<10000x128xf32, #tpu.memory_space<hbm>> -> memref<10000x128xf32, #tpu.memory_space<hbm>>
      tpu.wait_indirect_dma semaphore(%arg10 : memref<!tpu.dma_semaphore, #tpu.memory_space<semaphore_mem>>) src(%dma_wait3A_38 : memref<10000x128xf32, #tpu.memory_space<hbm>>) dst(%dma_wait3A_33 : memref<128x128xf32, #tpu.memory_space<vmem>>)
      %dma_wait3A_39 = arith.constant 128 : i32
      %dma_wait3A_40 = arith.constant 0 : i32
      %dma_wait3A_41 = tpu.memref_slice %arg9[%dma_wait3A_39, %dma_wait3A_40] : memref<512x128xf32, #tpu.memory_space<vmem>> -> memref<128x128xf32, #tpu.memory_space<vmem>>
      %dma_wait3A_42 = arith.constant 128 : i32
      %dma_wait3A_43 = tpu.memref_slice %arg8[%dma_wait3A_42] : memref<512xi32, #tpu.memory_space<vmem>> -> memref<128xi32, #tpu.memory_space<vmem>>
      %dma_wait3A_44 = arith.constant 0 : i32
      %dma_wait3A_45 = arith.constant 0 : i32
      %dma_wait3A_46 = tpu.memref_slice %arg2[%dma_wait3A_44, %dma_wait3A_45] : memref<10000x128xf32, #tpu.memory_space<hbm>> -> memref<10000x128xf32, #tpu.memory_space<hbm>>
      tpu.wait_indirect_dma semaphore(%arg10 : memref<!tpu.dma_semaphore, #tpu.memory_space<semaphore_mem>>) src(%dma_wait3A_46 : memref<10000x128xf32, #tpu.memory_space<hbm>>) dst(%dma_wait3A_41 : memref<128x128xf32, #tpu.memory_space<vmem>>)
      "tpu.region"() ({
        %run_scoped3A = tpu.sem_alloc : memref<!tpu.dma_semaphore, #tpu.memory_space<semaphore_mem>>
        %dma_start3A_47 = arith.constant 0 : i32
        %dma_start3A_48 = arith.constant 0 : i32
        %dma_start3A_49 = tpu.memref_slice %arg9[%dma_start3A_47, %dma_start3A_48] : memref<512x128xf32, #tpu.memory_space<vmem>> -> memref<256x128xf32, #tpu.memory_space<vmem>>
        %dma_start3A_50 = arith.constant 77824 : i32
        %dma_start3A_51 = arith.constant 0 : i32
        %dma_start3A_52 = tpu.memref_slice %arg6[%dma_start3A_50, %dma_start3A_51] : memref<78080x128xf32, #tpu.memory_space<hbm>> -> memref<256x128xf32, #tpu.memory_space<hbm>>
        %dma_start3A_53 = arith.constant 77824 : i32
        %dma_start3A_54 = arith.constant 0 : i32
        %dma_start3A_55 = tpu.memref_slice %arg6[%dma_start3A_53, %dma_start3A_54] : memref<78080x128xf32, #tpu.memory_space<hbm>> -> memref<256x128xf32, #tpu.memory_space<hbm>>
        %dma_start3A_56 = arith.constant 0 : i32
        %dma_start3A_57 = arith.constant 0 : i32
        %dma_start3A_58 = tpu.memref_slice %arg9[%dma_start3A_56, %dma_start3A_57] : memref<512x128xf32, #tpu.memory_space<vmem>> -> memref<256x128xf32, #tpu.memory_space<vmem>>
        tpu.enqueue_dma source(%dma_start3A_58 : memref<256x128xf32, #tpu.memory_space<vmem>>) target(%dma_start3A_55 : memref<256x128xf32, #tpu.memory_space<hbm>>) target_semaphore(%run_scoped3A : memref<!tpu.dma_semaphore, #tpu.memory_space<semaphore_mem>>)
        %dma_wait3A_59 = arith.constant 0 : i32
        %dma_wait3A_60 = arith.constant 0 : i32
        %dma_wait3A_61 = tpu.memref_slice %arg9[%dma_wait3A_59, %dma_wait3A_60] : memref<512x128xf32, #tpu.memory_space<vmem>> -> memref<256x128xf32, #tpu.memory_space<vmem>>
        %dma_wait3A_62 = arith.constant 77824 : i32
        %dma_wait3A_63 = arith.constant 0 : i32
        %dma_wait3A_64 = tpu.memref_slice %arg6[%dma_wait3A_62, %dma_wait3A_63] : memref<78080x128xf32, #tpu.memory_space<hbm>> -> memref<256x128xf32, #tpu.memory_space<hbm>>
        %dma_wait3A_65 = arith.constant 77824 : i32
        %dma_wait3A_66 = arith.constant 0 : i32
        %dma_wait3A_67 = tpu.memref_slice %arg6[%dma_wait3A_65, %dma_wait3A_66] : memref<78080x128xf32, #tpu.memory_space<hbm>> -> memref<256x128xf32, #tpu.memory_space<hbm>>
        %dma_wait3A_68 = arith.constant 0 : i32
        %dma_wait3A_69 = arith.constant 0 : i32
        %dma_wait3A_70 = tpu.memref_slice %arg9[%dma_wait3A_68, %dma_wait3A_69] : memref<512x128xf32, #tpu.memory_space<vmem>> -> memref<256x128xf32, #tpu.memory_space<vmem>>
        tpu.wait_dma2 semaphore(%run_scoped3A : memref<!tpu.dma_semaphore, #tpu.memory_space<semaphore_mem>>) src(%dma_wait3A_70 : memref<256x128xf32, #tpu.memory_space<vmem>>) dst(%dma_wait3A_67 : memref<256x128xf32, #tpu.memory_space<hbm>>)
        tpu.yield
      }) : () -> ()
    } else {
    }
    %scan3A_7 = arith.constant 0 : i32
    %scan3A_8 = arith.constant 5 : i32
    %scan3A_9 = arith.addi %scan3A_7, %scan3A_8 : i32
    %scan3A_10 = arith.constant 1 : i32
    scf.for %scan3A_17 = %scan3A_7 to %scan3A_9 step %scan3A_10  : i32 {
      %mul3A_18 = arith.constant 1 : i32
      %mul3A_19 = arith.muli %scan3A_17, %mul3A_18 : i32
      %add3A_20 = arith.constant 0 : i32
      %add3A_21 = arith.addi %add3A_20, %mul3A_19 : i32
      %mul3A_22 = arith.constant 32 : i32
      %mul3A_23 = arith.muli %add3A_21, %mul3A_22 : i32
      %add3A_24 = arith.addi %mul3A_23, %add3A : i32
      %lt3A = arith.constant 152 : i32
      %lt3A_25 = arith.cmpi slt, %add3A_24, %lt3A : i32
      %convert_element_type3A_26 = arith.extui %lt3A_25 : i1 to i32
      %cond3A_27 = arith.constant 0 : i32
      %cond3A_28 = arith.cmpi ne, %convert_element_type3A_26, %cond3A_27 : i32
      scf.if %cond3A_28 {
        %mul3A_29 = arith.constant 512 : i32
        %mul3A_30 = arith.muli %add3A_24, %mul3A_29 : i32
        "tpu.region"() ({
          %run_scoped3A = tpu.sem_alloc : memref<!tpu.dma_semaphore, #tpu.memory_space<semaphore_mem>>
          %dma_start3A_93 = arith.constant 0 : i32
          %dma_start3A_94 = tpu.memref_slice %arg8[%dma_start3A_93] : memref<512xi32, #tpu.memory_space<vmem>> -> memref<512xi32, #tpu.memory_space<vmem>>
          %dma_start3A_95 = tpu.memref_slice %arg5[%mul3A_30] : memref<78080xi32, #tpu.memory_space<hbm>> -> memref<512xi32, #tpu.memory_space<hbm>>
          %dma_start3A_96 = arith.constant 0 : i32
          %dma_start3A_97 = tpu.memref_slice %arg8[%dma_start3A_96] : memref<512xi32, #tpu.memory_space<vmem>> -> memref<512xi32, #tpu.memory_space<vmem>>
          %dma_start3A_98 = tpu.memref_slice %arg5[%mul3A_30] : memref<78080xi32, #tpu.memory_space<hbm>> -> memref<512xi32, #tpu.memory_space<hbm>>
          tpu.enqueue_dma source(%dma_start3A_98 : memref<512xi32, #tpu.memory_space<hbm>>) target(%dma_start3A_97 : memref<512xi32, #tpu.memory_space<vmem>>) target_semaphore(%run_scoped3A : memref<!tpu.dma_semaphore, #tpu.memory_space<semaphore_mem>>)
          %dma_wait3A_99 = arith.constant 0 : i32
          %dma_wait3A_100 = tpu.memref_slice %arg8[%dma_wait3A_99] : memref<512xi32, #tpu.memory_space<vmem>> -> memref<512xi32, #tpu.memory_space<vmem>>
          %dma_wait3A_101 = tpu.memref_slice %arg5[%mul3A_30] : memref<78080xi32, #tpu.memory_space<hbm>> -> memref<512xi32, #tpu.memory_space<hbm>>
          %dma_wait3A_102 = arith.constant 0 : i32
          %dma_wait3A_103 = tpu.memref_slice %arg8[%dma_wait3A_102] : memref<512xi32, #tpu.memory_space<vmem>> -> memref<512xi32, #tpu.memory_space<vmem>>
          %dma_wait3A_104 = tpu.memref_slice %arg5[%mul3A_30] : memref<78080xi32, #tpu.memory_space<hbm>> -> memref<512xi32, #tpu.memory_space<hbm>>
          tpu.wait_dma2 semaphore(%run_scoped3A : memref<!tpu.dma_semaphore, #tpu.memory_space<semaphore_mem>>) src(%dma_wait3A_104 : memref<512xi32, #tpu.memory_space<hbm>>) dst(%dma_wait3A_103 : memref<512xi32, #tpu.memory_space<vmem>>)
          tpu.yield
        }) : () -> ()
        %dma_start3A = arith.constant 0 : i32
        %dma_start3A_31 = arith.constant 0 : i32
        %dma_start3A_32 = tpu.memref_slice %arg9[%dma_start3A, %dma_start3A_31] : memref<512x128xf32, #tpu.memory_space<vmem>> -> memref<128x128xf32, #tpu.memory_space<vmem>>
        %dma_start3A_33 = arith.constant 0 : i32
        %dma_start3A_34 = tpu.memref_slice %arg8[%dma_start3A_33] : memref<512xi32, #tpu.memory_space<vmem>> -> memref<128xi32, #tpu.memory_space<vmem>>
        %dma_start3A_35 = arith.constant 0 : i32
        %dma_start3A_36 = arith.constant 0 : i32
        %dma_start3A_37 = tpu.memref_slice %arg3[%dma_start3A_35, %dma_start3A_36] : memref<10000x128xf32, #tpu.memory_space<hbm>> -> memref<10000x128xf32, #tpu.memory_space<hbm>>
        tpu.enqueue_indirect_dma source(%dma_start3A_37 : memref<10000x128xf32, #tpu.memory_space<hbm>>) target(%dma_start3A_32 : memref<128x128xf32, #tpu.memory_space<vmem>>) offsets(%dma_start3A_34 : memref<128xi32, #tpu.memory_space<vmem>>) semaphore(%arg10 : memref<!tpu.dma_semaphore, #tpu.memory_space<semaphore_mem>>)
        %dma_start3A_38 = arith.constant 128 : i32
        %dma_start3A_39 = arith.constant 0 : i32
        %dma_start3A_40 = tpu.memref_slice %arg9[%dma_start3A_38, %dma_start3A_39] : memref<512x128xf32, #tpu.memory_space<vmem>> -> memref<128x128xf32, #tpu.memory_space<vmem>>
        %dma_start3A_41 = arith.constant 128 : i32
        %dma_start3A_42 = tpu.memref_slice %arg8[%dma_start3A_41] : memref<512xi32, #tpu.memory_space<vmem>> -> memref<128xi32, #tpu.memory_space<vmem>>
        %dma_start3A_43 = arith.constant 0 : i32
        %dma_start3A_44 = arith.constant 0 : i32
        %dma_start3A_45 = tpu.memref_slice %arg3[%dma_start3A_43, %dma_start3A_44] : memref<10000x128xf32, #tpu.memory_space<hbm>> -> memref<10000x128xf32, #tpu.memory_space<hbm>>
        tpu.enqueue_indirect_dma source(%dma_start3A_45 : memref<10000x128xf32, #tpu.memory_space<hbm>>) target(%dma_start3A_40 : memref<128x128xf32, #tpu.memory_space<vmem>>) offsets(%dma_start3A_42 : memref<128xi32, #tpu.memory_space<vmem>>) semaphore(%arg10 : memref<!tpu.dma_semaphore, #tpu.memory_space<semaphore_mem>>)
        %dma_start3A_46 = arith.constant 256 : i32
        %dma_start3A_47 = arith.constant 0 : i32
        %dma_start3A_48 = tpu.memref_slice %arg9[%dma_start3A_46, %dma_start3A_47] : memref<512x128xf32, #tpu.memory_space<vmem>> -> memref<128x128xf32, #tpu.memory_space<vmem>>
        %dma_start3A_49 = arith.constant 256 : i32
        %dma_start3A_50 = tpu.memref_slice %arg8[%dma_start3A_49] : memref<512xi32, #tpu.memory_space<vmem>> -> memref<128xi32, #tpu.memory_space<vmem>>
        %dma_start3A_51 = arith.constant 0 : i32
        %dma_start3A_52 = arith.constant 0 : i32
        %dma_start3A_53 = tpu.memref_slice %arg3[%dma_start3A_51, %dma_start3A_52] : memref<10000x128xf32, #tpu.memory_space<hbm>> -> memref<10000x128xf32, #tpu.memory_space<hbm>>
        tpu.enqueue_indirect_dma source(%dma_start3A_53 : memref<10000x128xf32, #tpu.memory_space<hbm>>) target(%dma_start3A_48 : memref<128x128xf32, #tpu.memory_space<vmem>>) offsets(%dma_start3A_50 : memref<128xi32, #tpu.memory_space<vmem>>) semaphore(%arg10 : memref<!tpu.dma_semaphore, #tpu.memory_space<semaphore_mem>>)
        %dma_start3A_54 = arith.constant 384 : i32
        %dma_start3A_55 = arith.constant 0 : i32
        %dma_start3A_56 = tpu.memref_slice %arg9[%dma_start3A_54, %dma_start3A_55] : memref<512x128xf32, #tpu.memory_space<vmem>> -> memref<128x128xf32, #tpu.memory_space<vmem>>
        %dma_start3A_57 = arith.constant 384 : i32
        %dma_start3A_58 = tpu.memref_slice %arg8[%dma_start3A_57] : memref<512xi32, #tpu.memory_space<vmem>> -> memref<128xi32, #tpu.memory_space<vmem>>
        %dma_start3A_59 = arith.constant 0 : i32
        %dma_start3A_60 = arith.constant 0 : i32
        %dma_start3A_61 = tpu.memref_slice %arg3[%dma_start3A_59, %dma_start3A_60] : memref<10000x128xf32, #tpu.memory_space<hbm>> -> memref<10000x128xf32, #tpu.memory_space<hbm>>
        tpu.enqueue_indirect_dma source(%dma_start3A_61 : memref<10000x128xf32, #tpu.memory_space<hbm>>) target(%dma_start3A_56 : memref<128x128xf32, #tpu.memory_space<vmem>>) offsets(%dma_start3A_58 : memref<128xi32, #tpu.memory_space<vmem>>) semaphore(%arg10 : memref<!tpu.dma_semaphore, #tpu.memory_space<semaphore_mem>>)
        %dma_wait3A = arith.constant 0 : i32
        %dma_wait3A_62 = arith.constant 0 : i32
        %dma_wait3A_63 = tpu.memref_slice %arg9[%dma_wait3A, %dma_wait3A_62] : memref<512x128xf32, #tpu.memory_space<vmem>> -> memref<128x128xf32, #tpu.memory_space<vmem>>
        %dma_wait3A_64 = arith.constant 0 : i32
        %dma_wait3A_65 = tpu.memref_slice %arg8[%dma_wait3A_64] : memref<512xi32, #tpu.memory_space<vmem>> -> memref<128xi32, #tpu.memory_space<vmem>>
        %dma_wait3A_66 = arith.constant 0 : i32
        %dma_wait3A_67 = arith.constant 0 : i32
        %dma_wait3A_68 = tpu.memref_slice %arg3[%dma_wait3A_66, %dma_wait3A_67] : memref<10000x128xf32, #tpu.memory_space<hbm>> -> memref<10000x128xf32, #tpu.memory_space<hbm>>
        tpu.wait_indirect_dma semaphore(%arg10 : memref<!tpu.dma_semaphore, #tpu.memory_space<semaphore_mem>>) src(%dma_wait3A_68 : memref<10000x128xf32, #tpu.memory_space<hbm>>) dst(%dma_wait3A_63 : memref<128x128xf32, #tpu.memory_space<vmem>>)
        %dma_wait3A_69 = arith.constant 128 : i32
        %dma_wait3A_70 = arith.constant 0 : i32
        %dma_wait3A_71 = tpu.memref_slice %arg9[%dma_wait3A_69, %dma_wait3A_70] : memref<512x128xf32, #tpu.memory_space<vmem>> -> memref<128x128xf32, #tpu.memory_space<vmem>>
        %dma_wait3A_72 = arith.constant 128 : i32
        %dma_wait3A_73 = tpu.memref_slice %arg8[%dma_wait3A_72] : memref<512xi32, #tpu.memory_space<vmem>> -> memref<128xi32, #tpu.memory_space<vmem>>
        %dma_wait3A_74 = arith.constant 0 : i32
        %dma_wait3A_75 = arith.constant 0 : i32
        %dma_wait3A_76 = tpu.memref_slice %arg3[%dma_wait3A_74, %dma_wait3A_75] : memref<10000x128xf32, #tpu.memory_space<hbm>> -> memref<10000x128xf32, #tpu.memory_space<hbm>>
        tpu.wait_indirect_dma semaphore(%arg10 : memref<!tpu.dma_semaphore, #tpu.memory_space<semaphore_mem>>) src(%dma_wait3A_76 : memref<10000x128xf32, #tpu.memory_space<hbm>>) dst(%dma_wait3A_71 : memref<128x128xf32, #tpu.memory_space<vmem>>)
        %dma_wait3A_77 = arith.constant 256 : i32
        %dma_wait3A_78 = arith.constant 0 : i32
        %dma_wait3A_79 = tpu.memref_slice %arg9[%dma_wait3A_77, %dma_wait3A_78] : memref<512x128xf32, #tpu.memory_space<vmem>> -> memref<128x128xf32, #tpu.memory_space<vmem>>
        %dma_wait3A_80 = arith.constant 256 : i32
        %dma_wait3A_81 = tpu.memref_slice %arg8[%dma_wait3A_80] : memref<512xi32, #tpu.memory_space<vmem>> -> memref<128xi32, #tpu.memory_space<vmem>>
        %dma_wait3A_82 = arith.constant 0 : i32
        %dma_wait3A_83 = arith.constant 0 : i32
        %dma_wait3A_84 = tpu.memref_slice %arg3[%dma_wait3A_82, %dma_wait3A_83] : memref<10000x128xf32, #tpu.memory_space<hbm>> -> memref<10000x128xf32, #tpu.memory_space<hbm>>
        tpu.wait_indirect_dma semaphore(%arg10 : memref<!tpu.dma_semaphore, #tpu.memory_space<semaphore_mem>>) src(%dma_wait3A_84 : memref<10000x128xf32, #tpu.memory_space<hbm>>) dst(%dma_wait3A_79 : memref<128x128xf32, #tpu.memory_space<vmem>>)
        %dma_wait3A_85 = arith.constant 384 : i32
        %dma_wait3A_86 = arith.constant 0 : i32
        %dma_wait3A_87 = tpu.memref_slice %arg9[%dma_wait3A_85, %dma_wait3A_86] : memref<512x128xf32, #tpu.memory_space<vmem>> -> memref<128x128xf32, #tpu.memory_space<vmem>>
        %dma_wait3A_88 = arith.constant 384 : i32
        %dma_wait3A_89 = tpu.memref_slice %arg8[%dma_wait3A_88] : memref<512xi32, #tpu.memory_space<vmem>> -> memref<128xi32, #tpu.memory_space<vmem>>
        %dma_wait3A_90 = arith.constant 0 : i32
        %dma_wait3A_91 = arith.constant 0 : i32
        %dma_wait3A_92 = tpu.memref_slice %arg3[%dma_wait3A_90, %dma_wait3A_91] : memref<10000x128xf32, #tpu.memory_space<hbm>> -> memref<10000x128xf32, #tpu.memory_space<hbm>>
        tpu.wait_indirect_dma semaphore(%arg10 : memref<!tpu.dma_semaphore, #tpu.memory_space<semaphore_mem>>) src(%dma_wait3A_92 : memref<10000x128xf32, #tpu.memory_space<hbm>>) dst(%dma_wait3A_87 : memref<128x128xf32, #tpu.memory_space<vmem>>)
        "tpu.region"() ({
          %run_scoped3A = tpu.sem_alloc : memref<!tpu.dma_semaphore, #tpu.memory_space<semaphore_mem>>
          %dma_start3A_93 = arith.constant 0 : i32
          %dma_start3A_94 = arith.constant 0 : i32
          %dma_start3A_95 = tpu.memref_slice %arg9[%dma_start3A_93, %dma_start3A_94] : memref<512x128xf32, #tpu.memory_space<vmem>> -> memref<512x128xf32, #tpu.memory_space<vmem>>
          %dma_start3A_96 = arith.constant 0 : i32
          %dma_start3A_97 = tpu.memref_slice %arg7[%mul3A_30, %dma_start3A_96] : memref<78080x128xf32, #tpu.memory_space<hbm>> -> memref<512x128xf32, #tpu.memory_space<hbm>>
          %dma_start3A_98 = arith.constant 0 : i32
          %dma_start3A_99 = tpu.memref_slice %arg7[%mul3A_30, %dma_start3A_98] : memref<78080x128xf32, #tpu.memory_space<hbm>> -> memref<512x128xf32, #tpu.memory_space<hbm>>
          %dma_start3A_100 = arith.constant 0 : i32
          %dma_start3A_101 = arith.constant 0 : i32
          %dma_start3A_102 = tpu.memref_slice %arg9[%dma_start3A_100, %dma_start3A_101] : memref<512x128xf32, #tpu.memory_space<vmem>> -> memref<512x128xf32, #tpu.memory_space<vmem>>
          tpu.enqueue_dma source(%dma_start3A_102 : memref<512x128xf32, #tpu.memory_space<vmem>>) target(%dma_start3A_99 : memref<512x128xf32, #tpu.memory_space<hbm>>) target_semaphore(%run_scoped3A : memref<!tpu.dma_semaphore, #tpu.memory_space<semaphore_mem>>)
          %dma_wait3A_103 = arith.constant 0 : i32
          %dma_wait3A_104 = arith.constant 0 : i32
          %dma_wait3A_105 = tpu.memref_slice %arg9[%dma_wait3A_103, %dma_wait3A_104] : memref<512x128xf32, #tpu.memory_space<vmem>> -> memref<512x128xf32, #tpu.memory_space<vmem>>
          %dma_wait3A_106 = arith.constant 0 : i32
          %dma_wait3A_107 = tpu.memref_slice %arg7[%mul3A_30, %dma_wait3A_106] : memref<78080x128xf32, #tpu.memory_space<hbm>> -> memref<512x128xf32, #tpu.memory_space<hbm>>
          %dma_wait3A_108 = arith.constant 0 : i32
          %dma_wait3A_109 = tpu.memref_slice %arg7[%mul3A_30, %dma_wait3A_108] : memref<78080x128xf32, #tpu.memory_space<hbm>> -> memref<512x128xf32, #tpu.memory_space<hbm>>
          %dma_wait3A_110 = arith.constant 0 : i32
          %dma_wait3A_111 = arith.constant 0 : i32
          %dma_wait3A_112 = tpu.memref_slice %arg9[%dma_wait3A_110, %dma_wait3A_111] : memref<512x128xf32, #tpu.memory_space<vmem>> -> memref<512x128xf32, #tpu.memory_space<vmem>>
          tpu.wait_dma2 semaphore(%run_scoped3A : memref<!tpu.dma_semaphore, #tpu.memory_space<semaphore_mem>>) src(%dma_wait3A_112 : memref<512x128xf32, #tpu.memory_space<vmem>>) dst(%dma_wait3A_109 : memref<512x128xf32, #tpu.memory_space<hbm>>)
          tpu.yield
        }) : () -> ()
      } else {
      }
    }
    %scan3A_11 = arith.constant 5 : i32
    %eq3A_12 = arith.constant 0 : i32
    %eq3A_13 = arith.cmpi eq, %add3A, %eq3A_12 : i32
    %convert_element_type3A_14 = arith.extui %eq3A_13 : i1 to i32
    %cond3A_15 = arith.constant 0 : i32
    %cond3A_16 = arith.cmpi ne, %convert_element_type3A_14, %cond3A_15 : i32
    scf.if %cond3A_16 {
      "tpu.region"() ({
        %run_scoped3A = tpu.sem_alloc : memref<!tpu.dma_semaphore, #tpu.memory_space<semaphore_mem>>
        %dma_start3A_47 = arith.constant 0 : i32
        %dma_start3A_48 = tpu.memref_slice %arg8[%dma_start3A_47] : memref<512xi32, #tpu.memory_space<vmem>> -> memref<256xi32, #tpu.memory_space<vmem>>
        %dma_start3A_49 = arith.constant 77824 : i32
        %dma_start3A_50 = tpu.memref_slice %arg5[%dma_start3A_49] : memref<78080xi32, #tpu.memory_space<hbm>> -> memref<256xi32, #tpu.memory_space<hbm>>
        %dma_start3A_51 = arith.constant 0 : i32
        %dma_start3A_52 = tpu.memref_slice %arg8[%dma_start3A_51] : memref<512xi32, #tpu.memory_space<vmem>> -> memref<256xi32, #tpu.memory_space<vmem>>
        %dma_start3A_53 = arith.constant 77824 : i32
        %dma_start3A_54 = tpu.memref_slice %arg5[%dma_start3A_53] : memref<78080xi32, #tpu.memory_space<hbm>> -> memref<256xi32, #tpu.memory_space<hbm>>
        tpu.enqueue_dma source(%dma_start3A_54 : memref<256xi32, #tpu.memory_space<hbm>>) target(%dma_start3A_52 : memref<256xi32, #tpu.memory_space<vmem>>) target_semaphore(%run_scoped3A : memref<!tpu.dma_semaphore, #tpu.memory_space<semaphore_mem>>)
        %dma_wait3A_55 = arith.constant 0 : i32
        %dma_wait3A_56 = tpu.memref_slice %arg8[%dma_wait3A_55] : memref<512xi32, #tpu.memory_space<vmem>> -> memref<256xi32, #tpu.memory_space<vmem>>
        %dma_wait3A_57 = arith.constant 77824 : i32
        %dma_wait3A_58 = tpu.memref_slice %arg5[%dma_wait3A_57] : memref<78080xi32, #tpu.memory_space<hbm>> -> memref<256xi32, #tpu.memory_space<hbm>>
        %dma_wait3A_59 = arith.constant 0 : i32
        %dma_wait3A_60 = tpu.memref_slice %arg8[%dma_wait3A_59] : memref<512xi32, #tpu.memory_space<vmem>> -> memref<256xi32, #tpu.memory_space<vmem>>
        %dma_wait3A_61 = arith.constant 77824 : i32
        %dma_wait3A_62 = tpu.memref_slice %arg5[%dma_wait3A_61] : memref<78080xi32, #tpu.memory_space<hbm>> -> memref<256xi32, #tpu.memory_space<hbm>>
        tpu.wait_dma2 semaphore(%run_scoped3A : memref<!tpu.dma_semaphore, #tpu.memory_space<semaphore_mem>>) src(%dma_wait3A_62 : memref<256xi32, #tpu.memory_space<hbm>>) dst(%dma_wait3A_60 : memref<256xi32, #tpu.memory_space<vmem>>)
        tpu.yield
      }) : () -> ()
      %dma_start3A = arith.constant 0 : i32
      %dma_start3A_17 = arith.constant 0 : i32
      %dma_start3A_18 = tpu.memref_slice %arg9[%dma_start3A, %dma_start3A_17] : memref<512x128xf32, #tpu.memory_space<vmem>> -> memref<128x128xf32, #tpu.memory_space<vmem>>
      %dma_start3A_19 = arith.constant 0 : i32
      %dma_start3A_20 = tpu.memref_slice %arg8[%dma_start3A_19] : memref<512xi32, #tpu.memory_space<vmem>> -> memref<128xi32, #tpu.memory_space<vmem>>
      %dma_start3A_21 = arith.constant 0 : i32
      %dma_start3A_22 = arith.constant 0 : i32
      %dma_start3A_23 = tpu.memref_slice %arg3[%dma_start3A_21, %dma_start3A_22] : memref<10000x128xf32, #tpu.memory_space<hbm>> -> memref<10000x128xf32, #tpu.memory_space<hbm>>
      tpu.enqueue_indirect_dma source(%dma_start3A_23 : memref<10000x128xf32, #tpu.memory_space<hbm>>) target(%dma_start3A_18 : memref<128x128xf32, #tpu.memory_space<vmem>>) offsets(%dma_start3A_20 : memref<128xi32, #tpu.memory_space<vmem>>) semaphore(%arg10 : memref<!tpu.dma_semaphore, #tpu.memory_space<semaphore_mem>>)
      %dma_start3A_24 = arith.constant 128 : i32
      %dma_start3A_25 = arith.constant 0 : i32
      %dma_start3A_26 = tpu.memref_slice %arg9[%dma_start3A_24, %dma_start3A_25] : memref<512x128xf32, #tpu.memory_space<vmem>> -> memref<128x128xf32, #tpu.memory_space<vmem>>
      %dma_start3A_27 = arith.constant 128 : i32
      %dma_start3A_28 = tpu.memref_slice %arg8[%dma_start3A_27] : memref<512xi32, #tpu.memory_space<vmem>> -> memref<128xi32, #tpu.memory_space<vmem>>
      %dma_start3A_29 = arith.constant 0 : i32
      %dma_start3A_30 = arith.constant 0 : i32
      %dma_start3A_31 = tpu.memref_slice %arg3[%dma_start3A_29, %dma_start3A_30] : memref<10000x128xf32, #tpu.memory_space<hbm>> -> memref<10000x128xf32, #tpu.memory_space<hbm>>
      tpu.enqueue_indirect_dma source(%dma_start3A_31 : memref<10000x128xf32, #tpu.memory_space<hbm>>) target(%dma_start3A_26 : memref<128x128xf32, #tpu.memory_space<vmem>>) offsets(%dma_start3A_28 : memref<128xi32, #tpu.memory_space<vmem>>) semaphore(%arg10 : memref<!tpu.dma_semaphore, #tpu.memory_space<semaphore_mem>>)
      %dma_wait3A = arith.constant 0 : i32
      %dma_wait3A_32 = arith.constant 0 : i32
      %dma_wait3A_33 = tpu.memref_slice %arg9[%dma_wait3A, %dma_wait3A_32] : memref<512x128xf32, #tpu.memory_space<vmem>> -> memref<128x128xf32, #tpu.memory_space<vmem>>
      %dma_wait3A_34 = arith.constant 0 : i32
      %dma_wait3A_35 = tpu.memref_slice %arg8[%dma_wait3A_34] : memref<512xi32, #tpu.memory_space<vmem>> -> memref<128xi32, #tpu.memory_space<vmem>>
      %dma_wait3A_36 = arith.constant 0 : i32
      %dma_wait3A_37 = arith.constant 0 : i32
      %dma_wait3A_38 = tpu.memref_slice %arg3[%dma_wait3A_36, %dma_wait3A_37] : memref<10000x128xf32, #tpu.memory_space<hbm>> -> memref<10000x128xf32, #tpu.memory_space<hbm>>
      tpu.wait_indirect_dma semaphore(%arg10 : memref<!tpu.dma_semaphore, #tpu.memory_space<semaphore_mem>>) src(%dma_wait3A_38 : memref<10000x128xf32, #tpu.memory_space<hbm>>) dst(%dma_wait3A_33 : memref<128x128xf32, #tpu.memory_space<vmem>>)
      %dma_wait3A_39 = arith.constant 128 : i32
      %dma_wait3A_40 = arith.constant 0 : i32
      %dma_wait3A_41 = tpu.memref_slice %arg9[%dma_wait3A_39, %dma_wait3A_40] : memref<512x128xf32, #tpu.memory_space<vmem>> -> memref<128x128xf32, #tpu.memory_space<vmem>>
      %dma_wait3A_42 = arith.constant 128 : i32
      %dma_wait3A_43 = tpu.memref_slice %arg8[%dma_wait3A_42] : memref<512xi32, #tpu.memory_space<vmem>> -> memref<128xi32, #tpu.memory_space<vmem>>
      %dma_wait3A_44 = arith.constant 0 : i32
      %dma_wait3A_45 = arith.constant 0 : i32
      %dma_wait3A_46 = tpu.memref_slice %arg3[%dma_wait3A_44, %dma_wait3A_45] : memref<10000x128xf32, #tpu.memory_space<hbm>> -> memref<10000x128xf32, #tpu.memory_space<hbm>>
      tpu.wait_indirect_dma semaphore(%arg10 : memref<!tpu.dma_semaphore, #tpu.memory_space<semaphore_mem>>) src(%dma_wait3A_46 : memref<10000x128xf32, #tpu.memory_space<hbm>>) dst(%dma_wait3A_41 : memref<128x128xf32, #tpu.memory_space<vmem>>)
      "tpu.region"() ({
        %run_scoped3A = tpu.sem_alloc : memref<!tpu.dma_semaphore, #tpu.memory_space<semaphore_mem>>
        %dma_start3A_47 = arith.constant 0 : i32
        %dma_start3A_48 = arith.constant 0 : i32
        %dma_start3A_49 = tpu.memref_slice %arg9[%dma_start3A_47, %dma_start3A_48] : memref<512x128xf32, #tpu.memory_space<vmem>> -> memref<256x128xf32, #tpu.memory_space<vmem>>
        %dma_start3A_50 = arith.constant 77824 : i32
        %dma_start3A_51 = arith.constant 0 : i32
        %dma_start3A_52 = tpu.memref_slice %arg7[%dma_start3A_50, %dma_start3A_51] : memref<78080x128xf32, #tpu.memory_space<hbm>> -> memref<256x128xf32, #tpu.memory_space<hbm>>
        %dma_start3A_53 = arith.constant 77824 : i32
        %dma_start3A_54 = arith.constant 0 : i32
        %dma_start3A_55 = tpu.memref_slice %arg7[%dma_start3A_53, %dma_start3A_54] : memref<78080x128xf32, #tpu.memory_space<hbm>> -> memref<256x128xf32, #tpu.memory_space<hbm>>
        %dma_start3A_56 = arith.constant 0 : i32
        %dma_start3A_57 = arith.constant 0 : i32
        %dma_start3A_58 = tpu.memref_slice %arg9[%dma_start3A_56, %dma_start3A_57] : memref<512x128xf32, #tpu.memory_space<vmem>> -> memref<256x128xf32, #tpu.memory_space<vmem>>
        tpu.enqueue_dma source(%dma_start3A_58 : memref<256x128xf32, #tpu.memory_space<vmem>>) target(%dma_start3A_55 : memref<256x128xf32, #tpu.memory_space<hbm>>) target_semaphore(%run_scoped3A : memref<!tpu.dma_semaphore, #tpu.memory_space<semaphore_mem>>)
        %dma_wait3A_59 = arith.constant 0 : i32
        %dma_wait3A_60 = arith.constant 0 : i32
        %dma_wait3A_61 = tpu.memref_slice %arg9[%dma_wait3A_59, %dma_wait3A_60] : memref<512x128xf32, #tpu.memory_space<vmem>> -> memref<256x128xf32, #tpu.memory_space<vmem>>
        %dma_wait3A_62 = arith.constant 77824 : i32
        %dma_wait3A_63 = arith.constant 0 : i32
        %dma_wait3A_64 = tpu.memref_slice %arg7[%dma_wait3A_62, %dma_wait3A_63] : memref<78080x128xf32, #tpu.memory_space<hbm>> -> memref<256x128xf32, #tpu.memory_space<hbm>>
        %dma_wait3A_65 = arith.constant 77824 : i32
        %dma_wait3A_66 = arith.constant 0 : i32
        %dma_wait3A_67 = tpu.memref_slice %arg7[%dma_wait3A_65, %dma_wait3A_66] : memref<78080x128xf32, #tpu.memory_space<hbm>> -> memref<256x128xf32, #tpu.memory_space<hbm>>
        %dma_wait3A_68 = arith.constant 0 : i32
        %dma_wait3A_69 = arith.constant 0 : i32
        %dma_wait3A_70 = tpu.memref_slice %arg9[%dma_wait3A_68, %dma_wait3A_69] : memref<512x128xf32, #tpu.memory_space<vmem>> -> memref<256x128xf32, #tpu.memory_space<vmem>>
        tpu.wait_dma2 semaphore(%run_scoped3A : memref<!tpu.dma_semaphore, #tpu.memory_space<semaphore_mem>>) src(%dma_wait3A_70 : memref<256x128xf32, #tpu.memory_space<vmem>>) dst(%dma_wait3A_67 : memref<256x128xf32, #tpu.memory_space<hbm>>)
        tpu.yield
      }) : () -> ()
    } else {
    }
    return
  }
}

module attributes {stable_mosaic.version = 14 : i64} {
  func.func @_node_enc_body(%arg0: i32, %arg1: memref<2000x20xf32, #tpu.memory_space<vmem>>, %arg2: memref<2000x1xf32, #tpu.memory_space<vmem>>, %arg3: memref<20x128xf32, #tpu.memory_space<vmem>>, %arg4: memref<1x128xf32, #tpu.memory_space<vmem>>, %arg5: memref<128x128xf32, #tpu.memory_space<vmem>>, %arg6: memref<1x128xf32, #tpu.memory_space<vmem>>, %arg7: memref<1x128xf32, #tpu.memory_space<vmem>>, %arg8: memref<128x128xf32, #tpu.memory_space<vmem>>, %arg9: memref<128x128xf32, #tpu.memory_space<vmem>>, %arg10: memref<128x128xf32, #tpu.memory_space<vmem>>, %arg11: memref<2000x128xf32, #tpu.memory_space<vmem>>, %arg12: memref<2000x128xf32, #tpu.memory_space<vmem>>, %arg13: memref<2000x128xf32, #tpu.memory_space<vmem>>) attributes {dimension_semantics = [#tpu.dimension_semantics<parallel>], iteration_bounds = array<i64: 5>, scalar_prefetch = 0 : i64, scratch_operands = 0 : i64, tpu.core_type = #tpu.core_type<tc>, window_params = [{transform_indices = @transform_0, window_bounds = array<i64: 2000, 20>}, {transform_indices = @transform_1, window_bounds = array<i64: 2000, 1>}, {pipeline_mode = #tpu.pipeline_mode<synchronous>, transform_indices = @transform_2, window_bounds = array<i64: 20, 128>}, {pipeline_mode = #tpu.pipeline_mode<synchronous>, transform_indices = @transform_3, window_bounds = array<i64: 1, 128>}, {pipeline_mode = #tpu.pipeline_mode<synchronous>, transform_indices = @transform_4, window_bounds = array<i64: 128, 128>}, {pipeline_mode = #tpu.pipeline_mode<synchronous>, transform_indices = @transform_5, window_bounds = array<i64: 1, 128>}, {pipeline_mode = #tpu.pipeline_mode<synchronous>, transform_indices = @transform_6, window_bounds = array<i64: 1, 128>}, {pipeline_mode = #tpu.pipeline_mode<synchronous>, transform_indices = @transform_7, window_bounds = array<i64: 128, 128>}, {pipeline_mode = #tpu.pipeline_mode<synchronous>, transform_indices = @transform_8, window_bounds = array<i64: 128, 128>}, {pipeline_mode = #tpu.pipeline_mode<synchronous>, transform_indices = @transform_9, window_bounds = array<i64: 128, 128>}, {transform_indices = @transform_10, window_bounds = array<i64: 2000, 128>}, {transform_indices = @transform_11, window_bounds = array<i64: 2000, 128>}, {transform_indices = @transform_12, window_bounds = array<i64: 2000, 128>}]} {
    %get3A = arith.constant 0 : index
    %get3A_0 = arith.constant 0 : index
    %get3A_1 = vector.load %arg1[%get3A, %get3A_0] : memref<2000x20xf32, #tpu.memory_space<vmem>>, vector<2000x20xf32>
    %get3A_2 = arith.constant 0 : index
    %get3A_3 = arith.constant 0 : index
    %get3A_4 = vector.load %arg3[%get3A_2, %get3A_3] : memref<20x128xf32, #tpu.memory_space<vmem>>, vector<20x128xf32>
    %dot_general3A = arith.constant dense<0.000000e+00> : vector<2000x128xf32>
    %dot_general3A_5 = tpu.matmul %get3A_1, %get3A_4, %dot_general3A {dimension_numbers = #tpu.dot_dimension_numbers<[1], [0], [0], [1], [0, 0, 1, 1], [], []>, precision = #tpu.contract_precision<fp32>, transpose_lhs_hint = false} : vector<2000x20xf32>, vector<20x128xf32>, vector<2000x128xf32> -> vector<2000x128xf32>
    %get3A_6 = arith.constant 0 : index
    %get3A_7 = arith.constant 0 : index
    %get3A_8 = vector.load %arg4[%get3A_6, %get3A_7] : memref<1x128xf32, #tpu.memory_space<vmem>>, vector<1x128xf32>
    %add3A = vector.broadcast %get3A_8 : vector<1x128xf32> to vector<2000x128xf32>
    %add3A_9 = arith.addf %dot_general3A_5, %add3A : vector<2000x128xf32>
    %get3A_10 = arith.constant 0 : index
    %get3A_11 = arith.constant 0 : index
    %get3A_12 = vector.load %arg5[%get3A_10, %get3A_11] : memref<128x128xf32, #tpu.memory_space<vmem>>, vector<128x128xf32>
    %convert_element_type3A = arith.truncf %add3A_9 : vector<2000x128xf32> to vector<2000x128xbf16>
    %convert_element_type3A_13 = arith.truncf %get3A_12 : vector<128x128xf32> to vector<128x128xbf16>
    %dot_general3A_14 = arith.constant dense<0.000000e+00> : vector<2000x128xf32>
    %dot_general3A_15 = tpu.matmul %convert_element_type3A, %convert_element_type3A_13, %dot_general3A_14 {dimension_numbers = #tpu.dot_dimension_numbers<[1], [0], [0], [1], [0, 0, 1, 1], [], []>, transpose_lhs_hint = false} : vector<2000x128xbf16>, vector<128x128xbf16>, vector<2000x128xf32> -> vector<2000x128xf32>
    %get3A_16 = arith.constant 0 : index
    %get3A_17 = arith.constant 0 : index
    %get3A_18 = vector.load %arg2[%get3A_16, %get3A_17] : memref<2000x1xf32, #tpu.memory_space<vmem>>, vector<2000x1xf32>
    %get3A_19 = arith.constant 0 : index
    %get3A_20 = arith.constant 0 : index
    %get3A_21 = vector.load %arg6[%get3A_19, %get3A_20] : memref<1x128xf32, #tpu.memory_space<vmem>>, vector<1x128xf32>
    %convert_element_type3A_22 = arith.truncf %get3A_18 : vector<2000x1xf32> to vector<2000x1xbf16>
    %convert_element_type3A_23 = arith.truncf %get3A_21 : vector<1x128xf32> to vector<1x128xbf16>
    %dot_general3A_24 = arith.constant dense<0.000000e+00> : vector<2000x128xf32>
    %dot_general3A_25 = tpu.matmul %convert_element_type3A_22, %convert_element_type3A_23, %dot_general3A_24 {dimension_numbers = #tpu.dot_dimension_numbers<[1], [0], [0], [1], [0, 0, 1, 1], [], []>, transpose_lhs_hint = false} : vector<2000x1xbf16>, vector<1x128xbf16>, vector<2000x128xf32> -> vector<2000x128xf32>
    %add3A_26 = arith.addf %dot_general3A_15, %dot_general3A_25 : vector<2000x128xf32>
    %get3A_27 = arith.constant 0 : index
    %get3A_28 = arith.constant 0 : index
    %get3A_29 = vector.load %arg7[%get3A_27, %get3A_28] : memref<1x128xf32, #tpu.memory_space<vmem>>, vector<1x128xf32>
    %add3A_30 = vector.broadcast %get3A_29 : vector<1x128xf32> to vector<2000x128xf32>
    %add3A_31 = arith.addf %add3A_26, %add3A_30 : vector<2000x128xf32>
    %get3A_32 = arith.constant 0 : index
    %get3A_33 = arith.constant 0 : index
    %get3A_34 = vector.load %arg8[%get3A_32, %get3A_33] : memref<128x128xf32, #tpu.memory_space<vmem>>, vector<128x128xf32>
    %convert_element_type3A_35 = arith.truncf %add3A_31 : vector<2000x128xf32> to vector<2000x128xbf16>
    %convert_element_type3A_36 = arith.truncf %get3A_34 : vector<128x128xf32> to vector<128x128xbf16>
    %dot_general3A_37 = arith.constant dense<0.000000e+00> : vector<2000x128xf32>
    %dot_general3A_38 = tpu.matmul %convert_element_type3A_35, %convert_element_type3A_36, %dot_general3A_37 {dimension_numbers = #tpu.dot_dimension_numbers<[1], [0], [0], [1], [0, 0, 1, 1], [], []>, transpose_lhs_hint = false} : vector<2000x128xbf16>, vector<128x128xbf16>, vector<2000x128xf32> -> vector<2000x128xf32>
    %swap3A = arith.constant 0 : index
    %swap3A_39 = arith.constant 0 : index
    %swap3A_40 = vector.load %arg11[%swap3A, %swap3A_39] : memref<2000x128xf32, #tpu.memory_space<vmem>>, vector<2000x128xf32>
    tpu.vector_store %arg11[%swap3A, %swap3A_39], %dot_general3A_38 {strides = array<i32>} : memref<2000x128xf32, #tpu.memory_space<vmem>>, vector<2000x128xf32>,
    %get3A_41 = arith.constant 0 : index
    %get3A_42 = arith.constant 0 : index
    %get3A_43 = vector.load %arg9[%get3A_41, %get3A_42] : memref<128x128xf32, #tpu.memory_space<vmem>>, vector<128x128xf32>
    %convert_element_type3A_44 = arith.truncf %add3A_31 : vector<2000x128xf32> to vector<2000x128xbf16>
    %convert_element_type3A_45 = arith.truncf %get3A_43 : vector<128x128xf32> to vector<128x128xbf16>
    %dot_general3A_46 = arith.constant dense<0.000000e+00> : vector<2000x128xf32>
    %dot_general3A_47 = tpu.matmul %convert_element_type3A_44, %convert_element_type3A_45, %dot_general3A_46 {dimension_numbers = #tpu.dot_dimension_numbers<[1], [0], [0], [1], [0, 0, 1, 1], [], []>, transpose_lhs_hint = false} : vector<2000x128xbf16>, vector<128x128xbf16>, vector<2000x128xf32> -> vector<2000x128xf32>
    %swap3A_48 = arith.constant 0 : index
    %swap3A_49 = arith.constant 0 : index
    %swap3A_50 = vector.load %arg12[%swap3A_48, %swap3A_49] : memref<2000x128xf32, #tpu.memory_space<vmem>>, vector<2000x128xf32>
    tpu.vector_store %arg12[%swap3A_48, %swap3A_49], %dot_general3A_47 {strides = array<i32>} : memref<2000x128xf32, #tpu.memory_space<vmem>>, vector<2000x128xf32>,
    %get3A_51 = arith.constant 0 : index
    %get3A_52 = arith.constant 0 : index
    %get3A_53 = vector.load %arg10[%get3A_51, %get3A_52] : memref<128x128xf32, #tpu.memory_space<vmem>>, vector<128x128xf32>
    %convert_element_type3A_54 = arith.truncf %add3A_31 : vector<2000x128xf32> to vector<2000x128xbf16>
    %convert_element_type3A_55 = arith.truncf %get3A_53 : vector<128x128xf32> to vector<128x128xbf16>
    %dot_general3A_56 = arith.constant dense<0.000000e+00> : vector<2000x128xf32>
    %dot_general3A_57 = tpu.matmul %convert_element_type3A_54, %convert_element_type3A_55, %dot_general3A_56 {dimension_numbers = #tpu.dot_dimension_numbers<[1], [0], [0], [1], [0, 0, 1, 1], [], []>, transpose_lhs_hint = false} : vector<2000x128xbf16>, vector<128x128xbf16>, vector<2000x128xf32> -> vector<2000x128xf32>
    %swap3A_58 = arith.constant 0 : index
    %swap3A_59 = arith.constant 0 : index
    %swap3A_60 = vector.load %arg13[%swap3A_58, %swap3A_59] : memref<2000x128xf32, #tpu.memory_space<vmem>>, vector<2000x128xf32>
    tpu.vector_store %arg13[%swap3A_58, %swap3A_59], %dot_general3A_57 {strides = array<i32>} : memref<2000x128xf32, #tpu.memory_space<vmem>>, vector<2000x128xf32>,
    return
  }
  func.func @transform_0(%arg0: i32) -> (i32, i32) {
    %c0_i32 = arith.constant 0 : i32
    %c0_i32_0 = arith.constant 0 : i32
    return %arg0, %c0_i32 : i32, i32
  }
  func.func @transform_1(%arg0: i32) -> (i32, i32) {
    %c0_i32 = arith.constant 0 : i32
    %c0_i32_0 = arith.constant 0 : i32
    return %arg0, %c0_i32 : i32, i32
  }
  func.func @transform_2(%arg0: i32) -> (i32, i32) {
    %c0_i32 = arith.constant 0 : i32
    %c0_i32_0 = arith.constant 0 : i32
    %c0_i32_1 = arith.constant 0 : i32
    return %c0_i32, %c0_i32_0 : i32, i32
  }
  func.func @transform_3(%arg0: i32) -> (i32, i32) {
    %c0_i32 = arith.constant 0 : i32
    %c0_i32_0 = arith.constant 0 : i32
    %c0_i32_1 = arith.constant 0 : i32
    return %c0_i32, %c0_i32_0 : i32, i32
  }
  func.func @transform_4(%arg0: i32) -> (i32, i32) {
    %c0_i32 = arith.constant 0 : i32
    %c0_i32_0 = arith.constant 0 : i32
    %c0_i32_1 = arith.constant 0 : i32
    return %c0_i32, %c0_i32_0 : i32, i32
  }
  func.func @transform_5(%arg0: i32) -> (i32, i32) {
    %c0_i32 = arith.constant 0 : i32
    %c0_i32_0 = arith.constant 0 : i32
    %c0_i32_1 = arith.constant 0 : i32
    return %c0_i32, %c0_i32_0 : i32, i32
  }
  func.func @transform_6(%arg0: i32) -> (i32, i32) {
    %c0_i32 = arith.constant 0 : i32
    %c0_i32_0 = arith.constant 0 : i32
    %c0_i32_1 = arith.constant 0 : i32
    return %c0_i32, %c0_i32_0 : i32, i32
  }
  func.func @transform_7(%arg0: i32) -> (i32, i32) {
    %c0_i32 = arith.constant 0 : i32
    %c0_i32_0 = arith.constant 0 : i32
    %c0_i32_1 = arith.constant 0 : i32
    return %c0_i32, %c0_i32_0 : i32, i32
  }
  func.func @transform_8(%arg0: i32) -> (i32, i32) {
    %c0_i32 = arith.constant 0 : i32
    %c0_i32_0 = arith.constant 0 : i32
    %c0_i32_1 = arith.constant 0 : i32
    return %c0_i32, %c0_i32_0 : i32, i32
  }
  func.func @transform_9(%arg0: i32) -> (i32, i32) {
    %c0_i32 = arith.constant 0 : i32
    %c0_i32_0 = arith.constant 0 : i32
    %c0_i32_1 = arith.constant 0 : i32
    return %c0_i32, %c0_i32_0 : i32, i32
  }
  func.func @transform_10(%arg0: i32) -> (i32, i32) {
    %c0_i32 = arith.constant 0 : i32
    %c0_i32_0 = arith.constant 0 : i32
    return %arg0, %c0_i32 : i32, i32
  }
  func.func @transform_11(%arg0: i32) -> (i32, i32) {
    %c0_i32 = arith.constant 0 : i32
    %c0_i32_0 = arith.constant 0 : i32
    return %arg0, %c0_i32 : i32, i32
  }
  func.func @transform_12(%arg0: i32) -> (i32, i32) {
    %c0_i32 = arith.constant 0 : i32
    %c0_i32_0 = arith.constant 0 : i32
    return %arg0, %c0_i32 : i32, i32
  }
}

module attributes {stable_mosaic.version = 14 : i64} {
  func.func @_edge1_body(%arg0: i32, %arg1: memref<1280x128xf32, #tpu.memory_space<vmem>>, %arg2: memref<1280x128xf32, #tpu.memory_space<vmem>>, %arg3: memref<1280x4xf32, #tpu.memory_space<vmem>>, %arg4: memref<4x128xf32, #tpu.memory_space<vmem>>, %arg5: memref<1x128xf32, #tpu.memory_space<vmem>>, %arg6: memref<128x128xf32, #tpu.memory_space<vmem>>, %arg7: memref<1x128xf32, #tpu.memory_space<vmem>>, %arg8: memref<1280x128xf32, #tpu.memory_space<vmem>>) attributes {dimension_semantics = [#tpu.dimension_semantics<parallel>], iteration_bounds = array<i64: 64>, scalar_prefetch = 0 : i64, scratch_operands = 0 : i64, tpu.core_type = #tpu.core_type<tc>, window_params = [{transform_indices = @transform_0, window_bounds = array<i64: 1280, 128>}, {transform_indices = @transform_1, window_bounds = array<i64: 1280, 128>}, {transform_indices = @transform_2, window_bounds = array<i64: 1280, 4>}, {pipeline_mode = #tpu.pipeline_mode<synchronous>, transform_indices = @transform_3, window_bounds = array<i64: 4, 128>}, {pipeline_mode = #tpu.pipeline_mode<synchronous>, transform_indices = @transform_4, window_bounds = array<i64: 1, 128>}, {pipeline_mode = #tpu.pipeline_mode<synchronous>, transform_indices = @transform_5, window_bounds = array<i64: 128, 128>}, {pipeline_mode = #tpu.pipeline_mode<synchronous>, transform_indices = @transform_6, window_bounds = array<i64: 1, 128>}, {transform_indices = @transform_7, window_bounds = array<i64: 1280, 128>}]} {
    %get3A = arith.constant 0 : index
    %get3A_0 = arith.constant 0 : index
    %get3A_1 = vector.load %arg1[%get3A, %get3A_0] : memref<1280x128xf32, #tpu.memory_space<vmem>>, vector<1280x128xf32>
    %get3A_2 = arith.constant 0 : index
    %get3A_3 = arith.constant 0 : index
    %get3A_4 = vector.load %arg2[%get3A_2, %get3A_3] : memref<1280x128xf32, #tpu.memory_space<vmem>>, vector<1280x128xf32>
    %add3A = arith.addf %get3A_1, %get3A_4 : vector<1280x128xf32>
    %get3A_5 = arith.constant 0 : index
    %get3A_6 = arith.constant 0 : index
    %get3A_7 = vector.load %arg3[%get3A_5, %get3A_6] : memref<1280x4xf32, #tpu.memory_space<vmem>>, vector<1280x4xf32>
    %get3A_8 = arith.constant 0 : index
    %get3A_9 = arith.constant 0 : index
    %get3A_10 = vector.load %arg4[%get3A_8, %get3A_9] : memref<4x128xf32, #tpu.memory_space<vmem>>, vector<4x128xf32>
    %convert_element_type3A = arith.truncf %get3A_7 : vector<1280x4xf32> to vector<1280x4xbf16>
    %convert_element_type3A_11 = arith.truncf %get3A_10 : vector<4x128xf32> to vector<4x128xbf16>
    %dot_general3A = arith.constant dense<0.000000e+00> : vector<1280x128xf32>
    %dot_general3A_12 = tpu.matmul %convert_element_type3A, %convert_element_type3A_11, %dot_general3A {dimension_numbers = #tpu.dot_dimension_numbers<[1], [0], [0], [1], [0, 0, 1, 1], [], []>, transpose_lhs_hint = false} : vector<1280x4xbf16>, vector<4x128xbf16>, vector<1280x128xf32> -> vector<1280x128xf32>
    %add3A_13 = arith.addf %add3A, %dot_general3A_12 : vector<1280x128xf32>
    %get3A_14 = arith.constant 0 : index
    %get3A_15 = arith.constant 0 : index
    %get3A_16 = vector.load %arg5[%get3A_14, %get3A_15] : memref<1x128xf32, #tpu.memory_space<vmem>>, vector<1x128xf32>
    %add3A_17 = vector.broadcast %get3A_16 : vector<1x128xf32> to vector<1280x128xf32>
    %add3A_18 = arith.addf %add3A_13, %add3A_17 : vector<1280x128xf32>
    %max3A = arith.constant 0.000000e+00 : f32
    %max3A_19 = vector.broadcast %max3A : f32 to vector<1280x128xf32>
    %max3A_20 = arith.maximumf %add3A_18, %max3A_19 : vector<1280x128xf32>
    %get3A_21 = arith.constant 0 : index
    %get3A_22 = arith.constant 0 : index
    %get3A_23 = vector.load %arg6[%get3A_21, %get3A_22] : memref<128x128xf32, #tpu.memory_space<vmem>>, vector<128x128xf32>
    %convert_element_type3A_24 = arith.truncf %max3A_20 : vector<1280x128xf32> to vector<1280x128xbf16>
    %convert_element_type3A_25 = arith.truncf %get3A_23 : vector<128x128xf32> to vector<128x128xbf16>
    %dot_general3A_26 = arith.constant dense<0.000000e+00> : vector<1280x128xf32>
    %dot_general3A_27 = tpu.matmul %convert_element_type3A_24, %convert_element_type3A_25, %dot_general3A_26 {dimension_numbers = #tpu.dot_dimension_numbers<[1], [0], [0], [1], [0, 0, 1, 1], [], []>, transpose_lhs_hint = false} : vector<1280x128xbf16>, vector<128x128xbf16>, vector<1280x128xf32> -> vector<1280x128xf32>
    %get3A_28 = arith.constant 0 : index
    %get3A_29 = arith.constant 0 : index
    %get3A_30 = vector.load %arg7[%get3A_28, %get3A_29] : memref<1x128xf32, #tpu.memory_space<vmem>>, vector<1x128xf32>
    %add3A_31 = vector.broadcast %get3A_30 : vector<1x128xf32> to vector<1280x128xf32>
    %add3A_32 = arith.addf %dot_general3A_27, %add3A_31 : vector<1280x128xf32>
    %swap3A = arith.constant 0 : index
    %swap3A_33 = arith.constant 0 : index
    %swap3A_34 = vector.load %arg8[%swap3A, %swap3A_33] : memref<1280x128xf32, #tpu.memory_space<vmem>>, vector<1280x128xf32>
    tpu.vector_store %arg8[%swap3A, %swap3A_33], %add3A_32 {strides = array<i32>} : memref<1280x128xf32, #tpu.memory_space<vmem>>, vector<1280x128xf32>,
    return
  }
  func.func @transform_0(%arg0: i32) -> (i32, i32) {
    %c0_i32 = arith.constant 0 : i32
    %c0_i32_0 = arith.constant 0 : i32
    return %arg0, %c0_i32 : i32, i32
  }
  func.func @transform_1(%arg0: i32) -> (i32, i32) {
    %c0_i32 = arith.constant 0 : i32
    %c0_i32_0 = arith.constant 0 : i32
    return %arg0, %c0_i32 : i32, i32
  }
  func.func @transform_2(%arg0: i32) -> (i32, i32) {
    %c0_i32 = arith.constant 0 : i32
    %c0_i32_0 = arith.constant 0 : i32
    return %arg0, %c0_i32 : i32, i32
  }
  func.func @transform_3(%arg0: i32) -> (i32, i32) {
    %c0_i32 = arith.constant 0 : i32
    %c0_i32_0 = arith.constant 0 : i32
    %c0_i32_1 = arith.constant 0 : i32
    return %c0_i32, %c0_i32_0 : i32, i32
  }
  func.func @transform_4(%arg0: i32) -> (i32, i32) {
    %c0_i32 = arith.constant 0 : i32
    %c0_i32_0 = arith.constant 0 : i32
    %c0_i32_1 = arith.constant 0 : i32
    return %c0_i32, %c0_i32_0 : i32, i32
  }
  func.func @transform_5(%arg0: i32) -> (i32, i32) {
    %c0_i32 = arith.constant 0 : i32
    %c0_i32_0 = arith.constant 0 : i32
    %c0_i32_1 = arith.constant 0 : i32
    return %c0_i32, %c0_i32_0 : i32, i32
  }
  func.func @transform_6(%arg0: i32) -> (i32, i32) {
    %c0_i32 = arith.constant 0 : i32
    %c0_i32_0 = arith.constant 0 : i32
    %c0_i32_1 = arith.constant 0 : i32
    return %c0_i32, %c0_i32_0 : i32, i32
  }
  func.func @transform_7(%arg0: i32) -> (i32, i32) {
    %c0_i32 = arith.constant 0 : i32
    %c0_i32_0 = arith.constant 0 : i32
    return %arg0, %c0_i32 : i32, i32
  }
}

module attributes {stable_mosaic.version = 14 : i64} {
  func.func @_node1_body(%arg0: i32, %arg1: memref<2000x128xf32, #tpu.memory_space<vmem>>, %arg2: memref<2000x128xf32, #tpu.memory_space<vmem>>, %arg3: memref<128x128xf32, #tpu.memory_space<vmem>>, %arg4: memref<1x128xf32, #tpu.memory_space<vmem>>, %arg5: memref<128x128xf32, #tpu.memory_space<vmem>>, %arg6: memref<1x128xf32, #tpu.memory_space<vmem>>, %arg7: memref<128x128xf32, #tpu.memory_space<vmem>>, %arg8: memref<128x128xf32, #tpu.memory_space<vmem>>, %arg9: memref<2000x128xf32, #tpu.memory_space<vmem>>, %arg10: memref<2000x128xf32, #tpu.memory_space<vmem>>) attributes {dimension_semantics = [#tpu.dimension_semantics<parallel>], iteration_bounds = array<i64: 5>, scalar_prefetch = 0 : i64, scratch_operands = 0 : i64, tpu.core_type = #tpu.core_type<tc>, window_params = [{transform_indices = @transform_0, window_bounds = array<i64: 2000, 128>}, {transform_indices = @transform_1, window_bounds = array<i64: 2000, 128>}, {pipeline_mode = #tpu.pipeline_mode<synchronous>, transform_indices = @transform_2, window_bounds = array<i64: 128, 128>}, {pipeline_mode = #tpu.pipeline_mode<synchronous>, transform_indices = @transform_3, window_bounds = array<i64: 1, 128>}, {pipeline_mode = #tpu.pipeline_mode<synchronous>, transform_indices = @transform_4, window_bounds = array<i64: 128, 128>}, {pipeline_mode = #tpu.pipeline_mode<synchronous>, transform_indices = @transform_5, window_bounds = array<i64: 1, 128>}, {pipeline_mode = #tpu.pipeline_mode<synchronous>, transform_indices = @transform_6, window_bounds = array<i64: 128, 128>}, {pipeline_mode = #tpu.pipeline_mode<synchronous>, transform_indices = @transform_7, window_bounds = array<i64: 128, 128>}, {transform_indices = @transform_8, window_bounds = array<i64: 2000, 128>}, {transform_indices = @transform_9, window_bounds = array<i64: 2000, 128>}]} {
    %get3A = arith.constant 0 : index
    %get3A_0 = arith.constant 0 : index
    %get3A_1 = vector.load %arg1[%get3A, %get3A_0] : memref<2000x128xf32, #tpu.memory_space<vmem>>, vector<2000x128xf32>
    %get3A_2 = arith.constant 0 : index
    %get3A_3 = arith.constant 0 : index
    %get3A_4 = vector.load %arg2[%get3A_2, %get3A_3] : memref<2000x128xf32, #tpu.memory_space<vmem>>, vector<2000x128xf32>
    %get3A_5 = arith.constant 0 : index
    %get3A_6 = arith.constant 0 : index
    %get3A_7 = vector.load %arg3[%get3A_5, %get3A_6] : memref<128x128xf32, #tpu.memory_space<vmem>>, vector<128x128xf32>
    %convert_element_type3A = arith.truncf %get3A_4 : vector<2000x128xf32> to vector<2000x128xbf16>
    %convert_element_type3A_8 = arith.truncf %get3A_7 : vector<128x128xf32> to vector<128x128xbf16>
    %dot_general3A = arith.constant dense<0.000000e+00> : vector<2000x128xf32>
    %dot_general3A_9 = tpu.matmul %convert_element_type3A, %convert_element_type3A_8, %dot_general3A {dimension_numbers = #tpu.dot_dimension_numbers<[1], [0], [0], [1], [0, 0, 1, 1], [], []>, transpose_lhs_hint = false} : vector<2000x128xbf16>, vector<128x128xbf16>, vector<2000x128xf32> -> vector<2000x128xf32>
    %add3A = arith.addf %get3A_1, %dot_general3A_9 : vector<2000x128xf32>
    %get3A_10 = arith.constant 0 : index
    %get3A_11 = arith.constant 0 : index
    %get3A_12 = vector.load %arg4[%get3A_10, %get3A_11] : memref<1x128xf32, #tpu.memory_space<vmem>>, vector<1x128xf32>
    %add3A_13 = vector.broadcast %get3A_12 : vector<1x128xf32> to vector<2000x128xf32>
    %add3A_14 = arith.addf %add3A, %add3A_13 : vector<2000x128xf32>
    %max3A = arith.constant 0.000000e+00 : f32
    %max3A_15 = vector.broadcast %max3A : f32 to vector<2000x128xf32>
    %max3A_16 = arith.maximumf %add3A_14, %max3A_15 : vector<2000x128xf32>
    %get3A_17 = arith.constant 0 : index
    %get3A_18 = arith.constant 0 : index
    %get3A_19 = vector.load %arg5[%get3A_17, %get3A_18] : memref<128x128xf32, #tpu.memory_space<vmem>>, vector<128x128xf32>
    %convert_element_type3A_20 = arith.truncf %max3A_16 : vector<2000x128xf32> to vector<2000x128xbf16>
    %convert_element_type3A_21 = arith.truncf %get3A_19 : vector<128x128xf32> to vector<128x128xbf16>
    %dot_general3A_22 = arith.constant dense<0.000000e+00> : vector<2000x128xf32>
    %dot_general3A_23 = tpu.matmul %convert_element_type3A_20, %convert_element_type3A_21, %dot_general3A_22 {dimension_numbers = #tpu.dot_dimension_numbers<[1], [0], [0], [1], [0, 0, 1, 1], [], []>, transpose_lhs_hint = false} : vector<2000x128xbf16>, vector<128x128xbf16>, vector<2000x128xf32> -> vector<2000x128xf32>
    %get3A_24 = arith.constant 0 : index
    %get3A_25 = arith.constant 0 : index
    %get3A_26 = vector.load %arg6[%get3A_24, %get3A_25] : memref<1x128xf32, #tpu.memory_space<vmem>>, vector<1x128xf32>
    %add3A_27 = vector.broadcast %get3A_26 : vector<1x128xf32> to vector<2000x128xf32>
    %add3A_28 = arith.addf %dot_general3A_23, %add3A_27 : vector<2000x128xf32>
    %get3A_29 = arith.constant 0 : index
    %get3A_30 = arith.constant 0 : index
    %get3A_31 = vector.load %arg7[%get3A_29, %get3A_30] : memref<128x128xf32, #tpu.memory_space<vmem>>, vector<128x128xf32>
    %convert_element_type3A_32 = arith.truncf %add3A_28 : vector<2000x128xf32> to vector<2000x128xbf16>
    %convert_element_type3A_33 = arith.truncf %get3A_31 : vector<128x128xf32> to vector<128x128xbf16>
    %dot_general3A_34 = arith.constant dense<0.000000e+00> : vector<2000x128xf32>
    %dot_general3A_35 = tpu.matmul %convert_element_type3A_32, %convert_element_type3A_33, %dot_general3A_34 {dimension_numbers = #tpu.dot_dimension_numbers<[1], [0], [0], [1], [0, 0, 1, 1], [], []>, transpose_lhs_hint = false} : vector<2000x128xbf16>, vector<128x128xbf16>, vector<2000x128xf32> -> vector<2000x128xf32>
    %swap3A = arith.constant 0 : index
    %swap3A_36 = arith.constant 0 : index
    %swap3A_37 = vector.load %arg9[%swap3A, %swap3A_36] : memref<2000x128xf32, #tpu.memory_space<vmem>>, vector<2000x128xf32>
    tpu.vector_store %arg9[%swap3A, %swap3A_36], %dot_general3A_35 {strides = array<i32>} : memref<2000x128xf32, #tpu.memory_space<vmem>>, vector<2000x128xf32>,
    %get3A_38 = arith.constant 0 : index
    %get3A_39 = arith.constant 0 : index
    %get3A_40 = vector.load %arg8[%get3A_38, %get3A_39] : memref<128x128xf32, #tpu.memory_space<vmem>>, vector<128x128xf32>
    %convert_element_type3A_41 = arith.truncf %add3A_28 : vector<2000x128xf32> to vector<2000x128xbf16>
    %convert_element_type3A_42 = arith.truncf %get3A_40 : vector<128x128xf32> to vector<128x128xbf16>
    %dot_general3A_43 = arith.constant dense<0.000000e+00> : vector<2000x128xf32>
    %dot_general3A_44 = tpu.matmul %convert_element_type3A_41, %convert_element_type3A_42, %dot_general3A_43 {dimension_numbers = #tpu.dot_dimension_numbers<[1], [0], [0], [1], [0, 0, 1, 1], [], []>, transpose_lhs_hint = false} : vector<2000x128xbf16>, vector<128x128xbf16>, vector<2000x128xf32> -> vector<2000x128xf32>
    %swap3A_45 = arith.constant 0 : index
    %swap3A_46 = arith.constant 0 : index
    %swap3A_47 = vector.load %arg10[%swap3A_45, %swap3A_46] : memref<2000x128xf32, #tpu.memory_space<vmem>>, vector<2000x128xf32>
    tpu.vector_store %arg10[%swap3A_45, %swap3A_46], %dot_general3A_44 {strides = array<i32>} : memref<2000x128xf32, #tpu.memory_space<vmem>>, vector<2000x128xf32>,
    return
  }
  func.func @transform_0(%arg0: i32) -> (i32, i32) {
    %c0_i32 = arith.constant 0 : i32
    %c0_i32_0 = arith.constant 0 : i32
    return %arg0, %c0_i32 : i32, i32
  }
  func.func @transform_1(%arg0: i32) -> (i32, i32) {
    %c0_i32 = arith.constant 0 : i32
    %c0_i32_0 = arith.constant 0 : i32
    return %arg0, %c0_i32 : i32, i32
  }
  func.func @transform_2(%arg0: i32) -> (i32, i32) {
    %c0_i32 = arith.constant 0 : i32
    %c0_i32_0 = arith.constant 0 : i32
    %c0_i32_1 = arith.constant 0 : i32
    return %c0_i32, %c0_i32_0 : i32, i32
  }
  func.func @transform_3(%arg0: i32) -> (i32, i32) {
    %c0_i32 = arith.constant 0 : i32
    %c0_i32_0 = arith.constant 0 : i32
    %c0_i32_1 = arith.constant 0 : i32
    return %c0_i32, %c0_i32_0 : i32, i32
  }
  func.func @transform_4(%arg0: i32) -> (i32, i32) {
    %c0_i32 = arith.constant 0 : i32
    %c0_i32_0 = arith.constant 0 : i32
    %c0_i32_1 = arith.constant 0 : i32
    return %c0_i32, %c0_i32_0 : i32, i32
  }
  func.func @transform_5(%arg0: i32) -> (i32, i32) {
    %c0_i32 = arith.constant 0 : i32
    %c0_i32_0 = arith.constant 0 : i32
    %c0_i32_1 = arith.constant 0 : i32
    return %c0_i32, %c0_i32_0 : i32, i32
  }
  func.func @transform_6(%arg0: i32) -> (i32, i32) {
    %c0_i32 = arith.constant 0 : i32
    %c0_i32_0 = arith.constant 0 : i32
    %c0_i32_1 = arith.constant 0 : i32
    return %c0_i32, %c0_i32_0 : i32, i32
  }
  func.func @transform_7(%arg0: i32) -> (i32, i32) {
    %c0_i32 = arith.constant 0 : i32
    %c0_i32_0 = arith.constant 0 : i32
    %c0_i32_1 = arith.constant 0 : i32
    return %c0_i32, %c0_i32_0 : i32, i32
  }
  func.func @transform_8(%arg0: i32) -> (i32, i32) {
    %c0_i32 = arith.constant 0 : i32
    %c0_i32_0 = arith.constant 0 : i32
    return %arg0, %c0_i32 : i32, i32
  }
  func.func @transform_9(%arg0: i32) -> (i32, i32) {
    %c0_i32 = arith.constant 0 : i32
    %c0_i32_0 = arith.constant 0 : i32
    return %arg0, %c0_i32 : i32, i32
  }
}

module attributes {stable_mosaic.version = 14 : i64} {
  func.func @_edge1_body(%arg0: i32, %arg1: memref<1280x128xf32, #tpu.memory_space<vmem>>, %arg2: memref<1280x128xf32, #tpu.memory_space<vmem>>, %arg3: memref<1280x4xf32, #tpu.memory_space<vmem>>, %arg4: memref<4x128xf32, #tpu.memory_space<vmem>>, %arg5: memref<1x128xf32, #tpu.memory_space<vmem>>, %arg6: memref<128x128xf32, #tpu.memory_space<vmem>>, %arg7: memref<1x128xf32, #tpu.memory_space<vmem>>, %arg8: memref<1280x128xf32, #tpu.memory_space<vmem>>) attributes {dimension_semantics = [#tpu.dimension_semantics<parallel>], iteration_bounds = array<i64: 61>, scalar_prefetch = 0 : i64, scratch_operands = 0 : i64, tpu.core_type = #tpu.core_type<tc>, window_params = [{transform_indices = @transform_0, window_bounds = array<i64: 1280, 128>}, {transform_indices = @transform_1, window_bounds = array<i64: 1280, 128>}, {transform_indices = @transform_2, window_bounds = array<i64: 1280, 4>}, {pipeline_mode = #tpu.pipeline_mode<synchronous>, transform_indices = @transform_3, window_bounds = array<i64: 4, 128>}, {pipeline_mode = #tpu.pipeline_mode<synchronous>, transform_indices = @transform_4, window_bounds = array<i64: 1, 128>}, {pipeline_mode = #tpu.pipeline_mode<synchronous>, transform_indices = @transform_5, window_bounds = array<i64: 128, 128>}, {pipeline_mode = #tpu.pipeline_mode<synchronous>, transform_indices = @transform_6, window_bounds = array<i64: 1, 128>}, {transform_indices = @transform_7, window_bounds = array<i64: 1280, 128>}]} {
    %get3A = arith.constant 0 : index
    %get3A_0 = arith.constant 0 : index
    %get3A_1 = vector.load %arg1[%get3A, %get3A_0] : memref<1280x128xf32, #tpu.memory_space<vmem>>, vector<1280x128xf32>
    %get3A_2 = arith.constant 0 : index
    %get3A_3 = arith.constant 0 : index
    %get3A_4 = vector.load %arg2[%get3A_2, %get3A_3] : memref<1280x128xf32, #tpu.memory_space<vmem>>, vector<1280x128xf32>
    %add3A = arith.addf %get3A_1, %get3A_4 : vector<1280x128xf32>
    %get3A_5 = arith.constant 0 : index
    %get3A_6 = arith.constant 0 : index
    %get3A_7 = vector.load %arg3[%get3A_5, %get3A_6] : memref<1280x4xf32, #tpu.memory_space<vmem>>, vector<1280x4xf32>
    %get3A_8 = arith.constant 0 : index
    %get3A_9 = arith.constant 0 : index
    %get3A_10 = vector.load %arg4[%get3A_8, %get3A_9] : memref<4x128xf32, #tpu.memory_space<vmem>>, vector<4x128xf32>
    %convert_element_type3A = arith.truncf %get3A_7 : vector<1280x4xf32> to vector<1280x4xbf16>
    %convert_element_type3A_11 = arith.truncf %get3A_10 : vector<4x128xf32> to vector<4x128xbf16>
    %dot_general3A = arith.constant dense<0.000000e+00> : vector<1280x128xf32>
    %dot_general3A_12 = tpu.matmul %convert_element_type3A, %convert_element_type3A_11, %dot_general3A {dimension_numbers = #tpu.dot_dimension_numbers<[1], [0], [0], [1], [0, 0, 1, 1], [], []>, transpose_lhs_hint = false} : vector<1280x4xbf16>, vector<4x128xbf16>, vector<1280x128xf32> -> vector<1280x128xf32>
    %add3A_13 = arith.addf %add3A, %dot_general3A_12 : vector<1280x128xf32>
    %get3A_14 = arith.constant 0 : index
    %get3A_15 = arith.constant 0 : index
    %get3A_16 = vector.load %arg5[%get3A_14, %get3A_15] : memref<1x128xf32, #tpu.memory_space<vmem>>, vector<1x128xf32>
    %add3A_17 = vector.broadcast %get3A_16 : vector<1x128xf32> to vector<1280x128xf32>
    %add3A_18 = arith.addf %add3A_13, %add3A_17 : vector<1280x128xf32>
    %max3A = arith.constant 0.000000e+00 : f32
    %max3A_19 = vector.broadcast %max3A : f32 to vector<1280x128xf32>
    %max3A_20 = arith.maximumf %add3A_18, %max3A_19 : vector<1280x128xf32>
    %get3A_21 = arith.constant 0 : index
    %get3A_22 = arith.constant 0 : index
    %get3A_23 = vector.load %arg6[%get3A_21, %get3A_22] : memref<128x128xf32, #tpu.memory_space<vmem>>, vector<128x128xf32>
    %convert_element_type3A_24 = arith.truncf %max3A_20 : vector<1280x128xf32> to vector<1280x128xbf16>
    %convert_element_type3A_25 = arith.truncf %get3A_23 : vector<128x128xf32> to vector<128x128xbf16>
    %dot_general3A_26 = arith.constant dense<0.000000e+00> : vector<1280x128xf32>
    %dot_general3A_27 = tpu.matmul %convert_element_type3A_24, %convert_element_type3A_25, %dot_general3A_26 {dimension_numbers = #tpu.dot_dimension_numbers<[1], [0], [0], [1], [0, 0, 1, 1], [], []>, transpose_lhs_hint = false} : vector<1280x128xbf16>, vector<128x128xbf16>, vector<1280x128xf32> -> vector<1280x128xf32>
    %get3A_28 = arith.constant 0 : index
    %get3A_29 = arith.constant 0 : index
    %get3A_30 = vector.load %arg7[%get3A_28, %get3A_29] : memref<1x128xf32, #tpu.memory_space<vmem>>, vector<1x128xf32>
    %add3A_31 = vector.broadcast %get3A_30 : vector<1x128xf32> to vector<1280x128xf32>
    %add3A_32 = arith.addf %dot_general3A_27, %add3A_31 : vector<1280x128xf32>
    %swap3A = arith.constant 0 : index
    %swap3A_33 = arith.constant 0 : index
    %swap3A_34 = vector.load %arg8[%swap3A, %swap3A_33] : memref<1280x128xf32, #tpu.memory_space<vmem>>, vector<1280x128xf32>
    tpu.vector_store %arg8[%swap3A, %swap3A_33], %add3A_32 {strides = array<i32>} : memref<1280x128xf32, #tpu.memory_space<vmem>>, vector<1280x128xf32>,
    return
  }
  func.func @transform_0(%arg0: i32) -> (i32, i32) {
    %c0_i32 = arith.constant 0 : i32
    %c0_i32_0 = arith.constant 0 : i32
    return %arg0, %c0_i32 : i32, i32
  }
  func.func @transform_1(%arg0: i32) -> (i32, i32) {
    %c0_i32 = arith.constant 0 : i32
    %c0_i32_0 = arith.constant 0 : i32
    return %arg0, %c0_i32 : i32, i32
  }
  func.func @transform_2(%arg0: i32) -> (i32, i32) {
    %c0_i32 = arith.constant 0 : i32
    %c0_i32_0 = arith.constant 0 : i32
    return %arg0, %c0_i32 : i32, i32
  }
  func.func @transform_3(%arg0: i32) -> (i32, i32) {
    %c0_i32 = arith.constant 0 : i32
    %c0_i32_0 = arith.constant 0 : i32
    %c0_i32_1 = arith.constant 0 : i32
    return %c0_i32, %c0_i32_0 : i32, i32
  }
  func.func @transform_4(%arg0: i32) -> (i32, i32) {
    %c0_i32 = arith.constant 0 : i32
    %c0_i32_0 = arith.constant 0 : i32
    %c0_i32_1 = arith.constant 0 : i32
    return %c0_i32, %c0_i32_0 : i32, i32
  }
  func.func @transform_5(%arg0: i32) -> (i32, i32) {
    %c0_i32 = arith.constant 0 : i32
    %c0_i32_0 = arith.constant 0 : i32
    %c0_i32_1 = arith.constant 0 : i32
    return %c0_i32, %c0_i32_0 : i32, i32
  }
  func.func @transform_6(%arg0: i32) -> (i32, i32) {
    %c0_i32 = arith.constant 0 : i32
    %c0_i32_0 = arith.constant 0 : i32
    %c0_i32_1 = arith.constant 0 : i32
    return %c0_i32, %c0_i32_0 : i32, i32
  }
  func.func @transform_7(%arg0: i32) -> (i32, i32) {
    %c0_i32 = arith.constant 0 : i32
    %c0_i32_0 = arith.constant 0 : i32
    return %arg0, %c0_i32 : i32, i32
  }
}

module attributes {stable_mosaic.version = 14 : i64} {
  func.func @_edge2_body(%arg0: i32, %arg1: memref<1280x128xf32, #tpu.memory_space<vmem>>, %arg2: memref<1280x128xf32, #tpu.memory_space<vmem>>, %arg3: memref<1280x128xf32, #tpu.memory_space<vmem>>, %arg4: memref<128x128xf32, #tpu.memory_space<vmem>>, %arg5: memref<1x128xf32, #tpu.memory_space<vmem>>, %arg6: memref<128x128xf32, #tpu.memory_space<vmem>>, %arg7: memref<1x128xf32, #tpu.memory_space<vmem>>, %arg8: memref<128x128xf32, #tpu.memory_space<vmem>>, %arg9: memref<1x128xf32, #tpu.memory_space<vmem>>, %arg10: memref<1280x128xf32, #tpu.memory_space<vmem>>, %arg11: memref<8x128xf32, #tpu.memory_space<vmem>>) attributes {dimension_semantics = [#tpu.dimension_semantics<parallel>], iteration_bounds = array<i64: 64>, scalar_prefetch = 0 : i64, scratch_operands = 0 : i64, tpu.core_type = #tpu.core_type<tc>, window_params = [{transform_indices = @transform_0, window_bounds = array<i64: 1280, 128>}, {transform_indices = @transform_1, window_bounds = array<i64: 1280, 128>}, {transform_indices = @transform_2, window_bounds = array<i64: 1280, 128>}, {pipeline_mode = #tpu.pipeline_mode<synchronous>, transform_indices = @transform_3, window_bounds = array<i64: 128, 128>}, {pipeline_mode = #tpu.pipeline_mode<synchronous>, transform_indices = @transform_4, window_bounds = array<i64: 1, 128>}, {pipeline_mode = #tpu.pipeline_mode<synchronous>, transform_indices = @transform_5, window_bounds = array<i64: 128, 128>}, {pipeline_mode = #tpu.pipeline_mode<synchronous>, transform_indices = @transform_6, window_bounds = array<i64: 1, 128>}, {pipeline_mode = #tpu.pipeline_mode<synchronous>, transform_indices = @transform_7, window_bounds = array<i64: 128, 128>}, {pipeline_mode = #tpu.pipeline_mode<synchronous>, transform_indices = @transform_8, window_bounds = array<i64: 1, 128>}, {transform_indices = @transform_9, window_bounds = array<i64: 1280, 128>}, {transform_indices = @transform_10, window_bounds = array<i64: 8, 128>}]} {
    %get3A = arith.constant 0 : index
    %get3A_0 = arith.constant 0 : index
    %get3A_1 = vector.load %arg1[%get3A, %get3A_0] : memref<1280x128xf32, #tpu.memory_space<vmem>>, vector<1280x128xf32>
    %get3A_2 = arith.constant 0 : index
    %get3A_3 = arith.constant 0 : index
    %get3A_4 = vector.load %arg2[%get3A_2, %get3A_3] : memref<1280x128xf32, #tpu.memory_space<vmem>>, vector<1280x128xf32>
    %add3A = arith.addf %get3A_1, %get3A_4 : vector<1280x128xf32>
    %get3A_5 = arith.constant 0 : index
    %get3A_6 = arith.constant 0 : index
    %get3A_7 = vector.load %arg3[%get3A_5, %get3A_6] : memref<1280x128xf32, #tpu.memory_space<vmem>>, vector<1280x128xf32>
    %get3A_8 = arith.constant 0 : index
    %get3A_9 = arith.constant 0 : index
    %get3A_10 = vector.load %arg4[%get3A_8, %get3A_9] : memref<128x128xf32, #tpu.memory_space<vmem>>, vector<128x128xf32>
    %convert_element_type3A = arith.truncf %get3A_7 : vector<1280x128xf32> to vector<1280x128xbf16>
    %convert_element_type3A_11 = arith.truncf %get3A_10 : vector<128x128xf32> to vector<128x128xbf16>
    %dot_general3A = arith.constant dense<0.000000e+00> : vector<1280x128xf32>
    %dot_general3A_12 = tpu.matmul %convert_element_type3A, %convert_element_type3A_11, %dot_general3A {dimension_numbers = #tpu.dot_dimension_numbers<[1], [0], [0], [1], [0, 0, 1, 1], [], []>, transpose_lhs_hint = false} : vector<1280x128xbf16>, vector<128x128xbf16>, vector<1280x128xf32> -> vector<1280x128xf32>
    %add3A_13 = arith.addf %add3A, %dot_general3A_12 : vector<1280x128xf32>
    %get3A_14 = arith.constant 0 : index
    %get3A_15 = arith.constant 0 : index
    %get3A_16 = vector.load %arg5[%get3A_14, %get3A_15] : memref<1x128xf32, #tpu.memory_space<vmem>>, vector<1x128xf32>
    %add3A_17 = vector.broadcast %get3A_16 : vector<1x128xf32> to vector<1280x128xf32>
    %add3A_18 = arith.addf %add3A_13, %add3A_17 : vector<1280x128xf32>
    %max3A = arith.constant 0.000000e+00 : f32
    %max3A_19 = vector.broadcast %max3A : f32 to vector<1280x128xf32>
    %max3A_20 = arith.maximumf %add3A_18, %max3A_19 : vector<1280x128xf32>
    %get3A_21 = arith.constant 0 : index
    %get3A_22 = arith.constant 0 : index
    %get3A_23 = vector.load %arg6[%get3A_21, %get3A_22] : memref<128x128xf32, #tpu.memory_space<vmem>>, vector<128x128xf32>
    %convert_element_type3A_24 = arith.truncf %max3A_20 : vector<1280x128xf32> to vector<1280x128xbf16>
    %convert_element_type3A_25 = arith.truncf %get3A_23 : vector<128x128xf32> to vector<128x128xbf16>
    %dot_general3A_26 = arith.constant dense<0.000000e+00> : vector<1280x128xf32>
    %dot_general3A_27 = tpu.matmul %convert_element_type3A_24, %convert_element_type3A_25, %dot_general3A_26 {dimension_numbers = #tpu.dot_dimension_numbers<[1], [0], [0], [1], [0, 0, 1, 1], [], []>, transpose_lhs_hint = false} : vector<1280x128xbf16>, vector<128x128xbf16>, vector<1280x128xf32> -> vector<1280x128xf32>
    %get3A_28 = arith.constant 0 : index
    %get3A_29 = arith.constant 0 : index
    %get3A_30 = vector.load %arg7[%get3A_28, %get3A_29] : memref<1x128xf32, #tpu.memory_space<vmem>>, vector<1x128xf32>
    %add3A_31 = vector.broadcast %get3A_30 : vector<1x128xf32> to vector<1280x128xf32>
    %add3A_32 = arith.addf %dot_general3A_27, %add3A_31 : vector<1280x128xf32>
    %get3A_33 = arith.constant 0 : index
    %get3A_34 = arith.constant 0 : index
    %get3A_35 = vector.load %arg8[%get3A_33, %get3A_34] : memref<128x128xf32, #tpu.memory_space<vmem>>, vector<128x128xf32>
    %convert_element_type3A_36 = arith.truncf %add3A_32 : vector<1280x128xf32> to vector<1280x128xbf16>
    %convert_element_type3A_37 = arith.truncf %get3A_35 : vector<128x128xf32> to vector<128x128xbf16>
    %dot_general3A_38 = arith.constant dense<0.000000e+00> : vector<1280x128xf32>
    %dot_general3A_39 = tpu.matmul %convert_element_type3A_36, %convert_element_type3A_37, %dot_general3A_38 {dimension_numbers = #tpu.dot_dimension_numbers<[1], [0], [0], [1], [0, 0, 1, 1], [], []>, transpose_lhs_hint = false} : vector<1280x128xbf16>, vector<128x128xbf16>, vector<1280x128xf32> -> vector<1280x128xf32>
    %get3A_40 = arith.constant 0 : index
    %get3A_41 = arith.constant 0 : index
    %get3A_42 = vector.load %arg9[%get3A_40, %get3A_41] : memref<1x128xf32, #tpu.memory_space<vmem>>, vector<1x128xf32>
    %add3A_43 = vector.broadcast %get3A_42 : vector<1x128xf32> to vector<1280x128xf32>
    %add3A_44 = arith.addf %dot_general3A_39, %add3A_43 : vector<1280x128xf32>
    %swap3A = arith.constant 0 : index
    %swap3A_45 = arith.constant 0 : index
    %swap3A_46 = vector.load %arg10[%swap3A, %swap3A_45] : memref<1280x128xf32, #tpu.memory_space<vmem>>, vector<1280x128xf32>
    tpu.vector_store %arg10[%swap3A, %swap3A_45], %add3A_44 {strides = array<i32>} : memref<1280x128xf32, #tpu.memory_space<vmem>>, vector<1280x128xf32>,
    %reduce_sum3A = arith.constant dense<0.000000e+00> : vector<128xf32>
    %reduce_sum3A_47 = vector.multi_reduction <add>, %add3A_44, %reduce_sum3A [0] : vector<1280x128xf32> to vector<128xf32>
    %reshape3A = vector.shape_cast %reduce_sum3A_47 : vector<128xf32> to vector<1x128xf32>
    %mul3A = arith.mulf %add3A_44, %add3A_44 : vector<1280x128xf32>
    %reduce_sum3A_48 = arith.constant dense<0.000000e+00> : vector<128xf32>
    %reduce_sum3A_49 = vector.multi_reduction <add>, %mul3A, %reduce_sum3A_48 [0] : vector<1280x128xf32> to vector<128xf32>
    %reshape3A_50 = vector.shape_cast %reduce_sum3A_49 : vector<128xf32> to vector<1x128xf32>
    %broadcast_in_dim3A = arith.constant 0.000000e+00 : f32
    %broadcast_in_dim3A_51 = vector.broadcast %broadcast_in_dim3A : f32 to vector<6x128xf32>
    %concatenate3A = tpu.concatenate %reshape3A, %reshape3A_50, %broadcast_in_dim3A_51 in 0 : vector<1x128xf32>, vector<1x128xf32>, vector<6x128xf32> -> vector<8x128xf32>
    %swap3A_52 = arith.constant 0 : index
    %swap3A_53 = arith.constant 0 : index
    %swap3A_54 = vector.load %arg11[%swap3A_52, %swap3A_53] : memref<8x128xf32, #tpu.memory_space<vmem>>, vector<8x128xf32>
    tpu.vector_store %arg11[%swap3A_52, %swap3A_53], %concatenate3A {strides = array<i32>} : memref<8x128xf32, #tpu.memory_space<vmem>>, vector<8x128xf32>,
    return
  }
  func.func @transform_0(%arg0: i32) -> (i32, i32) {
    %c0_i32 = arith.constant 0 : i32
    %c0_i32_0 = arith.constant 0 : i32
    return %arg0, %c0_i32 : i32, i32
  }
  func.func @transform_1(%arg0: i32) -> (i32, i32) {
    %c0_i32 = arith.constant 0 : i32
    %c0_i32_0 = arith.constant 0 : i32
    return %arg0, %c0_i32 : i32, i32
  }
  func.func @transform_2(%arg0: i32) -> (i32, i32) {
    %c0_i32 = arith.constant 0 : i32
    %c0_i32_0 = arith.constant 0 : i32
    return %arg0, %c0_i32 : i32, i32
  }
  func.func @transform_3(%arg0: i32) -> (i32, i32) {
    %c0_i32 = arith.constant 0 : i32
    %c0_i32_0 = arith.constant 0 : i32
    %c0_i32_1 = arith.constant 0 : i32
    return %c0_i32, %c0_i32_0 : i32, i32
  }
  func.func @transform_4(%arg0: i32) -> (i32, i32) {
    %c0_i32 = arith.constant 0 : i32
    %c0_i32_0 = arith.constant 0 : i32
    %c0_i32_1 = arith.constant 0 : i32
    return %c0_i32, %c0_i32_0 : i32, i32
  }
  func.func @transform_5(%arg0: i32) -> (i32, i32) {
    %c0_i32 = arith.constant 0 : i32
    %c0_i32_0 = arith.constant 0 : i32
    %c0_i32_1 = arith.constant 0 : i32
    return %c0_i32, %c0_i32_0 : i32, i32
  }
  func.func @transform_6(%arg0: i32) -> (i32, i32) {
    %c0_i32 = arith.constant 0 : i32
    %c0_i32_0 = arith.constant 0 : i32
    %c0_i32_1 = arith.constant 0 : i32
    return %c0_i32, %c0_i32_0 : i32, i32
  }
  func.func @transform_7(%arg0: i32) -> (i32, i32) {
    %c0_i32 = arith.constant 0 : i32
    %c0_i32_0 = arith.constant 0 : i32
    %c0_i32_1 = arith.constant 0 : i32
    return %c0_i32, %c0_i32_0 : i32, i32
  }
  func.func @transform_8(%arg0: i32) -> (i32, i32) {
    %c0_i32 = arith.constant 0 : i32
    %c0_i32_0 = arith.constant 0 : i32
    %c0_i32_1 = arith.constant 0 : i32
    return %c0_i32, %c0_i32_0 : i32, i32
  }
  func.func @transform_9(%arg0: i32) -> (i32, i32) {
    %c0_i32 = arith.constant 0 : i32
    %c0_i32_0 = arith.constant 0 : i32
    return %arg0, %c0_i32 : i32, i32
  }
  func.func @transform_10(%arg0: i32) -> (i32, i32) {
    %c0_i32 = arith.constant 0 : i32
    %c0_i32_0 = arith.constant 0 : i32
    return %arg0, %c0_i32 : i32, i32
  }
}

module attributes {stable_mosaic.version = 14 : i64} {
  func.func @_edge2_body(%arg0: i32, %arg1: memref<1280x128xf32, #tpu.memory_space<vmem>>, %arg2: memref<1280x128xf32, #tpu.memory_space<vmem>>, %arg3: memref<1280x128xf32, #tpu.memory_space<vmem>>, %arg4: memref<128x128xf32, #tpu.memory_space<vmem>>, %arg5: memref<1x128xf32, #tpu.memory_space<vmem>>, %arg6: memref<128x128xf32, #tpu.memory_space<vmem>>, %arg7: memref<1x128xf32, #tpu.memory_space<vmem>>, %arg8: memref<128x128xf32, #tpu.memory_space<vmem>>, %arg9: memref<1x128xf32, #tpu.memory_space<vmem>>, %arg10: memref<1280x128xf32, #tpu.memory_space<vmem>>, %arg11: memref<8x128xf32, #tpu.memory_space<vmem>>) attributes {dimension_semantics = [#tpu.dimension_semantics<parallel>], iteration_bounds = array<i64: 61>, scalar_prefetch = 0 : i64, scratch_operands = 0 : i64, tpu.core_type = #tpu.core_type<tc>, window_params = [{transform_indices = @transform_0, window_bounds = array<i64: 1280, 128>}, {transform_indices = @transform_1, window_bounds = array<i64: 1280, 128>}, {transform_indices = @transform_2, window_bounds = array<i64: 1280, 128>}, {pipeline_mode = #tpu.pipeline_mode<synchronous>, transform_indices = @transform_3, window_bounds = array<i64: 128, 128>}, {pipeline_mode = #tpu.pipeline_mode<synchronous>, transform_indices = @transform_4, window_bounds = array<i64: 1, 128>}, {pipeline_mode = #tpu.pipeline_mode<synchronous>, transform_indices = @transform_5, window_bounds = array<i64: 128, 128>}, {pipeline_mode = #tpu.pipeline_mode<synchronous>, transform_indices = @transform_6, window_bounds = array<i64: 1, 128>}, {pipeline_mode = #tpu.pipeline_mode<synchronous>, transform_indices = @transform_7, window_bounds = array<i64: 128, 128>}, {pipeline_mode = #tpu.pipeline_mode<synchronous>, transform_indices = @transform_8, window_bounds = array<i64: 1, 128>}, {transform_indices = @transform_9, window_bounds = array<i64: 1280, 128>}, {transform_indices = @transform_10, window_bounds = array<i64: 8, 128>}]} {
    %get3A = arith.constant 0 : index
    %get3A_0 = arith.constant 0 : index
    %get3A_1 = vector.load %arg1[%get3A, %get3A_0] : memref<1280x128xf32, #tpu.memory_space<vmem>>, vector<1280x128xf32>
    %get3A_2 = arith.constant 0 : index
    %get3A_3 = arith.constant 0 : index
    %get3A_4 = vector.load %arg2[%get3A_2, %get3A_3] : memref<1280x128xf32, #tpu.memory_space<vmem>>, vector<1280x128xf32>
    %add3A = arith.addf %get3A_1, %get3A_4 : vector<1280x128xf32>
    %get3A_5 = arith.constant 0 : index
    %get3A_6 = arith.constant 0 : index
    %get3A_7 = vector.load %arg3[%get3A_5, %get3A_6] : memref<1280x128xf32, #tpu.memory_space<vmem>>, vector<1280x128xf32>
    %get3A_8 = arith.constant 0 : index
    %get3A_9 = arith.constant 0 : index
    %get3A_10 = vector.load %arg4[%get3A_8, %get3A_9] : memref<128x128xf32, #tpu.memory_space<vmem>>, vector<128x128xf32>
    %convert_element_type3A = arith.truncf %get3A_7 : vector<1280x128xf32> to vector<1280x128xbf16>
    %convert_element_type3A_11 = arith.truncf %get3A_10 : vector<128x128xf32> to vector<128x128xbf16>
    %dot_general3A = arith.constant dense<0.000000e+00> : vector<1280x128xf32>
    %dot_general3A_12 = tpu.matmul %convert_element_type3A, %convert_element_type3A_11, %dot_general3A {dimension_numbers = #tpu.dot_dimension_numbers<[1], [0], [0], [1], [0, 0, 1, 1], [], []>, transpose_lhs_hint = false} : vector<1280x128xbf16>, vector<128x128xbf16>, vector<1280x128xf32> -> vector<1280x128xf32>
    %add3A_13 = arith.addf %add3A, %dot_general3A_12 : vector<1280x128xf32>
    %get3A_14 = arith.constant 0 : index
    %get3A_15 = arith.constant 0 : index
    %get3A_16 = vector.load %arg5[%get3A_14, %get3A_15] : memref<1x128xf32, #tpu.memory_space<vmem>>, vector<1x128xf32>
    %add3A_17 = vector.broadcast %get3A_16 : vector<1x128xf32> to vector<1280x128xf32>
    %add3A_18 = arith.addf %add3A_13, %add3A_17 : vector<1280x128xf32>
    %max3A = arith.constant 0.000000e+00 : f32
    %max3A_19 = vector.broadcast %max3A : f32 to vector<1280x128xf32>
    %max3A_20 = arith.maximumf %add3A_18, %max3A_19 : vector<1280x128xf32>
    %get3A_21 = arith.constant 0 : index
    %get3A_22 = arith.constant 0 : index
    %get3A_23 = vector.load %arg6[%get3A_21, %get3A_22] : memref<128x128xf32, #tpu.memory_space<vmem>>, vector<128x128xf32>
    %convert_element_type3A_24 = arith.truncf %max3A_20 : vector<1280x128xf32> to vector<1280x128xbf16>
    %convert_element_type3A_25 = arith.truncf %get3A_23 : vector<128x128xf32> to vector<128x128xbf16>
    %dot_general3A_26 = arith.constant dense<0.000000e+00> : vector<1280x128xf32>
    %dot_general3A_27 = tpu.matmul %convert_element_type3A_24, %convert_element_type3A_25, %dot_general3A_26 {dimension_numbers = #tpu.dot_dimension_numbers<[1], [0], [0], [1], [0, 0, 1, 1], [], []>, transpose_lhs_hint = false} : vector<1280x128xbf16>, vector<128x128xbf16>, vector<1280x128xf32> -> vector<1280x128xf32>
    %get3A_28 = arith.constant 0 : index
    %get3A_29 = arith.constant 0 : index
    %get3A_30 = vector.load %arg7[%get3A_28, %get3A_29] : memref<1x128xf32, #tpu.memory_space<vmem>>, vector<1x128xf32>
    %add3A_31 = vector.broadcast %get3A_30 : vector<1x128xf32> to vector<1280x128xf32>
    %add3A_32 = arith.addf %dot_general3A_27, %add3A_31 : vector<1280x128xf32>
    %get3A_33 = arith.constant 0 : index
    %get3A_34 = arith.constant 0 : index
    %get3A_35 = vector.load %arg8[%get3A_33, %get3A_34] : memref<128x128xf32, #tpu.memory_space<vmem>>, vector<128x128xf32>
    %convert_element_type3A_36 = arith.truncf %add3A_32 : vector<1280x128xf32> to vector<1280x128xbf16>
    %convert_element_type3A_37 = arith.truncf %get3A_35 : vector<128x128xf32> to vector<128x128xbf16>
    %dot_general3A_38 = arith.constant dense<0.000000e+00> : vector<1280x128xf32>
    %dot_general3A_39 = tpu.matmul %convert_element_type3A_36, %convert_element_type3A_37, %dot_general3A_38 {dimension_numbers = #tpu.dot_dimension_numbers<[1], [0], [0], [1], [0, 0, 1, 1], [], []>, transpose_lhs_hint = false} : vector<1280x128xbf16>, vector<128x128xbf16>, vector<1280x128xf32> -> vector<1280x128xf32>
    %get3A_40 = arith.constant 0 : index
    %get3A_41 = arith.constant 0 : index
    %get3A_42 = vector.load %arg9[%get3A_40, %get3A_41] : memref<1x128xf32, #tpu.memory_space<vmem>>, vector<1x128xf32>
    %add3A_43 = vector.broadcast %get3A_42 : vector<1x128xf32> to vector<1280x128xf32>
    %add3A_44 = arith.addf %dot_general3A_39, %add3A_43 : vector<1280x128xf32>
    %swap3A = arith.constant 0 : index
    %swap3A_45 = arith.constant 0 : index
    %swap3A_46 = vector.load %arg10[%swap3A, %swap3A_45] : memref<1280x128xf32, #tpu.memory_space<vmem>>, vector<1280x128xf32>
    tpu.vector_store %arg10[%swap3A, %swap3A_45], %add3A_44 {strides = array<i32>} : memref<1280x128xf32, #tpu.memory_space<vmem>>, vector<1280x128xf32>,
    %reduce_sum3A = arith.constant dense<0.000000e+00> : vector<128xf32>
    %reduce_sum3A_47 = vector.multi_reduction <add>, %add3A_44, %reduce_sum3A [0] : vector<1280x128xf32> to vector<128xf32>
    %reshape3A = vector.shape_cast %reduce_sum3A_47 : vector<128xf32> to vector<1x128xf32>
    %mul3A = arith.mulf %add3A_44, %add3A_44 : vector<1280x128xf32>
    %reduce_sum3A_48 = arith.constant dense<0.000000e+00> : vector<128xf32>
    %reduce_sum3A_49 = vector.multi_reduction <add>, %mul3A, %reduce_sum3A_48 [0] : vector<1280x128xf32> to vector<128xf32>
    %reshape3A_50 = vector.shape_cast %reduce_sum3A_49 : vector<128xf32> to vector<1x128xf32>
    %broadcast_in_dim3A = arith.constant 0.000000e+00 : f32
    %broadcast_in_dim3A_51 = vector.broadcast %broadcast_in_dim3A : f32 to vector<6x128xf32>
    %concatenate3A = tpu.concatenate %reshape3A, %reshape3A_50, %broadcast_in_dim3A_51 in 0 : vector<1x128xf32>, vector<1x128xf32>, vector<6x128xf32> -> vector<8x128xf32>
    %swap3A_52 = arith.constant 0 : index
    %swap3A_53 = arith.constant 0 : index
    %swap3A_54 = vector.load %arg11[%swap3A_52, %swap3A_53] : memref<8x128xf32, #tpu.memory_space<vmem>>, vector<8x128xf32>
    tpu.vector_store %arg11[%swap3A_52, %swap3A_53], %concatenate3A {strides = array<i32>} : memref<8x128xf32, #tpu.memory_space<vmem>>, vector<8x128xf32>,
    return
  }
  func.func @transform_0(%arg0: i32) -> (i32, i32) {
    %c0_i32 = arith.constant 0 : i32
    %c0_i32_0 = arith.constant 0 : i32
    return %arg0, %c0_i32 : i32, i32
  }
  func.func @transform_1(%arg0: i32) -> (i32, i32) {
    %c0_i32 = arith.constant 0 : i32
    %c0_i32_0 = arith.constant 0 : i32
    return %arg0, %c0_i32 : i32, i32
  }
  func.func @transform_2(%arg0: i32) -> (i32, i32) {
    %c0_i32 = arith.constant 0 : i32
    %c0_i32_0 = arith.constant 0 : i32
    return %arg0, %c0_i32 : i32, i32
  }
  func.func @transform_3(%arg0: i32) -> (i32, i32) {
    %c0_i32 = arith.constant 0 : i32
    %c0_i32_0 = arith.constant 0 : i32
    %c0_i32_1 = arith.constant 0 : i32
    return %c0_i32, %c0_i32_0 : i32, i32
  }
  func.func @transform_4(%arg0: i32) -> (i32, i32) {
    %c0_i32 = arith.constant 0 : i32
    %c0_i32_0 = arith.constant 0 : i32
    %c0_i32_1 = arith.constant 0 : i32
    return %c0_i32, %c0_i32_0 : i32, i32
  }
  func.func @transform_5(%arg0: i32) -> (i32, i32) {
    %c0_i32 = arith.constant 0 : i32
    %c0_i32_0 = arith.constant 0 : i32
    %c0_i32_1 = arith.constant 0 : i32
    return %c0_i32, %c0_i32_0 : i32, i32
  }
  func.func @transform_6(%arg0: i32) -> (i32, i32) {
    %c0_i32 = arith.constant 0 : i32
    %c0_i32_0 = arith.constant 0 : i32
    %c0_i32_1 = arith.constant 0 : i32
    return %c0_i32, %c0_i32_0 : i32, i32
  }
  func.func @transform_7(%arg0: i32) -> (i32, i32) {
    %c0_i32 = arith.constant 0 : i32
    %c0_i32_0 = arith.constant 0 : i32
    %c0_i32_1 = arith.constant 0 : i32
    return %c0_i32, %c0_i32_0 : i32, i32
  }
  func.func @transform_8(%arg0: i32) -> (i32, i32) {
    %c0_i32 = arith.constant 0 : i32
    %c0_i32_0 = arith.constant 0 : i32
    %c0_i32_1 = arith.constant 0 : i32
    return %c0_i32, %c0_i32_0 : i32, i32
  }
  func.func @transform_9(%arg0: i32) -> (i32, i32) {
    %c0_i32 = arith.constant 0 : i32
    %c0_i32_0 = arith.constant 0 : i32
    return %arg0, %c0_i32 : i32, i32
  }
  func.func @transform_10(%arg0: i32) -> (i32, i32) {
    %c0_i32 = arith.constant 0 : i32
    %c0_i32_0 = arith.constant 0 : i32
    return %arg0, %c0_i32 : i32, i32
  }
}

module attributes {stable_mosaic.version = 14 : i64} {
  func.func @_final_body(%arg0: i32, %arg1: memref<1280x128xf32, #tpu.memory_space<vmem>>, %arg2: memref<1x128xf32, #tpu.memory_space<vmem>>, %arg3: memref<1x128xf32, #tpu.memory_space<vmem>>, %arg4: memref<128x3xf32, #tpu.memory_space<vmem>>, %arg5: memref<1x3xf32, #tpu.memory_space<vmem>>, %arg6: memref<1280x3xf32, #tpu.memory_space<vmem>>) attributes {dimension_semantics = [#tpu.dimension_semantics<parallel>], iteration_bounds = array<i64: 64>, scalar_prefetch = 0 : i64, scratch_operands = 0 : i64, tpu.core_type = #tpu.core_type<tc>, window_params = [{transform_indices = @transform_0, window_bounds = array<i64: 1280, 128>}, {pipeline_mode = #tpu.pipeline_mode<synchronous>, transform_indices = @transform_1, window_bounds = array<i64: 1, 128>}, {pipeline_mode = #tpu.pipeline_mode<synchronous>, transform_indices = @transform_2, window_bounds = array<i64: 1, 128>}, {pipeline_mode = #tpu.pipeline_mode<synchronous>, transform_indices = @transform_3, window_bounds = array<i64: 128, 3>}, {pipeline_mode = #tpu.pipeline_mode<synchronous>, transform_indices = @transform_4, window_bounds = array<i64: 1, 3>}, {transform_indices = @transform_5, window_bounds = array<i64: 1280, 3>}]} {
    %get3A = arith.constant 0 : index
    %get3A_0 = arith.constant 0 : index
    %get3A_1 = vector.load %arg1[%get3A, %get3A_0] : memref<1280x128xf32, #tpu.memory_space<vmem>>, vector<1280x128xf32>
    %get3A_2 = arith.constant 0 : index
    %get3A_3 = arith.constant 0 : index
    %get3A_4 = vector.load %arg2[%get3A_2, %get3A_3] : memref<1x128xf32, #tpu.memory_space<vmem>>, vector<1x128xf32>
    %mul3A = vector.broadcast %get3A_4 : vector<1x128xf32> to vector<1280x128xf32>
    %mul3A_5 = arith.mulf %get3A_1, %mul3A : vector<1280x128xf32>
    %get3A_6 = arith.constant 0 : index
    %get3A_7 = arith.constant 0 : index
    %get3A_8 = vector.load %arg3[%get3A_6, %get3A_7] : memref<1x128xf32, #tpu.memory_space<vmem>>, vector<1x128xf32>
    %add3A = vector.broadcast %get3A_8 : vector<1x128xf32> to vector<1280x128xf32>
    %add3A_9 = arith.addf %mul3A_5, %add3A : vector<1280x128xf32>
    %max3A = arith.constant 0.000000e+00 : f32
    %max3A_10 = vector.broadcast %max3A : f32 to vector<1280x128xf32>
    %max3A_11 = arith.maximumf %add3A_9, %max3A_10 : vector<1280x128xf32>
    %get3A_12 = arith.constant 0 : index
    %get3A_13 = arith.constant 0 : index
    %get3A_14 = vector.load %arg4[%get3A_12, %get3A_13] : memref<128x3xf32, #tpu.memory_space<vmem>>, vector<128x3xf32>
    %convert_element_type3A = arith.truncf %max3A_11 : vector<1280x128xf32> to vector<1280x128xbf16>
    %convert_element_type3A_15 = arith.truncf %get3A_14 : vector<128x3xf32> to vector<128x3xbf16>
    %dot_general3A = arith.constant dense<0.000000e+00> : vector<1280x3xf32>
    %dot_general3A_16 = tpu.matmul %convert_element_type3A, %convert_element_type3A_15, %dot_general3A {dimension_numbers = #tpu.dot_dimension_numbers<[1], [0], [0], [1], [0, 0, 1, 1], [], []>, transpose_lhs_hint = false} : vector<1280x128xbf16>, vector<128x3xbf16>, vector<1280x3xf32> -> vector<1280x3xf32>
    %get3A_17 = arith.constant 0 : index
    %get3A_18 = arith.constant 0 : index
    %get3A_19 = vector.load %arg5[%get3A_17, %get3A_18] : memref<1x3xf32, #tpu.memory_space<vmem>>, vector<1x3xf32>
    %add3A_20 = vector.broadcast %get3A_19 : vector<1x3xf32> to vector<1280x3xf32>
    %add3A_21 = arith.addf %dot_general3A_16, %add3A_20 : vector<1280x3xf32>
    %swap3A = arith.constant 0 : index
    %swap3A_22 = arith.constant 0 : index
    %swap3A_23 = vector.load %arg6[%swap3A, %swap3A_22] : memref<1280x3xf32, #tpu.memory_space<vmem>>, vector<1280x3xf32>
    tpu.vector_store %arg6[%swap3A, %swap3A_22], %add3A_21 {strides = array<i32>} : memref<1280x3xf32, #tpu.memory_space<vmem>>, vector<1280x3xf32>,
    return
  }
  func.func @transform_0(%arg0: i32) -> (i32, i32) {
    %c0_i32 = arith.constant 0 : i32
    %c0_i32_0 = arith.constant 0 : i32
    return %arg0, %c0_i32 : i32, i32
  }
  func.func @transform_1(%arg0: i32) -> (i32, i32) {
    %c0_i32 = arith.constant 0 : i32
    %c0_i32_0 = arith.constant 0 : i32
    %c0_i32_1 = arith.constant 0 : i32
    return %c0_i32, %c0_i32_0 : i32, i32
  }
  func.func @transform_2(%arg0: i32) -> (i32, i32) {
    %c0_i32 = arith.constant 0 : i32
    %c0_i32_0 = arith.constant 0 : i32
    %c0_i32_1 = arith.constant 0 : i32
    return %c0_i32, %c0_i32_0 : i32, i32
  }
  func.func @transform_3(%arg0: i32) -> (i32, i32) {
    %c0_i32 = arith.constant 0 : i32
    %c0_i32_0 = arith.constant 0 : i32
    %c0_i32_1 = arith.constant 0 : i32
    return %c0_i32, %c0_i32_0 : i32, i32
  }
  func.func @transform_4(%arg0: i32) -> (i32, i32) {
    %c0_i32 = arith.constant 0 : i32
    %c0_i32_0 = arith.constant 0 : i32
    %c0_i32_1 = arith.constant 0 : i32
    return %c0_i32, %c0_i32_0 : i32, i32
  }
  func.func @transform_5(%arg0: i32) -> (i32, i32) {
    %c0_i32 = arith.constant 0 : i32
    %c0_i32_0 = arith.constant 0 : i32
    return %arg0, %c0_i32 : i32, i32
  }
}

module attributes {stable_mosaic.version = 14 : i64} {
  func.func @_final_body(%arg0: i32, %arg1: memref<1280x128xf32, #tpu.memory_space<vmem>>, %arg2: memref<1x128xf32, #tpu.memory_space<vmem>>, %arg3: memref<1x128xf32, #tpu.memory_space<vmem>>, %arg4: memref<128x3xf32, #tpu.memory_space<vmem>>, %arg5: memref<1x3xf32, #tpu.memory_space<vmem>>, %arg6: memref<1280x3xf32, #tpu.memory_space<vmem>>) attributes {dimension_semantics = [#tpu.dimension_semantics<parallel>], iteration_bounds = array<i64: 61>, scalar_prefetch = 0 : i64, scratch_operands = 0 : i64, tpu.core_type = #tpu.core_type<tc>, window_params = [{transform_indices = @transform_0, window_bounds = array<i64: 1280, 128>}, {pipeline_mode = #tpu.pipeline_mode<synchronous>, transform_indices = @transform_1, window_bounds = array<i64: 1, 128>}, {pipeline_mode = #tpu.pipeline_mode<synchronous>, transform_indices = @transform_2, window_bounds = array<i64: 1, 128>}, {pipeline_mode = #tpu.pipeline_mode<synchronous>, transform_indices = @transform_3, window_bounds = array<i64: 128, 3>}, {pipeline_mode = #tpu.pipeline_mode<synchronous>, transform_indices = @transform_4, window_bounds = array<i64: 1, 3>}, {transform_indices = @transform_5, window_bounds = array<i64: 1280, 3>}]} {
    %get3A = arith.constant 0 : index
    %get3A_0 = arith.constant 0 : index
    %get3A_1 = vector.load %arg1[%get3A, %get3A_0] : memref<1280x128xf32, #tpu.memory_space<vmem>>, vector<1280x128xf32>
    %get3A_2 = arith.constant 0 : index
    %get3A_3 = arith.constant 0 : index
    %get3A_4 = vector.load %arg2[%get3A_2, %get3A_3] : memref<1x128xf32, #tpu.memory_space<vmem>>, vector<1x128xf32>
    %mul3A = vector.broadcast %get3A_4 : vector<1x128xf32> to vector<1280x128xf32>
    %mul3A_5 = arith.mulf %get3A_1, %mul3A : vector<1280x128xf32>
    %get3A_6 = arith.constant 0 : index
    %get3A_7 = arith.constant 0 : index
    %get3A_8 = vector.load %arg3[%get3A_6, %get3A_7] : memref<1x128xf32, #tpu.memory_space<vmem>>, vector<1x128xf32>
    %add3A = vector.broadcast %get3A_8 : vector<1x128xf32> to vector<1280x128xf32>
    %add3A_9 = arith.addf %mul3A_5, %add3A : vector<1280x128xf32>
    %max3A = arith.constant 0.000000e+00 : f32
    %max3A_10 = vector.broadcast %max3A : f32 to vector<1280x128xf32>
    %max3A_11 = arith.maximumf %add3A_9, %max3A_10 : vector<1280x128xf32>
    %get3A_12 = arith.constant 0 : index
    %get3A_13 = arith.constant 0 : index
    %get3A_14 = vector.load %arg4[%get3A_12, %get3A_13] : memref<128x3xf32, #tpu.memory_space<vmem>>, vector<128x3xf32>
    %convert_element_type3A = arith.truncf %max3A_11 : vector<1280x128xf32> to vector<1280x128xbf16>
    %convert_element_type3A_15 = arith.truncf %get3A_14 : vector<128x3xf32> to vector<128x3xbf16>
    %dot_general3A = arith.constant dense<0.000000e+00> : vector<1280x3xf32>
    %dot_general3A_16 = tpu.matmul %convert_element_type3A, %convert_element_type3A_15, %dot_general3A {dimension_numbers = #tpu.dot_dimension_numbers<[1], [0], [0], [1], [0, 0, 1, 1], [], []>, transpose_lhs_hint = false} : vector<1280x128xbf16>, vector<128x3xbf16>, vector<1280x3xf32> -> vector<1280x3xf32>
    %get3A_17 = arith.constant 0 : index
    %get3A_18 = arith.constant 0 : index
    %get3A_19 = vector.load %arg5[%get3A_17, %get3A_18] : memref<1x3xf32, #tpu.memory_space<vmem>>, vector<1x3xf32>
    %add3A_20 = vector.broadcast %get3A_19 : vector<1x3xf32> to vector<1280x3xf32>
    %add3A_21 = arith.addf %dot_general3A_16, %add3A_20 : vector<1280x3xf32>
    %swap3A = arith.constant 0 : index
    %swap3A_22 = arith.constant 0 : index
    %swap3A_23 = vector.load %arg6[%swap3A, %swap3A_22] : memref<1280x3xf32, #tpu.memory_space<vmem>>, vector<1280x3xf32>
    tpu.vector_store %arg6[%swap3A, %swap3A_22], %add3A_21 {strides = array<i32>} : memref<1280x3xf32, #tpu.memory_space<vmem>>, vector<1280x3xf32>,
    return
  }
  func.func @transform_0(%arg0: i32) -> (i32, i32) {
    %c0_i32 = arith.constant 0 : i32
    %c0_i32_0 = arith.constant 0 : i32
    return %arg0, %c0_i32 : i32, i32
  }
  func.func @transform_1(%arg0: i32) -> (i32, i32) {
    %c0_i32 = arith.constant 0 : i32
    %c0_i32_0 = arith.constant 0 : i32
    %c0_i32_1 = arith.constant 0 : i32
    return %c0_i32, %c0_i32_0 : i32, i32
  }
  func.func @transform_2(%arg0: i32) -> (i32, i32) {
    %c0_i32 = arith.constant 0 : i32
    %c0_i32_0 = arith.constant 0 : i32
    %c0_i32_1 = arith.constant 0 : i32
    return %c0_i32, %c0_i32_0 : i32, i32
  }
  func.func @transform_3(%arg0: i32) -> (i32, i32) {
    %c0_i32 = arith.constant 0 : i32
    %c0_i32_0 = arith.constant 0 : i32
    %c0_i32_1 = arith.constant 0 : i32
    return %c0_i32, %c0_i32_0 : i32, i32
  }
  func.func @transform_4(%arg0: i32) -> (i32, i32) {
    %c0_i32 = arith.constant 0 : i32
    %c0_i32_0 = arith.constant 0 : i32
    %c0_i32_1 = arith.constant 0 : i32
    return %c0_i32, %c0_i32_0 : i32, i32
  }
  func.func @transform_5(%arg0: i32) -> (i32, i32) {
    %c0_i32 = arith.constant 0 : i32
    %c0_i32_0 = arith.constant 0 : i32
    return %arg0, %c0_i32 : i32, i32
  }
}

</mosaic_0001>

<sc_bundles>
// kernel: kernel.14.cloned.1.call-start
scs
__scs_entry_jumppad:
0x0: {  	(pc) =	sbr.rel $0x88, $3  }
0x1: {  	(tag) =	ssettag $0x0;
	lr =	simm.s32 $0x1  }
0x2: {  	[smem:$0x3F86] =	sst lr;
	_ =	strace $0xD0000000  }
0x3: {  	_ = 	snop  }
0x4: {  	_ = 	snop  }
0x5: {  	_ = 	snop  }
0x6: {  	_ = 	snop  }
0x7: {  	_ = 	snop  }
__scs_overlays_trampoline_lowered:
0x8: {  	[smem:$0x3F95] =	sst s0  }
0x9: {  	[smem:$0x3F96] =	sst s1  }
0xa: {  	[smem:$0x3F97] =	sst s2  }
0xb: {  	[smem:$0x3F98] =	sst s3  }
0xc: {  	[smem:$0x3F99] =	sst s4  }
0xd: {  	[smem:$0x3F9A] =	sst s5  }
0xe: {  	[smem:$0x3F9B] =	sst s6  }
0xf: {  	[smem:$0x3F9C] =	sst s7  }
0x10: {  	[smem:$0x3F9D] =	sst s8  }
0x11: {  	[smem:$0x3F9E] =	sst s9;
	s0 =	simm.s32 @!p0 $0x0  }
0x12: {  	s1 =	sld [smem:$0x3F84];
	s0 =	simm.s32 @p0 $0x1  }
0x13: {  	[smem:$0x3F9F] =	sst s0;
	s0 =	simm.s32 @!p1 $0x0  }
0x14: {  	s2 =	sld [smem:$0x3F83];
	s0 =	simm.s32 @p1 $0x1  }
0x15: {  	[smem:$0x3FA0] =	sst s0;
	s0 =	simm.s32 @!p2 $0x0  }
0x16: {  	s3 =	sld [smem:$0x3FDB];
	s0 =	simm.s32 @p2 $0x1  }
0x17: {  	s4 =	simm.s32 $0x1BF5;
	[smem:$0x3FA2] =	sst s0  }
0x18: {  	s0 =	sld [smem:$0x3F85];
	_ =	swait.ge [sflag:s4], $0x0  }
0x19: {  	s7 =	sld [smem:$0x3F86]  }
0x1a: {  	s8 =	sadd.s32 $0xFFFFE003, lr  }
0x1b: {  	s9 =	sadd.s32 $0xFFFFFEF7, lr;
	s5 =	simm.s32 $0xFFFFFFFF;
	p2 =	slt.u32 s8, $0xFFFFF086  }
0x1c: {  	p1 =	slt.u32 s9, $0xF7A;
	s5 =	simm.s32 @!p2 $0x0  }
0x1d: {  	s5 =	simm.s32 @p1 $0x1;
	p0 =	seq.s32 s7, s2  }
0x1e: {  	s7 =	smul.u32 @!p0 $0xF7A, s2;
	p2 =	seq.s32 @!p0 s5, $0x0  }
0x1f: {  	s9 =	smul.u32 $0xF7A, s1;
	s8 =	simm.s32 @!p0 $0x1BF5;
	p2 =	por !p2, p0  }
0x20: {  	[sflag:s8] =	ssyncset.s32 @!p0 $0xFFFFF086;
	s6 =	sadd.s32 @!p0 s3, s7;
	s7 =	simm.s32 @!p0 $0x108  }
0x21: {  	s3 =	sadd.s32 s3, s9;
	s6 =	sadd.s32 @!p0 $0x88, s6;
	s7 =	simm.s32 @p2 $0x1082  }
0x22: {  	[simem:s7], [sflag:s8] =	dma.local @!p0 [hbm:s6], $0xF7A  }
0x23: {  	s9 =	sor.u32 $0xD0000000, s2;
	s6 =	simm.s32 $0x108;
	_ =	swait.ge @!p0 [sflag:s8], $0x0  }
0x24: {  	s3 =	sadd.s32 $0x88, s3;
	s6 =	simm.s32 @!p1 $0x1082;
	[sflag:s4] =	ssyncset.s32 $0xFFFFF086  }
0x25: {  	[simem:s6], [sflag:s4] =	dma.local [hbm:s3], $0xF7A  }
0x26: {  	[smem:$0x3F86] =	sst s1;
	(tag) =	ssettag s2;
	_ =	strace s9  }
0x27: {  	s1 =	sld [smem:$0x3F96]  }
0x28: {  	s2 =	sld [smem:$0x3F97]  }
0x29: {  	s4 =	sld [smem:$0x3F99]  }
0x2a: {  	p0 =	seq.s32 s5, $0x0;
	s5 =	sld [smem:$0x3F9A]  }
0x2b: {  	s6 =	sld [smem:$0x3F9B]  }
0x2c: {  	s7 =	sld [smem:$0x3F9C]  }
0x2d: {  	s3 =	simm.s32 $0x108;
	s8 =	sld [smem:$0x3F9D]  }
0x2e: {  	s3 =	simm.s32 @!p0 $0x1082;
	s9 =	sld [smem:$0x3F9E]  }
0x2f: {  	lr =	sadd.s32 s0, s3;
	s0 =	sld [smem:$0x3F95]  }
0x30: {  	s3 =	sld [smem:$0x3F98]  }
0x31: {  	[smem:$0x3FA1] =	sst s10  }
0x32: {  	s10 =	sld [smem:$0x3F9F];
	_ =	sdelay $0x3  }
0x33: {  	p0 =	seq.s32 s10, $0x1;
	s10 =	sld [smem:$0x3FA1];
	_ =	sdelay $0x3  }
0x34: {  	[smem:$0x3FA1] =	sst s10  }
0x35: {  	s10 =	sld [smem:$0x3FA0];
	_ =	sdelay $0x3  }
0x36: {  	p1 =	seq.s32 s10, $0x1;
	s10 =	sld [smem:$0x3FA1];
	_ =	sdelay $0x3  }
0x37: {  	[smem:$0x3FA1] =	sst s10  }
0x38: {  	s10 =	sld [smem:$0x3FA2]  }
0x39: {  	_ = 	snop;
	(pc) =	sbr.ind lr, $3  }
0x3a: {  	_ = 	snop  }
0x3b: {  	_ = 	snop  }
0x3c: {  	p2 =	seq.s32 s10, $0x1;
	s10 =	sld [smem:$0x3FA1]  }
0x3d: {  	_ =	shalt  }
0x3e: {  	_ =	shalt  }
0x3f: {  	_ =	shalt  }
0x40: {  	_ =	shalt  }
0x41: {  	_ =	shalt  }
0x42: {  	_ =	shalt  }
0x43: {  	_ =	shalt  }
0x44: {  	_ =	shalt  }
0x45: {  	_ =	shalt  }
0x46: {  	_ =	shalt  }
0x47: {  	_ =	shalt  }
0x48: {  	_ =	shalt  }
0x49: {  	_ =	shalt  }
0x4a: {  	_ =	shalt  }
0x4b: {  	_ =	shalt  }
0x4c: {  	_ =	shalt  }
0x4d: {  	_ =	shalt  }
0x4e: {  	_ =	shalt  }
0x4f: {  	_ =	shalt  }
0x50: {  	_ =	shalt  }
0x51: {  	_ =	shalt  }
0x52: {  	_ =	shalt  }
0x53: {  	_ =	shalt  }
0x54: {  	_ =	shalt  }
0x55: {  	_ =	shalt  }
0x56: {  	_ =	shalt  }
0x57: {  	_ =	shalt  }
0x58: {  	_ =	shalt  }
0x59: {  	_ =	shalt  }
0x5a: {  	_ =	shalt  }
0x5b: {  	_ =	shalt  }
0x5c: {  	_ =	shalt  }
0x5d: {  	_ =	shalt  }
0x5e: {  	_ =	shalt  }
0x5f: {  	_ =	shalt  }
0x60: {  	_ =	shalt  }
0x61: {  	_ =	shalt  }
0x62: {  	_ =	shalt  }
0x63: {  	_ =	shalt  }
0x64: {  	_ =	shalt  }
0x65: {  	_ =	shalt  }
0x66: {  	_ =	shalt  }
0x67: {  	_ =	shalt  }
0x68: {  	_ =	shalt  }
0x69: {  	_ =	shalt  }
0x6a: {  	_ =	shalt  }
0x6b: {  	_ =	shalt  }
0x6c: {  	_ =	shalt  }
0x6d: {  	_ =	shalt  }
0x6e: {  	_ =	shalt  }
0x6f: {  	_ =	shalt  }
0x70: {  	_ =	shalt  }
0x71: {  	_ =	shalt  }
0x72: {  	_ =	shalt  }
0x73: {  	_ =	shalt  }
0x74: {  	_ =	shalt  }
0x75: {  	_ =	shalt  }
0x76: {  	_ =	shalt  }
0x77: {  	_ =	shalt  }
0x78: {  	_ =	shalt  }
0x79: {  	_ =	shalt  }
0x7a: {  	_ =	shalt  }
0x7b: {  	_ =	shalt  }
0x7c: {  	_ =	shalt  }
0x7d: {  	_ =	shalt  }
0x7e: {  	_ =	shalt  }
0x7f: {  	_ =	shalt  }
0x80: {  	_ =	shalt  }
0x81: {  	_ =	shalt  }
0x82: {  	_ =	shalt  }
0x83: {  	_ =	shalt  }
0x84: {  	_ =	shalt  }
0x85: {  	_ =	shalt  }
0x86: {  	_ =	shalt  }
0x87: {  	_ =	shalt  }
.Lfunc_end0:
.L_simem_size_0:
called_computation_lowered:
.L_overlay_start_0:
0x88: {  	s2 =	sld [smem:$0x3FD9]  }
0x89: {  	s3 =	sld [smem:$0x3FFE];
	_ =	sdelay $0x1  }
0x8a: {  	s1 =	srdreg.scid  }
0x8b: {  	s0 =	sand.u32 $0x1, s1  }
0x8c: {  	s17 =	sshll.u32 s0, $0xA;
	s2 =	sadd.s32 s3, s2  }
0x8d: {  	s2 =	sadd.s32 s2, s17  }
0x8e: {  	[smem:$0x3FAD] =	sst s2  }
0x8f: {  	_ = 	snop  }
0x90: {  	s2 =	sld [smem:$0x3FD0];
	(tm) =	ssettm $0x1  }
0x91: {  	s18 =	sld [smem:$0x3FFB];
	_ =	sdelay $0x3  }
0x92: {  	_ =	strace s18  }
0x93: {  	s3 =	sld [smem:$0x3FFC];
	_ =	sdelay $0x3  }
0x94: {  	_ =	strace s3  }
0x95: {  	s3 =	sld [smem:$0x3FFD];
	_ =	sdelay $0x3  }
0x96: {  	_ =	strace s3  }
0x97: {  	_ =	strace $0x8FFFFFFF  }
0x98: {  	s19 =	sld [smem:$0x3FDB];
	_ =	sdelay $0x1  }
0x99: {  	s4 =	simm.s32 $_scs_section_size  }
0x9a: {  	s5 =	simm.s32 $_size__tile_overlayer_lowered;
	s6 =	simm.s32 $_tile_overlayer_lowered  }
0x9b: {  	s22 =	simm.s32 $0x1BFF;
	s21 =	sshll.u32 s6, $0x1;
	s3 =	sadd.s32 s4, s19  }
0x9c: {  	s7 =	simm.s32 $0x0;
	s20 =	sshll.u32 s5, $0x1;
	s5 =	sadd.s32 s21, s3  }
0x9d: {  	[timem:s7], [sflag:s22] =	dma.local [hbm:s5], s20  }
0x9e: {  	_ =	swait.ge [sflag:s22], s20  }
0x9f: {  	s4 =	ssub.s32 $0x0, s20;
	[sflag:s22] =	ssyncset.done $0x0  }
0xa0: {  	[sflag:s22] =	ssyncadd.s32 s4;
	_ =	sdelay $0x1  }
0xa1: {  	s23 =	simm.s32 $0x1B8B  }
0xa2: {  	_ =	swait.ge [sflag:s23], $0x1  }
0xa3: {  	[sflag:s23] =	ssyncset.done $0x0  }
0xa4: {  	s25 =	simm.s32 $0x1B8E;
	s24 =	sld [smem:$0x3FFE];
	[sflag:s23] =	ssyncadd.s32 $0xFFFFFFFF  }
0xa5: {  	s26 =	simm.s32 $execute0_lowered;
	[smem:$0x3FD2] =	sst s25  }
0xa6: {  	s5 =	sshll.u32 s26, $0x1;
	_ =	strace $0x80000046;
	[dreg:$0x1] =	wrdreg $0xFFFFFFFF  }
0xa7: {  	s28 =	simm.s32 $_size_execute0_lowered;
	s3 =	sadd.s32 s3, s5;
	[dreg:$0x0] =	wrdreg $0x0  }
0xa8: {  	s5 =	sshll.u32 s28, $0x1;
	[dreg:$0x2] =	wrdreg s3  }
0xa9: {  	[dreg:$0x3] =	wrdreg s5  }
0xaa: {  	[dreg:$0x4] =	wrdreg $0xC0  }
0xab: {  	_ =	task [dreg:s7], $0x5FFFF  }
0xac: {  	[dreg:$0x1] =	wrdreg $0xFFFFFFFF  }
0xad: {  	[dreg:$0x0] =	wrdreg $0x60  }
0xae: {  	[dreg:$0x2] =	wrdreg s24  }
0xaf: {  	[dreg:$0x3] =	wrdreg s2  }
0xb0: {  	[dreg:$0x4] =	wrdreg $0xA  }
0xb1: {  	_ =	task.clear_ibuf [dreg:s7], $0x5FFFF;
	_ =	strace $0x90000046  }
0xb2: {  	s29 =	simm.s32 $0xA;
	_ =	strace $0x80000048  }
0xb3: {  	_ =	swait.ge [sflag:s29], $0x1  }
0xb4: {  	[sflag:s29] =	ssyncadd.s32 $0xFFFFFFFF  }
0xb5: {  	_ =	strace $0x90000048  }
0xb6: {  	_ =	sfence  }
0xb7: {  	s30 =	sld [smem:$0x0];
	_ =	sdelay $0x2  }
0xb8: {  	s31 =	sshll.u32 s1, $0xD;
	s1 =	sshrl.u32 s1, $0x2  }
0xb9: {  	s3 =	sand.u32 $0x4000, s31;
	s1 =	sadd.s32 s1, s30  }
0xba: {  	s0 =	sor.u32 s3, s0;
	s1 =	sshll.u32 s1, $0x11  }
0xbb: {  	s0 =	sor.u32 s1, s0  }
0xbc: {  	s0 =	sadd.s32 $0x8F2B, s0  }
0xbd: {  	[sflag:s0] =	ssyncadd.remote.s32 $0x1  }
0xbe: {  	_ =	sfence.sel $0xFFFF  }
0xbf: {  	[dreg:$0x0] =	wrdreg $0xFFFFFFFF;
	(pc) =	sbr.abs _section_cstart, $3  }
0xc0: {  	[dreg:$0x1] =	wrdreg $0xFFFFFFFF  }
0xc1: {  	_ =	task.clear_ibuf [dreg:s7], $0x2FFFF;
	_ =	strace $0x9FFFFFFF  }
0xc2: {  	(tm) =	ssettm $0x7FFFFFFF  }
0xc3: {  	_ =	shalt  }
tec
execute0_lowered:
.L_overlay_start_1:
0x0: {  	(tag) =	ssettag $0x1  }
0x1: {  	s6 =	rddreg [dreg:$0x0]  }
0x2: {  	s10 =	rddreg [dreg:$0x1]  }
0x3: {  	s0 =	rddreg [dreg:$0x2];
	s2 =	simm.s32 $0x0  }
0x4: {  	s1 =	stileid.u32;
	s3 =	srdreg.scid;
	s16 =	simm.s32 $0x4200  }
0x5: {  	s17 =	simm.s32 $0x100;
	s18 =	simm.s32 $0x8200;
	s19 =	simm.s32 $0x180  }
0x6: {  	s20 =	simm.s32 $0xC200;
	s21 =	simm.s32 $0x1;
	s22 =	simm.s32 $0x2  }
0x7: {  	s23 =	simm.s32 $0x0;
	[smem:$0x7FF] =	sst s2;
	s9 =	sand.u32 $0x1, s3  }
0x8: {  	s5 =	sshll.u32 s1, $0x1;
	s3 =	sadd.s32 $0x7800, s6;
	s4 =	sadd.s32 $0x2F000, s6  }
0x9: {  	s11 =	sshll.u32 s1, $0x7;
	s14 =	sshll.u32 s1, $0xE;
	p0 =	sgt.u32 s1, $0x9  }
0xa: {  	_ =	strace $0x80000047;
	s7 =	sor.u32 s9, s5;
	s5 =	sadd.s32 $0x56200, s6  }
0xb: {  	s12 =	sadd.s32 s11, s6;
	s13 =	ssub.s32 $0x2, s9;
	s14 =	sadd.s32 s14, s6  }
0xc: {  	s28 =	sshll.u32 s9, $0xD;
	s30 =	sshll.u32 s9, $0x6;
	s31 =	sadd.s32 s11, s10  }
0xd: {  	s8 =	sshll.u32 s7, $0x6;
	s7 =	sshll.u32 s7, $0xD;
	s15 =	sshrl.u32 s13, $0x1  }
0xe: {  	s29 =	sadd.s32 s28, s14;
	s12 =	sadd.s32 s30, s12;
	s14 =	simm.s32 $0x80  }
0xf: {  	s8 =	sadd.s32 s8, s6;
	s7 =	sadd.s32 s7, s6;
	s13 =	ssub.s32 s13, s15  }
0x10: {  	s9 =	sadd.s32 $0x7D400, s29;
	s10 =	sadd.s32 $0x5000, s12;
	s11 =	sadd.s32 $0x1BD400, s29  }
0x11: {  	s12 =	sadd.s32 s30, s31;
	s15 =	simm.s32 $0x200;
	s6 =	sadd.s32 $0x2EA00, s8  }
0x12: {  	s7 =	sadd.s32 $0x2FD400, s7;
	s8 =	smax.u32 s13, $0x1;
	s13 =	simm.s32 $0x3  }
.LBB2_1:
0x13: {  	s24 =	sadd.s32 $0x0, s10  }
0x14: {  	[tilespmem:s2], [sflag:$0x3] =	stream.linear.gather [hbm4b:s24+s2], $0x200, $0x38;
	[tilespmem:$0x10200] =	vst v63  }
0x15: {  	_ =	swait.ge [sflag:s13], $0x200  }
0x16: {  	[sflag:s13] =	ssyncset.done $0x0  }
0x17: {  	[sflag:s13] =	ssyncadd.s32 $0xFFFFFE00  }
0x18: {  	[tilespmem:s15], [sflag:$0x1] =	stream.indirect.gather [hbm4b:s3+s14], $0x80, s2, s14, $0xb8;
	[tilespmem:$0x10200] =	vst v63  }
0x19: {  	_ = 	snop  }
0x1a: {  	[tilespmem:s16], [sflag:$0x1] =	stream.indirect.gather [hbm4b:s3+s14], $0x80, s14, s14, $0xb8;
	[tilespmem:$0x10200] =	vst v63  }
0x1b: {  	_ = 	snop  }
0x1c: {  	[tilespmem:s18], [sflag:$0x1] =	stream.indirect.gather [hbm4b:s3+s14], $0x80, s17, s14, $0xb8;
	[tilespmem:$0x10200] =	vst v63  }
0x1d: {  	_ = 	snop  }
0x1e: {  	[tilespmem:s20], [sflag:$0x1] =	stream.indirect.gather [hbm4b:s3+s14], $0x80, s19, s14, $0xb8;
	[tilespmem:$0x10200] =	vst v63  }
0x1f: {  	_ =	swait.ge [sflag:s21], $0x4000  }
0x20: {  	[sflag:s21] =	ssyncset.done $0x0  }
0x21: {  	[sflag:s21] =	ssyncadd.s32 $0xFFFFC000  }
0x22: {  	_ =	swait.ge [sflag:s21], $0x4000  }
0x23: {  	[sflag:s21] =	ssyncset.done $0x0  }
0x24: {  	[sflag:s21] =	ssyncadd.s32 $0xFFFFC000  }
0x25: {  	_ =	swait.ge [sflag:s21], $0x4000  }
0x26: {  	[sflag:s21] =	ssyncset.done $0x0  }
0x27: {  	[sflag:s21] =	ssyncadd.s32 $0xFFFFC000  }
0x28: {  	_ =	swait.ge [sflag:s21], $0x4000  }
0x29: {  	[sflag:s21] =	ssyncset.done $0x0  }
0x2a: {  	[sflag:s21] =	ssyncadd.s32 $0xFFFFC000  }
0x2b: {  	[hbm4b:s9+s2] =	stream.linear.scatter [tilespmem:s15], [sflag:$0x2], $0x10000, $0x38;
	[tilespmem:$0x10200] =	vst v63  }
0x2c: {  	s28 =	sadd.s32 $0x800, s10;
	_ =	swait.ge [sflag:s22], $0x10000  }
0x2d: {  	s25 =	simm.s32 $0x1000;
	s24 =	sadd.s32 $0x40000, s9;
	[sflag:s22] =	ssyncset.done $0x0  }
.LBB2_2:
0x2e: {  	s29 =	sadd.s32 s25, s10;
	s26 =	simm.s32 $0x0;
	[sflag:s22] =	ssyncadd.s32 $0xFFFF0000  }
0x2f: {  	[tilespmem:s26], [sflag:$0x3] =	stream.linear.gather [hbm4b:s28+s26], $0x200, $0x38;
	[tilespmem:$0x10200] =	vst v63  }
0x30: {  	p1 =	sne.s32 s25, $0x2000;
	s25 =	sadd.s32 $0x800, s25;
	_ =	swait.ge [sflag:s13], $0x200  }
0x31: {  	s28 =	smov.u32 s29;
	[sflag:s13] =	ssyncset.done $0x0  }
0x32: {  	[sflag:s13] =	ssyncadd.s32 $0xFFFFFE00  }
0x33: {  	[tilespmem:s15], [sflag:$0x1] =	stream.indirect.gather [hbm4b:s3+s14], $0x80, s26, s14, $0xb8;
	[tilespmem:$0x10200] =	vst v63  }
0x34: {  	_ = 	snop  }
0x35: {  	[tilespmem:s16], [sflag:$0x1] =	stream.indirect.gather [hbm4b:s3+s14], $0x80, s14, s14, $0xb8;
	[tilespmem:$0x10200] =	vst v63  }
0x36: {  	_ = 	snop  }
0x37: {  	[tilespmem:s18], [sflag:$0x1] =	stream.indirect.gather [hbm4b:s3+s14], $0x80, s17, s14, $0xb8;
	[tilespmem:$0x10200] =	vst v63  }
0x38: {  	_ = 	snop  }
0x39: {  	[tilespmem:s20], [sflag:$0x1] =	stream.indirect.gather [hbm4b:s3+s14], $0x80, s19, s14, $0xb8;
	[tilespmem:$0x10200] =	vst v63  }
0x3a: {  	_ =	swait.ge [sflag:s21], $0x4000  }
0x3b: {  	[sflag:s21] =	ssyncset.done $0x0  }
0x3c: {  	[sflag:s21] =	ssyncadd.s32 $0xFFFFC000  }
0x3d: {  	_ =	swait.ge [sflag:s21], $0x4000  }
0x3e: {  	[sflag:s21] =	ssyncset.done $0x0  }
0x3f: {  	[sflag:s21] =	ssyncadd.s32 $0xFFFFC000  }
0x40: {  	_ =	swait.ge [sflag:s21], $0x4000  }
0x41: {  	[sflag:s21] =	ssyncset.done $0x0  }
0x42: {  	[sflag:s21] =	ssyncadd.s32 $0xFFFFC000  }
0x43: {  	_ =	swait.ge [sflag:s21], $0x4000  }
.Ltmp0:
0x44: {  	[sflag:s21] =	ssyncset.done $0x0;
	(pc) =	sbr.rel @p1 .LBB2_2-.Ltmp0, $4  }
0x45: {  	[sflag:s21] =	ssyncadd.s32 $0xFFFFC000  }
0x46: {  	[hbm4b:s24+s26] =	stream.linear.scatter [tilespmem:s15], [sflag:$0x2], $0x10000, $0x38;
	[tilespmem:$0x10200] =	vst v63  }
0x47: {  	_ =	swait.ge [sflag:s22], $0x10000  }
0x48: {  	s24 =	sadd.s32 $0x40000, s24;
	[sflag:s22] =	ssyncset.done $0x0  }
0x49: {  	[sflag:s22] =	ssyncadd.s32 $0xFFFF0000  }
0x4a: {  	[tilespmem:s26], [sflag:$0x3] =	stream.linear.gather [hbm4b:s28+s26], $0x200, $0x38;
	[tilespmem:$0x10200] =	vst v63  }
0x4b: {  	_ =	swait.ge [sflag:s13], $0x200  }
0x4c: {  	[sflag:s13] =	ssyncset.done $0x0  }
0x4d: {  	[sflag:s13] =	ssyncadd.s32 $0xFFFFFE00  }
0x4e: {  	[tilespmem:s15], [sflag:$0x1] =	stream.indirect.gather [hbm4b:s3+s14], $0x80, s26, s14, $0xb8;
	[tilespmem:$0x10200] =	vst v63  }
0x4f: {  	_ = 	snop  }
0x50: {  	[tilespmem:s16], [sflag:$0x1] =	stream.indirect.gather [hbm4b:s3+s14], $0x80, s14, s14, $0xb8;
	[tilespmem:$0x10200] =	vst v63  }
0x51: {  	_ = 	snop  }
0x52: {  	[tilespmem:s18], [sflag:$0x1] =	stream.indirect.gather [hbm4b:s3+s14], $0x80, s17, s14, $0xb8;
	[tilespmem:$0x10200] =	vst v63  }
0x53: {  	_ = 	snop  }
0x54: {  	[tilespmem:s20], [sflag:$0x1] =	stream.indirect.gather [hbm4b:s3+s14], $0x80, s19, s14, $0xb8;
	[tilespmem:$0x10200] =	vst v63  }
0x55: {  	_ =	swait.ge [sflag:s21], $0x4000  }
0x56: {  	[sflag:s21] =	ssyncset.done $0x0  }
0x57: {  	[sflag:s21] =	ssyncadd.s32 $0xFFFFC000  }
0x58: {  	_ =	swait.ge [sflag:s21], $0x4000  }
0x59: {  	[sflag:s21] =	ssyncset.done $0x0  }
0x5a: {  	[sflag:s21] =	ssyncadd.s32 $0xFFFFC000  }
0x5b: {  	_ =	swait.ge [sflag:s21], $0x4000  }
0x5c: {  	[sflag:s21] =	ssyncset.done $0x0  }
0x5d: {  	[sflag:s21] =	ssyncadd.s32 $0xFFFFC000  }
0x5e: {  	_ =	swait.ge [sflag:s21], $0x4000  }
0x5f: {  	p2 =	por $0x1, $0x1;
	[sflag:s21] =	ssyncset.done $0x0  }
.Ltmp1:
0x60: {  	[sflag:s21] =	ssyncadd.s32 $0xFFFFC000;
	(pc) =	sbr.rel @!p2 .LBB2_8-.Ltmp1, $4  }
0x61: {  	[hbm4b:s24+s26] =	stream.linear.scatter [tilespmem:s15], [sflag:$0x2], $0x10000, $0x38;
	[tilespmem:$0x10200] =	vst v63  }
0x62: {  	_ =	swait.ge [sflag:s22], $0x10000  }
0x63: {  	p1 =	por $0x0, $0x0;
	[sflag:s22] =	ssyncset.done $0x0  }
0x64: {  	s25 =	smov.u32 s11;
	s24 =	simm.s32 $0x800;
	[sflag:s22] =	ssyncadd.s32 $0xFFFF0000  }
0x65: {  	s25 =	sadd.s32 $0x0, s12  }
0x66: {  	[tilespmem:s2], [sflag:$0x3] =	stream.linear.gather [hbm4b:s25+s2], $0x200, $0x38;
	[tilespmem:$0x10200] =	vst v63  }
0x67: {  	_ =	swait.ge [sflag:s13], $0x200  }
0x68: {  	[sflag:s13] =	ssyncset.done $0x0  }
0x69: {  	[sflag:s13] =	ssyncadd.s32 $0xFFFFFE00  }
0x6a: {  	[tilespmem:s15], [sflag:$0x1] =	stream.indirect.gather [hbm4b:s4+s14], $0x80, s2, s14, $0xb8;
	[tilespmem:$0x10200] =	vst v63  }
0x6b: {  	_ = 	snop  }
0x6c: {  	[tilespmem:s16], [sflag:$0x1] =	stream.indirect.gather [hbm4b:s4+s14], $0x80, s14, s14, $0xb8;
	[tilespmem:$0x10200] =	vst v63  }
0x6d: {  	_ = 	snop  }
0x6e: {  	[tilespmem:s18], [sflag:$0x1] =	stream.indirect.gather [hbm4b:s4+s14], $0x80, s17, s14, $0xb8;
	[tilespmem:$0x10200] =	vst v63  }
0x6f: {  	_ = 	snop  }
0x70: {  	[tilespmem:s20], [sflag:$0x1] =	stream.indirect.gather [hbm4b:s4+s14], $0x80, s19, s14, $0xb8;
	[tilespmem:$0x10200] =	vst v63  }
0x71: {  	_ =	swait.ge [sflag:s21], $0x4000  }
0x72: {  	[sflag:s21] =	ssyncset.done $0x0  }
0x73: {  	[sflag:s21] =	ssyncadd.s32 $0xFFFFC000  }
0x74: {  	_ =	swait.ge [sflag:s21], $0x4000  }
0x75: {  	[sflag:s21] =	ssyncset.done $0x0  }
0x76: {  	[sflag:s21] =	ssyncadd.s32 $0xFFFFC000  }
0x77: {  	_ =	swait.ge [sflag:s21], $0x4000  }
0x78: {  	[sflag:s21] =	ssyncset.done $0x0  }
0x79: {  	[sflag:s21] =	ssyncadd.s32 $0xFFFFC000  }
0x7a: {  	p2 =	por $0x1, $0x1;
	_ =	swait.ge [sflag:s21], $0x4000  }
.Ltmp2:
0x7b: {  	[sflag:s21] =	ssyncset.done $0x0;
	(pc) =	sbr.rel @!p2 .LBB2_5-.Ltmp2, $4  }
0x7c: {  	[sflag:s21] =	ssyncadd.s32 $0xFFFFC000  }
0x7d: {  	[hbm4b:s11+s2] =	stream.linear.scatter [tilespmem:s15], [sflag:$0x2], $0x10000, $0x38;
	[tilespmem:$0x10200] =	vst v63  }
0x7e: {  	s26 =	simm.s32 $0x1000;
	_ =	swait.ge [sflag:s22], $0x10000  }
0x7f: {  	p1 =	por $0x1, $0x1;
	s25 =	sadd.s32 $0x40000, s11;
	[sflag:s22] =	ssyncset.done $0x0  }
.LBB2_6:
0x80: {  	s28 =	sadd.s32 s24, s12  }
0x81: {  	[sflag:s22] =	ssyncadd.s32 $0xFFFF0000;
	s24 =	smov.u32 s26;
	s29 =	sadd.s32 $0x800, s26  }
0x82: {  	[tilespmem:s2], [sflag:$0x3] =	stream.linear.gather [hbm4b:s28+s2], $0x200, $0x38;
	[tilespmem:$0x10200] =	vst v63  }
0x83: {  	p2 =	sne.s32 s26, $0x2000;
	_ =	swait.ge [sflag:s13], $0x200  }
0x84: {  	[sflag:s13] =	ssyncset.done $0x0  }
0x85: {  	[sflag:s13] =	ssyncadd.s32 $0xFFFFFE00  }
0x86: {  	[tilespmem:s15], [sflag:$0x1] =	stream.indirect.gather [hbm4b:s4+s14], $0x80, s2, s14, $0xb8;
	[tilespmem:$0x10200] =	vst v63  }
0x87: {  	_ = 	snop  }
0x88: {  	[tilespmem:s16], [sflag:$0x1] =	stream.indirect.gather [hbm4b:s4+s14], $0x80, s14, s14, $0xb8;
	[tilespmem:$0x10200] =	vst v63  }
0x89: {  	_ = 	snop  }
0x8a: {  	[tilespmem:s18], [sflag:$0x1] =	stream.indirect.gather [hbm4b:s4+s14], $0x80, s17, s14, $0xb8;
	[tilespmem:$0x10200] =	vst v63  }
0x8b: {  	_ = 	snop  }
0x8c: {  	[tilespmem:s20], [sflag:$0x1] =	stream.indirect.gather [hbm4b:s4+s14], $0x80, s19, s14, $0xb8;
	[tilespmem:$0x10200] =	vst v63  }
0x8d: {  	_ =	swait.ge [sflag:s21], $0x4000  }
0x8e: {  	[sflag:s21] =	ssyncset.done $0x0  }
0x8f: {  	[sflag:s21] =	ssyncadd.s32 $0xFFFFC000  }
0x90: {  	_ =	swait.ge [sflag:s21], $0x4000  }
0x91: {  	[sflag:s21] =	ssyncset.done $0x0  }
0x92: {  	[sflag:s21] =	ssyncadd.s32 $0xFFFFC000  }
0x93: {  	_ =	swait.ge [sflag:s21], $0x4000  }
0x94: {  	[sflag:s21] =	ssyncset.done $0x0  }
0x95: {  	[sflag:s21] =	ssyncadd.s32 $0xFFFFC000  }
0x96: {  	_ =	swait.ge [sflag:s21], $0x4000  }
.Ltmp3:
0x97: {  	[sflag:s21] =	ssyncset.done $0x0;
	(pc) =	sbr.rel @p2 .LBB2_6-.Ltmp3, $4  }
0x98: {  	[sflag:s21] =	ssyncadd.s32 $0xFFFFC000  }
0x99: {  	[hbm4b:s25+s2] =	stream.linear.scatter [tilespmem:s15], [sflag:$0x2], $0x10000, $0x38;
	[tilespmem:$0x10200] =	vst v63  }
0x9a: {  	_ =	swait.ge [sflag:s22], $0x10000  }
0x9b: {  	s26 =	smov.u32 s29;
	s25 =	sadd.s32 $0x40000, s25;
	[sflag:s22] =	ssyncset.done $0x0  }
0x9c: {  	s26 =	smov.u32 s24  }
.LBB2_8:
0x9d: {  	s24 =	sadd.s32 s26, s12;
	[sflag:s22] =	ssyncadd.s32 @p1 $0xFFFF0000  }
0x9e: {  	[tilespmem:s2], [sflag:$0x3] =	stream.linear.gather [hbm4b:s24+s2], $0x200, $0x38;
	[tilespmem:$0x10200] =	vst v63  }
0x9f: {  	_ =	swait.ge [sflag:s13], $0x200  }
0xa0: {  	[sflag:s13] =	ssyncset.done $0x0  }
0xa1: {  	[sflag:s13] =	ssyncadd.s32 $0xFFFFFE00  }
0xa2: {  	[tilespmem:s15], [sflag:$0x1] =	stream.indirect.gather [hbm4b:s4+s14], $0x80, s2, s14, $0xb8;
	[tilespmem:$0x10200] =	vst v63  }
0xa3: {  	_ = 	snop  }
0xa4: {  	[tilespmem:s16], [sflag:$0x1] =	stream.indirect.gather [hbm4b:s4+s14], $0x80, s14, s14, $0xb8;
	[tilespmem:$0x10200] =	vst v63  }
0xa5: {  	_ = 	snop  }
0xa6: {  	[tilespmem:s18], [sflag:$0x1] =	stream.indirect.gather [hbm4b:s4+s14], $0x80, s17, s14, $0xb8;
	[tilespmem:$0x10200] =	vst v63  }
0xa7: {  	_ = 	snop  }
0xa8: {  	[tilespmem:s20], [sflag:$0x1] =	stream.indirect.gather [hbm4b:s4+s14], $0x80, s19, s14, $0xb8;
	[tilespmem:$0x10200] =	vst v63  }
0xa9: {  	_ =	swait.ge [sflag:s21], $0x4000  }
0xaa: {  	[sflag:s21] =	ssyncset.done $0x0  }
0xab: {  	[sflag:s21] =	ssyncadd.s32 $0xFFFFC000  }
0xac: {  	_ =	swait.ge [sflag:s21], $0x4000  }
0xad: {  	[sflag:s21] =	ssyncset.done $0x0  }
0xae: {  	[sflag:s21] =	ssyncadd.s32 $0xFFFFC000  }
0xaf: {  	_ =	swait.ge [sflag:s21], $0x4000  }
0xb0: {  	[sflag:s21] =	ssyncset.done $0x0  }
0xb1: {  	[sflag:s21] =	ssyncadd.s32 $0xFFFFC000  }
0xb2: {  	_ =	swait.ge [sflag:s21], $0x4000  }
0xb3: {  	[sflag:s21] =	ssyncset.done $0x0  }
0xb4: {  	[sflag:s21] =	ssyncadd.s32 $0xFFFFC000  }
0xb5: {  	[hbm4b:s25+s2] =	stream.linear.scatter [tilespmem:s15], [sflag:$0x2], $0x10000, $0x38;
	[tilespmem:$0x10200] =	vst v63  }
0xb6: {  	_ =	swait.ge [sflag:s22], $0x10000  }
0xb7: {  	[sflag:s22] =	ssyncset.done $0x0  }
0xb8: {  	s24 =	simm.s32 @!p0 $0x0;
	s25 =	simm.s32 @!p0 $0x2;
	[sflag:s22] =	ssyncadd.s32 $0xFFFF0000  }
0xb9: {  	[tilespmem:s24], [sflag:$0x2] =	stream.linear.gather @!p0 [hbm4b:s6+s24], $0x200, $0x38;
	[tilespmem:$0x10200] =	vst v63  }
0xba: {  	_ =	swait.ge @!p0 [sflag:s25], $0x200  }
0xbb: {  	[sflag:s25] =	ssyncset.done @!p0 $0x0  }
0xbc: {  	s26 =	simm.s32 @!p0 $0x80;
	s28 =	simm.s32 @!p0 $0x200;
	[sflag:s25] =	ssyncadd.s32 @!p0 $0xFFFFFE00  }
0xbd: {  	[tilespmem:s28], [sflag:$0x1] =	stream.indirect.gather @!p0 [hbm4b:s5+s26], $0x80, s24, s26, $0xb8;
	[tilespmem:$0x10200] =	vst v63  }
0xbe: {  	s29 =	simm.s32 @!p0 $0x4200  }
0xbf: {  	[tilespmem:s29], [sflag:$0x1] =	stream.indirect.gather @!p0 [hbm4b:s5+s26], $0x80, s26, s26, $0xb8;
	[tilespmem:$0x10200] =	vst v63  }
0xc0: {  	s30 =	simm.s32 @!p0 $0x8200;
	s29 =	simm.s32 @!p0 $0x100  }
0xc1: {  	[tilespmem:s30], [sflag:$0x1] =	stream.indirect.gather @!p0 [hbm4b:s5+s26], $0x80, s29, s26, $0xb8;
	[tilespmem:$0x10200] =	vst v63  }
0xc2: {  	s29 =	simm.s32 @!p0 $0x180;
	s30 =	simm.s32 @!p0 $0xC200  }
0xc3: {  	[tilespmem:s30], [sflag:$0x1] =	stream.indirect.gather @!p0 [hbm4b:s5+s26], $0x80, s29, s26, $0xb8;
	[tilespmem:$0x10200] =	vst v63  }
0xc4: {  	s26 =	simm.s32 @!p0 $0x1  }
0xc5: {  	_ =	swait.ge @!p0 [sflag:s26], $0x4000  }
0xc6: {  	[sflag:s26] =	ssyncset.done @!p0 $0x0  }
0xc7: {  	[sflag:s26] =	ssyncadd.s32 @!p0 $0xFFFFC000  }
0xc8: {  	_ =	swait.ge @!p0 [sflag:s26], $0x4000  }
0xc9: {  	[sflag:s26] =	ssyncset.done @!p0 $0x0  }
0xca: {  	[sflag:s26] =	ssyncadd.s32 @!p0 $0xFFFFC000  }
0xcb: {  	_ =	swait.ge @!p0 [sflag:s26], $0x4000  }
0xcc: {  	[sflag:s26] =	ssyncset.done @!p0 $0x0  }
0xcd: {  	[sflag:s26] =	ssyncadd.s32 @!p0 $0xFFFFC000  }
0xce: {  	_ =	swait.ge @!p0 [sflag:s26], $0x4000  }
0xcf: {  	s23 =	sadd.s32 $0x1, s23;
	[sflag:s26] =	ssyncset.done @!p0 $0x0  }
0xd0: {  	p1 =	sne.s32 s23, s8;
	[sflag:s26] =	ssyncadd.s32 @!p0 $0xFFFFC000  }
0xd1: {  	[hbm4b:s7+s24] =	stream.linear.scatter @!p0 [tilespmem:s28], [sflag:$0x2], $0x10000, $0x38;
	[tilespmem:$0x10200] =	vst v63  }
.Ltmp4:
0xd2: {  	_ = 	snop;
	(pc) =	sbr.rel @p1 .LBB2_1-.Ltmp4, $4  }
.Ltmp5:
0xd3: {  	_ = 	snop;
	(pc) =	sbr.rel @!p1 .LBB2_9-.Ltmp5, $4  }
0xd4: {  	_ =	swait.ge @!p0 [sflag:s25], $0x10000  }
0xd5: {  	[sflag:s25] =	ssyncset.done @!p0 $0x0  }
0xd6: {  	[sflag:s25] =	ssyncadd.s32 @!p0 $0xFFFF0000  }
0xd7: {  	_ = 	snop  }
.LBB2_5:
.Ltmp6:
0xd8: {  	(pc) =	sbr.rel .LBB2_8-.Ltmp6, $2  }
0xd9: {  	_ =	sdelay $0x2  }
0xda: {  	s26 =	simm.s32 $0x800  }
.LBB2_9:
0xdb: {  	_ =	sfence.sel $0x180000  }
0xdc: {  	[bflag:$0x0] =	sbarrier.arrive $0xFFFF  }
0xdd: {  	p0 =	sne.s32 s1, $0x0;
	_ =	strace $0x90000047  }
0xde: {  	s0 =	sadd.s32 @!p0 $0x100000, s0;
	[bflag:$0x2] =	sbarrier.arrive $0xFFFF  }
0xdf: {  	[sflag:s0] =	ssyncadd.tile.s32 @!p0 $0x1;
	_ =	shalt  }
.Lfunc_end2:
_tile_overlayer_lowered:
.L_overlay_start_2:
0xe0: {  	(tag) =	ssettag $0x2  }
0xe1: {  	s0 =	rddreg [dreg:$0x0];
	s2 =	stileid.u32  }
0xe2: {  	s1 =	rddreg [dreg:$0x1];
	p0 =	sne.s32 s2, $0x0  }
0xe3: {  	s3 =	rddreg [dreg:$0x2];
	[bflag:$0x3] =	sbarrier.arrive $0xFFFF;
	s2 =	simm.s32 @!p0 $0x1C02  }
0xe4: {  	[timem:s3], [sflag:s2] =	dma.local @!p0 [hbm:s0], s1  }
0xe5: {  	s0 =	simm.s32 @!p0 $0x2  }
0xe6: {  	_ =	swait.ge @!p0 [sflag:s0], s1  }
0xe7: {  	s1 =	ssub.s32 @!p0 $0x0, s1;
	[sflag:s0] =	ssyncset.done @!p0 $0x0  }
0xe8: {  	[sflag:s0] =	ssyncadd.s32 @!p0 s1  }
0xe9: {  	[bflag:$0x3] =	sbarrier.arrive $0xFFFF  }
0xea: {  	_ =	shalt  }

// kernel: kernel.17.cloned.1.call-start
scs
__scs_entry_jumppad:
0x0: {  	(pc) =	sbr.rel $0x88, $3  }
0x1: {  	(tag) =	ssettag $0x0;
	lr =	simm.s32 $0x1  }
0x2: {  	[smem:$0x3F86] =	sst lr;
	_ =	strace $0xD0000000  }
0x3: {  	_ = 	snop  }
0x4: {  	_ = 	snop  }
0x5: {  	_ = 	snop  }
0x6: {  	_ = 	snop  }
0x7: {  	_ = 	snop  }
__scs_overlays_trampoline_lowered:
0x8: {  	[smem:$0x3F95] =	sst s0  }
0x9: {  	[smem:$0x3F96] =	sst s1  }
0xa: {  	[smem:$0x3F97] =	sst s2  }
0xb: {  	[smem:$0x3F98] =	sst s3  }
0xc: {  	[smem:$0x3F99] =	sst s4  }
0xd: {  	[smem:$0x3F9A] =	sst s5  }
0xe: {  	[smem:$0x3F9B] =	sst s6  }
0xf: {  	[smem:$0x3F9C] =	sst s7  }
0x10: {  	[smem:$0x3F9D] =	sst s8  }
0x11: {  	[smem:$0x3F9E] =	sst s9;
	s0 =	simm.s32 @!p0 $0x0  }
0x12: {  	s1 =	sld [smem:$0x3F84];
	s0 =	simm.s32 @p0 $0x1  }
0x13: {  	[smem:$0x3F9F] =	sst s0;
	s0 =	simm.s32 @!p1 $0x0  }
0x14: {  	s2 =	sld [smem:$0x3F83];
	s0 =	simm.s32 @p1 $0x1  }
0x15: {  	[smem:$0x3FA0] =	sst s0;
	s0 =	simm.s32 @!p2 $0x0  }
0x16: {  	s3 =	sld [smem:$0x3FDB];
	s0 =	simm.s32 @p2 $0x1  }
0x17: {  	s4 =	simm.s32 $0x1BF5;
	[smem:$0x3FA2] =	sst s0  }
0x18: {  	s0 =	sld [smem:$0x3F85];
	_ =	swait.ge [sflag:s4], $0x0  }
0x19: {  	s7 =	sld [smem:$0x3F86]  }
0x1a: {  	s8 =	sadd.s32 $0xFFFFE003, lr  }
0x1b: {  	s9 =	sadd.s32 $0xFFFFFEF7, lr;
	s5 =	simm.s32 $0xFFFFFFFF;
	p2 =	slt.u32 s8, $0xFFFFF086  }
0x1c: {  	p1 =	slt.u32 s9, $0xF7A;
	s5 =	simm.s32 @!p2 $0x0  }
0x1d: {  	s5 =	simm.s32 @p1 $0x1;
	p0 =	seq.s32 s7, s2  }
0x1e: {  	s7 =	smul.u32 @!p0 $0xF7A, s2;
	p2 =	seq.s32 @!p0 s5, $0x0  }
0x1f: {  	s9 =	smul.u32 $0xF7A, s1;
	s8 =	simm.s32 @!p0 $0x1BF5;
	p2 =	por !p2, p0  }
0x20: {  	[sflag:s8] =	ssyncset.s32 @!p0 $0xFFFFF086;
	s6 =	sadd.s32 @!p0 s3, s7;
	s7 =	simm.s32 @!p0 $0x108  }
0x21: {  	s3 =	sadd.s32 s3, s9;
	s6 =	sadd.s32 @!p0 $0x88, s6;
	s7 =	simm.s32 @p2 $0x1082  }
0x22: {  	[simem:s7], [sflag:s8] =	dma.local @!p0 [hbm:s6], $0xF7A  }
0x23: {  	s9 =	sor.u32 $0xD0000000, s2;
	s6 =	simm.s32 $0x108;
	_ =	swait.ge @!p0 [sflag:s8], $0x0  }
0x24: {  	s3 =	sadd.s32 $0x88, s3;
	s6 =	simm.s32 @!p1 $0x1082;
	[sflag:s4] =	ssyncset.s32 $0xFFFFF086  }
0x25: {  	[simem:s6], [sflag:s4] =	dma.local [hbm:s3], $0xF7A  }
0x26: {  	[smem:$0x3F86] =	sst s1;
	(tag) =	ssettag s2;
	_ =	strace s9  }
0x27: {  	s1 =	sld [smem:$0x3F96]  }
0x28: {  	s2 =	sld [smem:$0x3F97]  }
0x29: {  	s4 =	sld [smem:$0x3F99]  }
0x2a: {  	p0 =	seq.s32 s5, $0x0;
	s5 =	sld [smem:$0x3F9A]  }
0x2b: {  	s6 =	sld [smem:$0x3F9B]  }
0x2c: {  	s7 =	sld [smem:$0x3F9C]  }
0x2d: {  	s3 =	simm.s32 $0x108;
	s8 =	sld [smem:$0x3F9D]  }
0x2e: {  	s3 =	simm.s32 @!p0 $0x1082;
	s9 =	sld [smem:$0x3F9E]  }
0x2f: {  	lr =	sadd.s32 s0, s3;
	s0 =	sld [smem:$0x3F95]  }
0x30: {  	s3 =	sld [smem:$0x3F98]  }
0x31: {  	[smem:$0x3FA1] =	sst s10  }
0x32: {  	s10 =	sld [smem:$0x3F9F];
	_ =	sdelay $0x3  }
0x33: {  	p0 =	seq.s32 s10, $0x1;
	s10 =	sld [smem:$0x3FA1];
	_ =	sdelay $0x3  }
0x34: {  	[smem:$0x3FA1] =	sst s10  }
0x35: {  	s10 =	sld [smem:$0x3FA0];
	_ =	sdelay $0x3  }
0x36: {  	p1 =	seq.s32 s10, $0x1;
	s10 =	sld [smem:$0x3FA1];
	_ =	sdelay $0x3  }
0x37: {  	[smem:$0x3FA1] =	sst s10  }
0x38: {  	s10 =	sld [smem:$0x3FA2]  }
0x39: {  	_ = 	snop;
	(pc) =	sbr.ind lr, $3  }
0x3a: {  	_ = 	snop  }
0x3b: {  	_ = 	snop  }
0x3c: {  	p2 =	seq.s32 s10, $0x1;
	s10 =	sld [smem:$0x3FA1]  }
0x3d: {  	_ =	shalt  }
0x3e: {  	_ =	shalt  }
0x3f: {  	_ =	shalt  }
0x40: {  	_ =	shalt  }
0x41: {  	_ =	shalt  }
0x42: {  	_ =	shalt  }
0x43: {  	_ =	shalt  }
0x44: {  	_ =	shalt  }
0x45: {  	_ =	shalt  }
0x46: {  	_ =	shalt  }
0x47: {  	_ =	shalt  }
0x48: {  	_ =	shalt  }
0x49: {  	_ =	shalt  }
0x4a: {  	_ =	shalt  }
0x4b: {  	_ =	shalt  }
0x4c: {  	_ =	shalt  }
0x4d: {  	_ =	shalt  }
0x4e: {  	_ =	shalt  }
0x4f: {  	_ =	shalt  }
0x50: {  	_ =	shalt  }
0x51: {  	_ =	shalt  }
0x52: {  	_ =	shalt  }
0x53: {  	_ =	shalt  }
0x54: {  	_ =	shalt  }
0x55: {  	_ =	shalt  }
0x56: {  	_ =	shalt  }
0x57: {  	_ =	shalt  }
0x58: {  	_ =	shalt  }
0x59: {  	_ =	shalt  }
0x5a: {  	_ =	shalt  }
0x5b: {  	_ =	shalt  }
0x5c: {  	_ =	shalt  }
0x5d: {  	_ =	shalt  }
0x5e: {  	_ =	shalt  }
0x5f: {  	_ =	shalt  }
0x60: {  	_ =	shalt  }
0x61: {  	_ =	shalt  }
0x62: {  	_ =	shalt  }
0x63: {  	_ =	shalt  }
0x64: {  	_ =	shalt  }
0x65: {  	_ =	shalt  }
0x66: {  	_ =	shalt  }
0x67: {  	_ =	shalt  }
0x68: {  	_ =	shalt  }
0x69: {  	_ =	shalt  }
0x6a: {  	_ =	shalt  }
0x6b: {  	_ =	shalt  }
0x6c: {  	_ =	shalt  }
0x6d: {  	_ =	shalt  }
0x6e: {  	_ =	shalt  }
0x6f: {  	_ =	shalt  }
0x70: {  	_ =	shalt  }
0x71: {  	_ =	shalt  }
0x72: {  	_ =	shalt  }
0x73: {  	_ =	shalt  }
0x74: {  	_ =	shalt  }
0x75: {  	_ =	shalt  }
0x76: {  	_ =	shalt  }
0x77: {  	_ =	shalt  }
0x78: {  	_ =	shalt  }
0x79: {  	_ =	shalt  }
0x7a: {  	_ =	shalt  }
0x7b: {  	_ =	shalt  }
0x7c: {  	_ =	shalt  }
0x7d: {  	_ =	shalt  }
0x7e: {  	_ =	shalt  }
0x7f: {  	_ =	shalt  }
0x80: {  	_ =	shalt  }
0x81: {  	_ =	shalt  }
0x82: {  	_ =	shalt  }
0x83: {  	_ =	shalt  }
0x84: {  	_ =	shalt  }
0x85: {  	_ =	shalt  }
0x86: {  	_ =	shalt  }
0x87: {  	_ =	shalt  }
.Lfunc_end0:
.L_simem_size_0:
called_computation.1_lowered:
.L_overlay_start_0:
0x88: {  	s2 =	sld [smem:$0x3FD9]  }
0x89: {  	s3 =	sld [smem:$0x3FFE];
	_ =	sdelay $0x1  }
0x8a: {  	s1 =	srdreg.scid  }
0x8b: {  	s0 =	sand.u32 $0x1, s1  }
0x8c: {  	s17 =	sshll.u32 s0, $0xA;
	s2 =	sadd.s32 s3, s2  }
0x8d: {  	s2 =	sadd.s32 s2, s17  }
0x8e: {  	[smem:$0x3FAD] =	sst s2  }
0x8f: {  	_ = 	snop  }
0x90: {  	(tm) =	ssettm $0x1  }
0x91: {  	s18 =	sld [smem:$0x3FFB];
	_ =	sdelay $0x3  }
0x92: {  	_ =	strace s18  }
0x93: {  	s2 =	sld [smem:$0x3FFC];
	_ =	sdelay $0x3  }
0x94: {  	_ =	strace s2  }
0x95: {  	s2 =	sld [smem:$0x3FFD];
	_ =	sdelay $0x3  }
0x96: {  	_ =	strace s2  }
0x97: {  	_ =	strace $0x8FFFFFFF  }
0x98: {  	s19 =	sld [smem:$0x3FDB];
	_ =	sdelay $0x1  }
0x99: {  	s20 =	simm.s32 $_scs_section_size  }
0x9a: {  	s4 =	simm.s32 $_size__tile_overlayer_lowered;
	s5 =	simm.s32 $_tile_overlayer_lowered  }
0x9b: {  	s6 =	simm.s32 $0x1BFF;
	s21 =	sshll.u32 s5, $0x1;
	s3 =	sadd.s32 s20, s19  }
0x9c: {  	s22 =	simm.s32 $0x0;
	s4 =	sshll.u32 s4, $0x1;
	s5 =	sadd.s32 s21, s3  }
0x9d: {  	[timem:s22], [sflag:s6] =	dma.local [hbm:s5], s4  }
0x9e: {  	_ =	swait.ge [sflag:s6], s4  }
0x9f: {  	s4 =	ssub.s32 $0x0, s4;
	[sflag:s6] =	ssyncset.done $0x0  }
0xa0: {  	[sflag:s6] =	ssyncadd.s32 s4;
	_ =	sdelay $0x1  }
0xa1: {  	s23 =	simm.s32 $0x1B8B  }
0xa2: {  	_ =	swait.ge [sflag:s23], $0x1  }
0xa3: {  	[sflag:s23] =	ssyncset.done $0x0  }
0xa4: {  	[sflag:s23] =	ssyncadd.s32 $0xFFFFFFFF  }
0xa5: {  	s4 =	sld [smem:$0x0]  }
0xa6: {  	s5 =	sand.u32 $0xFFFFFFFE, s1  }
0xa7: {  	p0 =	sne.s32 s1, s5  }
0xa8: {  	s5 =	sshll.u32 @p0 s5, $0xE  }
0xa9: {  	s5 =	sadd.s32 @p0 $0x11B8D, s5;
	s6 =	sshll.u32 @p0 s4, $0x11  }
0xaa: {  	s5 =	sor.u32 @p0 s6, s5  }
0xab: {  	[sflag:s5] =	ssyncadd.remote.s32 @p0 $0x1;
	_ =	sdelay $0x1  }
0xac: {  	s5 =	simm.s32 @p0 $0x1B8D  }
0xad: {  	_ =	swait.eq @p0 [sflag:s5], $0x1  }
0xae: {  	[sflag:s5] =	ssyncadd.s32 @p0 $0xFFFFFFFF  }
0xaf: {  	s6 =	sshll.u32 @!p0 s1, $0xE  }
0xb0: {  	s6 =	sor.u32 @!p0 $0x4000, s6;
	s5 =	simm.s32 @!p0 $0x1B8D  }
0xb1: {  	s4 =	sshll.u32 @!p0 s4, $0x11;
	s6 =	sadd.s32 @!p0 $0x11B8D, s6;
	_ =	swait.eq @!p0 [sflag:s5], $0x1  }
0xb2: {  	s4 =	sor.u32 @!p0 s4, s6;
	[sflag:s5] =	ssyncadd.s32 @!p0 $0xFFFFFFFF  }
0xb3: {  	s25 =	simm.s32 $0x1B8E;
	s24 =	sld [smem:$0x3FFE];
	[sflag:s4] =	ssyncadd.remote.s32 @!p0 $0x1  }
0xb4: {  	s26 =	simm.s32 $execute0_lowered;
	[smem:$0x3FD2] =	sst s25  }
0xb5: {  	s5 =	sshll.u32 s26, $0x1;
	_ =	strace $0x80000049;
	[dreg:$0x1] =	wrdreg $0xFFFFFFFF  }
0xb6: {  	s28 =	simm.s32 $_size_execute0_lowered;
	s3 =	sadd.s32 s3, s5;
	[dreg:$0x0] =	wrdreg $0x0  }
0xb7: {  	s5 =	sshll.u32 s28, $0x1;
	[dreg:$0x2] =	wrdreg s3  }
0xb8: {  	[dreg:$0x3] =	wrdreg s5  }
0xb9: {  	[dreg:$0x4] =	wrdreg $0xC0  }
0xba: {  	_ =	task [dreg:s22], $0x5FFFF  }
0xbb: {  	[dreg:$0x1] =	wrdreg $0xFFFFFFFF  }
0xbc: {  	[dreg:$0x0] =	wrdreg $0x60  }
0xbd: {  	[dreg:$0x2] =	wrdreg s24  }
0xbe: {  	[dreg:$0x3] =	wrdreg $0x9  }
0xbf: {  	_ =	task.clear_ibuf [dreg:s22], $0x4FFFF;
	_ =	strace $0x90000049  }
0xc0: {  	s29 =	simm.s32 $0x9;
	_ =	strace $0x8000004B  }
0xc1: {  	_ =	swait.ge [sflag:s29], $0x1  }
0xc2: {  	[sflag:s29] =	ssyncadd.s32 $0xFFFFFFFF  }
0xc3: {  	_ =	strace $0x9000004B  }
0xc4: {  	_ =	sfence  }
0xc5: {  	s30 =	sld [smem:$0x0];
	_ =	sdelay $0x2  }
0xc6: {  	s31 =	sshll.u32 s1, $0xD;
	s1 =	sshrl.u32 s1, $0x2  }
0xc7: {  	s4 =	sand.u32 $0x4000, s31;
	s1 =	sadd.s32 s1, s30  }
0xc8: {  	s0 =	sor.u32 s4, s0;
	s1 =	sshll.u32 s1, $0x11  }
0xc9: {  	s0 =	sor.u32 s1, s0  }
0xca: {  	s0 =	sadd.s32 $0x8F2B, s0  }
0xcb: {  	[sflag:s0] =	ssyncadd.remote.s32 $0x1  }
0xcc: {  	_ =	sfence.sel $0xFFFF  }
0xcd: {  	[dreg:$0x0] =	wrdreg $0xFFFFFFFF;
	(pc) =	sbr.abs _section_cstart, $3  }
0xce: {  	[dreg:$0x1] =	wrdreg $0xFFFFFFFF  }
0xcf: {  	_ =	task.clear_ibuf [dreg:s22], $0x2FFFF;
	_ =	strace $0x9FFFFFFF  }
0xd0: {  	(tm) =	ssettm $0x7FFFFFFF  }
0xd1: {  	_ =	shalt  }
tec
execute0_lowered:
.L_overlay_start_1:
0x0: {  	(tag) =	ssettag $0x1  }
0x1: {  	s9 =	rddreg [dreg:$0x0]  }
0x2: {  	s0 =	rddreg [dreg:$0x1];
	s1 =	simm.s32 $0x0;
	s4 =	srdreg.scid  }
0x3: {  	s2 =	stileid.u32;
	[smem:$0x7FF] =	sst s1  }
0x4: {  	s3 =	sadd.s32 $0x7800, s9;
	s10 =	sand.u32 $0x1, s4;
	s4 =	sadd.s32 $0x2F000, s9  }
0x5: {  	s5 =	sshll.u32 s2, $0x7;
	s30 =	sshll.u32 s2, $0xE;
	s31 =	sshll.u32 s2, $0x1  }
0x6: {  	s8 =	sadd.s32 $0x327A00, s9;
	_ =	strace $0x8000004A;
	s6 =	ssub.s32 $0x2, s10  }
0x7: {  	s11 =	sadd.s32 s5, s9;
	s12 =	sadd.s32 s30, s9;
	s5 =	sor.u32 s10, s31  }
0x8: {  	s14 =	sshll.u32 s10, $0x6;
	s10 =	sshll.u32 s10, $0xD;
	s7 =	sshrl.u32 s6, $0x1  }
0x9: {  	s14 =	sadd.s32 s14, s11;
	s13 =	ssub.s32 s6, s7;
	s6 =	sadd.s32 $0x32A200, s9  }
0xa: {  	s15 =	sadd.s32 s10, s12;
	s7 =	sadd.s32 $0x45A400, s9;
	s9 =	sadd.s32 $0x58B400, s9  }
0xb: {  	p0 =	sne.s32 s5, $0x0;
	s11 =	sadd.s32 $0x327C00, s14;
	s12 =	sadd.s32 $0x32A400, s15  }
0xc: {  	s10 =	smax.u32 s13, $0x1;
	s13 =	sadd.s32 $0x325400, s14;
	s14 =	sadd.s32 $0x45B400, s15  }
.LBB2_1:
0xd: {  	s15 =	sadd.s32 $0x0, s5  }
0xe: {  	p1 =	sgt.u32 s15, $0x97  }
0xf: {  	s15 =	simm.s32 @!p1 $0x0;
	s16 =	simm.s32 @!p1 $0x3  }
0x10: {  	[tilespmem:s15], [sflag:$0x3] =	stream.linear.gather @!p1 [hbm4b:s11+s15], $0x200, $0x38;
	[tilespmem:$0x10200] =	vst v63  }
0x11: {  	_ =	swait.ge @!p1 [sflag:s16], $0x200  }
0x12: {  	[sflag:s16] =	ssyncset.done @!p1 $0x0;
	p1 =	por p1, p1  }
0x13: {  	[sflag:s16] =	ssyncadd.s32 @!p1 $0xFFFFFE00;
	s16 =	simm.s32 @!p1 $0x80;
	s17 =	simm.s32 @!p1 $0x200  }
0x14: {  	[tilespmem:s17], [sflag:$0x1] =	stream.indirect.gather @!p1 [hbm4b:s3+s16], $0x80, s15, s16, $0xb8;
	[tilespmem:$0x10200] =	vst v63  }
0x15: {  	s18 =	simm.s32 @!p1 $0x4200  }
0x16: {  	[tilespmem:s18], [sflag:$0x1] =	stream.indirect.gather @!p1 [hbm4b:s3+s16], $0x80, s16, s16, $0xb8;
	[tilespmem:$0x10200] =	vst v63  }
0x17: {  	s19 =	simm.s32 @!p1 $0x8200;
	s18 =	simm.s32 @!p1 $0x100  }
0x18: {  	[tilespmem:s19], [sflag:$0x1] =	stream.indirect.gather @!p1 [hbm4b:s3+s16], $0x80, s18, s16, $0xb8;
	[tilespmem:$0x10200] =	vst v63  }
0x19: {  	s20 =	simm.s32 @!p1 $0x1;
	s18 =	simm.s32 @!p1 $0x180;
	s19 =	simm.s32 @!p1 $0xC200  }
0x1a: {  	[tilespmem:s19], [sflag:$0x1] =	stream.indirect.gather @!p1 [hbm4b:s3+s16], $0x80, s18, s16, $0xb8;
	[tilespmem:$0x10200] =	vst v63  }
0x1b: {  	_ =	swait.ge @!p1 [sflag:s20], $0x4000  }
0x1c: {  	[sflag:s20] =	ssyncset.done @!p1 $0x0  }
0x1d: {  	[sflag:s20] =	ssyncadd.s32 @!p1 $0xFFFFC000  }
0x1e: {  	_ =	swait.ge @!p1 [sflag:s20], $0x4000  }
0x1f: {  	[sflag:s20] =	ssyncset.done @!p1 $0x0  }
0x20: {  	[sflag:s20] =	ssyncadd.s32 @!p1 $0xFFFFC000  }
0x21: {  	_ =	swait.ge @!p1 [sflag:s20], $0x4000  }
0x22: {  	[sflag:s20] =	ssyncset.done @!p1 $0x0  }
0x23: {  	[sflag:s20] =	ssyncadd.s32 @!p1 $0xFFFFC000  }
0x24: {  	_ =	swait.ge @!p1 [sflag:s20], $0x4000  }
0x25: {  	[sflag:s20] =	ssyncset.done @!p1 $0x0  }
0x26: {  	s31 =	sadd.s32 $0x20, s5;
	s18 =	simm.s32 @!p1 $0x2;
	[sflag:s20] =	ssyncadd.s32 @!p1 $0xFFFFC000  }
0x27: {  	[hbm4b:s12+s15] =	stream.linear.scatter @!p1 [tilespmem:s17], [sflag:$0x2], $0x10000, $0x38;
	[tilespmem:$0x10200] =	vst v63  }
0x28: {  	p3 =	sgt.u32 s31, $0x97;
	s16 =	simm.s32 $0x40;
	_ =	swait.ge @!p1 [sflag:s18], $0x10000  }
0x29: {  	s15 =	sadd.s32 $0x40000, s12;
	s17 =	sadd.s32 $0x800, s11;
	[sflag:s18] =	ssyncset.done @!p1 $0x0  }
.LBB2_2:
0x2a: {  	s19 =	simm.s32 @!p3 $0x0;
	s20 =	simm.s32 @!p3 $0x3;
	[sflag:s18] =	ssyncadd.s32 @!p1 $0xFFFF0000  }
0x2b: {  	[tilespmem:s19], [sflag:$0x3] =	stream.linear.gather @!p3 [hbm4b:s17+s19], $0x200, $0x38;
	[tilespmem:$0x10200] =	vst v63  }
0x2c: {  	s21 =	smov.u32 s16;
	s16 =	sadd.s32 $0x20, s16;
	_ =	swait.ge @!p3 [sflag:s20], $0x200  }
0x2d: {  	p1 =	por p3, p3;
	p2 =	sne.s32 s16, $0xA0;
	[sflag:s20] =	ssyncset.done @!p3 $0x0  }
0x2e: {  	s18 =	simm.s32 @!p1 $0x80;
	[sflag:s20] =	ssyncadd.s32 @!p1 $0xFFFFFE00;
	s20 =	simm.s32 @!p1 $0x200  }
0x2f: {  	[tilespmem:s20], [sflag:$0x1] =	stream.indirect.gather @!p1 [hbm4b:s3+s18], $0x80, s19, s18, $0xb8;
	[tilespmem:$0x10200] =	vst v63  }
0x30: {  	s22 =	simm.s32 @!p1 $0x4200  }
0x31: {  	[tilespmem:s22], [sflag:$0x1] =	stream.indirect.gather @!p1 [hbm4b:s3+s18], $0x80, s18, s18, $0xb8;
	[tilespmem:$0x10200] =	vst v63  }
0x32: {  	s23 =	simm.s32 @!p1 $0x8200;
	s22 =	simm.s32 @!p1 $0x100  }
0x33: {  	[tilespmem:s23], [sflag:$0x1] =	stream.indirect.gather @!p1 [hbm4b:s3+s18], $0x80, s22, s18, $0xb8;
	[tilespmem:$0x10200] =	vst v63  }
0x34: {  	s24 =	simm.s32 @!p1 $0x1;
	s22 =	simm.s32 @!p1 $0x180;
	s23 =	simm.s32 @!p1 $0xC200  }
0x35: {  	[tilespmem:s23], [sflag:$0x1] =	stream.indirect.gather @!p1 [hbm4b:s3+s18], $0x80, s22, s18, $0xb8;
	[tilespmem:$0x10200] =	vst v63  }
0x36: {  	_ =	swait.ge @!p1 [sflag:s24], $0x4000  }
0x37: {  	[sflag:s24] =	ssyncset.done @!p1 $0x0  }
0x38: {  	[sflag:s24] =	ssyncadd.s32 @!p1 $0xFFFFC000  }
0x39: {  	_ =	swait.ge @!p1 [sflag:s24], $0x4000  }
0x3a: {  	[sflag:s24] =	ssyncset.done @!p1 $0x0  }
0x3b: {  	[sflag:s24] =	ssyncadd.s32 @!p1 $0xFFFFC000  }
0x3c: {  	_ =	swait.ge @!p1 [sflag:s24], $0x4000  }
0x3d: {  	[sflag:s24] =	ssyncset.done @!p1 $0x0  }
0x3e: {  	[sflag:s24] =	ssyncadd.s32 @!p1 $0xFFFFC000  }
0x3f: {  	_ =	swait.ge @!p1 [sflag:s24], $0x4000  }
.Ltmp0:
0x40: {  	[sflag:s24] =	ssyncset.done @!p1 $0x0;
	(pc) =	sbr.rel @p2 .LBB2_2-.Ltmp0, $4  }
0x41: {  	s18 =	simm.s32 @!p1 $0x2;
	[sflag:s24] =	ssyncadd.s32 @!p1 $0xFFFFC000  }
0x42: {  	[hbm4b:s15+s19] =	stream.linear.scatter @!p1 [tilespmem:s20], [sflag:$0x2], $0x10000, $0x38;
	[tilespmem:$0x10200] =	vst v63  }
0x43: {  	s19 =	sadd.s32 s21, s5;
	s15 =	sadd.s32 $0x40000, s15;
	_ =	swait.ge @!p1 [sflag:s18], $0x10000  }
0x44: {  	s17 =	sadd.s32 $0x800, s17;
	p3 =	sgt.u32 s19, $0x97;
	[sflag:s18] =	ssyncset.done @!p1 $0x0  }
0x45: {  	s16 =	simm.s32 @!p3 $0x0;
	s19 =	simm.s32 @!p3 $0x3;
	[sflag:s18] =	ssyncadd.s32 @!p1 $0xFFFF0000  }
0x46: {  	[tilespmem:s16], [sflag:$0x3] =	stream.linear.gather @!p3 [hbm4b:s17+s16], $0x200, $0x38;
	[tilespmem:$0x10200] =	vst v63  }
0x47: {  	_ =	swait.ge @!p3 [sflag:s19], $0x200  }
0x48: {  	p1 =	por p3, p3;
	[sflag:s19] =	ssyncset.done @!p3 $0x0  }
0x49: {  	s17 =	simm.s32 @!p1 $0x80;
	s18 =	simm.s32 @!p1 $0x200;
	[sflag:s19] =	ssyncadd.s32 @!p1 $0xFFFFFE00  }
0x4a: {  	[tilespmem:s18], [sflag:$0x1] =	stream.indirect.gather @!p1 [hbm4b:s3+s17], $0x80, s16, s17, $0xb8;
	[tilespmem:$0x10200] =	vst v63  }
0x4b: {  	s19 =	simm.s32 @!p1 $0x4200  }
0x4c: {  	[tilespmem:s19], [sflag:$0x1] =	stream.indirect.gather @!p1 [hbm4b:s3+s17], $0x80, s17, s17, $0xb8;
	[tilespmem:$0x10200] =	vst v63  }
0x4d: {  	s20 =	simm.s32 @!p1 $0x8200;
	s19 =	simm.s32 @!p1 $0x100  }
0x4e: {  	[tilespmem:s20], [sflag:$0x1] =	stream.indirect.gather @!p1 [hbm4b:s3+s17], $0x80, s19, s17, $0xb8;
	[tilespmem:$0x10200] =	vst v63  }
0x4f: {  	s21 =	simm.s32 @!p1 $0x1;
	s19 =	simm.s32 @!p1 $0x180;
	s20 =	simm.s32 @!p1 $0xC200  }
0x50: {  	[tilespmem:s20], [sflag:$0x1] =	stream.indirect.gather @!p1 [hbm4b:s3+s17], $0x80, s19, s17, $0xb8;
	[tilespmem:$0x10200] =	vst v63  }
0x51: {  	_ =	swait.ge @!p1 [sflag:s21], $0x4000  }
0x52: {  	[sflag:s21] =	ssyncset.done @!p1 $0x0  }
0x53: {  	[sflag:s21] =	ssyncadd.s32 @!p1 $0xFFFFC000  }
0x54: {  	_ =	swait.ge @!p1 [sflag:s21], $0x4000  }
0x55: {  	[sflag:s21] =	ssyncset.done @!p1 $0x0  }
0x56: {  	[sflag:s21] =	ssyncadd.s32 @!p1 $0xFFFFC000  }
0x57: {  	_ =	swait.ge @!p1 [sflag:s21], $0x4000  }
0x58: {  	[sflag:s21] =	ssyncset.done @!p1 $0x0  }
0x59: {  	[sflag:s21] =	ssyncadd.s32 @!p1 $0xFFFFC000  }
0x5a: {  	_ =	swait.ge @!p1 [sflag:s21], $0x4000  }
0x5b: {  	[sflag:s21] =	ssyncset.done @!p1 $0x0  }
0x5c: {  	s17 =	simm.s32 @!p1 $0x2;
	[sflag:s21] =	ssyncadd.s32 @!p1 $0xFFFFC000  }
0x5d: {  	[hbm4b:s15+s16] =	stream.linear.scatter @!p1 [tilespmem:s18], [sflag:$0x2], $0x10000, $0x38;
	[tilespmem:$0x10200] =	vst v63  }
0x5e: {  	_ =	swait.ge @!p1 [sflag:s17], $0x10000  }
0x5f: {  	[sflag:s17] =	ssyncset.done @!p1 $0x0  }
0x60: {  	s15 =	simm.s32 @!p0 $0x0;
	s16 =	simm.s32 @!p0 $0x2;
	[sflag:s17] =	ssyncadd.s32 @!p1 $0xFFFF0000  }
0x61: {  	[tilespmem:s15], [sflag:$0x2] =	stream.linear.gather @!p0 [hbm4b:s6+s15], $0x100, $0x38;
	[tilespmem:$0x10200] =	vst v63  }
0x62: {  	_ =	swait.ge @!p0 [sflag:s16], $0x100  }
0x63: {  	[sflag:s16] =	ssyncset.done @!p0 $0x0  }
0x64: {  	s18 =	simm.s32 @!p0 $0x200;
	s17 =	simm.s32 @!p0 $0x80;
	[sflag:s16] =	ssyncadd.s32 @!p0 $0xFFFFFF00  }
0x65: {  	[tilespmem:s18], [sflag:$0x1] =	stream.indirect.gather @!p0 [hbm4b:s3+s17], $0x80, s15, s17, $0xb8;
	[tilespmem:$0x10200] =	vst v63  }
0x66: {  	s19 =	simm.s32 @!p0 $0x4200  }
0x67: {  	[tilespmem:s19], [sflag:$0x1] =	stream.indirect.gather @!p0 [hbm4b:s3+s17], $0x80, s17, s17, $0xb8;
	[tilespmem:$0x10200] =	vst v63  }
0x68: {  	s17 =	simm.s32 @!p0 $0x1  }
0x69: {  	_ =	swait.ge @!p0 [sflag:s17], $0x4000  }
0x6a: {  	[sflag:s17] =	ssyncset.done @!p0 $0x0  }
0x6b: {  	[sflag:s17] =	ssyncadd.s32 @!p0 $0xFFFFC000  }
0x6c: {  	_ =	swait.ge @!p0 [sflag:s17], $0x4000  }
0x6d: {  	[sflag:s17] =	ssyncset.done @!p0 $0x0  }
0x6e: {  	[sflag:s17] =	ssyncadd.s32 @!p0 $0xFFFFC000  }
0x6f: {  	[hbm4b:s7+s15] =	stream.linear.scatter @!p0 [tilespmem:s18], [sflag:$0x2], $0x8000, $0x38;
	[tilespmem:$0x10200] =	vst v63  }
0x70: {  	s30 =	sadd.s32 $0x0, s5;
	_ =	swait.ge @!p0 [sflag:s16], $0x8000  }
0x71: {  	p1 =	sgt.u32 s30, $0x97;
	[sflag:s16] =	ssyncset.done @!p0 $0x0  }
0x72: {  	s15 =	simm.s32 @!p1 $0x0;
	[sflag:s16] =	ssyncadd.s32 @!p0 $0xFFFF8000;
	s16 =	simm.s32 @!p1 $0x3  }
0x73: {  	[tilespmem:s15], [sflag:$0x3] =	stream.linear.gather @!p1 [hbm4b:s13+s15], $0x200, $0x38;
	[tilespmem:$0x10200] =	vst v63  }
0x74: {  	_ =	swait.ge @!p1 [sflag:s16], $0x200  }
0x75: {  	[sflag:s16] =	ssyncset.done @!p1 $0x0;
	p1 =	por p1, p1  }
0x76: {  	[sflag:s16] =	ssyncadd.s32 @!p1 $0xFFFFFE00;
	s16 =	simm.s32 @!p1 $0x80;
	s17 =	simm.s32 @!p1 $0x200  }
0x77: {  	[tilespmem:s17], [sflag:$0x1] =	stream.indirect.gather @!p1 [hbm4b:s4+s16], $0x80, s15, s16, $0xb8;
	[tilespmem:$0x10200] =	vst v63  }
0x78: {  	s18 =	simm.s32 @!p1 $0x4200  }
0x79: {  	[tilespmem:s18], [sflag:$0x1] =	stream.indirect.gather @!p1 [hbm4b:s4+s16], $0x80, s16, s16, $0xb8;
	[tilespmem:$0x10200] =	vst v63  }
0x7a: {  	s19 =	simm.s32 @!p1 $0x8200;
	s18 =	simm.s32 @!p1 $0x100  }
0x7b: {  	[tilespmem:s19], [sflag:$0x1] =	stream.indirect.gather @!p1 [hbm4b:s4+s16], $0x80, s18, s16, $0xb8;
	[tilespmem:$0x10200] =	vst v63  }
0x7c: {  	s20 =	simm.s32 @!p1 $0x1;
	s18 =	simm.s32 @!p1 $0x180;
	s19 =	simm.s32 @!p1 $0xC200  }
0x7d: {  	[tilespmem:s19], [sflag:$0x1] =	stream.indirect.gather @!p1 [hbm4b:s4+s16], $0x80, s18, s16, $0xb8;
	[tilespmem:$0x10200] =	vst v63  }
0x7e: {  	_ =	swait.ge @!p1 [sflag:s20], $0x4000  }
0x7f: {  	[sflag:s20] =	ssyncset.done @!p1 $0x0  }
0x80: {  	[sflag:s20] =	ssyncadd.s32 @!p1 $0xFFFFC000  }
0x81: {  	_ =	swait.ge @!p1 [sflag:s20], $0x4000  }
0x82: {  	[sflag:s20] =	ssyncset.done @!p1 $0x0  }
0x83: {  	[sflag:s20] =	ssyncadd.s32 @!p1 $0xFFFFC000  }
0x84: {  	_ =	swait.ge @!p1 [sflag:s20], $0x4000  }
0x85: {  	[sflag:s20] =	ssyncset.done @!p1 $0x0  }
0x86: {  	[sflag:s20] =	ssyncadd.s32 @!p1 $0xFFFFC000  }
0x87: {  	_ =	swait.ge @!p1 [sflag:s20], $0x4000  }
0x88: {  	[sflag:s20] =	ssyncset.done @!p1 $0x0  }
0x89: {  	s31 =	sadd.s32 $0x20, s5;
	s18 =	simm.s32 @!p1 $0x2;
	[sflag:s20] =	ssyncadd.s32 @!p1 $0xFFFFC000  }
0x8a: {  	[hbm4b:s14+s15] =	stream.linear.scatter @!p1 [tilespmem:s17], [sflag:$0x2], $0x10000, $0x38;
	[tilespmem:$0x10200] =	vst v63  }
0x8b: {  	p3 =	sgt.u32 s31, $0x97;
	s16 =	simm.s32 $0x40;
	_ =	swait.ge @!p1 [sflag:s18], $0x10000  }
0x8c: {  	s15 =	sadd.s32 $0x40000, s14;
	s17 =	sadd.s32 $0x800, s13;
	[sflag:s18] =	ssyncset.done @!p1 $0x0  }
.LBB2_4:
0x8d: {  	s19 =	simm.s32 @!p3 $0x0;
	s20 =	simm.s32 @!p3 $0x3;
	[sflag:s18] =	ssyncadd.s32 @!p1 $0xFFFF0000  }
0x8e: {  	[tilespmem:s19], [sflag:$0x3] =	stream.linear.gather @!p3 [hbm4b:s17+s19], $0x200, $0x38;
	[tilespmem:$0x10200] =	vst v63  }
0x8f: {  	s21 =	smov.u32 s16;
	s16 =	sadd.s32 $0x20, s16;
	_ =	swait.ge @!p3 [sflag:s20], $0x200  }
0x90: {  	p1 =	por p3, p3;
	p2 =	sne.s32 s16, $0xA0;
	[sflag:s20] =	ssyncset.done @!p3 $0x0  }
0x91: {  	s18 =	simm.s32 @!p1 $0x80;
	[sflag:s20] =	ssyncadd.s32 @!p1 $0xFFFFFE00;
	s20 =	simm.s32 @!p1 $0x200  }
0x92: {  	[tilespmem:s20], [sflag:$0x1] =	stream.indirect.gather @!p1 [hbm4b:s4+s18], $0x80, s19, s18, $0xb8;
	[tilespmem:$0x10200] =	vst v63  }
0x93: {  	s22 =	simm.s32 @!p1 $0x4200  }
0x94: {  	[tilespmem:s22], [sflag:$0x1] =	stream.indirect.gather @!p1 [hbm4b:s4+s18], $0x80, s18, s18, $0xb8;
	[tilespmem:$0x10200] =	vst v63  }
0x95: {  	s23 =	simm.s32 @!p1 $0x8200;
	s22 =	simm.s32 @!p1 $0x100  }
0x96: {  	[tilespmem:s23], [sflag:$0x1] =	stream.indirect.gather @!p1 [hbm4b:s4+s18], $0x80, s22, s18, $0xb8;
	[tilespmem:$0x10200] =	vst v63  }
0x97: {  	s24 =	simm.s32 @!p1 $0x1;
	s22 =	simm.s32 @!p1 $0x180;
	s23 =	simm.s32 @!p1 $0xC200  }
0x98: {  	[tilespmem:s23], [sflag:$0x1] =	stream.indirect.gather @!p1 [hbm4b:s4+s18], $0x80, s22, s18, $0xb8;
	[tilespmem:$0x10200] =	vst v63  }
0x99: {  	_ =	swait.ge @!p1 [sflag:s24], $0x4000  }
0x9a: {  	[sflag:s24] =	ssyncset.done @!p1 $0x0  }
0x9b: {  	[sflag:s24] =	ssyncadd.s32 @!p1 $0xFFFFC000  }
0x9c: {  	_ =	swait.ge @!p1 [sflag:s24], $0x4000  }
0x9d: {  	[sflag:s24] =	ssyncset.done @!p1 $0x0  }
0x9e: {  	[sflag:s24] =	ssyncadd.s32 @!p1 $0xFFFFC000  }
0x9f: {  	_ =	swait.ge @!p1 [sflag:s24], $0x4000  }
0xa0: {  	[sflag:s24] =	ssyncset.done @!p1 $0x0  }
0xa1: {  	[sflag:s24] =	ssyncadd.s32 @!p1 $0xFFFFC000  }
0xa2: {  	_ =	swait.ge @!p1 [sflag:s24], $0x4000  }
.Ltmp1:
0xa3: {  	[sflag:s24] =	ssyncset.done @!p1 $0x0;
	(pc) =	sbr.rel @p2 .LBB2_4-.Ltmp1, $4  }
0xa4: {  	s18 =	simm.s32 @!p1 $0x2;
	[sflag:s24] =	ssyncadd.s32 @!p1 $0xFFFFC000  }
0xa5: {  	[hbm4b:s15+s19] =	stream.linear.scatter @!p1 [tilespmem:s20], [sflag:$0x2], $0x10000, $0x38;
	[tilespmem:$0x10200] =	vst v63  }
0xa6: {  	s19 =	sadd.s32 s21, s5;
	s15 =	sadd.s32 $0x40000, s15;
	_ =	swait.ge @!p1 [sflag:s18], $0x10000  }
0xa7: {  	s17 =	sadd.s32 $0x800, s17;
	p3 =	sgt.u32 s19, $0x97;
	[sflag:s18] =	ssyncset.done @!p1 $0x0  }
0xa8: {  	s16 =	simm.s32 @!p3 $0x0;
	s19 =	simm.s32 @!p3 $0x3;
	[sflag:s18] =	ssyncadd.s32 @!p1 $0xFFFF0000  }
0xa9: {  	[tilespmem:s16], [sflag:$0x3] =	stream.linear.gather @!p3 [hbm4b:s17+s16], $0x200, $0x38;
	[tilespmem:$0x10200] =	vst v63  }
0xaa: {  	_ =	swait.ge @!p3 [sflag:s19], $0x200  }
0xab: {  	p1 =	por p3, p3;
	[sflag:s19] =	ssyncset.done @!p3 $0x0  }
0xac: {  	s17 =	simm.s32 @!p1 $0x80;
	s18 =	simm.s32 @!p1 $0x200;
	[sflag:s19] =	ssyncadd.s32 @!p1 $0xFFFFFE00  }
0xad: {  	[tilespmem:s18], [sflag:$0x1] =	stream.indirect.gather @!p1 [hbm4b:s4+s17], $0x80, s16, s17, $0xb8;
	[tilespmem:$0x10200] =	vst v63  }
0xae: {  	s19 =	simm.s32 @!p1 $0x4200  }
0xaf: {  	[tilespmem:s19], [sflag:$0x1] =	stream.indirect.gather @!p1 [hbm4b:s4+s17], $0x80, s17, s17, $0xb8;
	[tilespmem:$0x10200] =	vst v63  }
0xb0: {  	s20 =	simm.s32 @!p1 $0x8200;
	s19 =	simm.s32 @!p1 $0x100  }
0xb1: {  	[tilespmem:s20], [sflag:$0x1] =	stream.indirect.gather @!p1 [hbm4b:s4+s17], $0x80, s19, s17, $0xb8;
	[tilespmem:$0x10200] =	vst v63  }
0xb2: {  	s21 =	simm.s32 @!p1 $0x1;
	s19 =	simm.s32 @!p1 $0x180;
	s20 =	simm.s32 @!p1 $0xC200  }
0xb3: {  	[tilespmem:s20], [sflag:$0x1] =	stream.indirect.gather @!p1 [hbm4b:s4+s17], $0x80, s19, s17, $0xb8;
	[tilespmem:$0x10200] =	vst v63  }
0xb4: {  	_ =	swait.ge @!p1 [sflag:s21], $0x4000  }
0xb5: {  	[sflag:s21] =	ssyncset.done @!p1 $0x0  }
0xb6: {  	[sflag:s21] =	ssyncadd.s32 @!p1 $0xFFFFC000  }
0xb7: {  	_ =	swait.ge @!p1 [sflag:s21], $0x4000  }
0xb8: {  	[sflag:s21] =	ssyncset.done @!p1 $0x0  }
0xb9: {  	[sflag:s21] =	ssyncadd.s32 @!p1 $0xFFFFC000  }
0xba: {  	_ =	swait.ge @!p1 [sflag:s21], $0x4000  }
0xbb: {  	[sflag:s21] =	ssyncset.done @!p1 $0x0  }
0xbc: {  	[sflag:s21] =	ssyncadd.s32 @!p1 $0xFFFFC000  }
0xbd: {  	_ =	swait.ge @!p1 [sflag:s21], $0x4000  }
0xbe: {  	[sflag:s21] =	ssyncset.done @!p1 $0x0  }
0xbf: {  	s17 =	simm.s32 @!p1 $0x2;
	[sflag:s21] =	ssyncadd.s32 @!p1 $0xFFFFC000  }
0xc0: {  	[hbm4b:s15+s16] =	stream.linear.scatter @!p1 [tilespmem:s18], [sflag:$0x2], $0x10000, $0x38;
	[tilespmem:$0x10200] =	vst v63  }
0xc1: {  	_ =	swait.ge @!p1 [sflag:s17], $0x10000  }
0xc2: {  	[sflag:s17] =	ssyncset.done @!p1 $0x0  }
0xc3: {  	s15 =	simm.s32 @!p0 $0x0;
	s16 =	simm.s32 @!p0 $0x2;
	[sflag:s17] =	ssyncadd.s32 @!p1 $0xFFFF0000  }
0xc4: {  	[tilespmem:s15], [sflag:$0x2] =	stream.linear.gather @!p0 [hbm4b:s8+s15], $0x100, $0x38;
	[tilespmem:$0x10200] =	vst v63  }
0xc5: {  	_ =	swait.ge @!p0 [sflag:s16], $0x100  }
0xc6: {  	[sflag:s16] =	ssyncset.done @!p0 $0x0  }
0xc7: {  	s18 =	simm.s32 @!p0 $0x200;
	s17 =	simm.s32 @!p0 $0x80;
	[sflag:s16] =	ssyncadd.s32 @!p0 $0xFFFFFF00  }
0xc8: {  	[tilespmem:s18], [sflag:$0x1] =	stream.indirect.gather @!p0 [hbm4b:s4+s17], $0x80, s15, s17, $0xb8;
	[tilespmem:$0x10200] =	vst v63  }
0xc9: {  	s19 =	simm.s32 @!p0 $0x4200  }
0xca: {  	[tilespmem:s19], [sflag:$0x1] =	stream.indirect.gather @!p0 [hbm4b:s4+s17], $0x80, s17, s17, $0xb8;
	[tilespmem:$0x10200] =	vst v63  }
0xcb: {  	s17 =	simm.s32 @!p0 $0x1  }
0xcc: {  	_ =	swait.ge @!p0 [sflag:s17], $0x4000  }
0xcd: {  	[sflag:s17] =	ssyncset.done @!p0 $0x0  }
0xce: {  	[sflag:s17] =	ssyncadd.s32 @!p0 $0xFFFFC000  }
0xcf: {  	s1 =	sadd.s32 $0x1, s1;
	_ =	swait.ge @!p0 [sflag:s17], $0x4000  }
0xd0: {  	p1 =	sne.s32 s1, s10;
	[sflag:s17] =	ssyncset.done @!p0 $0x0  }
.Ltmp2:
0xd1: {  	[sflag:s17] =	ssyncadd.s32 @!p0 $0xFFFFC000;
	(pc) =	sbr.rel @p1 .LBB2_1-.Ltmp2, $4  }
0xd2: {  	[hbm4b:s9+s15] =	stream.linear.scatter @!p0 [tilespmem:s18], [sflag:$0x2], $0x8000, $0x38;
	[tilespmem:$0x10200] =	vst v63  }
0xd3: {  	_ =	swait.ge @!p0 [sflag:s16], $0x8000  }
0xd4: {  	[sflag:s16] =	ssyncset.done @!p0 $0x0  }
0xd5: {  	[sflag:s16] =	ssyncadd.s32 @!p0 $0xFFFF8000  }
0xd6: {  	_ =	sfence.sel $0x180000  }
0xd7: {  	[bflag:$0x0] =	sbarrier.arrive $0xFFFF  }
0xd8: {  	p0 =	sne.s32 s2, $0x0;
	_ =	strace $0x9000004A  }
0xd9: {  	s0 =	sadd.s32 @!p0 $0x100000, s0;
	[bflag:$0x2] =	sbarrier.arrive $0xFFFF  }
0xda: {  	[sflag:s0] =	ssyncadd.tile.s32 @!p0 $0x1;
	_ =	shalt  }
.Lfunc_end2:
_tile_overlayer_lowered:
.L_overlay_start_2:
0xdb: {  	(tag) =	ssettag $0x2  }
0xdc: {  	s0 =	rddreg [dreg:$0x0];
	s2 =	stileid.u32  }
0xdd: {  	s1 =	rddreg [dreg:$0x1];
	p0 =	sne.s32 s2, $0x0  }
0xde: {  	s3 =	rddreg [dreg:$0x2];
	[bflag:$0x3] =	sbarrier.arrive $0xFFFF;
	s2 =	simm.s32 @!p0 $0x1C02  }
0xdf: {  	[timem:s3], [sflag:s2] =	dma.local @!p0 [hbm:s0], s1  }
0xe0: {  	s0 =	simm.s32 @!p0 $0x2  }
0xe1: {  	_ =	swait.ge @!p0 [sflag:s0], s1  }
0xe2: {  	s1 =	ssub.s32 @!p0 $0x0, s1;
	[sflag:s0] =	ssyncset.done @!p0 $0x0  }
0xe3: {  	[sflag:s0] =	ssyncadd.s32 @!p0 s1  }
0xe4: {  	[bflag:$0x3] =	sbarrier.arrive $0xFFFF  }
0xe5: {  	_ =	shalt  }

// kernel: kernel.20.cloned.1.call-start
scs
__scs_entry_jumppad:
0x0: {  	(pc) =	sbr.rel $0x88, $3  }
0x1: {  	(tag) =	ssettag $0x0;
	lr =	simm.s32 $0x1  }
0x2: {  	[smem:$0x3F86] =	sst lr;
	_ =	strace $0xD0000000  }
0x3: {  	_ = 	snop  }
0x4: {  	_ = 	snop  }
0x5: {  	_ = 	snop  }
0x6: {  	_ = 	snop  }
0x7: {  	_ = 	snop  }
__scs_overlays_trampoline_lowered:
0x8: {  	[smem:$0x3F95] =	sst s0  }
0x9: {  	[smem:$0x3F96] =	sst s1  }
0xa: {  	[smem:$0x3F97] =	sst s2  }
0xb: {  	[smem:$0x3F98] =	sst s3  }
0xc: {  	[smem:$0x3F99] =	sst s4  }
0xd: {  	[smem:$0x3F9A] =	sst s5  }
0xe: {  	[smem:$0x3F9B] =	sst s6  }
0xf: {  	[smem:$0x3F9C] =	sst s7  }
0x10: {  	[smem:$0x3F9D] =	sst s8  }
0x11: {  	[smem:$0x3F9E] =	sst s9;
	s0 =	simm.s32 @!p0 $0x0  }
0x12: {  	s1 =	sld [smem:$0x3F84];
	s0 =	simm.s32 @p0 $0x1  }
0x13: {  	[smem:$0x3F9F] =	sst s0;
	s0 =	simm.s32 @!p1 $0x0  }
0x14: {  	s2 =	sld [smem:$0x3F83];
	s0 =	simm.s32 @p1 $0x1  }
0x15: {  	[smem:$0x3FA0] =	sst s0;
	s0 =	simm.s32 @!p2 $0x0  }
0x16: {  	s3 =	sld [smem:$0x3FDB];
	s0 =	simm.s32 @p2 $0x1  }
0x17: {  	s4 =	simm.s32 $0x1BF5;
	[smem:$0x3FA2] =	sst s0  }
0x18: {  	s0 =	sld [smem:$0x3F85];
	_ =	swait.ge [sflag:s4], $0x0  }
0x19: {  	s7 =	sld [smem:$0x3F86]  }
0x1a: {  	s8 =	sadd.s32 $0xFFFFE003, lr  }
0x1b: {  	s9 =	sadd.s32 $0xFFFFFEF7, lr;
	s5 =	simm.s32 $0xFFFFFFFF;
	p2 =	slt.u32 s8, $0xFFFFF086  }
0x1c: {  	p1 =	slt.u32 s9, $0xF7A;
	s5 =	simm.s32 @!p2 $0x0  }
0x1d: {  	s5 =	simm.s32 @p1 $0x1;
	p0 =	seq.s32 s7, s2  }
0x1e: {  	s7 =	smul.u32 @!p0 $0xF7A, s2;
	p2 =	seq.s32 @!p0 s5, $0x0  }
0x1f: {  	s9 =	smul.u32 $0xF7A, s1;
	s8 =	simm.s32 @!p0 $0x1BF5;
	p2 =	por !p2, p0  }
0x20: {  	[sflag:s8] =	ssyncset.s32 @!p0 $0xFFFFF086;
	s6 =	sadd.s32 @!p0 s3, s7;
	s7 =	simm.s32 @!p0 $0x108  }
0x21: {  	s3 =	sadd.s32 s3, s9;
	s6 =	sadd.s32 @!p0 $0x88, s6;
	s7 =	simm.s32 @p2 $0x1082  }
0x22: {  	[simem:s7], [sflag:s8] =	dma.local @!p0 [hbm:s6], $0xF7A  }
0x23: {  	s9 =	sor.u32 $0xD0000000, s2;
	s6 =	simm.s32 $0x108;
	_ =	swait.ge @!p0 [sflag:s8], $0x0  }
0x24: {  	s3 =	sadd.s32 $0x88, s3;
	s6 =	simm.s32 @!p1 $0x1082;
	[sflag:s4] =	ssyncset.s32 $0xFFFFF086  }
0x25: {  	[simem:s6], [sflag:s4] =	dma.local [hbm:s3], $0xF7A  }
0x26: {  	[smem:$0x3F86] =	sst s1;
	(tag) =	ssettag s2;
	_ =	strace s9  }
0x27: {  	s1 =	sld [smem:$0x3F96]  }
0x28: {  	s2 =	sld [smem:$0x3F97]  }
0x29: {  	s4 =	sld [smem:$0x3F99]  }
0x2a: {  	p0 =	seq.s32 s5, $0x0;
	s5 =	sld [smem:$0x3F9A]  }
0x2b: {  	s6 =	sld [smem:$0x3F9B]  }
0x2c: {  	s7 =	sld [smem:$0x3F9C]  }
0x2d: {  	s3 =	simm.s32 $0x108;
	s8 =	sld [smem:$0x3F9D]  }
0x2e: {  	s3 =	simm.s32 @!p0 $0x1082;
	s9 =	sld [smem:$0x3F9E]  }
0x2f: {  	lr =	sadd.s32 s0, s3;
	s0 =	sld [smem:$0x3F95]  }
0x30: {  	s3 =	sld [smem:$0x3F98]  }
0x31: {  	[smem:$0x3FA1] =	sst s10  }
0x32: {  	s10 =	sld [smem:$0x3F9F];
	_ =	sdelay $0x3  }
0x33: {  	p0 =	seq.s32 s10, $0x1;
	s10 =	sld [smem:$0x3FA1];
	_ =	sdelay $0x3  }
0x34: {  	[smem:$0x3FA1] =	sst s10  }
0x35: {  	s10 =	sld [smem:$0x3FA0];
	_ =	sdelay $0x3  }
0x36: {  	p1 =	seq.s32 s10, $0x1;
	s10 =	sld [smem:$0x3FA1];
	_ =	sdelay $0x3  }
0x37: {  	[smem:$0x3FA1] =	sst s10  }
0x38: {  	s10 =	sld [smem:$0x3FA2]  }
0x39: {  	_ = 	snop;
	(pc) =	sbr.ind lr, $3  }
0x3a: {  	_ = 	snop  }
0x3b: {  	_ = 	snop  }
0x3c: {  	p2 =	seq.s32 s10, $0x1;
	s10 =	sld [smem:$0x3FA1]  }
0x3d: {  	_ =	shalt  }
0x3e: {  	_ =	shalt  }
0x3f: {  	_ =	shalt  }
0x40: {  	_ =	shalt  }
0x41: {  	_ =	shalt  }
0x42: {  	_ =	shalt  }
0x43: {  	_ =	shalt  }
0x44: {  	_ =	shalt  }
0x45: {  	_ =	shalt  }
0x46: {  	_ =	shalt  }
0x47: {  	_ =	shalt  }
0x48: {  	_ =	shalt  }
0x49: {  	_ =	shalt  }
0x4a: {  	_ =	shalt  }
0x4b: {  	_ =	shalt  }
0x4c: {  	_ =	shalt  }
0x4d: {  	_ =	shalt  }
0x4e: {  	_ =	shalt  }
0x4f: {  	_ =	shalt  }
0x50: {  	_ =	shalt  }
0x51: {  	_ =	shalt  }
0x52: {  	_ =	shalt  }
0x53: {  	_ =	shalt  }
0x54: {  	_ =	shalt  }
0x55: {  	_ =	shalt  }
0x56: {  	_ =	shalt  }
0x57: {  	_ =	shalt  }
0x58: {  	_ =	shalt  }
0x59: {  	_ =	shalt  }
0x5a: {  	_ =	shalt  }
0x5b: {  	_ =	shalt  }
0x5c: {  	_ =	shalt  }
0x5d: {  	_ =	shalt  }
0x5e: {  	_ =	shalt  }
0x5f: {  	_ =	shalt  }
0x60: {  	_ =	shalt  }
0x61: {  	_ =	shalt  }
0x62: {  	_ =	shalt  }
0x63: {  	_ =	shalt  }
0x64: {  	_ =	shalt  }
0x65: {  	_ =	shalt  }
0x66: {  	_ =	shalt  }
0x67: {  	_ =	shalt  }
0x68: {  	_ =	shalt  }
0x69: {  	_ =	shalt  }
0x6a: {  	_ =	shalt  }
0x6b: {  	_ =	shalt  }
0x6c: {  	_ =	shalt  }
0x6d: {  	_ =	shalt  }
0x6e: {  	_ =	shalt  }
0x6f: {  	_ =	shalt  }
0x70: {  	_ =	shalt  }
0x71: {  	_ =	shalt  }
0x72: {  	_ =	shalt  }
0x73: {  	_ =	shalt  }
0x74: {  	_ =	shalt  }
0x75: {  	_ =	shalt  }
0x76: {  	_ =	shalt  }
0x77: {  	_ =	shalt  }
0x78: {  	_ =	shalt  }
0x79: {  	_ =	shalt  }
0x7a: {  	_ =	shalt  }
0x7b: {  	_ =	shalt  }
0x7c: {  	_ =	shalt  }
0x7d: {  	_ =	shalt  }
0x7e: {  	_ =	shalt  }
0x7f: {  	_ =	shalt  }
0x80: {  	_ =	shalt  }
0x81: {  	_ =	shalt  }
0x82: {  	_ =	shalt  }
0x83: {  	_ =	shalt  }
0x84: {  	_ =	shalt  }
0x85: {  	_ =	shalt  }
0x86: {  	_ =	shalt  }
0x87: {  	_ =	shalt  }
.Lfunc_end0:
.L_simem_size_0:
called_computation.2_lowered:
.L_overlay_start_0:
0x88: {  	s2 =	sld [smem:$0x3FD9]  }
0x89: {  	s3 =	sld [smem:$0x3FFE];
	_ =	sdelay $0x1  }
0x8a: {  	s1 =	srdreg.scid  }
0x8b: {  	s0 =	sand.u32 $0x1, s1  }
0x8c: {  	s17 =	sshll.u32 s0, $0xA;
	s2 =	sadd.s32 s3, s2  }
0x8d: {  	s2 =	sadd.s32 s2, s17  }
0x8e: {  	[smem:$0x3FAD] =	sst s2  }
0x8f: {  	_ = 	snop  }
0x90: {  	s18 =	sld [smem:$0x3FD0];
	(tm) =	ssettm $0x1  }
0x91: {  	s19 =	sld [smem:$0x3FFB];
	_ =	sdelay $0x3  }
0x92: {  	_ =	strace s19  }
0x93: {  	s2 =	sld [smem:$0x3FFC];
	_ =	sdelay $0x3  }
0x94: {  	_ =	strace s2  }
0x95: {  	s2 =	sld [smem:$0x3FFD];
	_ =	sdelay $0x3  }
0x96: {  	_ =	strace s2  }
0x97: {  	_ =	strace $0x8FFFFFFF  }
0x98: {  	s20 =	sld [smem:$0x3FDB];
	_ =	sdelay $0x1  }
0x99: {  	s4 =	simm.s32 $_scs_section_size  }
0x9a: {  	s5 =	simm.s32 $_size__tile_overlayer_lowered;
	s6 =	simm.s32 $_tile_overlayer_lowered  }
0x9b: {  	s7 =	simm.s32 $0x1BFF;
	s21 =	sshll.u32 s6, $0x1;
	s4 =	sadd.s32 s4, s20  }
0x9c: {  	s22 =	simm.s32 $0x0;
	s5 =	sshll.u32 s5, $0x1;
	s6 =	sadd.s32 s21, s4  }
0x9d: {  	[timem:s22], [sflag:s7] =	dma.local [hbm:s6], s5  }
0x9e: {  	_ =	swait.ge [sflag:s7], s5  }
0x9f: {  	s5 =	ssub.s32 $0x0, s5;
	[sflag:s7] =	ssyncset.done $0x0  }
0xa0: {  	[sflag:s7] =	ssyncadd.s32 s5;
	_ =	sdelay $0x1  }
0xa1: {  	s23 =	simm.s32 $0x1B8B  }
0xa2: {  	_ =	swait.ge [sflag:s23], $0x1  }
0xa3: {  	[sflag:s23] =	ssyncset.done $0x0  }
0xa4: {  	[sflag:s23] =	ssyncadd.s32 $0xFFFFFFFF  }
0xa5: {  	s5 =	sld [smem:$0x0]  }
0xa6: {  	s6 =	sand.u32 $0xFFFFFFFE, s1  }
0xa7: {  	p0 =	sne.s32 s1, s6  }
0xa8: {  	s6 =	sshll.u32 @p0 s6, $0xE  }
0xa9: {  	s6 =	sadd.s32 @p0 $0x11B8D, s6;
	s7 =	sshll.u32 @p0 s5, $0x11  }
0xaa: {  	s6 =	sor.u32 @p0 s7, s6  }
0xab: {  	[sflag:s6] =	ssyncadd.remote.s32 @p0 $0x1;
	_ =	sdelay $0x1  }
0xac: {  	s6 =	simm.s32 @p0 $0x1B8D  }
0xad: {  	_ =	swait.eq @p0 [sflag:s6], $0x1  }
0xae: {  	[sflag:s6] =	ssyncadd.s32 @p0 $0xFFFFFFFF  }
0xaf: {  	s7 =	sshll.u32 @!p0 s1, $0xE  }
0xb0: {  	s7 =	sor.u32 @!p0 $0x4000, s7;
	s6 =	simm.s32 @!p0 $0x1B8D  }
0xb1: {  	s5 =	sshll.u32 @!p0 s5, $0x11;
	s7 =	sadd.s32 @!p0 $0x11B8D, s7;
	_ =	swait.eq @!p0 [sflag:s6], $0x1  }
0xb2: {  	s5 =	sor.u32 @!p0 s5, s7;
	[sflag:s6] =	ssyncadd.s32 @!p0 $0xFFFFFFFF  }
0xb3: {  	s25 =	simm.s32 $0x1B8E;
	s24 =	sld [smem:$0x3FFE];
	[sflag:s5] =	ssyncadd.remote.s32 @!p0 $0x1  }
0xb4: {  	s26 =	simm.s32 $execute0_lowered;
	[smem:$0x3FD2] =	sst s25  }
0xb5: {  	s6 =	sshll.u32 s26, $0x1;
	_ =	strace $0x8000004C;
	[dreg:$0x1] =	wrdreg $0xFFFFFFFF  }
0xb6: {  	s28 =	simm.s32 $_size_execute0_lowered;
	s4 =	sadd.s32 s4, s6;
	[dreg:$0x0] =	wrdreg $0x0  }
0xb7: {  	s6 =	sshll.u32 s28, $0x1;
	[dreg:$0x2] =	wrdreg s4  }
0xb8: {  	[dreg:$0x3] =	wrdreg s6  }
0xb9: {  	[dreg:$0x4] =	wrdreg $0xC0  }
0xba: {  	_ =	task [dreg:s22], $0x5FFFF  }
0xbb: {  	[dreg:$0x1] =	wrdreg $0xFFFFFFFF  }
0xbc: {  	[dreg:$0x0] =	wrdreg $0x60  }
0xbd: {  	[dreg:$0x2] =	wrdreg s24  }
0xbe: {  	[dreg:$0x3] =	wrdreg s18  }
0xbf: {  	[dreg:$0x4] =	wrdreg $0xA  }
0xc0: {  	_ =	task.clear_ibuf [dreg:s22], $0x5FFFF;
	_ =	strace $0x9000004C  }
0xc1: {  	s29 =	simm.s32 $0xA;
	_ =	strace $0x8000004E  }
0xc2: {  	_ =	swait.ge [sflag:s29], $0x1  }
0xc3: {  	[sflag:s29] =	ssyncadd.s32 $0xFFFFFFFF  }
0xc4: {  	_ =	strace $0x9000004E  }
0xc5: {  	_ =	sfence  }
0xc6: {  	s30 =	sld [smem:$0x0];
	_ =	sdelay $0x2  }
0xc7: {  	s31 =	sshll.u32 s1, $0xD;
	s1 =	sshrl.u32 s1, $0x2  }
0xc8: {  	s4 =	sand.u32 $0x4000, s31;
	s1 =	sadd.s32 s1, s30  }
0xc9: {  	s0 =	sor.u32 s4, s0;
	s1 =	sshll.u32 s1, $0x11  }
0xca: {  	s0 =	sor.u32 s1, s0  }
0xcb: {  	s0 =	sadd.s32 $0x8F2B, s0  }
0xcc: {  	[sflag:s0] =	ssyncadd.remote.s32 $0x1  }
0xcd: {  	_ =	sfence.sel $0xFFFF  }
0xce: {  	[dreg:$0x0] =	wrdreg $0xFFFFFFFF;
	(pc) =	sbr.abs _section_cstart, $3  }
0xcf: {  	[dreg:$0x1] =	wrdreg $0xFFFFFFFF  }
0xd0: {  	_ =	task.clear_ibuf [dreg:s22], $0x2FFFF;
	_ =	strace $0x9FFFFFFF  }
0xd1: {  	(tm) =	ssettm $0x7FFFFFFF  }
tec
execute0_lowered:
.L_overlay_start_1:
0x0: {  	(tag) =	ssettag $0x1  }
0x1: {  	s5 =	rddreg [dreg:$0x0]  }
0x2: {  	s9 =	rddreg [dreg:$0x1]  }
0x3: {  	s0 =	rddreg [dreg:$0x2]  }
0x4: {  	s2 =	simm.s32 $0x0;
	s1 =	stileid.u32;
	s6 =	srdreg.scid  }
0x5: {  	s13 =	simm.s32 $0x4200;
	s14 =	simm.s32 $0x100;
	s15 =	simm.s32 $0x8200  }
0x6: {  	s16 =	simm.s32 $0x180;
	s17 =	simm.s32 $0xC200;
	s18 =	simm.s32 $0x1  }
0x7: {  	s19 =	simm.s32 $0x2;
	s20 =	simm.s32 $0x0;
	[smem:$0x7FF] =	sst s2  }
0x8: {  	s3 =	sadd.s32 $0x58C400, s5;
	s4 =	sadd.s32 $0x5B3600, s5;
	s10 =	sshll.u32 s1, $0x7  }
0x9: {  	s6 =	sand.u32 $0x1, s6;
	s8 =	sshll.u32 s1, $0xE;
	_ =	strace $0x8000004D  }
0xa: {  	s7 =	sadd.s32 s10, s5;
	s11 =	ssub.s32 $0x2, s6;
	s5 =	sadd.s32 s8, s5  }
0xb: {  	s12 =	sshll.u32 s6, $0xD;
	s31 =	sshll.u32 s6, $0x6;
	s9 =	sadd.s32 s10, s9  }
0xc: {  	s10 =	simm.s32 $0x3;
	s29 =	sshrl.u32 s11, $0x1;
	s30 =	sadd.s32 s12, s5  }
0xd: {  	s7 =	sadd.s32 s31, s7;
	s9 =	sadd.s32 s31, s9;
	s12 =	simm.s32 $0x200  }
0xe: {  	s8 =	ssub.s32 s11, s29;
	s6 =	sadd.s32 $0x56200, s30;
	s7 =	sadd.s32 $0x5000, s7  }
0xf: {  	s11 =	simm.s32 $0x80;
	s5 =	smax.u32 s8, $0x1;
	s8 =	sadd.s32 $0x196200, s30  }
.LBB2_1:
0x10: {  	s21 =	sadd.s32 $0x0, s7  }
0x11: {  	[tilespmem:s2], [sflag:$0x3] =	stream.linear.gather [hbm4b:s21+s2], $0x200, $0x38;
	[tilespmem:$0x10200] =	vst v63  }
0x12: {  	_ =	swait.ge [sflag:s10], $0x200  }
0x13: {  	[sflag:s10] =	ssyncset.done $0x0  }
0x14: {  	[sflag:s10] =	ssyncadd.s32 $0xFFFFFE00  }
0x15: {  	[tilespmem:s12], [sflag:$0x1] =	stream.indirect.gather [hbm4b:s3+s11], $0x80, s2, s11, $0xb8;
	[tilespmem:$0x10200] =	vst v63  }
0x16: {  	_ = 	snop  }
0x17: {  	[tilespmem:s13], [sflag:$0x1] =	stream.indirect.gather [hbm4b:s3+s11], $0x80, s11, s11, $0xb8;
	[tilespmem:$0x10200] =	vst v63  }
0x18: {  	_ = 	snop  }
0x19: {  	[tilespmem:s15], [sflag:$0x1] =	stream.indirect.gather [hbm4b:s3+s11], $0x80, s14, s11, $0xb8;
	[tilespmem:$0x10200] =	vst v63  }
0x1a: {  	_ = 	snop  }
0x1b: {  	[tilespmem:s17], [sflag:$0x1] =	stream.indirect.gather [hbm4b:s3+s11], $0x80, s16, s11, $0xb8;
	[tilespmem:$0x10200] =	vst v63  }
0x1c: {  	_ =	swait.ge [sflag:s18], $0x4000  }
0x1d: {  	[sflag:s18] =	ssyncset.done $0x0  }
0x1e: {  	[sflag:s18] =	ssyncadd.s32 $0xFFFFC000  }
0x1f: {  	_ =	swait.ge [sflag:s18], $0x4000  }
0x20: {  	[sflag:s18] =	ssyncset.done $0x0  }
0x21: {  	[sflag:s18] =	ssyncadd.s32 $0xFFFFC000  }
0x22: {  	_ =	swait.ge [sflag:s18], $0x4000  }
0x23: {  	[sflag:s18] =	ssyncset.done $0x0  }
0x24: {  	[sflag:s18] =	ssyncadd.s32 $0xFFFFC000  }
0x25: {  	_ =	swait.ge [sflag:s18], $0x4000  }
0x26: {  	[sflag:s18] =	ssyncset.done $0x0  }
0x27: {  	[sflag:s18] =	ssyncadd.s32 $0xFFFFC000  }
0x28: {  	[hbm4b:s6+s2] =	stream.linear.scatter [tilespmem:s12], [sflag:$0x2], $0x10000, $0x38;
	[tilespmem:$0x10200] =	vst v63  }
0x29: {  	s24 =	sadd.s32 $0x800, s7;
	_ =	swait.ge [sflag:s19], $0x10000  }
0x2a: {  	s22 =	simm.s32 $0x1000;
	s21 =	sadd.s32 $0x40000, s6;
	[sflag:s19] =	ssyncset.done $0x0  }
.LBB2_2:
0x2b: {  	s25 =	sadd.s32 s22, s7;
	s23 =	simm.s32 $0x0;
	[sflag:s19] =	ssyncadd.s32 $0xFFFF0000  }
0x2c: {  	[tilespmem:s23], [sflag:$0x3] =	stream.linear.gather [hbm4b:s24+s23], $0x200, $0x38;
	[tilespmem:$0x10200] =	vst v63  }
0x2d: {  	p0 =	sne.s32 s22, $0x2000;
	s22 =	sadd.s32 $0x800, s22;
	_ =	swait.ge [sflag:s10], $0x200  }
0x2e: {  	s24 =	smov.u32 s25;
	[sflag:s10] =	ssyncset.done $0x0  }
0x2f: {  	[sflag:s10] =	ssyncadd.s32 $0xFFFFFE00  }
0x30: {  	[tilespmem:s12], [sflag:$0x1] =	stream.indirect.gather [hbm4b:s3+s11], $0x80, s23, s11, $0xb8;
	[tilespmem:$0x10200] =	vst v63  }
0x31: {  	_ = 	snop  }
0x32: {  	[tilespmem:s13], [sflag:$0x1] =	stream.indirect.gather [hbm4b:s3+s11], $0x80, s11, s11, $0xb8;
	[tilespmem:$0x10200] =	vst v63  }
0x33: {  	_ = 	snop  }
0x34: {  	[tilespmem:s15], [sflag:$0x1] =	stream.indirect.gather [hbm4b:s3+s11], $0x80, s14, s11, $0xb8;
	[tilespmem:$0x10200] =	vst v63  }
0x35: {  	_ = 	snop  }
0x36: {  	[tilespmem:s17], [sflag:$0x1] =	stream.indirect.gather [hbm4b:s3+s11], $0x80, s16, s11, $0xb8;
	[tilespmem:$0x10200] =	vst v63  }
0x37: {  	_ =	swait.ge [sflag:s18], $0x4000  }
0x38: {  	[sflag:s18] =	ssyncset.done $0x0  }
0x39: {  	[sflag:s18] =	ssyncadd.s32 $0xFFFFC000  }
0x3a: {  	_ =	swait.ge [sflag:s18], $0x4000  }
0x3b: {  	[sflag:s18] =	ssyncset.done $0x0  }
0x3c: {  	[sflag:s18] =	ssyncadd.s32 $0xFFFFC000  }
0x3d: {  	_ =	swait.ge [sflag:s18], $0x4000  }
0x3e: {  	[sflag:s18] =	ssyncset.done $0x0  }
0x3f: {  	[sflag:s18] =	ssyncadd.s32 $0xFFFFC000  }
0x40: {  	_ =	swait.ge [sflag:s18], $0x4000  }
.Ltmp0:
0x41: {  	[sflag:s18] =	ssyncset.done $0x0;
	(pc) =	sbr.rel @p0 .LBB2_2-.Ltmp0, $4  }
0x42: {  	[sflag:s18] =	ssyncadd.s32 $0xFFFFC000  }
0x43: {  	[hbm4b:s21+s23] =	stream.linear.scatter [tilespmem:s12], [sflag:$0x2], $0x10000, $0x38;
	[tilespmem:$0x10200] =	vst v63  }
0x44: {  	_ =	swait.ge [sflag:s19], $0x10000  }
0x45: {  	s21 =	sadd.s32 $0x40000, s21;
	[sflag:s19] =	ssyncset.done $0x0  }
0x46: {  	[sflag:s19] =	ssyncadd.s32 $0xFFFF0000  }
0x47: {  	[tilespmem:s23], [sflag:$0x3] =	stream.linear.gather [hbm4b:s24+s23], $0x200, $0x38;
	[tilespmem:$0x10200] =	vst v63  }
0x48: {  	_ =	swait.ge [sflag:s10], $0x200  }
0x49: {  	[sflag:s10] =	ssyncset.done $0x0  }
0x4a: {  	[sflag:s10] =	ssyncadd.s32 $0xFFFFFE00  }
0x4b: {  	[tilespmem:s12], [sflag:$0x1] =	stream.indirect.gather [hbm4b:s3+s11], $0x80, s23, s11, $0xb8;
	[tilespmem:$0x10200] =	vst v63  }
0x4c: {  	_ = 	snop  }
0x4d: {  	[tilespmem:s13], [sflag:$0x1] =	stream.indirect.gather [hbm4b:s3+s11], $0x80, s11, s11, $0xb8;
	[tilespmem:$0x10200] =	vst v63  }
0x4e: {  	_ = 	snop  }
0x4f: {  	[tilespmem:s15], [sflag:$0x1] =	stream.indirect.gather [hbm4b:s3+s11], $0x80, s14, s11, $0xb8;
	[tilespmem:$0x10200] =	vst v63  }
0x50: {  	_ = 	snop  }
0x51: {  	[tilespmem:s17], [sflag:$0x1] =	stream.indirect.gather [hbm4b:s3+s11], $0x80, s16, s11, $0xb8;
	[tilespmem:$0x10200] =	vst v63  }
0x52: {  	_ =	swait.ge [sflag:s18], $0x4000  }
0x53: {  	[sflag:s18] =	ssyncset.done $0x0  }
0x54: {  	[sflag:s18] =	ssyncadd.s32 $0xFFFFC000  }
0x55: {  	_ =	swait.ge [sflag:s18], $0x4000  }
0x56: {  	[sflag:s18] =	ssyncset.done $0x0  }
0x57: {  	[sflag:s18] =	ssyncadd.s32 $0xFFFFC000  }
0x58: {  	_ =	swait.ge [sflag:s18], $0x4000  }
0x59: {  	[sflag:s18] =	ssyncset.done $0x0  }
0x5a: {  	[sflag:s18] =	ssyncadd.s32 $0xFFFFC000  }
0x5b: {  	_ =	swait.ge [sflag:s18], $0x4000  }
0x5c: {  	p1 =	por $0x1, $0x1;
	[sflag:s18] =	ssyncset.done $0x0  }
.Ltmp1:
0x5d: {  	[sflag:s18] =	ssyncadd.s32 $0xFFFFC000;
	(pc) =	sbr.rel @!p1 .LBB2_8-.Ltmp1, $4  }
0x5e: {  	[hbm4b:s21+s23] =	stream.linear.scatter [tilespmem:s12], [sflag:$0x2], $0x10000, $0x38;
	[tilespmem:$0x10200] =	vst v63  }
0x5f: {  	_ =	swait.ge [sflag:s19], $0x10000  }
0x60: {  	p0 =	por $0x0, $0x0;
	[sflag:s19] =	ssyncset.done $0x0  }
0x61: {  	s22 =	smov.u32 s8;
	s21 =	simm.s32 $0x800;
	[sflag:s19] =	ssyncadd.s32 $0xFFFF0000  }
0x62: {  	s22 =	sadd.s32 $0x0, s9  }
0x63: {  	[tilespmem:s2], [sflag:$0x3] =	stream.linear.gather [hbm4b:s22+s2], $0x200, $0x38;
	[tilespmem:$0x10200] =	vst v63  }
0x64: {  	_ =	swait.ge [sflag:s10], $0x200  }
0x65: {  	[sflag:s10] =	ssyncset.done $0x0  }
0x66: {  	[sflag:s10] =	ssyncadd.s32 $0xFFFFFE00  }
0x67: {  	[tilespmem:s12], [sflag:$0x1] =	stream.indirect.gather [hbm4b:s4+s11], $0x80, s2, s11, $0xb8;
	[tilespmem:$0x10200] =	vst v63  }
0x68: {  	_ = 	snop  }
0x69: {  	[tilespmem:s13], [sflag:$0x1] =	stream.indirect.gather [hbm4b:s4+s11], $0x80, s11, s11, $0xb8;
	[tilespmem:$0x10200] =	vst v63  }
0x6a: {  	_ = 	snop  }
0x6b: {  	[tilespmem:s15], [sflag:$0x1] =	stream.indirect.gather [hbm4b:s4+s11], $0x80, s14, s11, $0xb8;
	[tilespmem:$0x10200] =	vst v63  }
0x6c: {  	_ = 	snop  }
0x6d: {  	[tilespmem:s17], [sflag:$0x1] =	stream.indirect.gather [hbm4b:s4+s11], $0x80, s16, s11, $0xb8;
	[tilespmem:$0x10200] =	vst v63  }
0x6e: {  	_ =	swait.ge [sflag:s18], $0x4000  }
0x6f: {  	[sflag:s18] =	ssyncset.done $0x0  }
0x70: {  	[sflag:s18] =	ssyncadd.s32 $0xFFFFC000  }
0x71: {  	_ =	swait.ge [sflag:s18], $0x4000  }
0x72: {  	[sflag:s18] =	ssyncset.done $0x0  }
0x73: {  	[sflag:s18] =	ssyncadd.s32 $0xFFFFC000  }
0x74: {  	_ =	swait.ge [sflag:s18], $0x4000  }
0x75: {  	[sflag:s18] =	ssyncset.done $0x0  }
0x76: {  	[sflag:s18] =	ssyncadd.s32 $0xFFFFC000  }
0x77: {  	p1 =	por $0x1, $0x1;
	_ =	swait.ge [sflag:s18], $0x4000  }
.Ltmp2:
0x78: {  	[sflag:s18] =	ssyncset.done $0x0;
	(pc) =	sbr.rel @!p1 .LBB2_5-.Ltmp2, $4  }
0x79: {  	[sflag:s18] =	ssyncadd.s32 $0xFFFFC000  }
0x7a: {  	[hbm4b:s8+s2] =	stream.linear.scatter [tilespmem:s12], [sflag:$0x2], $0x10000, $0x38;
	[tilespmem:$0x10200] =	vst v63  }
0x7b: {  	s23 =	simm.s32 $0x1000;
	_ =	swait.ge [sflag:s19], $0x10000  }
0x7c: {  	p0 =	por $0x1, $0x1;
	s22 =	sadd.s32 $0x40000, s8;
	[sflag:s19] =	ssyncset.done $0x0  }
.LBB2_6:
0x7d: {  	s24 =	sadd.s32 s21, s9  }
0x7e: {  	[sflag:s19] =	ssyncadd.s32 $0xFFFF0000;
	s21 =	smov.u32 s23;
	s25 =	sadd.s32 $0x800, s23  }
0x7f: {  	[tilespmem:s2], [sflag:$0x3] =	stream.linear.gather [hbm4b:s24+s2], $0x200, $0x38;
	[tilespmem:$0x10200] =	vst v63  }
0x80: {  	p1 =	sne.s32 s23, $0x2000;
	_ =	swait.ge [sflag:s10], $0x200  }
0x81: {  	[sflag:s10] =	ssyncset.done $0x0  }
0x82: {  	[sflag:s10] =	ssyncadd.s32 $0xFFFFFE00  }
0x83: {  	[tilespmem:s12], [sflag:$0x1] =	stream.indirect.gather [hbm4b:s4+s11], $0x80, s2, s11, $0xb8;
	[tilespmem:$0x10200] =	vst v63  }
0x84: {  	_ = 	snop  }
0x85: {  	[tilespmem:s13], [sflag:$0x1] =	stream.indirect.gather [hbm4b:s4+s11], $0x80, s11, s11, $0xb8;
	[tilespmem:$0x10200] =	vst v63  }
0x86: {  	_ = 	snop  }
0x87: {  	[tilespmem:s15], [sflag:$0x1] =	stream.indirect.gather [hbm4b:s4+s11], $0x80, s14, s11, $0xb8;
	[tilespmem:$0x10200] =	vst v63  }
0x88: {  	_ = 	snop  }
0x89: {  	[tilespmem:s17], [sflag:$0x1] =	stream.indirect.gather [hbm4b:s4+s11], $0x80, s16, s11, $0xb8;
	[tilespmem:$0x10200] =	vst v63  }
0x8a: {  	_ =	swait.ge [sflag:s18], $0x4000  }
0x8b: {  	[sflag:s18] =	ssyncset.done $0x0  }
0x8c: {  	[sflag:s18] =	ssyncadd.s32 $0xFFFFC000  }
0x8d: {  	_ =	swait.ge [sflag:s18], $0x4000  }
0x8e: {  	[sflag:s18] =	ssyncset.done $0x0  }
0x8f: {  	[sflag:s18] =	ssyncadd.s32 $0xFFFFC000  }
0x90: {  	_ =	swait.ge [sflag:s18], $0x4000  }
0x91: {  	[sflag:s18] =	ssyncset.done $0x0  }
0x92: {  	[sflag:s18] =	ssyncadd.s32 $0xFFFFC000  }
0x93: {  	_ =	swait.ge [sflag:s18], $0x4000  }
.Ltmp3:
0x94: {  	[sflag:s18] =	ssyncset.done $0x0;
	(pc) =	sbr.rel @p1 .LBB2_6-.Ltmp3, $4  }
0x95: {  	[sflag:s18] =	ssyncadd.s32 $0xFFFFC000  }
0x96: {  	[hbm4b:s22+s2] =	stream.linear.scatter [tilespmem:s12], [sflag:$0x2], $0x10000, $0x38;
	[tilespmem:$0x10200] =	vst v63  }
0x97: {  	_ =	swait.ge [sflag:s19], $0x10000  }
0x98: {  	s23 =	smov.u32 s25;
	s22 =	sadd.s32 $0x40000, s22;
	[sflag:s19] =	ssyncset.done $0x0  }
0x99: {  	s23 =	smov.u32 s21  }
.LBB2_8:
0x9a: {  	s21 =	sadd.s32 s23, s9;
	[sflag:s19] =	ssyncadd.s32 @p0 $0xFFFF0000  }
0x9b: {  	[tilespmem:s2], [sflag:$0x3] =	stream.linear.gather [hbm4b:s21+s2], $0x200, $0x38;
	[tilespmem:$0x10200] =	vst v63  }
0x9c: {  	_ =	swait.ge [sflag:s10], $0x200  }
0x9d: {  	[sflag:s10] =	ssyncset.done $0x0  }
0x9e: {  	[sflag:s10] =	ssyncadd.s32 $0xFFFFFE00  }
0x9f: {  	[tilespmem:s12], [sflag:$0x1] =	stream.indirect.gather [hbm4b:s4+s11], $0x80, s2, s11, $0xb8;
	[tilespmem:$0x10200] =	vst v63  }
0xa0: {  	_ = 	snop  }
0xa1: {  	[tilespmem:s13], [sflag:$0x1] =	stream.indirect.gather [hbm4b:s4+s11], $0x80, s11, s11, $0xb8;
	[tilespmem:$0x10200] =	vst v63  }
0xa2: {  	_ = 	snop  }
0xa3: {  	[tilespmem:s15], [sflag:$0x1] =	stream.indirect.gather [hbm4b:s4+s11], $0x80, s14, s11, $0xb8;
	[tilespmem:$0x10200] =	vst v63  }
0xa4: {  	_ = 	snop  }
0xa5: {  	[tilespmem:s17], [sflag:$0x1] =	stream.indirect.gather [hbm4b:s4+s11], $0x80, s16, s11, $0xb8;
	[tilespmem:$0x10200] =	vst v63  }
0xa6: {  	_ =	swait.ge [sflag:s18], $0x4000  }
0xa7: {  	[sflag:s18] =	ssyncset.done $0x0  }
0xa8: {  	[sflag:s18] =	ssyncadd.s32 $0xFFFFC000  }
0xa9: {  	_ =	swait.ge [sflag:s18], $0x4000  }
0xaa: {  	[sflag:s18] =	ssyncset.done $0x0  }
0xab: {  	[sflag:s18] =	ssyncadd.s32 $0xFFFFC000  }
0xac: {  	_ =	swait.ge [sflag:s18], $0x4000  }
0xad: {  	[sflag:s18] =	ssyncset.done $0x0  }
0xae: {  	[sflag:s18] =	ssyncadd.s32 $0xFFFFC000  }
0xaf: {  	_ =	swait.ge [sflag:s18], $0x4000  }
0xb0: {  	s20 =	sadd.s32 $0x1, s20;
	[sflag:s18] =	ssyncset.done $0x0  }
0xb1: {  	p0 =	sne.s32 s20, s5;
	[sflag:s18] =	ssyncadd.s32 $0xFFFFC000  }
0xb2: {  	[hbm4b:s22+s2] =	stream.linear.scatter [tilespmem:s12], [sflag:$0x2], $0x10000, $0x38;
	[tilespmem:$0x10200] =	vst v63  }
.Ltmp4:
0xb3: {  	_ = 	snop;
	(pc) =	sbr.rel @p0 .LBB2_1-.Ltmp4, $4  }
.Ltmp5:
0xb4: {  	_ = 	snop;
	(pc) =	sbr.rel @!p0 .LBB2_9-.Ltmp5, $4  }
0xb5: {  	_ =	swait.ge [sflag:s19], $0x10000  }
0xb6: {  	[sflag:s19] =	ssyncset.done $0x0  }
0xb7: {  	[sflag:s19] =	ssyncadd.s32 $0xFFFF0000  }
0xb8: {  	_ = 	snop  }
.LBB2_5:
.Ltmp6:
0xb9: {  	(pc) =	sbr.rel .LBB2_8-.Ltmp6, $2  }
0xba: {  	_ =	sdelay $0x2  }
0xbb: {  	s23 =	simm.s32 $0x800  }
.LBB2_9:
0xbc: {  	_ =	sfence.sel $0x180000  }
0xbd: {  	[bflag:$0x0] =	sbarrier.arrive $0xFFFF  }
0xbe: {  	p0 =	sne.s32 s1, $0x0;
	_ =	strace $0x9000004D  }
0xbf: {  	s0 =	sadd.s32 @!p0 $0x100000, s0;
	[bflag:$0x2] =	sbarrier.arrive $0xFFFF  }
0xc0: {  	[sflag:s0] =	ssyncadd.tile.s32 @!p0 $0x1;
	_ =	shalt  }
.Lfunc_end2:
_tile_overlayer_lowered:
.L_overlay_start_2:
0xc1: {  	(tag) =	ssettag $0x2  }
0xc2: {  	s0 =	rddreg [dreg:$0x0];
	s2 =	stileid.u32  }
0xc3: {  	s1 =	rddreg [dreg:$0x1];
	p0 =	sne.s32 s2, $0x0  }
0xc4: {  	s3 =	rddreg [dreg:$0x2];
	[bflag:$0x3] =	sbarrier.arrive $0xFFFF;
	s2 =	simm.s32 @!p0 $0x1C02  }
0xc5: {  	[timem:s3], [sflag:s2] =	dma.local @!p0 [hbm:s0], s1  }
0xc6: {  	s0 =	simm.s32 @!p0 $0x2  }
0xc7: {  	_ =	swait.ge @!p0 [sflag:s0], s1  }
0xc8: {  	s1 =	ssub.s32 @!p0 $0x0, s1;
	[sflag:s0] =	ssyncset.done @!p0 $0x0  }
0xc9: {  	[sflag:s0] =	ssyncadd.s32 @!p0 s1  }
0xca: {  	[bflag:$0x3] =	sbarrier.arrive $0xFFFF  }
0xcb: {  	_ =	shalt  }

// kernel: kernel.23.cloned.1.call-start
scs
__scs_entry_jumppad:
0x0: {  	(pc) =	sbr.rel $0x88, $3  }
0x1: {  	(tag) =	ssettag $0x0;
	lr =	simm.s32 $0x1  }
0x2: {  	[smem:$0x3F86] =	sst lr;
	_ =	strace $0xD0000000  }
0x3: {  	_ = 	snop  }
0x4: {  	_ = 	snop  }
0x5: {  	_ = 	snop  }
0x6: {  	_ = 	snop  }
0x7: {  	_ = 	snop  }
__scs_overlays_trampoline_lowered:
0x8: {  	[smem:$0x3F95] =	sst s0  }
0x9: {  	[smem:$0x3F96] =	sst s1  }
0xa: {  	[smem:$0x3F97] =	sst s2  }
0xb: {  	[smem:$0x3F98] =	sst s3  }
0xc: {  	[smem:$0x3F99] =	sst s4  }
0xd: {  	[smem:$0x3F9A] =	sst s5  }
0xe: {  	[smem:$0x3F9B] =	sst s6  }
0xf: {  	[smem:$0x3F9C] =	sst s7  }
0x10: {  	[smem:$0x3F9D] =	sst s8  }
0x11: {  	[smem:$0x3F9E] =	sst s9;
	s0 =	simm.s32 @!p0 $0x0  }
0x12: {  	s1 =	sld [smem:$0x3F84];
	s0 =	simm.s32 @p0 $0x1  }
0x13: {  	[smem:$0x3F9F] =	sst s0;
	s0 =	simm.s32 @!p1 $0x0  }
0x14: {  	s2 =	sld [smem:$0x3F83];
	s0 =	simm.s32 @p1 $0x1  }
0x15: {  	[smem:$0x3FA0] =	sst s0;
	s0 =	simm.s32 @!p2 $0x0  }
0x16: {  	s3 =	sld [smem:$0x3FDB];
	s0 =	simm.s32 @p2 $0x1  }
0x17: {  	s4 =	simm.s32 $0x1BF5;
	[smem:$0x3FA2] =	sst s0  }
0x18: {  	s0 =	sld [smem:$0x3F85];
	_ =	swait.ge [sflag:s4], $0x0  }
0x19: {  	s7 =	sld [smem:$0x3F86]  }
0x1a: {  	s8 =	sadd.s32 $0xFFFFE003, lr  }
0x1b: {  	s9 =	sadd.s32 $0xFFFFFEF7, lr;
	s5 =	simm.s32 $0xFFFFFFFF;
	p2 =	slt.u32 s8, $0xFFFFF086  }
0x1c: {  	p1 =	slt.u32 s9, $0xF7A;
	s5 =	simm.s32 @!p2 $0x0  }
0x1d: {  	s5 =	simm.s32 @p1 $0x1;
	p0 =	seq.s32 s7, s2  }
0x1e: {  	s7 =	smul.u32 @!p0 $0xF7A, s2;
	p2 =	seq.s32 @!p0 s5, $0x0  }
0x1f: {  	s9 =	smul.u32 $0xF7A, s1;
	s8 =	simm.s32 @!p0 $0x1BF5;
	p2 =	por !p2, p0  }
0x20: {  	[sflag:s8] =	ssyncset.s32 @!p0 $0xFFFFF086;
	s6 =	sadd.s32 @!p0 s3, s7;
	s7 =	simm.s32 @!p0 $0x108  }
0x21: {  	s3 =	sadd.s32 s3, s9;
	s6 =	sadd.s32 @!p0 $0x88, s6;
	s7 =	simm.s32 @p2 $0x1082  }
0x22: {  	[simem:s7], [sflag:s8] =	dma.local @!p0 [hbm:s6], $0xF7A  }
0x23: {  	s9 =	sor.u32 $0xD0000000, s2;
	s6 =	simm.s32 $0x108;
	_ =	swait.ge @!p0 [sflag:s8], $0x0  }
0x24: {  	s3 =	sadd.s32 $0x88, s3;
	s6 =	simm.s32 @!p1 $0x1082;
	[sflag:s4] =	ssyncset.s32 $0xFFFFF086  }
0x25: {  	[simem:s6], [sflag:s4] =	dma.local [hbm:s3], $0xF7A  }
0x26: {  	[smem:$0x3F86] =	sst s1;
	(tag) =	ssettag s2;
	_ =	strace s9  }
0x27: {  	s1 =	sld [smem:$0x3F96]  }
0x28: {  	s2 =	sld [smem:$0x3F97]  }
0x29: {  	s4 =	sld [smem:$0x3F99]  }
0x2a: {  	p0 =	seq.s32 s5, $0x0;
	s5 =	sld [smem:$0x3F9A]  }
0x2b: {  	s6 =	sld [smem:$0x3F9B]  }
0x2c: {  	s7 =	sld [smem:$0x3F9C]  }
0x2d: {  	s3 =	simm.s32 $0x108;
	s8 =	sld [smem:$0x3F9D]  }
0x2e: {  	s3 =	simm.s32 @!p0 $0x1082;
	s9 =	sld [smem:$0x3F9E]  }
0x2f: {  	lr =	sadd.s32 s0, s3;
	s0 =	sld [smem:$0x3F95]  }
0x30: {  	s3 =	sld [smem:$0x3F98]  }
0x31: {  	[smem:$0x3FA1] =	sst s10  }
0x32: {  	s10 =	sld [smem:$0x3F9F];
	_ =	sdelay $0x3  }
0x33: {  	p0 =	seq.s32 s10, $0x1;
	s10 =	sld [smem:$0x3FA1];
	_ =	sdelay $0x3  }
0x34: {  	[smem:$0x3FA1] =	sst s10  }
0x35: {  	s10 =	sld [smem:$0x3FA0];
	_ =	sdelay $0x3  }
0x36: {  	p1 =	seq.s32 s10, $0x1;
	s10 =	sld [smem:$0x3FA1];
	_ =	sdelay $0x3  }
0x37: {  	[smem:$0x3FA1] =	sst s10  }
0x38: {  	s10 =	sld [smem:$0x3FA2]  }
0x39: {  	_ = 	snop;
	(pc) =	sbr.ind lr, $3  }
0x3a: {  	_ = 	snop  }
0x3b: {  	_ = 	snop  }
0x3c: {  	p2 =	seq.s32 s10, $0x1;
	s10 =	sld [smem:$0x3FA1]  }
0x3d: {  	_ =	shalt  }
0x3e: {  	_ =	shalt  }
0x3f: {  	_ =	shalt  }
0x40: {  	_ =	shalt  }
0x41: {  	_ =	shalt  }
0x42: {  	_ =	shalt  }
0x43: {  	_ =	shalt  }
0x44: {  	_ =	shalt  }
0x45: {  	_ =	shalt  }
0x46: {  	_ =	shalt  }
0x47: {  	_ =	shalt  }
0x48: {  	_ =	shalt  }
0x49: {  	_ =	shalt  }
0x4a: {  	_ =	shalt  }
0x4b: {  	_ =	shalt  }
0x4c: {  	_ =	shalt  }
0x4d: {  	_ =	shalt  }
0x4e: {  	_ =	shalt  }
0x4f: {  	_ =	shalt  }
0x50: {  	_ =	shalt  }
0x51: {  	_ =	shalt  }
0x52: {  	_ =	shalt  }
0x53: {  	_ =	shalt  }
0x54: {  	_ =	shalt  }
0x55: {  	_ =	shalt  }
0x56: {  	_ =	shalt  }
0x57: {  	_ =	shalt  }
0x58: {  	_ =	shalt  }
0x59: {  	_ =	shalt  }
0x5a: {  	_ =	shalt  }
0x5b: {  	_ =	shalt  }
0x5c: {  	_ =	shalt  }
0x5d: {  	_ =	shalt  }
0x5e: {  	_ =	shalt  }
0x5f: {  	_ =	shalt  }
0x60: {  	_ =	shalt  }
0x61: {  	_ =	shalt  }
0x62: {  	_ =	shalt  }
0x63: {  	_ =	shalt  }
0x64: {  	_ =	shalt  }
0x65: {  	_ =	shalt  }
0x66: {  	_ =	shalt  }
0x67: {  	_ =	shalt  }
0x68: {  	_ =	shalt  }
0x69: {  	_ =	shalt  }
0x6a: {  	_ =	shalt  }
0x6b: {  	_ =	shalt  }
0x6c: {  	_ =	shalt  }
0x6d: {  	_ =	shalt  }
0x6e: {  	_ =	shalt  }
0x6f: {  	_ =	shalt  }
0x70: {  	_ =	shalt  }
0x71: {  	_ =	shalt  }
0x72: {  	_ =	shalt  }
0x73: {  	_ =	shalt  }
0x74: {  	_ =	shalt  }
0x75: {  	_ =	shalt  }
0x76: {  	_ =	shalt  }
0x77: {  	_ =	shalt  }
0x78: {  	_ =	shalt  }
0x79: {  	_ =	shalt  }
0x7a: {  	_ =	shalt  }
0x7b: {  	_ =	shalt  }
0x7c: {  	_ =	shalt  }
0x7d: {  	_ =	shalt  }
0x7e: {  	_ =	shalt  }
0x7f: {  	_ =	shalt  }
0x80: {  	_ =	shalt  }
0x81: {  	_ =	shalt  }
0x82: {  	_ =	shalt  }
0x83: {  	_ =	shalt  }
0x84: {  	_ =	shalt  }
0x85: {  	_ =	shalt  }
0x86: {  	_ =	shalt  }
0x87: {  	_ =	shalt  }
.Lfunc_end0:
.L_simem_size_0:
called_computation.3_lowered:
.L_overlay_start_0:
0x88: {  	s2 =	sld [smem:$0x3FD9]  }
0x89: {  	s3 =	sld [smem:$0x3FFE];
	_ =	sdelay $0x1  }
0x8a: {  	s1 =	srdreg.scid  }
0x8b: {  	s0 =	sand.u32 $0x1, s1  }
0x8c: {  	s17 =	sshll.u32 s0, $0xA;
	s2 =	sadd.s32 s3, s2  }
0x8d: {  	s2 =	sadd.s32 s2, s17  }
0x8e: {  	[smem:$0x3FAD] =	sst s2  }
0x8f: {  	_ = 	snop  }
0x90: {  	(tm) =	ssettm $0x1  }
0x91: {  	s18 =	sld [smem:$0x3FFB];
	_ =	sdelay $0x3  }
0x92: {  	_ =	strace s18  }
0x93: {  	s2 =	sld [smem:$0x3FFC];
	_ =	sdelay $0x3  }
0x94: {  	_ =	strace s2  }
0x95: {  	s2 =	sld [smem:$0x3FFD];
	_ =	sdelay $0x3  }
0x96: {  	_ =	strace s2  }
0x97: {  	_ =	strace $0x8FFFFFFF  }
0x98: {  	s19 =	sld [smem:$0x3FDB];
	_ =	sdelay $0x1  }
0x99: {  	s20 =	simm.s32 $_scs_section_size  }
0x9a: {  	s4 =	simm.s32 $_size__tile_overlayer_lowered;
	s5 =	simm.s32 $_tile_overlayer_lowered  }
0x9b: {  	s6 =	simm.s32 $0x1BFF;
	s21 =	sshll.u32 s5, $0x1;
	s3 =	sadd.s32 s20, s19  }
0x9c: {  	s22 =	simm.s32 $0x0;
	s4 =	sshll.u32 s4, $0x1;
	s5 =	sadd.s32 s21, s3  }
0x9d: {  	[timem:s22], [sflag:s6] =	dma.local [hbm:s5], s4  }
0x9e: {  	_ =	swait.ge [sflag:s6], s4  }
0x9f: {  	s4 =	ssub.s32 $0x0, s4;
	[sflag:s6] =	ssyncset.done $0x0  }
0xa0: {  	[sflag:s6] =	ssyncadd.s32 s4;
	_ =	sdelay $0x1  }
0xa1: {  	s23 =	simm.s32 $0x1B8B  }
0xa2: {  	_ =	swait.ge [sflag:s23], $0x1  }
0xa3: {  	[sflag:s23] =	ssyncset.done $0x0  }
0xa4: {  	[sflag:s23] =	ssyncadd.s32 $0xFFFFFFFF  }
0xa5: {  	s4 =	sld [smem:$0x0]  }
0xa6: {  	s5 =	sand.u32 $0xFFFFFFFE, s1  }
0xa7: {  	p0 =	sne.s32 s1, s5  }
0xa8: {  	s5 =	sshll.u32 @p0 s5, $0xE  }
0xa9: {  	s5 =	sadd.s32 @p0 $0x11B8D, s5;
	s6 =	sshll.u32 @p0 s4, $0x11  }
0xaa: {  	s5 =	sor.u32 @p0 s6, s5  }
0xab: {  	[sflag:s5] =	ssyncadd.remote.s32 @p0 $0x1;
	_ =	sdelay $0x1  }
0xac: {  	s5 =	simm.s32 @p0 $0x1B8D  }
0xad: {  	_ =	swait.eq @p0 [sflag:s5], $0x1  }
0xae: {  	[sflag:s5] =	ssyncadd.s32 @p0 $0xFFFFFFFF  }
0xaf: {  	s6 =	sshll.u32 @!p0 s1, $0xE  }
0xb0: {  	s6 =	sor.u32 @!p0 $0x4000, s6;
	s5 =	simm.s32 @!p0 $0x1B8D  }
0xb1: {  	s4 =	sshll.u32 @!p0 s4, $0x11;
	s6 =	sadd.s32 @!p0 $0x11B8D, s6;
	_ =	swait.eq @!p0 [sflag:s5], $0x1  }
0xb2: {  	s4 =	sor.u32 @!p0 s4, s6;
	[sflag:s5] =	ssyncadd.s32 @!p0 $0xFFFFFFFF  }
0xb3: {  	s25 =	simm.s32 $0x1B8E;
	s24 =	sld [smem:$0x3FFE];
	[sflag:s4] =	ssyncadd.remote.s32 @!p0 $0x1  }
0xb4: {  	s26 =	simm.s32 $execute0_lowered;
	[smem:$0x3FD2] =	sst s25  }
0xb5: {  	s5 =	sshll.u32 s26, $0x1;
	_ =	strace $0x8000004F;
	[dreg:$0x1] =	wrdreg $0xFFFFFFFF  }
0xb6: {  	s28 =	simm.s32 $_size_execute0_lowered;
	s3 =	sadd.s32 s3, s5;
	[dreg:$0x0] =	wrdreg $0x0  }
0xb7: {  	s5 =	sshll.u32 s28, $0x1;
	[dreg:$0x2] =	wrdreg s3  }
0xb8: {  	[dreg:$0x3] =	wrdreg s5  }
0xb9: {  	[dreg:$0x4] =	wrdreg $0xC0  }
0xba: {  	_ =	task [dreg:s22], $0x5FFFF  }
0xbb: {  	[dreg:$0x1] =	wrdreg $0xFFFFFFFF  }
0xbc: {  	[dreg:$0x0] =	wrdreg $0x60  }
0xbd: {  	[dreg:$0x2] =	wrdreg s24  }
0xbe: {  	[dreg:$0x3] =	wrdreg $0xB  }
0xbf: {  	_ =	task.clear_ibuf [dreg:s22], $0x4FFFF;
	_ =	strace $0x9000004F  }
0xc0: {  	s29 =	simm.s32 $0xB;
	_ =	strace $0x80000051  }
0xc1: {  	_ =	swait.ge [sflag:s29], $0x1  }
0xc2: {  	[sflag:s29] =	ssyncadd.s32 $0xFFFFFFFF  }
0xc3: {  	_ =	strace $0x90000051  }
0xc4: {  	_ =	sfence  }
0xc5: {  	s30 =	sld [smem:$0x0];
	_ =	sdelay $0x2  }
0xc6: {  	s31 =	sshll.u32 s1, $0xD;
	s1 =	sshrl.u32 s1, $0x2  }
0xc7: {  	s4 =	sand.u32 $0x4000, s31;
	s1 =	sadd.s32 s1, s30  }
0xc8: {  	s0 =	sor.u32 s4, s0;
	s1 =	sshll.u32 s1, $0x11  }
0xc9: {  	s0 =	sor.u32 s1, s0  }
0xca: {  	s0 =	sadd.s32 $0x8F2B, s0  }
0xcb: {  	[sflag:s0] =	ssyncadd.remote.s32 $0x1  }
0xcc: {  	_ =	sfence.sel $0xFFFF  }
0xcd: {  	[dreg:$0x0] =	wrdreg $0xFFFFFFFF;
	(pc) =	sbr.abs _section_cstart, $3  }
0xce: {  	[dreg:$0x1] =	wrdreg $0xFFFFFFFF  }
0xcf: {  	_ =	task.clear_ibuf [dreg:s22], $0x2FFFF;
	_ =	strace $0x9FFFFFFF  }
0xd0: {  	(tm) =	ssettm $0x7FFFFFFF  }
0xd1: {  	_ =	shalt  }
tec
execute0_lowered:
.L_overlay_start_1:
0x0: {  	(tag) =	ssettag $0x1  }
0x1: {  	s9 =	rddreg [dreg:$0x0]  }
0x2: {  	s0 =	rddreg [dreg:$0x1];
	s1 =	simm.s32 $0x0;
	s4 =	srdreg.scid  }
0x3: {  	s2 =	stileid.u32;
	[smem:$0x7FF] =	sst s1  }
0x4: {  	s3 =	sadd.s32 $0x58C400, s9;
	s10 =	sand.u32 $0x1, s4;
	s4 =	sadd.s32 $0x5B3600, s9  }
0x5: {  	s5 =	sshll.u32 s2, $0x7;
	s30 =	sshll.u32 s2, $0xE;
	s31 =	sshll.u32 s2, $0x1  }
0x6: {  	s8 =	sadd.s32 $0x327A00, s9;
	_ =	strace $0x80000050;
	s6 =	ssub.s32 $0x2, s10  }
0x7: {  	s11 =	sadd.s32 s5, s9;
	s12 =	sadd.s32 s30, s9;
	s5 =	sor.u32 s10, s31  }
0x8: {  	s14 =	sshll.u32 s10, $0x6;
	s10 =	sshll.u32 s10, $0xD;
	s7 =	sshrl.u32 s6, $0x1  }
0x9: {  	s14 =	sadd.s32 s14, s11;
	s13 =	ssub.s32 s6, s7;
	s6 =	sadd.s32 $0x32A200, s9  }
0xa: {  	s15 =	sadd.s32 s10, s12;
	s7 =	sadd.s32 $0x93C400, s9;
	s9 =	sadd.s32 $0xA6D400, s9  }
0xb: {  	p0 =	sne.s32 s5, $0x0;
	s11 =	sadd.s32 $0x327C00, s14;
	s12 =	sadd.s32 $0x80C400, s15  }
0xc: {  	s10 =	smax.u32 s13, $0x1;
	s13 =	sadd.s32 $0x325400, s14;
	s14 =	sadd.s32 $0x93D400, s15  }
.LBB2_1:
0xd: {  	s15 =	sadd.s32 $0x0, s5  }
0xe: {  	p1 =	sgt.u32 s15, $0x97  }
0xf: {  	s15 =	simm.s32 @!p1 $0x0;
	s16 =	simm.s32 @!p1 $0x3  }
0x10: {  	[tilespmem:s15], [sflag:$0x3] =	stream.linear.gather @!p1 [hbm4b:s11+s15], $0x200, $0x38;
	[tilespmem:$0x10200] =	vst v63  }
0x11: {  	_ =	swait.ge @!p1 [sflag:s16], $0x200  }
0x12: {  	[sflag:s16] =	ssyncset.done @!p1 $0x0;
	p1 =	por p1, p1  }
0x13: {  	[sflag:s16] =	ssyncadd.s32 @!p1 $0xFFFFFE00;
	s16 =	simm.s32 @!p1 $0x80;
	s17 =	simm.s32 @!p1 $0x200  }
0x14: {  	[tilespmem:s17], [sflag:$0x1] =	stream.indirect.gather @!p1 [hbm4b:s3+s16], $0x80, s15, s16, $0xb8;
	[tilespmem:$0x10200] =	vst v63  }
0x15: {  	s18 =	simm.s32 @!p1 $0x4200  }
0x16: {  	[tilespmem:s18], [sflag:$0x1] =	stream.indirect.gather @!p1 [hbm4b:s3+s16], $0x80, s16, s16, $0xb8;
	[tilespmem:$0x10200] =	vst v63  }
0x17: {  	s19 =	simm.s32 @!p1 $0x8200;
	s18 =	simm.s32 @!p1 $0x100  }
0x18: {  	[tilespmem:s19], [sflag:$0x1] =	stream.indirect.gather @!p1 [hbm4b:s3+s16], $0x80, s18, s16, $0xb8;
	[tilespmem:$0x10200] =	vst v63  }
0x19: {  	s20 =	simm.s32 @!p1 $0x1;
	s18 =	simm.s32 @!p1 $0x180;
	s19 =	simm.s32 @!p1 $0xC200  }
0x1a: {  	[tilespmem:s19], [sflag:$0x1] =	stream.indirect.gather @!p1 [hbm4b:s3+s16], $0x80, s18, s16, $0xb8;
	[tilespmem:$0x10200] =	vst v63  }
0x1b: {  	_ =	swait.ge @!p1 [sflag:s20], $0x4000  }
0x1c: {  	[sflag:s20] =	ssyncset.done @!p1 $0x0  }
0x1d: {  	[sflag:s20] =	ssyncadd.s32 @!p1 $0xFFFFC000  }
0x1e: {  	_ =	swait.ge @!p1 [sflag:s20], $0x4000  }
0x1f: {  	[sflag:s20] =	ssyncset.done @!p1 $0x0  }
0x20: {  	[sflag:s20] =	ssyncadd.s32 @!p1 $0xFFFFC000  }
0x21: {  	_ =	swait.ge @!p1 [sflag:s20], $0x4000  }
0x22: {  	[sflag:s20] =	ssyncset.done @!p1 $0x0  }
0x23: {  	[sflag:s20] =	ssyncadd.s32 @!p1 $0xFFFFC000  }
0x24: {  	_ =	swait.ge @!p1 [sflag:s20], $0x4000  }
0x25: {  	[sflag:s20] =	ssyncset.done @!p1 $0x0  }
0x26: {  	s31 =	sadd.s32 $0x20, s5;
	s18 =	simm.s32 @!p1 $0x2;
	[sflag:s20] =	ssyncadd.s32 @!p1 $0xFFFFC000  }
0x27: {  	[hbm4b:s12+s15] =	stream.linear.scatter @!p1 [tilespmem:s17], [sflag:$0x2], $0x10000, $0x38;
	[tilespmem:$0x10200] =	vst v63  }
0x28: {  	p3 =	sgt.u32 s31, $0x97;
	s16 =	simm.s32 $0x40;
	_ =	swait.ge @!p1 [sflag:s18], $0x10000  }
0x29: {  	s15 =	sadd.s32 $0x40000, s12;
	s17 =	sadd.s32 $0x800, s11;
	[sflag:s18] =	ssyncset.done @!p1 $0x0  }
.LBB2_2:
0x2a: {  	s19 =	simm.s32 @!p3 $0x0;
	s20 =	simm.s32 @!p3 $0x3;
	[sflag:s18] =	ssyncadd.s32 @!p1 $0xFFFF0000  }
0x2b: {  	[tilespmem:s19], [sflag:$0x3] =	stream.linear.gather @!p3 [hbm4b:s17+s19], $0x200, $0x38;
	[tilespmem:$0x10200] =	vst v63  }
0x2c: {  	s21 =	smov.u32 s16;
	s16 =	sadd.s32 $0x20, s16;
	_ =	swait.ge @!p3 [sflag:s20], $0x200  }
0x2d: {  	p1 =	por p3, p3;
	p2 =	sne.s32 s16, $0xA0;
	[sflag:s20] =	ssyncset.done @!p3 $0x0  }
0x2e: {  	s18 =	simm.s32 @!p1 $0x80;
	[sflag:s20] =	ssyncadd.s32 @!p1 $0xFFFFFE00;
	s20 =	simm.s32 @!p1 $0x200  }
0x2f: {  	[tilespmem:s20], [sflag:$0x1] =	stream.indirect.gather @!p1 [hbm4b:s3+s18], $0x80, s19, s18, $0xb8;
	[tilespmem:$0x10200] =	vst v63  }
0x30: {  	s22 =	simm.s32 @!p1 $0x4200  }
0x31: {  	[tilespmem:s22], [sflag:$0x1] =	stream.indirect.gather @!p1 [hbm4b:s3+s18], $0x80, s18, s18, $0xb8;
	[tilespmem:$0x10200] =	vst v63  }
0x32: {  	s23 =	simm.s32 @!p1 $0x8200;
	s22 =	simm.s32 @!p1 $0x100  }
0x33: {  	[tilespmem:s23], [sflag:$0x1] =	stream.indirect.gather @!p1 [hbm4b:s3+s18], $0x80, s22, s18, $0xb8;
	[tilespmem:$0x10200] =	vst v63  }
0x34: {  	s24 =	simm.s32 @!p1 $0x1;
	s22 =	simm.s32 @!p1 $0x180;
	s23 =	simm.s32 @!p1 $0xC200  }
0x35: {  	[tilespmem:s23], [sflag:$0x1] =	stream.indirect.gather @!p1 [hbm4b:s3+s18], $0x80, s22, s18, $0xb8;
	[tilespmem:$0x10200] =	vst v63  }
0x36: {  	_ =	swait.ge @!p1 [sflag:s24], $0x4000  }
0x37: {  	[sflag:s24] =	ssyncset.done @!p1 $0x0  }
0x38: {  	[sflag:s24] =	ssyncadd.s32 @!p1 $0xFFFFC000  }
0x39: {  	_ =	swait.ge @!p1 [sflag:s24], $0x4000  }
0x3a: {  	[sflag:s24] =	ssyncset.done @!p1 $0x0  }
0x3b: {  	[sflag:s24] =	ssyncadd.s32 @!p1 $0xFFFFC000  }
0x3c: {  	_ =	swait.ge @!p1 [sflag:s24], $0x4000  }
0x3d: {  	[sflag:s24] =	ssyncset.done @!p1 $0x0  }
0x3e: {  	[sflag:s24] =	ssyncadd.s32 @!p1 $0xFFFFC000  }
0x3f: {  	_ =	swait.ge @!p1 [sflag:s24], $0x4000  }
.Ltmp0:
0x40: {  	[sflag:s24] =	ssyncset.done @!p1 $0x0;
	(pc) =	sbr.rel @p2 .LBB2_2-.Ltmp0, $4  }
0x41: {  	s18 =	simm.s32 @!p1 $0x2;
	[sflag:s24] =	ssyncadd.s32 @!p1 $0xFFFFC000  }
0x42: {  	[hbm4b:s15+s19] =	stream.linear.scatter @!p1 [tilespmem:s20], [sflag:$0x2], $0x10000, $0x38;
	[tilespmem:$0x10200] =	vst v63  }
0x43: {  	s19 =	sadd.s32 s21, s5;
	s15 =	sadd.s32 $0x40000, s15;
	_ =	swait.ge @!p1 [sflag:s18], $0x10000  }
0x44: {  	s17 =	sadd.s32 $0x800, s17;
	p3 =	sgt.u32 s19, $0x97;
	[sflag:s18] =	ssyncset.done @!p1 $0x0  }
0x45: {  	s16 =	simm.s32 @!p3 $0x0;
	s19 =	simm.s32 @!p3 $0x3;
	[sflag:s18] =	ssyncadd.s32 @!p1 $0xFFFF0000  }
0x46: {  	[tilespmem:s16], [sflag:$0x3] =	stream.linear.gather @!p3 [hbm4b:s17+s16], $0x200, $0x38;
	[tilespmem:$0x10200] =	vst v63  }
0x47: {  	_ =	swait.ge @!p3 [sflag:s19], $0x200  }
0x48: {  	p1 =	por p3, p3;
	[sflag:s19] =	ssyncset.done @!p3 $0x0  }
0x49: {  	s17 =	simm.s32 @!p1 $0x80;
	s18 =	simm.s32 @!p1 $0x200;
	[sflag:s19] =	ssyncadd.s32 @!p1 $0xFFFFFE00  }
0x4a: {  	[tilespmem:s18], [sflag:$0x1] =	stream.indirect.gather @!p1 [hbm4b:s3+s17], $0x80, s16, s17, $0xb8;
	[tilespmem:$0x10200] =	vst v63  }
0x4b: {  	s19 =	simm.s32 @!p1 $0x4200  }
0x4c: {  	[tilespmem:s19], [sflag:$0x1] =	stream.indirect.gather @!p1 [hbm4b:s3+s17], $0x80, s17, s17, $0xb8;
	[tilespmem:$0x10200] =	vst v63  }
0x4d: {  	s20 =	simm.s32 @!p1 $0x8200;
	s19 =	simm.s32 @!p1 $0x100  }
0x4e: {  	[tilespmem:s20], [sflag:$0x1] =	stream.indirect.gather @!p1 [hbm4b:s3+s17], $0x80, s19, s17, $0xb8;
	[tilespmem:$0x10200] =	vst v63  }
0x4f: {  	s21 =	simm.s32 @!p1 $0x1;
	s19 =	simm.s32 @!p1 $0x180;
	s20 =	simm.s32 @!p1 $0xC200  }
0x50: {  	[tilespmem:s20], [sflag:$0x1] =	stream.indirect.gather @!p1 [hbm4b:s3+s17], $0x80, s19, s17, $0xb8;
	[tilespmem:$0x10200] =	vst v63  }
0x51: {  	_ =	swait.ge @!p1 [sflag:s21], $0x4000  }
0x52: {  	[sflag:s21] =	ssyncset.done @!p1 $0x0  }
0x53: {  	[sflag:s21] =	ssyncadd.s32 @!p1 $0xFFFFC000  }
0x54: {  	_ =	swait.ge @!p1 [sflag:s21], $0x4000  }
0x55: {  	[sflag:s21] =	ssyncset.done @!p1 $0x0  }
0x56: {  	[sflag:s21] =	ssyncadd.s32 @!p1 $0xFFFFC000  }
0x57: {  	_ =	swait.ge @!p1 [sflag:s21], $0x4000  }
0x58: {  	[sflag:s21] =	ssyncset.done @!p1 $0x0  }
0x59: {  	[sflag:s21] =	ssyncadd.s32 @!p1 $0xFFFFC000  }
0x5a: {  	_ =	swait.ge @!p1 [sflag:s21], $0x4000  }
0x5b: {  	[sflag:s21] =	ssyncset.done @!p1 $0x0  }
0x5c: {  	s17 =	simm.s32 @!p1 $0x2;
	[sflag:s21] =	ssyncadd.s32 @!p1 $0xFFFFC000  }
0x5d: {  	[hbm4b:s15+s16] =	stream.linear.scatter @!p1 [tilespmem:s18], [sflag:$0x2], $0x10000, $0x38;
	[tilespmem:$0x10200] =	vst v63  }
0x5e: {  	_ =	swait.ge @!p1 [sflag:s17], $0x10000  }
0x5f: {  	[sflag:s17] =	ssyncset.done @!p1 $0x0  }
0x60: {  	s15 =	simm.s32 @!p0 $0x0;
	s16 =	simm.s32 @!p0 $0x2;
	[sflag:s17] =	ssyncadd.s32 @!p1 $0xFFFF0000  }
0x61: {  	[tilespmem:s15], [sflag:$0x2] =	stream.linear.gather @!p0 [hbm4b:s6+s15], $0x100, $0x38;
	[tilespmem:$0x10200] =	vst v63  }
0x62: {  	_ =	swait.ge @!p0 [sflag:s16], $0x100  }
0x63: {  	[sflag:s16] =	ssyncset.done @!p0 $0x0  }
0x64: {  	s18 =	simm.s32 @!p0 $0x200;
	s17 =	simm.s32 @!p0 $0x80;
	[sflag:s16] =	ssyncadd.s32 @!p0 $0xFFFFFF00  }
0x65: {  	[tilespmem:s18], [sflag:$0x1] =	stream.indirect.gather @!p0 [hbm4b:s3+s17], $0x80, s15, s17, $0xb8;
	[tilespmem:$0x10200] =	vst v63  }
0x66: {  	s19 =	simm.s32 @!p0 $0x4200  }
0x67: {  	[tilespmem:s19], [sflag:$0x1] =	stream.indirect.gather @!p0 [hbm4b:s3+s17], $0x80, s17, s17, $0xb8;
	[tilespmem:$0x10200] =	vst v63  }
0x68: {  	s17 =	simm.s32 @!p0 $0x1  }
0x69: {  	_ =	swait.ge @!p0 [sflag:s17], $0x4000  }
0x6a: {  	[sflag:s17] =	ssyncset.done @!p0 $0x0  }
0x6b: {  	[sflag:s17] =	ssyncadd.s32 @!p0 $0xFFFFC000  }
0x6c: {  	_ =	swait.ge @!p0 [sflag:s17], $0x4000  }
0x6d: {  	[sflag:s17] =	ssyncset.done @!p0 $0x0  }
0x6e: {  	[sflag:s17] =	ssyncadd.s32 @!p0 $0xFFFFC000  }
0x6f: {  	[hbm4b:s7+s15] =	stream.linear.scatter @!p0 [tilespmem:s18], [sflag:$0x2], $0x8000, $0x38;
	[tilespmem:$0x10200] =	vst v63  }
0x70: {  	s30 =	sadd.s32 $0x0, s5;
	_ =	swait.ge @!p0 [sflag:s16], $0x8000  }
0x71: {  	p1 =	sgt.u32 s30, $0x97;
	[sflag:s16] =	ssyncset.done @!p0 $0x0  }
0x72: {  	s15 =	simm.s32 @!p1 $0x0;
	[sflag:s16] =	ssyncadd.s32 @!p0 $0xFFFF8000;
	s16 =	simm.s32 @!p1 $0x3  }
0x73: {  	[tilespmem:s15], [sflag:$0x3] =	stream.linear.gather @!p1 [hbm4b:s13+s15], $0x200, $0x38;
	[tilespmem:$0x10200] =	vst v63  }
0x74: {  	_ =	swait.ge @!p1 [sflag:s16], $0x200  }
0x75: {  	[sflag:s16] =	ssyncset.done @!p1 $0x0;
	p1 =	por p1, p1  }
0x76: {  	[sflag:s16] =	ssyncadd.s32 @!p1 $0xFFFFFE00;
	s16 =	simm.s32 @!p1 $0x80;
	s17 =	simm.s32 @!p1 $0x200  }
0x77: {  	[tilespmem:s17], [sflag:$0x1] =	stream.indirect.gather @!p1 [hbm4b:s4+s16], $0x80, s15, s16, $0xb8;
	[tilespmem:$0x10200] =	vst v63  }
0x78: {  	s18 =	simm.s32 @!p1 $0x4200  }
0x79: {  	[tilespmem:s18], [sflag:$0x1] =	stream.indirect.gather @!p1 [hbm4b:s4+s16], $0x80, s16, s16, $0xb8;
	[tilespmem:$0x10200] =	vst v63  }
0x7a: {  	s19 =	simm.s32 @!p1 $0x8200;
	s18 =	simm.s32 @!p1 $0x100  }
0x7b: {  	[tilespmem:s19], [sflag:$0x1] =	stream.indirect.gather @!p1 [hbm4b:s4+s16], $0x80, s18, s16, $0xb8;
	[tilespmem:$0x10200] =	vst v63  }
0x7c: {  	s20 =	simm.s32 @!p1 $0x1;
	s18 =	simm.s32 @!p1 $0x180;
	s19 =	simm.s32 @!p1 $0xC200  }
0x7d: {  	[tilespmem:s19], [sflag:$0x1] =	stream.indirect.gather @!p1 [hbm4b:s4+s16], $0x80, s18, s16, $0xb8;
	[tilespmem:$0x10200] =	vst v63  }
0x7e: {  	_ =	swait.ge @!p1 [sflag:s20], $0x4000  }
0x7f: {  	[sflag:s20] =	ssyncset.done @!p1 $0x0  }
0x80: {  	[sflag:s20] =	ssyncadd.s32 @!p1 $0xFFFFC000  }
0x81: {  	_ =	swait.ge @!p1 [sflag:s20], $0x4000  }
0x82: {  	[sflag:s20] =	ssyncset.done @!p1 $0x0  }
0x83: {  	[sflag:s20] =	ssyncadd.s32 @!p1 $0xFFFFC000  }
0x84: {  	_ =	swait.ge @!p1 [sflag:s20], $0x4000  }
0x85: {  	[sflag:s20] =	ssyncset.done @!p1 $0x0  }
0x86: {  	[sflag:s20] =	ssyncadd.s32 @!p1 $0xFFFFC000  }
0x87: {  	_ =	swait.ge @!p1 [sflag:s20], $0x4000  }
0x88: {  	[sflag:s20] =	ssyncset.done @!p1 $0x0  }
0x89: {  	s31 =	sadd.s32 $0x20, s5;
	s18 =	simm.s32 @!p1 $0x2;
	[sflag:s20] =	ssyncadd.s32 @!p1 $0xFFFFC000  }
0x8a: {  	[hbm4b:s14+s15] =	stream.linear.scatter @!p1 [tilespmem:s17], [sflag:$0x2], $0x10000, $0x38;
	[tilespmem:$0x10200] =	vst v63  }
0x8b: {  	p3 =	sgt.u32 s31, $0x97;
	s16 =	simm.s32 $0x40;
	_ =	swait.ge @!p1 [sflag:s18], $0x10000  }
0x8c: {  	s15 =	sadd.s32 $0x40000, s14;
	s17 =	sadd.s32 $0x800, s13;
	[sflag:s18] =	ssyncset.done @!p1 $0x0  }
.LBB2_4:
0x8d: {  	s19 =	simm.s32 @!p3 $0x0;
	s20 =	simm.s32 @!p3 $0x3;
	[sflag:s18] =	ssyncadd.s32 @!p1 $0xFFFF0000  }
0x8e: {  	[tilespmem:s19], [sflag:$0x3] =	stream.linear.gather @!p3 [hbm4b:s17+s19], $0x200, $0x38;
	[tilespmem:$0x10200] =	vst v63  }
0x8f: {  	s21 =	smov.u32 s16;
	s16 =	sadd.s32 $0x20, s16;
	_ =	swait.ge @!p3 [sflag:s20], $0x200  }
0x90: {  	p1 =	por p3, p3;
	p2 =	sne.s32 s16, $0xA0;
	[sflag:s20] =	ssyncset.done @!p3 $0x0  }
0x91: {  	s18 =	simm.s32 @!p1 $0x80;
	[sflag:s20] =	ssyncadd.s32 @!p1 $0xFFFFFE00;
	s20 =	simm.s32 @!p1 $0x200  }
0x92: {  	[tilespmem:s20], [sflag:$0x1] =	stream.indirect.gather @!p1 [hbm4b:s4+s18], $0x80, s19, s18, $0xb8;
	[tilespmem:$0x10200] =	vst v63  }
0x93: {  	s22 =	simm.s32 @!p1 $0x4200  }
0x94: {  	[tilespmem:s22], [sflag:$0x1] =	stream.indirect.gather @!p1 [hbm4b:s4+s18], $0x80, s18, s18, $0xb8;
	[tilespmem:$0x10200] =	vst v63  }
0x95: {  	s23 =	simm.s32 @!p1 $0x8200;
	s22 =	simm.s32 @!p1 $0x100  }
0x96: {  	[tilespmem:s23], [sflag:$0x1] =	stream.indirect.gather @!p1 [hbm4b:s4+s18], $0x80, s22, s18, $0xb8;
	[tilespmem:$0x10200] =	vst v63  }
0x97: {  	s24 =	simm.s32 @!p1 $0x1;
	s22 =	simm.s32 @!p1 $0x180;
	s23 =	simm.s32 @!p1 $0xC200  }
0x98: {  	[tilespmem:s23], [sflag:$0x1] =	stream.indirect.gather @!p1 [hbm4b:s4+s18], $0x80, s22, s18, $0xb8;
	[tilespmem:$0x10200] =	vst v63  }
0x99: {  	_ =	swait.ge @!p1 [sflag:s24], $0x4000  }
0x9a: {  	[sflag:s24] =	ssyncset.done @!p1 $0x0  }
0x9b: {  	[sflag:s24] =	ssyncadd.s32 @!p1 $0xFFFFC000  }
0x9c: {  	_ =	swait.ge @!p1 [sflag:s24], $0x4000  }
0x9d: {  	[sflag:s24] =	ssyncset.done @!p1 $0x0  }
0x9e: {  	[sflag:s24] =	ssyncadd.s32 @!p1 $0xFFFFC000  }
0x9f: {  	_ =	swait.ge @!p1 [sflag:s24], $0x4000  }
0xa0: {  	[sflag:s24] =	ssyncset.done @!p1 $0x0  }
0xa1: {  	[sflag:s24] =	ssyncadd.s32 @!p1 $0xFFFFC000  }
0xa2: {  	_ =	swait.ge @!p1 [sflag:s24], $0x4000  }
.Ltmp1:
0xa3: {  	[sflag:s24] =	ssyncset.done @!p1 $0x0;
	(pc) =	sbr.rel @p2 .LBB2_4-.Ltmp1, $4  }
0xa4: {  	s18 =	simm.s32 @!p1 $0x2;
	[sflag:s24] =	ssyncadd.s32 @!p1 $0xFFFFC000  }
0xa5: {  	[hbm4b:s15+s19] =	stream.linear.scatter @!p1 [tilespmem:s20], [sflag:$0x2], $0x10000, $0x38;
	[tilespmem:$0x10200] =	vst v63  }
0xa6: {  	s19 =	sadd.s32 s21, s5;
	s15 =	sadd.s32 $0x40000, s15;
	_ =	swait.ge @!p1 [sflag:s18], $0x10000  }
0xa7: {  	s17 =	sadd.s32 $0x800, s17;
	p3 =	sgt.u32 s19, $0x97;
	[sflag:s18] =	ssyncset.done @!p1 $0x0  }
0xa8: {  	s16 =	simm.s32 @!p3 $0x0;
	s19 =	simm.s32 @!p3 $0x3;
	[sflag:s18] =	ssyncadd.s32 @!p1 $0xFFFF0000  }
0xa9: {  	[tilespmem:s16], [sflag:$0x3] =	stream.linear.gather @!p3 [hbm4b:s17+s16], $0x200, $0x38;
	[tilespmem:$0x10200] =	vst v63  }
0xaa: {  	_ =	swait.ge @!p3 [sflag:s19], $0x200  }
0xab: {  	p1 =	por p3, p3;
	[sflag:s19] =	ssyncset.done @!p3 $0x0  }
0xac: {  	s17 =	simm.s32 @!p1 $0x80;
	s18 =	simm.s32 @!p1 $0x200;
	[sflag:s19] =	ssyncadd.s32 @!p1 $0xFFFFFE00  }
0xad: {  	[tilespmem:s18], [sflag:$0x1] =	stream.indirect.gather @!p1 [hbm4b:s4+s17], $0x80, s16, s17, $0xb8;
	[tilespmem:$0x10200] =	vst v63  }
0xae: {  	s19 =	simm.s32 @!p1 $0x4200  }
0xaf: {  	[tilespmem:s19], [sflag:$0x1] =	stream.indirect.gather @!p1 [hbm4b:s4+s17], $0x80, s17, s17, $0xb8;
	[tilespmem:$0x10200] =	vst v63  }
0xb0: {  	s20 =	simm.s32 @!p1 $0x8200;
	s19 =	simm.s32 @!p1 $0x100  }
0xb1: {  	[tilespmem:s20], [sflag:$0x1] =	stream.indirect.gather @!p1 [hbm4b:s4+s17], $0x80, s19, s17, $0xb8;
	[tilespmem:$0x10200] =	vst v63  }
0xb2: {  	s21 =	simm.s32 @!p1 $0x1;
	s19 =	simm.s32 @!p1 $0x180;
	s20 =	simm.s32 @!p1 $0xC200  }
0xb3: {  	[tilespmem:s20], [sflag:$0x1] =	stream.indirect.gather @!p1 [hbm4b:s4+s17], $0x80, s19, s17, $0xb8;
	[tilespmem:$0x10200] =	vst v63  }
0xb4: {  	_ =	swait.ge @!p1 [sflag:s21], $0x4000  }
0xb5: {  	[sflag:s21] =	ssyncset.done @!p1 $0x0  }
0xb6: {  	[sflag:s21] =	ssyncadd.s32 @!p1 $0xFFFFC000  }
0xb7: {  	_ =	swait.ge @!p1 [sflag:s21], $0x4000  }
0xb8: {  	[sflag:s21] =	ssyncset.done @!p1 $0x0  }
0xb9: {  	[sflag:s21] =	ssyncadd.s32 @!p1 $0xFFFFC000  }
0xba: {  	_ =	swait.ge @!p1 [sflag:s21], $0x4000  }
0xbb: {  	[sflag:s21] =	ssyncset.done @!p1 $0x0  }
0xbc: {  	[sflag:s21] =	ssyncadd.s32 @!p1 $0xFFFFC000  }
0xbd: {  	_ =	swait.ge @!p1 [sflag:s21], $0x4000  }
0xbe: {  	[sflag:s21] =	ssyncset.done @!p1 $0x0  }
0xbf: {  	s17 =	simm.s32 @!p1 $0x2;
	[sflag:s21] =	ssyncadd.s32 @!p1 $0xFFFFC000  }
0xc0: {  	[hbm4b:s15+s16] =	stream.linear.scatter @!p1 [tilespmem:s18], [sflag:$0x2], $0x10000, $0x38;
	[tilespmem:$0x10200] =	vst v63  }
0xc1: {  	_ =	swait.ge @!p1 [sflag:s17], $0x10000  }
0xc2: {  	[sflag:s17] =	ssyncset.done @!p1 $0x0  }
0xc3: {  	s15 =	simm.s32 @!p0 $0x0;
	s16 =	simm.s32 @!p0 $0x2;
	[sflag:s17] =	ssyncadd.s32 @!p1 $0xFFFF0000  }
0xc4: {  	[tilespmem:s15], [sflag:$0x2] =	stream.linear.gather @!p0 [hbm4b:s8+s15], $0x100, $0x38;
	[tilespmem:$0x10200] =	vst v63  }
0xc5: {  	_ =	swait.ge @!p0 [sflag:s16], $0x100  }
0xc6: {  	[sflag:s16] =	ssyncset.done @!p0 $0x0  }
0xc7: {  	s18 =	simm.s32 @!p0 $0x200;
	s17 =	simm.s32 @!p0 $0x80;
	[sflag:s16] =	ssyncadd.s32 @!p0 $0xFFFFFF00  }
0xc8: {  	[tilespmem:s18], [sflag:$0x1] =	stream.indirect.gather @!p0 [hbm4b:s4+s17], $0x80, s15, s17, $0xb8;
	[tilespmem:$0x10200] =	vst v63  }
0xc9: {  	s19 =	simm.s32 @!p0 $0x4200  }
0xca: {  	[tilespmem:s19], [sflag:$0x1] =	stream.indirect.gather @!p0 [hbm4b:s4+s17], $0x80, s17, s17, $0xb8;
	[tilespmem:$0x10200] =	vst v63  }
0xcb: {  	s17 =	simm.s32 @!p0 $0x1  }
0xcc: {  	_ =	swait.ge @!p0 [sflag:s17], $0x4000  }
0xcd: {  	[sflag:s17] =	ssyncset.done @!p0 $0x0  }
0xce: {  	[sflag:s17] =	ssyncadd.s32 @!p0 $0xFFFFC000  }
0xcf: {  	s1 =	sadd.s32 $0x1, s1;
	_ =	swait.ge @!p0 [sflag:s17], $0x4000  }
0xd0: {  	p1 =	sne.s32 s1, s10;
	[sflag:s17] =	ssyncset.done @!p0 $0x0  }
.Ltmp2:
0xd1: {  	[sflag:s17] =	ssyncadd.s32 @!p0 $0xFFFFC000;
	(pc) =	sbr.rel @p1 .LBB2_1-.Ltmp2, $4  }
0xd2: {  	[hbm4b:s9+s15] =	stream.linear.scatter @!p0 [tilespmem:s18], [sflag:$0x2], $0x8000, $0x38;
	[tilespmem:$0x10200] =	vst v63  }
0xd3: {  	_ =	swait.ge @!p0 [sflag:s16], $0x8000  }
0xd4: {  	[sflag:s16] =	ssyncset.done @!p0 $0x0  }
0xd5: {  	[sflag:s16] =	ssyncadd.s32 @!p0 $0xFFFF8000  }
0xd6: {  	_ =	sfence.sel $0x180000  }
0xd7: {  	[bflag:$0x0] =	sbarrier.arrive $0xFFFF  }
0xd8: {  	p0 =	sne.s32 s2, $0x0;
	_ =	strace $0x90000050  }
0xd9: {  	s0 =	sadd.s32 @!p0 $0x100000, s0;
	[bflag:$0x2] =	sbarrier.arrive $0xFFFF  }
0xda: {  	[sflag:s0] =	ssyncadd.tile.s32 @!p0 $0x1;
	_ =	shalt  }
.Lfunc_end2:
_tile_overlayer_lowered:
.L_overlay_start_2:
0xdb: {  	(tag) =	ssettag $0x2  }
0xdc: {  	s0 =	rddreg [dreg:$0x0];
	s2 =	stileid.u32  }
0xdd: {  	s1 =	rddreg [dreg:$0x1];
	p0 =	sne.s32 s2, $0x0  }
0xde: {  	s3 =	rddreg [dreg:$0x2];
	[bflag:$0x3] =	sbarrier.arrive $0xFFFF;
	s2 =	simm.s32 @!p0 $0x1C02  }
0xdf: {  	[timem:s3], [sflag:s2] =	dma.local @!p0 [hbm:s0], s1  }
0xe0: {  	s0 =	simm.s32 @!p0 $0x2  }
0xe1: {  	_ =	swait.ge @!p0 [sflag:s0], s1  }
0xe2: {  	s1 =	ssub.s32 @!p0 $0x0, s1;
	[sflag:s0] =	ssyncset.done @!p0 $0x0  }
0xe3: {  	[sflag:s0] =	ssyncadd.s32 @!p0 s1  }
0xe4: {  	[bflag:$0x3] =	sbarrier.arrive $0xFFFF  }
0xe5: {  	_ =	shalt  }

</sc_bundles>
